<compile_context>
chip_gen: v7x
topology: tpu7x:2x2x1
jax: 0.10.2.dev20260603
libtpu: 0.0.44.dev20260713+nightly
codegen_flags: <defaults>
</compile_context>

<pallas_src>
import jax
import jax.numpy as jnp
from jax import lax
from jax.experimental import pallas as pl
from jax.experimental.pallas import tpu as pltpu
from jax.experimental.pallas import tpu_sc as plsc

D_MODEL = 1024
D_FF = 2048
N_EXPERTS = 8
N_TOKENS = 2048
EPS = 1e-8
CLAMP = 10000.0

BT = 512
S_MAX = 2 * N_TOKENS + N_EXPERTS * BT
NT = S_MAX // BT
NTE = NT + 8
GW = 128
NW = 32
TPW = N_TOKENS // NW



def _router_body(x_ref, rw_ref, slot0_ref, slot1_ref, g0_ref, g1_ref, te_ref):
    xv = x_ref[...]
    logits = lax.dot_general(xv, rw_ref[...], (((1,), (1,)), ((), ())))
    logits = jnp.clip(logits, -CLAMP, CLAMP)
    m = jnp.max(logits, axis=-1, keepdims=True)
    e = jnp.exp(logits - m)
    p = e / (jnp.sum(e, axis=-1, keepdims=True) + EPS)
    p = jnp.clip(p, EPS, 1.0)
    iota = lax.broadcasted_iota(jnp.int32, p.shape, 1)
    m1 = jnp.max(p, axis=-1, keepdims=True)
    i1 = jnp.min(jnp.where(p == m1, iota, N_EXPERTS), axis=-1, keepdims=True)
    p2 = jnp.where(iota == i1, -1.0, p)
    m2 = jnp.max(p2, axis=-1, keepdims=True)
    i2 = jnp.min(jnp.where(p2 == m2, iota, N_EXPERTS), axis=-1, keepdims=True)
    denom = m1 + m2
    g0_ref[...] = jnp.broadcast_to(m1 / denom, (N_TOKENS, GW))
    g1_ref[...] = jnp.broadcast_to(m2 / denom, (N_TOKENS, GW))

    a = (jnp.where(iota == i1, 1.0, 0.0) + jnp.where(iota == i2, 1.0, 0.0))
    r_iota = lax.broadcasted_iota(jnp.int32, (N_TOKENS, N_TOKENS), 0)
    c_iota = lax.broadcasted_iota(jnp.int32, (N_TOKENS, N_TOKENS), 1)
    lstrict = jnp.where(c_iota < r_iota, 1.0, 0.0)
    cum = lax.dot_general(lstrict, a, (((1,), (0,)), ((), ())))

    counts = jnp.sum(a, axis=0, keepdims=True)
    ac = jnp.ceil(counts / BT) * BT
    ac_bc = jnp.broadcast_to(ac, (N_TOKENS, N_EXPERTS))

    pos0 = jnp.sum(jnp.where(iota == i1, cum, 0.0), axis=-1, keepdims=True)
    pos1 = jnp.sum(jnp.where(iota == i2, cum, 0.0), axis=-1, keepdims=True)
    base0 = jnp.sum(jnp.where(iota < i1, ac_bc, 0.0), axis=-1, keepdims=True)
    base1 = jnp.sum(jnp.where(iota < i2, ac_bc, 0.0), axis=-1, keepdims=True)
    slot0_ref[...] = (base0 + pos0).astype(jnp.int32)
    slot1_ref[...] = (base1 + pos1).astype(jnp.int32)

    u_r = lax.broadcasted_iota(jnp.int32, (N_EXPERTS, N_EXPERTS), 0)
    u_c = lax.broadcasted_iota(jnp.int32, (N_EXPERTS, N_EXPERTS), 1)
    u = jnp.where(u_r <= u_c, 1.0, 0.0)
    off_end = lax.dot_general(ac, u, (((1,), (0,)), ((), ())))
    off_end_i = off_end.astype(jnp.int32)
    off_end_bc = jnp.broadcast_to(off_end_i, (NTE, N_EXPERTS))
    tile_base = lax.broadcasted_iota(jnp.int32, (NTE, N_EXPERTS), 0) * BT
    te = jnp.sum(jnp.where(off_end_bc <= tile_base, 1, 0), axis=-1, keepdims=True)
    te = jnp.minimum(te, N_EXPERTS - 1)
    n_act = jnp.max(off_end_i, axis=-1, keepdims=True) // BT
    row_i = lax.broadcasted_iota(jnp.int32, (NTE, 1), 0)
    te_ref[...] = jnp.where(row_i < NT, te, jnp.broadcast_to(n_act, (NTE, 1)))


def _router_call(x, router_w):
    return pl.pallas_call(
        _router_body,
        grid=(1,),
        in_specs=[
            pl.BlockSpec((N_TOKENS, D_MODEL), lambda i: (0, 0)),
            pl.BlockSpec((N_EXPERTS, D_MODEL), lambda i: (0, 0)),
        ],
        out_specs=[
            pl.BlockSpec((N_TOKENS, 1), lambda i: (0, 0)),
            pl.BlockSpec((N_TOKENS, 1), lambda i: (0, 0)),
            pl.BlockSpec((N_TOKENS, GW), lambda i: (0, 0)),
            pl.BlockSpec((N_TOKENS, GW), lambda i: (0, 0)),
            pl.BlockSpec((NTE, 1), lambda i: (0, 0)),
        ],
        out_shape=[
            jax.ShapeDtypeStruct((N_TOKENS, 1), jnp.int32),
            jax.ShapeDtypeStruct((N_TOKENS, 1), jnp.int32),
            jax.ShapeDtypeStruct((N_TOKENS, GW), jnp.float32),
            jax.ShapeDtypeStruct((N_TOKENS, GW), jnp.float32),
            jax.ShapeDtypeStruct((NTE, 1), jnp.int32),
        ],
    )(x, router_w)



def _dispatch_body(x_hbm, slot0_hbm, slot1_hbm, g0_hbm, g1_hbm,
                   xd_hbm, gx_hbm,
                   idx0_v, idx1_v, rows_v, ga_v, gb_v, sem, semg):
    wid = lax.axis_index("s") * 2 + lax.axis_index("c")
    base = wid * TPW
    l0 = pltpu.async_copy(slot0_hbm.at[pl.ds(base, TPW)], idx0_v, sem)
    l1 = pltpu.async_copy(slot1_hbm.at[pl.ds(base, TPW)], idx1_v, sem)
    l2 = pltpu.async_copy(x_hbm.at[pl.ds(base, TPW)], rows_v, sem)
    l3 = pltpu.async_copy(g0_hbm.at[pl.ds(base, TPW)], ga_v, sem)
    l4 = pltpu.async_copy(g1_hbm.at[pl.ds(base, TPW)], gb_v, sem)
    l0.wait(); l1.wait(); l2.wait(); l3.wait(); l4.wait()
    cp0 = pltpu.async_copy(rows_v, xd_hbm.at[idx0_v], sem)
    cpg0 = pltpu.async_copy(ga_v, gx_hbm.at[idx0_v], semg)
    cp1 = pltpu.async_copy(rows_v, xd_hbm.at[idx1_v], sem)
    cpg1 = pltpu.async_copy(gb_v, gx_hbm.at[idx1_v], semg)
    cp0.wait(); cpg0.wait(); cp1.wait(); cpg1.wait()


def _dispatch_call(x, slot0, slot1, g0, g1):
    fn = pl.kernel(
        _dispatch_body,
        out_type=[
            jax.ShapeDtypeStruct((S_MAX, D_MODEL), jnp.float32),
            jax.ShapeDtypeStruct((S_MAX, GW), jnp.float32),
        ],
        mesh=plsc.VectorSubcoreMesh(core_axis_name="c", subcore_axis_name="s"),
        scratch_types=[
            pltpu.VMEM((TPW,), jnp.int32),
            pltpu.VMEM((TPW,), jnp.int32),
            pltpu.VMEM((TPW, D_MODEL), jnp.float32),
            pltpu.VMEM((TPW, GW), jnp.float32),
            pltpu.VMEM((TPW, GW), jnp.float32),
            pltpu.SemaphoreType.DMA,
            pltpu.SemaphoreType.DMA,
        ],
    )
    return fn(x, slot0, slot1, g0, g1)



def _ffn_body(te_ref, xd_ref, gx_ref, wg_ref, wu_ref, wd_ref, out_ref):
    i = pl.program_id(0)
    n_act = te_ref[NT]

    @pl.when(i < n_act)
    def _():
        xv = xd_ref[...]
        gate = lax.dot_general(xv, wg_ref[0, 0], (((1,), (1,)), ((), ())))
        up = lax.dot_general(xv, wu_ref[0, 0], (((1,), (1,)), ((), ())))
        h = (up * jax.nn.sigmoid(up)) * gate
        yp = lax.dot_general(h, wd_ref[0], (((1,), (1,)), ((), ())))
        out_ref[...] = yp * gx_ref[:, 0:1]


def _ffn_call(te, xd, gx, wg2, w_down):
    def _ieff(i, te_ref):
        return jnp.minimum(i, jnp.maximum(te_ref[NT] - 1, 0))

    return pl.pallas_call(
        _ffn_body,
        grid_spec=pltpu.PrefetchScalarGridSpec(
            num_scalar_prefetch=1,
            grid=(NT,),
            in_specs=[
                pl.BlockSpec((BT, D_MODEL),
                             lambda i, te_ref: (_ieff(i, te_ref), 0)),
                pl.BlockSpec((BT, GW),
                             lambda i, te_ref: (_ieff(i, te_ref), 0)),
                pl.BlockSpec((1, 1, D_FF, D_MODEL),
                             lambda i, te_ref: (te_ref[_ieff(i, te_ref)], 0, 0, 0)),
                pl.BlockSpec((1, 1, D_FF, D_MODEL),
                             lambda i, te_ref: (te_ref[_ieff(i, te_ref)], 1, 0, 0)),
                pl.BlockSpec((1, D_MODEL, D_FF),
                             lambda i, te_ref: (te_ref[_ieff(i, te_ref)], 0, 0)),
            ],
            out_specs=pl.BlockSpec((BT, D_MODEL), lambda i, te_ref: (i, 0)),
        ),
        out_shape=jax.ShapeDtypeStruct((S_MAX, D_MODEL), jnp.float32),
        compiler_params=pltpu.CompilerParams(
            dimension_semantics=("arbitrary",),
            vmem_limit_bytes=104 * 1024 * 1024,
        ),
    )(te, xd, gx, wg2, wg2, w_down)



CH = 32


def _combine_body(ys_hbm, slot0_hbm, slot1_hbm, y_hbm,
                  idx0_v, idx1_v, rows_a, rows_b, sem_a, sem_b):
    wid = lax.axis_index("s") * 2 + lax.axis_index("c")

    def chunk(c, _):
        base = wid * TPW + c * CH
        pltpu.sync_copy(slot0_hbm.at[pl.ds(base, CH)], idx0_v)
        pltpu.sync_copy(slot1_hbm.at[pl.ds(base, CH)], idx1_v)
        cpa = pltpu.async_copy(ys_hbm.at[idx0_v], rows_a, sem_a)
        cpb = pltpu.async_copy(ys_hbm.at[idx1_v], rows_b, sem_b)
        cpa.wait()
        cpb.wait()

        @plsc.parallel_loop(0, CH, 1, unroll=2)
        def _(r):
            for j in range(D_MODEL // 16):
                rows_a[r, pl.ds(j * 16, 16)] = (
                    rows_a[r, pl.ds(j * 16, 16)] + rows_b[r, pl.ds(j * 16, 16)])

        pltpu.sync_copy(rows_a, y_hbm.at[pl.ds(base, CH)])
        return 0

    lax.fori_loop(0, TPW // CH, chunk, 0)


def _combine_call(ys, slot0, slot1):
    fn = pl.kernel(
        _combine_body,
        out_type=jax.ShapeDtypeStruct((N_TOKENS, D_MODEL), jnp.float32),
        mesh=plsc.VectorSubcoreMesh(core_axis_name="c", subcore_axis_name="s"),
        scratch_types=[
            pltpu.VMEM((CH,), jnp.int32),
            pltpu.VMEM((CH,), jnp.int32),
            pltpu.VMEM((CH, D_MODEL), jnp.float32),
            pltpu.VMEM((CH, D_MODEL), jnp.float32),
            pltpu.SemaphoreType.DMA,
            pltpu.SemaphoreType.DMA,
        ],
    )
    return fn(ys, slot0, slot1)



def kernel(x, router_w, w_gate_up, w_down):
    wg2 = w_gate_up.reshape(N_EXPERTS, 2, D_FF, D_MODEL)
    slot0, slot1, g0, g1, te = _router_call(x, router_w)
    slot0 = slot0.reshape(N_TOKENS)
    slot1 = slot1.reshape(N_TOKENS)
    te = te.reshape(NTE)
    xd, gx = _dispatch_call(x, slot0, slot1, g0, g1)
    ys = _ffn_call(te, xd, gx, wg2, w_down)
    return _combine_call(ys, slot0, slot1)

# --- scband reference (transcript-rebuilt; emitter-appended) ---
"""Pipeline reference for scband-mo-efeed-forward-67499706024225 (READ-ONLY COPY).

The authoritative reference and input builder live on the scoring server;
editing this copy changes nothing except your own understanding.
"""

import jax, jax.numpy as jnp
import numpy as np

D_MODEL = 1024
D_FF = 2048
N_EXPERTS = 8
TOP_K = 2
N_TOKENS = 2048
EPS = 1e-8
CLAMP = 10000.0


def setup_inputs(seed: int = 0) -> dict:
    key = jax.random.key(seed)
    k1, k2, k3, k4 = jax.random.split(key, 4)
    x = jax.random.normal(k1, (N_TOKENS, D_MODEL), dtype=jnp.float32)
    # NoisyTopKRouter init: uniform(-std*sqrt(3), std*sqrt(3)) with std=0.02, no bias
    bound = 0.02 * float(np.sqrt(3.0))
    router_w = jax.random.uniform(k2, (N_EXPERTS, D_MODEL), minval=-bound, maxval=bound, dtype=jnp.float32)
    # MoE_SwiGLUExpert weights, xavier_uniform, stacked over experts
    lim_gu = float(np.sqrt(6.0 / (D_MODEL + 2 * D_FF)))
    w_gate_up = jax.random.uniform(k3, (N_EXPERTS, 2 * D_FF, D_MODEL), minval=-lim_gu, maxval=lim_gu, dtype=jnp.float32)
    lim_d = float(np.sqrt(6.0 / (D_FF + D_MODEL)))
    w_down = jax.random.uniform(k4, (N_EXPERTS, D_MODEL, D_FF), minval=-lim_d, maxval=lim_d, dtype=jnp.float32)
    return {"x": x, "router_w": router_w, "w_gate_up": w_gate_up, "w_down": w_down}


def _moe_forward(x, router_w, w_gate_up, w_down):
    # NoisyTopKRouter (eval mode: no jitter, no input dropout)
    logits = x @ router_w.T
    logits = jnp.clip(logits, -CLAMP, CLAMP)
    # fused softmax with eps (use_fused_softmax=True path)
    m = jnp.max(logits, axis=-1, keepdims=True)
    e = jnp.exp(logits - m)
    probs = e / (jnp.sum(e, axis=-1, keepdims=True) + EPS)
    probs = jnp.clip(probs, EPS, 1.0)
    # top-k selection + renormalized combine weights
    topv, topi = jax.lax.top_k(probs, TOP_K)
    gates = topv / jnp.sum(topv, axis=-1, keepdims=True)
    T = x.shape[0]
    combine = jnp.zeros((T, N_EXPERTS), dtype=x.dtype).at[jnp.arange(T)[:, None], topi].add(gates)
    # MoE_SwiGLUExpert applied per expert (dense dispatch, then weighted combine)
    gu = jnp.einsum('td,efd->etf', x, w_gate_up)
    gate, up = jnp.split(gu, 2, axis=-1)
    hidden = jax.nn.silu(up) * gate
    y_e = jnp.einsum('etf,edf->etd', hidden, w_down)
    y = jnp.einsum('etd,te->td', y_e, combine)
    return y


def reference(x, router_w, w_gate_up, w_down):
    return _moe_forward(x, router_w, w_gate_up, w_down)

if __name__ == "__main__":
    import jax
    _d = setup_inputs()
    print(jax.jit(kernel)(*tuple(_d.values())))

</pallas_src>

<mosaic_0001>
#map = affine_map<(d0, d1) -> (0, 0)>
#map1 = affine_map<(d0, d1) -> (0)>
module attributes {stable_mosaic.version = 14 : i64} {
  func.func @_combine_body(%arg0: i32, %arg1: i32, %arg2: memref<8192x1024xf32, #tpu.memory_space<hbm>>, %arg3: memref<2048xi32, #tpu.memory_space<hbm>>, %arg4: memref<2048xi32, #tpu.memory_space<hbm>>, %arg5: memref<2048x1024xf32, #tpu.memory_space<hbm>>, %arg6: memref<32xi32, #tpu.memory_space<vmem>>, %arg7: memref<32xi32, #tpu.memory_space<vmem>>, %arg8: memref<32x1024xf32, #tpu.memory_space<vmem>>, %arg9: memref<32x1024xf32, #tpu.memory_space<vmem>>, %arg10: memref<!tpu.dma_semaphore, #tpu.memory_space<semaphore_mem>>, %arg11: memref<!tpu.dma_semaphore, #tpu.memory_space<semaphore_mem>>) attributes {dimension_semantics = [#tpu.dimension_semantics<core_parallel>, #tpu.dimension_semantics<subcore_parallel>], iteration_bounds = array<i64: 2, 16>, scalar_prefetch = 0 : i64, scratch_operands = 6 : i64, tpu.core_type = #tpu.core_type<sc_vector_subcore>, window_params = [{transform_indices = #map}, {transform_indices = #map1}, {transform_indices = #map1}, {transform_indices = #map}]} {
    %mul3A = arith.constant 2 : i32
    %mul3A_0 = arith.muli %arg1, %mul3A : i32
    %add3A = arith.addi %mul3A_0, %arg0 : i32
    %scan3A = arith.constant 0 : i32
    %scan3A_1 = arith.constant 0 : i32
    %scan3A_2 = arith.constant 2 : i32
    %scan3A_3 = arith.addi %scan3A_1, %scan3A_2 : i32
    %scan3A_4 = arith.constant 1 : i32
    %scan3A_5 = scf.for %scan3A_7 = %scan3A_1 to %scan3A_3 step %scan3A_4 iter_args(%scan3A_8 = %scan3A) -> (i32)  : i32 {
      %mul3A_9 = arith.constant 64 : i32
      %mul3A_10 = arith.muli %add3A, %mul3A_9 : i32
      %mul3A_11 = arith.constant 32 : i32
      %mul3A_12 = arith.muli %scan3A_7, %mul3A_11 : i32
      %add3A_13 = arith.addi %mul3A_10, %mul3A_12 : i32
      "tpu.region"() ({
        %run_scoped3A = tpu.sem_alloc : memref<!tpu.dma_semaphore, #tpu.memory_space<semaphore_mem>>
        %dma_start3A_27 = tpu.memref_slice %arg3[%add3A_13] : memref<2048xi32, #tpu.memory_space<hbm>> -> memref<32xi32, #tpu.memory_space<hbm>>
        %dma_start3A_28 = tpu.memref_slice %arg3[%add3A_13] : memref<2048xi32, #tpu.memory_space<hbm>> -> memref<32xi32, #tpu.memory_space<hbm>>
        tpu.enqueue_dma source(%dma_start3A_28 : memref<32xi32, #tpu.memory_space<hbm>>) target(%arg6 : memref<32xi32, #tpu.memory_space<vmem>>) target_semaphore(%run_scoped3A : memref<!tpu.dma_semaphore, #tpu.memory_space<semaphore_mem>>)
        %dma_wait3A_29 = tpu.memref_slice %arg3[%add3A_13] : memref<2048xi32, #tpu.memory_space<hbm>> -> memref<32xi32, #tpu.memory_space<hbm>>
        %dma_wait3A_30 = tpu.memref_slice %arg3[%add3A_13] : memref<2048xi32, #tpu.memory_space<hbm>> -> memref<32xi32, #tpu.memory_space<hbm>>
        tpu.wait_dma2 semaphore(%run_scoped3A : memref<!tpu.dma_semaphore, #tpu.memory_space<semaphore_mem>>) src(%dma_wait3A_30 : memref<32xi32, #tpu.memory_space<hbm>>) dst(%arg6 : memref<32xi32, #tpu.memory_space<vmem>>)
        tpu.yield
      }) : () -> ()
      "tpu.region"() ({
        %run_scoped3A = tpu.sem_alloc : memref<!tpu.dma_semaphore, #tpu.memory_space<semaphore_mem>>
        %dma_start3A_27 = tpu.memref_slice %arg4[%add3A_13] : memref<2048xi32, #tpu.memory_space<hbm>> -> memref<32xi32, #tpu.memory_space<hbm>>
        %dma_start3A_28 = tpu.memref_slice %arg4[%add3A_13] : memref<2048xi32, #tpu.memory_space<hbm>> -> memref<32xi32, #tpu.memory_space<hbm>>
        tpu.enqueue_dma source(%dma_start3A_28 : memref<32xi32, #tpu.memory_space<hbm>>) target(%arg7 : memref<32xi32, #tpu.memory_space<vmem>>) target_semaphore(%run_scoped3A : memref<!tpu.dma_semaphore, #tpu.memory_space<semaphore_mem>>)
        %dma_wait3A_29 = tpu.memref_slice %arg4[%add3A_13] : memref<2048xi32, #tpu.memory_space<hbm>> -> memref<32xi32, #tpu.memory_space<hbm>>
        %dma_wait3A_30 = tpu.memref_slice %arg4[%add3A_13] : memref<2048xi32, #tpu.memory_space<hbm>> -> memref<32xi32, #tpu.memory_space<hbm>>
        tpu.wait_dma2 semaphore(%run_scoped3A : memref<!tpu.dma_semaphore, #tpu.memory_space<semaphore_mem>>) src(%dma_wait3A_30 : memref<32xi32, #tpu.memory_space<hbm>>) dst(%arg7 : memref<32xi32, #tpu.memory_space<vmem>>)
        tpu.yield
      }) : () -> ()
      %dma_start3A = arith.constant 0 : i32
      %dma_start3A_14 = arith.constant 0 : i32
      %dma_start3A_15 = tpu.memref_slice %arg2[%dma_start3A, %dma_start3A_14] : memref<8192x1024xf32, #tpu.memory_space<hbm>> -> memref<8192x1024xf32, #tpu.memory_space<hbm>>
      tpu.enqueue_indirect_dma source(%dma_start3A_15 : memref<8192x1024xf32, #tpu.memory_space<hbm>>) target(%arg8 : memref<32x1024xf32, #tpu.memory_space<vmem>>) offsets(%arg6 : memref<32xi32, #tpu.memory_space<vmem>>) semaphore(%arg10 : memref<!tpu.dma_semaphore, #tpu.memory_space<semaphore_mem>>)
      %dma_start3A_16 = arith.constant 0 : i32
      %dma_start3A_17 = arith.constant 0 : i32
      %dma_start3A_18 = tpu.memref_slice %arg2[%dma_start3A_16, %dma_start3A_17] : memref<8192x1024xf32, #tpu.memory_space<hbm>> -> memref<8192x1024xf32, #tpu.memory_space<hbm>>
      tpu.enqueue_indirect_dma source(%dma_start3A_18 : memref<8192x1024xf32, #tpu.memory_space<hbm>>) target(%arg9 : memref<32x1024xf32, #tpu.memory_space<vmem>>) offsets(%arg7 : memref<32xi32, #tpu.memory_space<vmem>>) semaphore(%arg11 : memref<!tpu.dma_semaphore, #tpu.memory_space<semaphore_mem>>)
      %dma_wait3A = arith.constant 0 : i32
      %dma_wait3A_19 = arith.constant 0 : i32
      %dma_wait3A_20 = tpu.memref_slice %arg2[%dma_wait3A, %dma_wait3A_19] : memref<8192x1024xf32, #tpu.memory_space<hbm>> -> memref<8192x1024xf32, #tpu.memory_space<hbm>>
      tpu.wait_indirect_dma semaphore(%arg10 : memref<!tpu.dma_semaphore, #tpu.memory_space<semaphore_mem>>) src(%dma_wait3A_20 : memref<8192x1024xf32, #tpu.memory_space<hbm>>) dst(%arg8 : memref<32x1024xf32, #tpu.memory_space<vmem>>)
      %dma_wait3A_21 = arith.constant 0 : i32
      %dma_wait3A_22 = arith.constant 0 : i32
      %dma_wait3A_23 = tpu.memref_slice %arg2[%dma_wait3A_21, %dma_wait3A_22] : memref<8192x1024xf32, #tpu.memory_space<hbm>> -> memref<8192x1024xf32, #tpu.memory_space<hbm>>
      tpu.wait_indirect_dma semaphore(%arg11 : memref<!tpu.dma_semaphore, #tpu.memory_space<semaphore_mem>>) src(%dma_wait3A_23 : memref<8192x1024xf32, #tpu.memory_space<hbm>>) dst(%arg9 : memref<32x1024xf32, #tpu.memory_space<vmem>>)
      %parallel_loop3A = arith.constant 0 : i32
      %parallel_loop3A_24 = arith.constant 32 : i32
      %parallel_loop3A_25 = arith.constant 1 : i32
      scf.for %parallel_loop3A_27 = %parallel_loop3A to %parallel_loop3A_24 step %parallel_loop3A_25  : i32 {
        %parallel_loop3A_28 = arith.index_cast %parallel_loop3A_27 : i32 to index
        %parallel_loop3A_29 = arith.constant 0 : index
        %parallel_loop3A_30 = tpu.vector_load %arg8[%parallel_loop3A_28, %parallel_loop3A_29] {strides = array<i32>} : memref<32x1024xf32, #tpu.memory_space<vmem>>, vector<1x16xf32>,
        %parallel_loop3A_31 = vector.shape_cast %parallel_loop3A_30 : vector<1x16xf32> to vector<16xf32>
        %parallel_loop3A_32 = arith.index_cast %parallel_loop3A_27 : i32 to index
        %parallel_loop3A_33 = arith.constant 0 : index
        %parallel_loop3A_34 = tpu.vector_load %arg9[%parallel_loop3A_32, %parallel_loop3A_33] {strides = array<i32>} : memref<32x1024xf32, #tpu.memory_space<vmem>>, vector<1x16xf32>,
        %parallel_loop3A_35 = vector.shape_cast %parallel_loop3A_34 : vector<1x16xf32> to vector<16xf32>
        %parallel_loop3A_36 = arith.addf %parallel_loop3A_31, %parallel_loop3A_35 : vector<16xf32>
        %parallel_loop3A_37 = arith.index_cast %parallel_loop3A_27 : i32 to index
        %parallel_loop3A_38 = arith.constant 0 : index
        %parallel_loop3A_39 = tpu.vector_load %arg8[%parallel_loop3A_37, %parallel_loop3A_38] {strides = array<i32>} : memref<32x1024xf32, #tpu.memory_space<vmem>>, vector<1x16xf32>,
        %parallel_loop3A_40 = vector.shape_cast %parallel_loop3A_39 : vector<1x16xf32> to vector<16xf32>
        %parallel_loop3A_41 = vector.shape_cast %parallel_loop3A_36 : vector<16xf32> to vector<1x16xf32>
        tpu.vector_store %arg8[%parallel_loop3A_37, %parallel_loop3A_38], %parallel_loop3A_41 {strides = array<i32>} : memref<32x1024xf32, #tpu.memory_space<vmem>>, vector<1x16xf32>,
        %parallel_loop3A_42 = arith.index_cast %parallel_loop3A_27 : i32 to index
        %parallel_loop3A_43 = arith.constant 16 : index
        %parallel_loop3A_44 = tpu.vector_load %arg8[%parallel_loop3A_42, %parallel_loop3A_43] {strides = array<i32>} : memref<32x1024xf32, #tpu.memory_space<vmem>>, vector<1x16xf32>,
        %parallel_loop3A_45 = vector.shape_cast %parallel_loop3A_44 : vector<1x16xf32> to vector<16xf32>
        %parallel_loop3A_46 = arith.index_cast %parallel_loop3A_27 : i32 to index
        %parallel_loop3A_47 = arith.constant 16 : index
        %parallel_loop3A_48 = tpu.vector_load %arg9[%parallel_loop3A_46, %parallel_loop3A_47] {strides = array<i32>} : memref<32x1024xf32, #tpu.memory_space<vmem>>, vector<1x16xf32>,
        %parallel_loop3A_49 = vector.shape_cast %parallel_loop3A_48 : vector<1x16xf32> to vector<16xf32>
        %parallel_loop3A_50 = arith.addf %parallel_loop3A_45, %parallel_loop3A_49 : vector<16xf32>
        %parallel_loop3A_51 = arith.index_cast %parallel_loop3A_27 : i32 to index
        %parallel_loop3A_52 = arith.constant 16 : index
        %parallel_loop3A_53 = tpu.vector_load %arg8[%parallel_loop3A_51, %parallel_loop3A_52] {strides = array<i32>} : memref<32x1024xf32, #tpu.memory_space<vmem>>, vector<1x16xf32>,
        %parallel_loop3A_54 = vector.shape_cast %parallel_loop3A_53 : vector<1x16xf32> to vector<16xf32>
        %parallel_loop3A_55 = vector.shape_cast %parallel_loop3A_50 : vector<16xf32> to vector<1x16xf32>
        tpu.vector_store %arg8[%parallel_loop3A_51, %parallel_loop3A_52], %parallel_loop3A_55 {strides = array<i32>} : memref<32x1024xf32, #tpu.memory_space<vmem>>, vector<1x16xf32>,
        %parallel_loop3A_56 = arith.index_cast %parallel_loop3A_27 : i32 to index
        %parallel_loop3A_57 = arith.constant 32 : index
        %parallel_loop3A_58 = tpu.vector_load %arg8[%parallel_loop3A_56, %parallel_loop3A_57] {strides = array<i32>} : memref<32x1024xf32, #tpu.memory_space<vmem>>, vector<1x16xf32>,
        %parallel_loop3A_59 = vector.shape_cast %parallel_loop3A_58 : vector<1x16xf32> to vector<16xf32>
        %parallel_loop3A_60 = arith.index_cast %parallel_loop3A_27 : i32 to index
        %parallel_loop3A_61 = arith.constant 32 : index
        %parallel_loop3A_62 = tpu.vector_load %arg9[%parallel_loop3A_60, %parallel_loop3A_61] {strides = array<i32>} : memref<32x1024xf32, #tpu.memory_space<vmem>>, vector<1x16xf32>,
        %parallel_loop3A_63 = vector.shape_cast %parallel_loop3A_62 : vector<1x16xf32> to vector<16xf32>
        %parallel_loop3A_64 = arith.addf %parallel_loop3A_59, %parallel_loop3A_63 : vector<16xf32>
        %parallel_loop3A_65 = arith.index_cast %parallel_loop3A_27 : i32 to index
        %parallel_loop3A_66 = arith.constant 32 : index
        %parallel_loop3A_67 = tpu.vector_load %arg8[%parallel_loop3A_65, %parallel_loop3A_66] {strides = array<i32>} : memref<32x1024xf32, #tpu.memory_space<vmem>>, vector<1x16xf32>,
        %parallel_loop3A_68 = vector.shape_cast %parallel_loop3A_67 : vector<1x16xf32> to vector<16xf32>
        %parallel_loop3A_69 = vector.shape_cast %parallel_loop3A_64 : vector<16xf32> to vector<1x16xf32>
        tpu.vector_store %arg8[%parallel_loop3A_65, %parallel_loop3A_66], %parallel_loop3A_69 {strides = array<i32>} : memref<32x1024xf32, #tpu.memory_space<vmem>>, vector<1x16xf32>,
        %parallel_loop3A_70 = arith.index_cast %parallel_loop3A_27 : i32 to index
        %parallel_loop3A_71 = arith.constant 48 : index
        %parallel_loop3A_72 = tpu.vector_load %arg8[%parallel_loop3A_70, %parallel_loop3A_71] {strides = array<i32>} : memref<32x1024xf32, #tpu.memory_space<vmem>>, vector<1x16xf32>,
        %parallel_loop3A_73 = vector.shape_cast %parallel_loop3A_72 : vector<1x16xf32> to vector<16xf32>
        %parallel_loop3A_74 = arith.index_cast %parallel_loop3A_27 : i32 to index
        %parallel_loop3A_75 = arith.constant 48 : index
        %parallel_loop3A_76 = tpu.vector_load %arg9[%parallel_loop3A_74, %parallel_loop3A_75] {strides = array<i32>} : memref<32x1024xf32, #tpu.memory_space<vmem>>, vector<1x16xf32>,
        %parallel_loop3A_77 = vector.shape_cast %parallel_loop3A_76 : vector<1x16xf32> to vector<16xf32>
        %parallel_loop3A_78 = arith.addf %parallel_loop3A_73, %parallel_loop3A_77 : vector<16xf32>
        %parallel_loop3A_79 = arith.index_cast %parallel_loop3A_27 : i32 to index
        %parallel_loop3A_80 = arith.constant 48 : index
        %parallel_loop3A_81 = tpu.vector_load %arg8[%parallel_loop3A_79, %parallel_loop3A_80] {strides = array<i32>} : memref<32x1024xf32, #tpu.memory_space<vmem>>, vector<1x16xf32>,
        %parallel_loop3A_82 = vector.shape_cast %parallel_loop3A_81 : vector<1x16xf32> to vector<16xf32>
        %parallel_loop3A_83 = vector.shape_cast %parallel_loop3A_78 : vector<16xf32> to vector<1x16xf32>
        tpu.vector_store %arg8[%parallel_loop3A_79, %parallel_loop3A_80], %parallel_loop3A_83 {strides = array<i32>} : memref<32x1024xf32, #tpu.memory_space<vmem>>, vector<1x16xf32>,
        %parallel_loop3A_84 = arith.index_cast %parallel_loop3A_27 : i32 to index
        %parallel_loop3A_85 = arith.constant 64 : index
        %parallel_loop3A_86 = tpu.vector_load %arg8[%parallel_loop3A_84, %parallel_loop3A_85] {strides = array<i32>} : memref<32x1024xf32, #tpu.memory_space<vmem>>, vector<1x16xf32>,
        %parallel_loop3A_87 = vector.shape_cast %parallel_loop3A_86 : vector<1x16xf32> to vector<16xf32>
        %parallel_loop3A_88 = arith.index_cast %parallel_loop3A_27 : i32 to index
        %parallel_loop3A_89 = arith.constant 64 : index
        %parallel_loop3A_90 = tpu.vector_load %arg9[%parallel_loop3A_88, %parallel_loop3A_89] {strides = array<i32>} : memref<32x1024xf32, #tpu.memory_space<vmem>>, vector<1x16xf32>,
        %parallel_loop3A_91 = vector.shape_cast %parallel_loop3A_90 : vector<1x16xf32> to vector<16xf32>
        %parallel_loop3A_92 = arith.addf %parallel_loop3A_87, %parallel_loop3A_91 : vector<16xf32>
        %parallel_loop3A_93 = arith.index_cast %parallel_loop3A_27 : i32 to index
        %parallel_loop3A_94 = arith.constant 64 : index
        %parallel_loop3A_95 = tpu.vector_load %arg8[%parallel_loop3A_93, %parallel_loop3A_94] {strides = array<i32>} : memref<32x1024xf32, #tpu.memory_space<vmem>>, vector<1x16xf32>,
        %parallel_loop3A_96 = vector.shape_cast %parallel_loop3A_95 : vector<1x16xf32> to vector<16xf32>
        %parallel_loop3A_97 = vector.shape_cast %parallel_loop3A_92 : vector<16xf32> to vector<1x16xf32>
        tpu.vector_store %arg8[%parallel_loop3A_93, %parallel_loop3A_94], %parallel_loop3A_97 {strides = array<i32>} : memref<32x1024xf32, #tpu.memory_space<vmem>>, vector<1x16xf32>,
        %parallel_loop3A_98 = arith.index_cast %parallel_loop3A_27 : i32 to index
        %parallel_loop3A_99 = arith.constant 80 : index
        %parallel_loop3A_100 = tpu.vector_load %arg8[%parallel_loop3A_98, %parallel_loop3A_99] {strides = array<i32>} : memref<32x1024xf32, #tpu.memory_space<vmem>>, vector<1x16xf32>,
        %parallel_loop3A_101 = vector.shape_cast %parallel_loop3A_100 : vector<1x16xf32> to vector<16xf32>
        %parallel_loop3A_102 = arith.index_cast %parallel_loop3A_27 : i32 to index
        %parallel_loop3A_103 = arith.constant 80 : index
        %parallel_loop3A_104 = tpu.vector_load %arg9[%parallel_loop3A_102, %parallel_loop3A_103] {strides = array<i32>} : memref<32x1024xf32, #tpu.memory_space<vmem>>, vector<1x16xf32>,
        %parallel_loop3A_105 = vector.shape_cast %parallel_loop3A_104 : vector<1x16xf32> to vector<16xf32>
        %parallel_loop3A_106 = arith.addf %parallel_loop3A_101, %parallel_loop3A_105 : vector<16xf32>
        %parallel_loop3A_107 = arith.index_cast %parallel_loop3A_27 : i32 to index
        %parallel_loop3A_108 = arith.constant 80 : index
        %parallel_loop3A_109 = tpu.vector_load %arg8[%parallel_loop3A_107, %parallel_loop3A_108] {strides = array<i32>} : memref<32x1024xf32, #tpu.memory_space<vmem>>, vector<1x16xf32>,
        %parallel_loop3A_110 = vector.shape_cast %parallel_loop3A_109 : vector<1x16xf32> to vector<16xf32>
        %parallel_loop3A_111 = vector.shape_cast %parallel_loop3A_106 : vector<16xf32> to vector<1x16xf32>
        tpu.vector_store %arg8[%parallel_loop3A_107, %parallel_loop3A_108], %parallel_loop3A_111 {strides = array<i32>} : memref<32x1024xf32, #tpu.memory_space<vmem>>, vector<1x16xf32>,
        %parallel_loop3A_112 = arith.index_cast %parallel_loop3A_27 : i32 to index
        %parallel_loop3A_113 = arith.constant 96 : index
        %parallel_loop3A_114 = tpu.vector_load %arg8[%parallel_loop3A_112, %parallel_loop3A_113] {strides = array<i32>} : memref<32x1024xf32, #tpu.memory_space<vmem>>, vector<1x16xf32>,
        %parallel_loop3A_115 = vector.shape_cast %parallel_loop3A_114 : vector<1x16xf32> to vector<16xf32>
        %parallel_loop3A_116 = arith.index_cast %parallel_loop3A_27 : i32 to index
        %parallel_loop3A_117 = arith.constant 96 : index
        %parallel_loop3A_118 = tpu.vector_load %arg9[%parallel_loop3A_116, %parallel_loop3A_117] {strides = array<i32>} : memref<32x1024xf32, #tpu.memory_space<vmem>>, vector<1x16xf32>,
        %parallel_loop3A_119 = vector.shape_cast %parallel_loop3A_118 : vector<1x16xf32> to vector<16xf32>
        %parallel_loop3A_120 = arith.addf %parallel_loop3A_115, %parallel_loop3A_119 : vector<16xf32>
        %parallel_loop3A_121 = arith.index_cast %parallel_loop3A_27 : i32 to index
        %parallel_loop3A_122 = arith.constant 96 : index
        %parallel_loop3A_123 = tpu.vector_load %arg8[%parallel_loop3A_121, %parallel_loop3A_122] {strides = array<i32>} : memref<32x1024xf32, #tpu.memory_space<vmem>>, vector<1x16xf32>,
        %parallel_loop3A_124 = vector.shape_cast %parallel_loop3A_123 : vector<1x16xf32> to vector<16xf32>
        %parallel_loop3A_125 = vector.shape_cast %parallel_loop3A_120 : vector<16xf32> to vector<1x16xf32>
        tpu.vector_store %arg8[%parallel_loop3A_121, %parallel_loop3A_122], %parallel_loop3A_125 {strides = array<i32>} : memref<32x1024xf32, #tpu.memory_space<vmem>>, vector<1x16xf32>,
        %parallel_loop3A_126 = arith.index_cast %parallel_loop3A_27 : i32 to index
        %parallel_loop3A_127 = arith.constant 112 : index
        %parallel_loop3A_128 = tpu.vector_load %arg8[%parallel_loop3A_126, %parallel_loop3A_127] {strides = array<i32>} : memref<32x1024xf32, #tpu.memory_space<vmem>>, vector<1x16xf32>,
        %parallel_loop3A_129 = vector.shape_cast %parallel_loop3A_128 : vector<1x16xf32> to vector<16xf32>
        %parallel_loop3A_130 = arith.index_cast %parallel_loop3A_27 : i32 to index
        %parallel_loop3A_131 = arith.constant 112 : index
        %parallel_loop3A_132 = tpu.vector_load %arg9[%parallel_loop3A_130, %parallel_loop3A_131] {strides = array<i32>} : memref<32x1024xf32, #tpu.memory_space<vmem>>, vector<1x16xf32>,
        %parallel_loop3A_133 = vector.shape_cast %parallel_loop3A_132 : vector<1x16xf32> to vector<16xf32>
        %parallel_loop3A_134 = arith.addf %parallel_loop3A_129, %parallel_loop3A_133 : vector<16xf32>
        %parallel_loop3A_135 = arith.index_cast %parallel_loop3A_27 : i32 to index
        %parallel_loop3A_136 = arith.constant 112 : index
        %parallel_loop3A_137 = tpu.vector_load %arg8[%parallel_loop3A_135, %parallel_loop3A_136] {strides = array<i32>} : memref<32x1024xf32, #tpu.memory_space<vmem>>, vector<1x16xf32>,
        %parallel_loop3A_138 = vector.shape_cast %parallel_loop3A_137 : vector<1x16xf32> to vector<16xf32>
        %parallel_loop3A_139 = vector.shape_cast %parallel_loop3A_134 : vector<16xf32> to vector<1x16xf32>
        tpu.vector_store %arg8[%parallel_loop3A_135, %parallel_loop3A_136], %parallel_loop3A_139 {strides = array<i32>} : memref<32x1024xf32, #tpu.memory_space<vmem>>, vector<1x16xf32>,
        %parallel_loop3A_140 = arith.index_cast %parallel_loop3A_27 : i32 to index
        %parallel_loop3A_141 = arith.constant 128 : index
        %parallel_loop3A_142 = tpu.vector_load %arg8[%parallel_loop3A_140, %parallel_loop3A_141] {strides = array<i32>} : memref<32x1024xf32, #tpu.memory_space<vmem>>, vector<1x16xf32>,
        %parallel_loop3A_143 = vector.shape_cast %parallel_loop3A_142 : vector<1x16xf32> to vector<16xf32>
        %parallel_loop3A_144 = arith.index_cast %parallel_loop3A_27 : i32 to index
        %parallel_loop3A_145 = arith.constant 128 : index
        %parallel_loop3A_146 = tpu.vector_load %arg9[%parallel_loop3A_144, %parallel_loop3A_145] {strides = array<i32>} : memref<32x1024xf32, #tpu.memory_space<vmem>>, vector<1x16xf32>,
        %parallel_loop3A_147 = vector.shape_cast %parallel_loop3A_146 : vector<1x16xf32> to vector<16xf32>
        %parallel_loop3A_148 = arith.addf %parallel_loop3A_143, %parallel_loop3A_147 : vector<16xf32>
        %parallel_loop3A_149 = arith.index_cast %parallel_loop3A_27 : i32 to index
        %parallel_loop3A_150 = arith.constant 128 : index
        %parallel_loop3A_151 = tpu.vector_load %arg8[%parallel_loop3A_149, %parallel_loop3A_150] {strides = array<i32>} : memref<32x1024xf32, #tpu.memory_space<vmem>>, vector<1x16xf32>,
        %parallel_loop3A_152 = vector.shape_cast %parallel_loop3A_151 : vector<1x16xf32> to vector<16xf32>
        %parallel_loop3A_153 = vector.shape_cast %parallel_loop3A_148 : vector<16xf32> to vector<1x16xf32>
        tpu.vector_store %arg8[%parallel_loop3A_149, %parallel_loop3A_150], %parallel_loop3A_153 {strides = array<i32>} : memref<32x1024xf32, #tpu.memory_space<vmem>>, vector<1x16xf32>,
        %parallel_loop3A_154 = arith.index_cast %parallel_loop3A_27 : i32 to index
        %parallel_loop3A_155 = arith.constant 144 : index
        %parallel_loop3A_156 = tpu.vector_load %arg8[%parallel_loop3A_154, %parallel_loop3A_155] {strides = array<i32>} : memref<32x1024xf32, #tpu.memory_space<vmem>>, vector<1x16xf32>,
        %parallel_loop3A_157 = vector.shape_cast %parallel_loop3A_156 : vector<1x16xf32> to vector<16xf32>
        %parallel_loop3A_158 = arith.index_cast %parallel_loop3A_27 : i32 to index
        %parallel_loop3A_159 = arith.constant 144 : index
        %parallel_loop3A_160 = tpu.vector_load %arg9[%parallel_loop3A_158, %parallel_loop3A_159] {strides = array<i32>} : memref<32x1024xf32, #tpu.memory_space<vmem>>, vector<1x16xf32>,
        %parallel_loop3A_161 = vector.shape_cast %parallel_loop3A_160 : vector<1x16xf32> to vector<16xf32>
        %parallel_loop3A_162 = arith.addf %parallel_loop3A_157, %parallel_loop3A_161 : vector<16xf32>
        %parallel_loop3A_163 = arith.index_cast %parallel_loop3A_27 : i32 to index
        %parallel_loop3A_164 = arith.constant 144 : index
        %parallel_loop3A_165 = tpu.vector_load %arg8[%parallel_loop3A_163, %parallel_loop3A_164] {strides = array<i32>} : memref<32x1024xf32, #tpu.memory_space<vmem>>, vector<1x16xf32>,
        %parallel_loop3A_166 = vector.shape_cast %parallel_loop3A_165 : vector<1x16xf32> to vector<16xf32>
        %parallel_loop3A_167 = vector.shape_cast %parallel_loop3A_162 : vector<16xf32> to vector<1x16xf32>
        tpu.vector_store %arg8[%parallel_loop3A_163, %parallel_loop3A_164], %parallel_loop3A_167 {strides = array<i32>} : memref<32x1024xf32, #tpu.memory_space<vmem>>, vector<1x16xf32>,
        %parallel_loop3A_168 = arith.index_cast %parallel_loop3A_27 : i32 to index
        %parallel_loop3A_169 = arith.constant 160 : index
        %parallel_loop3A_170 = tpu.vector_load %arg8[%parallel_loop3A_168, %parallel_loop3A_169] {strides = array<i32>} : memref<32x1024xf32, #tpu.memory_space<vmem>>, vector<1x16xf32>,
        %parallel_loop3A_171 = vector.shape_cast %parallel_loop3A_170 : vector<1x16xf32> to vector<16xf32>
        %parallel_loop3A_172 = arith.index_cast %parallel_loop3A_27 : i32 to index
        %parallel_loop3A_173 = arith.constant 160 : index
        %parallel_loop3A_174 = tpu.vector_load %arg9[%parallel_loop3A_172, %parallel_loop3A_173] {strides = array<i32>} : memref<32x1024xf32, #tpu.memory_space<vmem>>, vector<1x16xf32>,
        %parallel_loop3A_175 = vector.shape_cast %parallel_loop3A_174 : vector<1x16xf32> to vector<16xf32>
        %parallel_loop3A_176 = arith.addf %parallel_loop3A_171, %parallel_loop3A_175 : vector<16xf32>
        %parallel_loop3A_177 = arith.index_cast %parallel_loop3A_27 : i32 to index
        %parallel_loop3A_178 = arith.constant 160 : index
        %parallel_loop3A_179 = tpu.vector_load %arg8[%parallel_loop3A_177, %parallel_loop3A_178] {strides = array<i32>} : memref<32x1024xf32, #tpu.memory_space<vmem>>, vector<1x16xf32>,
        %parallel_loop3A_180 = vector.shape_cast %parallel_loop3A_179 : vector<1x16xf32> to vector<16xf32>
        %parallel_loop3A_181 = vector.shape_cast %parallel_loop3A_176 : vector<16xf32> to vector<1x16xf32>
        tpu.vector_store %arg8[%parallel_loop3A_177, %parallel_loop3A_178], %parallel_loop3A_181 {strides = array<i32>} : memref<32x1024xf32, #tpu.memory_space<vmem>>, vector<1x16xf32>,
        %parallel_loop3A_182 = arith.index_cast %parallel_loop3A_27 : i32 to index
        %parallel_loop3A_183 = arith.constant 176 : index
        %parallel_loop3A_184 = tpu.vector_load %arg8[%parallel_loop3A_182, %parallel_loop3A_183] {strides = array<i32>} : memref<32x1024xf32, #tpu.memory_space<vmem>>, vector<1x16xf32>,
        %parallel_loop3A_185 = vector.shape_cast %parallel_loop3A_184 : vector<1x16xf32> to vector<16xf32>
        %parallel_loop3A_186 = arith.index_cast %parallel_loop3A_27 : i32 to index
        %parallel_loop3A_187 = arith.constant 176 : index
        %parallel_loop3A_188 = tpu.vector_load %arg9[%parallel_loop3A_186, %parallel_loop3A_187] {strides = array<i32>} : memref<32x1024xf32, #tpu.memory_space<vmem>>, vector<1x16xf32>,
        %parallel_loop3A_189 = vector.shape_cast %parallel_loop3A_188 : vector<1x16xf32> to vector<16xf32>
        %parallel_loop3A_190 = arith.addf %parallel_loop3A_185, %parallel_loop3A_189 : vector<16xf32>
        %parallel_loop3A_191 = arith.index_cast %parallel_loop3A_27 : i32 to index
        %parallel_loop3A_192 = arith.constant 176 : index
        %parallel_loop3A_193 = tpu.vector_load %arg8[%parallel_loop3A_191, %parallel_loop3A_192] {strides = array<i32>} : memref<32x1024xf32, #tpu.memory_space<vmem>>, vector<1x16xf32>,
        %parallel_loop3A_194 = vector.shape_cast %parallel_loop3A_193 : vector<1x16xf32> to vector<16xf32>
        %parallel_loop3A_195 = vector.shape_cast %parallel_loop3A_190 : vector<16xf32> to vector<1x16xf32>
        tpu.vector_store %arg8[%parallel_loop3A_191, %parallel_loop3A_192], %parallel_loop3A_195 {strides = array<i32>} : memref<32x1024xf32, #tpu.memory_space<vmem>>, vector<1x16xf32>,
        %parallel_loop3A_196 = arith.index_cast %parallel_loop3A_27 : i32 to index
        %parallel_loop3A_197 = arith.constant 192 : index
        %parallel_loop3A_198 = tpu.vector_load %arg8[%parallel_loop3A_196, %parallel_loop3A_197] {strides = array<i32>} : memref<32x1024xf32, #tpu.memory_space<vmem>>, vector<1x16xf32>,
        %parallel_loop3A_199 = vector.shape_cast %parallel_loop3A_198 : vector<1x16xf32> to vector<16xf32>
        %parallel_loop3A_200 = arith.index_cast %parallel_loop3A_27 : i32 to index
        %parallel_loop3A_201 = arith.constant 192 : index
        %parallel_loop3A_202 = tpu.vector_load %arg9[%parallel_loop3A_200, %parallel_loop3A_201] {strides = array<i32>} : memref<32x1024xf32, #tpu.memory_space<vmem>>, vector<1x16xf32>,
        %parallel_loop3A_203 = vector.shape_cast %parallel_loop3A_202 : vector<1x16xf32> to vector<16xf32>
        %parallel_loop3A_204 = arith.addf %parallel_loop3A_199, %parallel_loop3A_203 : vector<16xf32>
        %parallel_loop3A_205 = arith.index_cast %parallel_loop3A_27 : i32 to index
        %parallel_loop3A_206 = arith.constant 192 : index
        %parallel_loop3A_207 = tpu.vector_load %arg8[%parallel_loop3A_205, %parallel_loop3A_206] {strides = array<i32>} : memref<32x1024xf32, #tpu.memory_space<vmem>>, vector<1x16xf32>,
        %parallel_loop3A_208 = vector.shape_cast %parallel_loop3A_207 : vector<1x16xf32> to vector<16xf32>
        %parallel_loop3A_209 = vector.shape_cast %parallel_loop3A_204 : vector<16xf32> to vector<1x16xf32>
        tpu.vector_store %arg8[%parallel_loop3A_205, %parallel_loop3A_206], %parallel_loop3A_209 {strides = array<i32>} : memref<32x1024xf32, #tpu.memory_space<vmem>>, vector<1x16xf32>,
        %parallel_loop3A_210 = arith.index_cast %parallel_loop3A_27 : i32 to index
        %parallel_loop3A_211 = arith.constant 208 : index
        %parallel_loop3A_212 = tpu.vector_load %arg8[%parallel_loop3A_210, %parallel_loop3A_211] {strides = array<i32>} : memref<32x1024xf32, #tpu.memory_space<vmem>>, vector<1x16xf32>,
        %parallel_loop3A_213 = vector.shape_cast %parallel_loop3A_212 : vector<1x16xf32> to vector<16xf32>
        %parallel_loop3A_214 = arith.index_cast %parallel_loop3A_27 : i32 to index
        %parallel_loop3A_215 = arith.constant 208 : index
        %parallel_loop3A_216 = tpu.vector_load %arg9[%parallel_loop3A_214, %parallel_loop3A_215] {strides = array<i32>} : memref<32x1024xf32, #tpu.memory_space<vmem>>, vector<1x16xf32>,
        %parallel_loop3A_217 = vector.shape_cast %parallel_loop3A_216 : vector<1x16xf32> to vector<16xf32>
        %parallel_loop3A_218 = arith.addf %parallel_loop3A_213, %parallel_loop3A_217 : vector<16xf32>
        %parallel_loop3A_219 = arith.index_cast %parallel_loop3A_27 : i32 to index
        %parallel_loop3A_220 = arith.constant 208 : index
        %parallel_loop3A_221 = tpu.vector_load %arg8[%parallel_loop3A_219, %parallel_loop3A_220] {strides = array<i32>} : memref<32x1024xf32, #tpu.memory_space<vmem>>, vector<1x16xf32>,
        %parallel_loop3A_222 = vector.shape_cast %parallel_loop3A_221 : vector<1x16xf32> to vector<16xf32>
        %parallel_loop3A_223 = vector.shape_cast %parallel_loop3A_218 : vector<16xf32> to vector<1x16xf32>
        tpu.vector_store %arg8[%parallel_loop3A_219, %parallel_loop3A_220], %parallel_loop3A_223 {strides = array<i32>} : memref<32x1024xf32, #tpu.memory_space<vmem>>, vector<1x16xf32>,
        %parallel_loop3A_224 = arith.index_cast %parallel_loop3A_27 : i32 to index
        %parallel_loop3A_225 = arith.constant 224 : index
        %parallel_loop3A_226 = tpu.vector_load %arg8[%parallel_loop3A_224, %parallel_loop3A_225] {strides = array<i32>} : memref<32x1024xf32, #tpu.memory_space<vmem>>, vector<1x16xf32>,
        %parallel_loop3A_227 = vector.shape_cast %parallel_loop3A_226 : vector<1x16xf32> to vector<16xf32>
        %parallel_loop3A_228 = arith.index_cast %parallel_loop3A_27 : i32 to index
        %parallel_loop3A_229 = arith.constant 224 : index
        %parallel_loop3A_230 = tpu.vector_load %arg9[%parallel_loop3A_228, %parallel_loop3A_229] {strides = array<i32>} : memref<32x1024xf32, #tpu.memory_space<vmem>>, vector<1x16xf32>,
        %parallel_loop3A_231 = vector.shape_cast %parallel_loop3A_230 : vector<1x16xf32> to vector<16xf32>
        %parallel_loop3A_232 = arith.addf %parallel_loop3A_227, %parallel_loop3A_231 : vector<16xf32>
        %parallel_loop3A_233 = arith.index_cast %parallel_loop3A_27 : i32 to index
        %parallel_loop3A_234 = arith.constant 224 : index
        %parallel_loop3A_235 = tpu.vector_load %arg8[%parallel_loop3A_233, %parallel_loop3A_234] {strides = array<i32>} : memref<32x1024xf32, #tpu.memory_space<vmem>>, vector<1x16xf32>,
        %parallel_loop3A_236 = vector.shape_cast %parallel_loop3A_235 : vector<1x16xf32> to vector<16xf32>
        %parallel_loop3A_237 = vector.shape_cast %parallel_loop3A_232 : vector<16xf32> to vector<1x16xf32>
        tpu.vector_store %arg8[%parallel_loop3A_233, %parallel_loop3A_234], %parallel_loop3A_237 {strides = array<i32>} : memref<32x1024xf32, #tpu.memory_space<vmem>>, vector<1x16xf32>,
        %parallel_loop3A_238 = arith.index_cast %parallel_loop3A_27 : i32 to index
        %parallel_loop3A_239 = arith.constant 240 : index
        %parallel_loop3A_240 = tpu.vector_load %arg8[%parallel_loop3A_238, %parallel_loop3A_239] {strides = array<i32>} : memref<32x1024xf32, #tpu.memory_space<vmem>>, vector<1x16xf32>,
        %parallel_loop3A_241 = vector.shape_cast %parallel_loop3A_240 : vector<1x16xf32> to vector<16xf32>
        %parallel_loop3A_242 = arith.index_cast %parallel_loop3A_27 : i32 to index
        %parallel_loop3A_243 = arith.constant 240 : index
        %parallel_loop3A_244 = tpu.vector_load %arg9[%parallel_loop3A_242, %parallel_loop3A_243] {strides = array<i32>} : memref<32x1024xf32, #tpu.memory_space<vmem>>, vector<1x16xf32>,
        %parallel_loop3A_245 = vector.shape_cast %parallel_loop3A_244 : vector<1x16xf32> to vector<16xf32>
        %parallel_loop3A_246 = arith.addf %parallel_loop3A_241, %parallel_loop3A_245 : vector<16xf32>
        %parallel_loop3A_247 = arith.index_cast %parallel_loop3A_27 : i32 to index
        %parallel_loop3A_248 = arith.constant 240 : index
        %parallel_loop3A_249 = tpu.vector_load %arg8[%parallel_loop3A_247, %parallel_loop3A_248] {strides = array<i32>} : memref<32x1024xf32, #tpu.memory_space<vmem>>, vector<1x16xf32>,
        %parallel_loop3A_250 = vector.shape_cast %parallel_loop3A_249 : vector<1x16xf32> to vector<16xf32>
        %parallel_loop3A_251 = vector.shape_cast %parallel_loop3A_246 : vector<16xf32> to vector<1x16xf32>
        tpu.vector_store %arg8[%parallel_loop3A_247, %parallel_loop3A_248], %parallel_loop3A_251 {strides = array<i32>} : memref<32x1024xf32, #tpu.memory_space<vmem>>, vector<1x16xf32>,
        %parallel_loop3A_252 = arith.index_cast %parallel_loop3A_27 : i32 to index
        %parallel_loop3A_253 = arith.constant 256 : index
        %parallel_loop3A_254 = tpu.vector_load %arg8[%parallel_loop3A_252, %parallel_loop3A_253] {strides = array<i32>} : memref<32x1024xf32, #tpu.memory_space<vmem>>, vector<1x16xf32>,
        %parallel_loop3A_255 = vector.shape_cast %parallel_loop3A_254 : vector<1x16xf32> to vector<16xf32>
        %parallel_loop3A_256 = arith.index_cast %parallel_loop3A_27 : i32 to index
        %parallel_loop3A_257 = arith.constant 256 : index
        %parallel_loop3A_258 = tpu.vector_load %arg9[%parallel_loop3A_256, %parallel_loop3A_257] {strides = array<i32>} : memref<32x1024xf32, #tpu.memory_space<vmem>>, vector<1x16xf32>,
        %parallel_loop3A_259 = vector.shape_cast %parallel_loop3A_258 : vector<1x16xf32> to vector<16xf32>
        %parallel_loop3A_260 = arith.addf %parallel_loop3A_255, %parallel_loop3A_259 : vector<16xf32>
        %parallel_loop3A_261 = arith.index_cast %parallel_loop3A_27 : i32 to index
        %parallel_loop3A_262 = arith.constant 256 : index
        %parallel_loop3A_263 = tpu.vector_load %arg8[%parallel_loop3A_261, %parallel_loop3A_262] {strides = array<i32>} : memref<32x1024xf32, #tpu.memory_space<vmem>>, vector<1x16xf32>,
        %parallel_loop3A_264 = vector.shape_cast %parallel_loop3A_263 : vector<1x16xf32> to vector<16xf32>
        %parallel_loop3A_265 = vector.shape_cast %parallel_loop3A_260 : vector<16xf32> to vector<1x16xf32>
        tpu.vector_store %arg8[%parallel_loop3A_261, %parallel_loop3A_262], %parallel_loop3A_265 {strides = array<i32>} : memref<32x1024xf32, #tpu.memory_space<vmem>>, vector<1x16xf32>,
        %parallel_loop3A_266 = arith.index_cast %parallel_loop3A_27 : i32 to index
        %parallel_loop3A_267 = arith.constant 272 : index
        %parallel_loop3A_268 = tpu.vector_load %arg8[%parallel_loop3A_266, %parallel_loop3A_267] {strides = array<i32>} : memref<32x1024xf32, #tpu.memory_space<vmem>>, vector<1x16xf32>,
        %parallel_loop3A_269 = vector.shape_cast %parallel_loop3A_268 : vector<1x16xf32> to vector<16xf32>
        %parallel_loop3A_270 = arith.index_cast %parallel_loop3A_27 : i32 to index
        %parallel_loop3A_271 = arith.constant 272 : index
        %parallel_loop3A_272 = tpu.vector_load %arg9[%parallel_loop3A_270, %parallel_loop3A_271] {strides = array<i32>} : memref<32x1024xf32, #tpu.memory_space<vmem>>, vector<1x16xf32>,
        %parallel_loop3A_273 = vector.shape_cast %parallel_loop3A_272 : vector<1x16xf32> to vector<16xf32>
        %parallel_loop3A_274 = arith.addf %parallel_loop3A_269, %parallel_loop3A_273 : vector<16xf32>
        %parallel_loop3A_275 = arith.index_cast %parallel_loop3A_27 : i32 to index
        %parallel_loop3A_276 = arith.constant 272 : index
        %parallel_loop3A_277 = tpu.vector_load %arg8[%parallel_loop3A_275, %parallel_loop3A_276] {strides = array<i32>} : memref<32x1024xf32, #tpu.memory_space<vmem>>, vector<1x16xf32>,
        %parallel_loop3A_278 = vector.shape_cast %parallel_loop3A_277 : vector<1x16xf32> to vector<16xf32>
        %parallel_loop3A_279 = vector.shape_cast %parallel_loop3A_274 : vector<16xf32> to vector<1x16xf32>
        tpu.vector_store %arg8[%parallel_loop3A_275, %parallel_loop3A_276], %parallel_loop3A_279 {strides = array<i32>} : memref<32x1024xf32, #tpu.memory_space<vmem>>, vector<1x16xf32>,
        %parallel_loop3A_280 = arith.index_cast %parallel_loop3A_27 : i32 to index
        %parallel_loop3A_281 = arith.constant 288 : index
        %parallel_loop3A_282 = tpu.vector_load %arg8[%parallel_loop3A_280, %parallel_loop3A_281] {strides = array<i32>} : memref<32x1024xf32, #tpu.memory_space<vmem>>, vector<1x16xf32>,
        %parallel_loop3A_283 = vector.shape_cast %parallel_loop3A_282 : vector<1x16xf32> to vector<16xf32>
        %parallel_loop3A_284 = arith.index_cast %parallel_loop3A_27 : i32 to index
        %parallel_loop3A_285 = arith.constant 288 : index
        %parallel_loop3A_286 = tpu.vector_load %arg9[%parallel_loop3A_284, %parallel_loop3A_285] {strides = array<i32>} : memref<32x1024xf32, #tpu.memory_space<vmem>>, vector<1x16xf32>,
        %parallel_loop3A_287 = vector.shape_cast %parallel_loop3A_286 : vector<1x16xf32> to vector<16xf32>
        %parallel_loop3A_288 = arith.addf %parallel_loop3A_283, %parallel_loop3A_287 : vector<16xf32>
        %parallel_loop3A_289 = arith.index_cast %parallel_loop3A_27 : i32 to index
        %parallel_loop3A_290 = arith.constant 288 : index
        %parallel_loop3A_291 = tpu.vector_load %arg8[%parallel_loop3A_289, %parallel_loop3A_290] {strides = array<i32>} : memref<32x1024xf32, #tpu.memory_space<vmem>>, vector<1x16xf32>,
        %parallel_loop3A_292 = vector.shape_cast %parallel_loop3A_291 : vector<1x16xf32> to vector<16xf32>
        %parallel_loop3A_293 = vector.shape_cast %parallel_loop3A_288 : vector<16xf32> to vector<1x16xf32>
        tpu.vector_store %arg8[%parallel_loop3A_289, %parallel_loop3A_290], %parallel_loop3A_293 {strides = array<i32>} : memref<32x1024xf32, #tpu.memory_space<vmem>>, vector<1x16xf32>,
        %parallel_loop3A_294 = arith.index_cast %parallel_loop3A_27 : i32 to index
        %parallel_loop3A_295 = arith.constant 304 : index
        %parallel_loop3A_296 = tpu.vector_load %arg8[%parallel_loop3A_294, %parallel_loop3A_295] {strides = array<i32>} : memref<32x1024xf32, #tpu.memory_space<vmem>>, vector<1x16xf32>,
        %parallel_loop3A_297 = vector.shape_cast %parallel_loop3A_296 : vector<1x16xf32> to vector<16xf32>
        %parallel_loop3A_298 = arith.index_cast %parallel_loop3A_27 : i32 to index
        %parallel_loop3A_299 = arith.constant 304 : index
        %parallel_loop3A_300 = tpu.vector_load %arg9[%parallel_loop3A_298, %parallel_loop3A_299] {strides = array<i32>} : memref<32x1024xf32, #tpu.memory_space<vmem>>, vector<1x16xf32>,
        %parallel_loop3A_301 = vector.shape_cast %parallel_loop3A_300 : vector<1x16xf32> to vector<16xf32>
        %parallel_loop3A_302 = arith.addf %parallel_loop3A_297, %parallel_loop3A_301 : vector<16xf32>
        %parallel_loop3A_303 = arith.index_cast %parallel_loop3A_27 : i32 to index
        %parallel_loop3A_304 = arith.constant 304 : index
        %parallel_loop3A_305 = tpu.vector_load %arg8[%parallel_loop3A_303, %parallel_loop3A_304] {strides = array<i32>} : memref<32x1024xf32, #tpu.memory_space<vmem>>, vector<1x16xf32>,
        %parallel_loop3A_306 = vector.shape_cast %parallel_loop3A_305 : vector<1x16xf32> to vector<16xf32>
        %parallel_loop3A_307 = vector.shape_cast %parallel_loop3A_302 : vector<16xf32> to vector<1x16xf32>
        tpu.vector_store %arg8[%parallel_loop3A_303, %parallel_loop3A_304], %parallel_loop3A_307 {strides = array<i32>} : memref<32x1024xf32, #tpu.memory_space<vmem>>, vector<1x16xf32>,
        %parallel_loop3A_308 = arith.index_cast %parallel_loop3A_27 : i32 to index
        %parallel_loop3A_309 = arith.constant 320 : index
        %parallel_loop3A_310 = tpu.vector_load %arg8[%parallel_loop3A_308, %parallel_loop3A_309] {strides = array<i32>} : memref<32x1024xf32, #tpu.memory_space<vmem>>, vector<1x16xf32>,
        %parallel_loop3A_311 = vector.shape_cast %parallel_loop3A_310 : vector<1x16xf32> to vector<16xf32>
        %parallel_loop3A_312 = arith.index_cast %parallel_loop3A_27 : i32 to index
        %parallel_loop3A_313 = arith.constant 320 : index
        %parallel_loop3A_314 = tpu.vector_load %arg9[%parallel_loop3A_312, %parallel_loop3A_313] {strides = array<i32>} : memref<32x1024xf32, #tpu.memory_space<vmem>>, vector<1x16xf32>,
        %parallel_loop3A_315 = vector.shape_cast %parallel_loop3A_314 : vector<1x16xf32> to vector<16xf32>
        %parallel_loop3A_316 = arith.addf %parallel_loop3A_311, %parallel_loop3A_315 : vector<16xf32>
        %parallel_loop3A_317 = arith.index_cast %parallel_loop3A_27 : i32 to index
        %parallel_loop3A_318 = arith.constant 320 : index
        %parallel_loop3A_319 = tpu.vector_load %arg8[%parallel_loop3A_317, %parallel_loop3A_318] {strides = array<i32>} : memref<32x1024xf32, #tpu.memory_space<vmem>>, vector<1x16xf32>,
        %parallel_loop3A_320 = vector.shape_cast %parallel_loop3A_319 : vector<1x16xf32> to vector<16xf32>
        %parallel_loop3A_321 = vector.shape_cast %parallel_loop3A_316 : vector<16xf32> to vector<1x16xf32>
        tpu.vector_store %arg8[%parallel_loop3A_317, %parallel_loop3A_318], %parallel_loop3A_321 {strides = array<i32>} : memref<32x1024xf32, #tpu.memory_space<vmem>>, vector<1x16xf32>,
        %parallel_loop3A_322 = arith.index_cast %parallel_loop3A_27 : i32 to index
        %parallel_loop3A_323 = arith.constant 336 : index
        %parallel_loop3A_324 = tpu.vector_load %arg8[%parallel_loop3A_322, %parallel_loop3A_323] {strides = array<i32>} : memref<32x1024xf32, #tpu.memory_space<vmem>>, vector<1x16xf32>,
        %parallel_loop3A_325 = vector.shape_cast %parallel_loop3A_324 : vector<1x16xf32> to vector<16xf32>
        %parallel_loop3A_326 = arith.index_cast %parallel_loop3A_27 : i32 to index
        %parallel_loop3A_327 = arith.constant 336 : index
        %parallel_loop3A_328 = tpu.vector_load %arg9[%parallel_loop3A_326, %parallel_loop3A_327] {strides = array<i32>} : memref<32x1024xf32, #tpu.memory_space<vmem>>, vector<1x16xf32>,
        %parallel_loop3A_329 = vector.shape_cast %parallel_loop3A_328 : vector<1x16xf32> to vector<16xf32>
        %parallel_loop3A_330 = arith.addf %parallel_loop3A_325, %parallel_loop3A_329 : vector<16xf32>
        %parallel_loop3A_331 = arith.index_cast %parallel_loop3A_27 : i32 to index
        %parallel_loop3A_332 = arith.constant 336 : index
        %parallel_loop3A_333 = tpu.vector_load %arg8[%parallel_loop3A_331, %parallel_loop3A_332] {strides = array<i32>} : memref<32x1024xf32, #tpu.memory_space<vmem>>, vector<1x16xf32>,
        %parallel_loop3A_334 = vector.shape_cast %parallel_loop3A_333 : vector<1x16xf32> to vector<16xf32>
        %parallel_loop3A_335 = vector.shape_cast %parallel_loop3A_330 : vector<16xf32> to vector<1x16xf32>
        tpu.vector_store %arg8[%parallel_loop3A_331, %parallel_loop3A_332], %parallel_loop3A_335 {strides = array<i32>} : memref<32x1024xf32, #tpu.memory_space<vmem>>, vector<1x16xf32>,
        %parallel_loop3A_336 = arith.index_cast %parallel_loop3A_27 : i32 to index
        %parallel_loop3A_337 = arith.constant 352 : index
        %parallel_loop3A_338 = tpu.vector_load %arg8[%parallel_loop3A_336, %parallel_loop3A_337] {strides = array<i32>} : memref<32x1024xf32, #tpu.memory_space<vmem>>, vector<1x16xf32>,
        %parallel_loop3A_339 = vector.shape_cast %parallel_loop3A_338 : vector<1x16xf32> to vector<16xf32>
        %parallel_loop3A_340 = arith.index_cast %parallel_loop3A_27 : i32 to index
        %parallel_loop3A_341 = arith.constant 352 : index
        %parallel_loop3A_342 = tpu.vector_load %arg9[%parallel_loop3A_340, %parallel_loop3A_341] {strides = array<i32>} : memref<32x1024xf32, #tpu.memory_space<vmem>>, vector<1x16xf32>,
        %parallel_loop3A_343 = vector.shape_cast %parallel_loop3A_342 : vector<1x16xf32> to vector<16xf32>
        %parallel_loop3A_344 = arith.addf %parallel_loop3A_339, %parallel_loop3A_343 : vector<16xf32>
        %parallel_loop3A_345 = arith.index_cast %parallel_loop3A_27 : i32 to index
        %parallel_loop3A_346 = arith.constant 352 : index
        %parallel_loop3A_347 = tpu.vector_load %arg8[%parallel_loop3A_345, %parallel_loop3A_346] {strides = array<i32>} : memref<32x1024xf32, #tpu.memory_space<vmem>>, vector<1x16xf32>,
        %parallel_loop3A_348 = vector.shape_cast %parallel_loop3A_347 : vector<1x16xf32> to vector<16xf32>
        %parallel_loop3A_349 = vector.shape_cast %parallel_loop3A_344 : vector<16xf32> to vector<1x16xf32>
        tpu.vector_store %arg8[%parallel_loop3A_345, %parallel_loop3A_346], %parallel_loop3A_349 {strides = array<i32>} : memref<32x1024xf32, #tpu.memory_space<vmem>>, vector<1x16xf32>,
        %parallel_loop3A_350 = arith.index_cast %parallel_loop3A_27 : i32 to index
        %parallel_loop3A_351 = arith.constant 368 : index
        %parallel_loop3A_352 = tpu.vector_load %arg8[%parallel_loop3A_350, %parallel_loop3A_351] {strides = array<i32>} : memref<32x1024xf32, #tpu.memory_space<vmem>>, vector<1x16xf32>,
        %parallel_loop3A_353 = vector.shape_cast %parallel_loop3A_352 : vector<1x16xf32> to vector<16xf32>
        %parallel_loop3A_354 = arith.index_cast %parallel_loop3A_27 : i32 to index
        %parallel_loop3A_355 = arith.constant 368 : index
        %parallel_loop3A_356 = tpu.vector_load %arg9[%parallel_loop3A_354, %parallel_loop3A_355] {strides = array<i32>} : memref<32x1024xf32, #tpu.memory_space<vmem>>, vector<1x16xf32>,
        %parallel_loop3A_357 = vector.shape_cast %parallel_loop3A_356 : vector<1x16xf32> to vector<16xf32>
        %parallel_loop3A_358 = arith.addf %parallel_loop3A_353, %parallel_loop3A_357 : vector<16xf32>
        %parallel_loop3A_359 = arith.index_cast %parallel_loop3A_27 : i32 to index
        %parallel_loop3A_360 = arith.constant 368 : index
        %parallel_loop3A_361 = tpu.vector_load %arg8[%parallel_loop3A_359, %parallel_loop3A_360] {strides = array<i32>} : memref<32x1024xf32, #tpu.memory_space<vmem>>, vector<1x16xf32>,
        %parallel_loop3A_362 = vector.shape_cast %parallel_loop3A_361 : vector<1x16xf32> to vector<16xf32>
        %parallel_loop3A_363 = vector.shape_cast %parallel_loop3A_358 : vector<16xf32> to vector<1x16xf32>
        tpu.vector_store %arg8[%parallel_loop3A_359, %parallel_loop3A_360], %parallel_loop3A_363 {strides = array<i32>} : memref<32x1024xf32, #tpu.memory_space<vmem>>, vector<1x16xf32>,
        %parallel_loop3A_364 = arith.index_cast %parallel_loop3A_27 : i32 to index
        %parallel_loop3A_365 = arith.constant 384 : index
        %parallel_loop3A_366 = tpu.vector_load %arg8[%parallel_loop3A_364, %parallel_loop3A_365] {strides = array<i32>} : memref<32x1024xf32, #tpu.memory_space<vmem>>, vector<1x16xf32>,
        %parallel_loop3A_367 = vector.shape_cast %parallel_loop3A_366 : vector<1x16xf32> to vector<16xf32>
        %parallel_loop3A_368 = arith.index_cast %parallel_loop3A_27 : i32 to index
        %parallel_loop3A_369 = arith.constant 384 : index
        %parallel_loop3A_370 = tpu.vector_load %arg9[%parallel_loop3A_368, %parallel_loop3A_369] {strides = array<i32>} : memref<32x1024xf32, #tpu.memory_space<vmem>>, vector<1x16xf32>,
        %parallel_loop3A_371 = vector.shape_cast %parallel_loop3A_370 : vector<1x16xf32> to vector<16xf32>
        %parallel_loop3A_372 = arith.addf %parallel_loop3A_367, %parallel_loop3A_371 : vector<16xf32>
        %parallel_loop3A_373 = arith.index_cast %parallel_loop3A_27 : i32 to index
        %parallel_loop3A_374 = arith.constant 384 : index
        %parallel_loop3A_375 = tpu.vector_load %arg8[%parallel_loop3A_373, %parallel_loop3A_374] {strides = array<i32>} : memref<32x1024xf32, #tpu.memory_space<vmem>>, vector<1x16xf32>,
        %parallel_loop3A_376 = vector.shape_cast %parallel_loop3A_375 : vector<1x16xf32> to vector<16xf32>
        %parallel_loop3A_377 = vector.shape_cast %parallel_loop3A_372 : vector<16xf32> to vector<1x16xf32>
        tpu.vector_store %arg8[%parallel_loop3A_373, %parallel_loop3A_374], %parallel_loop3A_377 {strides = array<i32>} : memref<32x1024xf32, #tpu.memory_space<vmem>>, vector<1x16xf32>,
        %parallel_loop3A_378 = arith.index_cast %parallel_loop3A_27 : i32 to index
        %parallel_loop3A_379 = arith.constant 400 : index
        %parallel_loop3A_380 = tpu.vector_load %arg8[%parallel_loop3A_378, %parallel_loop3A_379] {strides = array<i32>} : memref<32x1024xf32, #tpu.memory_space<vmem>>, vector<1x16xf32>,
        %parallel_loop3A_381 = vector.shape_cast %parallel_loop3A_380 : vector<1x16xf32> to vector<16xf32>
        %parallel_loop3A_382 = arith.index_cast %parallel_loop3A_27 : i32 to index
        %parallel_loop3A_383 = arith.constant 400 : index
        %parallel_loop3A_384 = tpu.vector_load %arg9[%parallel_loop3A_382, %parallel_loop3A_383] {strides = array<i32>} : memref<32x1024xf32, #tpu.memory_space<vmem>>, vector<1x16xf32>,
        %parallel_loop3A_385 = vector.shape_cast %parallel_loop3A_384 : vector<1x16xf32> to vector<16xf32>
        %parallel_loop3A_386 = arith.addf %parallel_loop3A_381, %parallel_loop3A_385 : vector<16xf32>
        %parallel_loop3A_387 = arith.index_cast %parallel_loop3A_27 : i32 to index
        %parallel_loop3A_388 = arith.constant 400 : index
        %parallel_loop3A_389 = tpu.vector_load %arg8[%parallel_loop3A_387, %parallel_loop3A_388] {strides = array<i32>} : memref<32x1024xf32, #tpu.memory_space<vmem>>, vector<1x16xf32>,
        %parallel_loop3A_390 = vector.shape_cast %parallel_loop3A_389 : vector<1x16xf32> to vector<16xf32>
        %parallel_loop3A_391 = vector.shape_cast %parallel_loop3A_386 : vector<16xf32> to vector<1x16xf32>
        tpu.vector_store %arg8[%parallel_loop3A_387, %parallel_loop3A_388], %parallel_loop3A_391 {strides = array<i32>} : memref<32x1024xf32, #tpu.memory_space<vmem>>, vector<1x16xf32>,
        %parallel_loop3A_392 = arith.index_cast %parallel_loop3A_27 : i32 to index
        %parallel_loop3A_393 = arith.constant 416 : index
        %parallel_loop3A_394 = tpu.vector_load %arg8[%parallel_loop3A_392, %parallel_loop3A_393] {strides = array<i32>} : memref<32x1024xf32, #tpu.memory_space<vmem>>, vector<1x16xf32>,
        %parallel_loop3A_395 = vector.shape_cast %parallel_loop3A_394 : vector<1x16xf32> to vector<16xf32>
        %parallel_loop3A_396 = arith.index_cast %parallel_loop3A_27 : i32 to index
        %parallel_loop3A_397 = arith.constant 416 : index
        %parallel_loop3A_398 = tpu.vector_load %arg9[%parallel_loop3A_396, %parallel_loop3A_397] {strides = array<i32>} : memref<32x1024xf32, #tpu.memory_space<vmem>>, vector<1x16xf32>,
        %parallel_loop3A_399 = vector.shape_cast %parallel_loop3A_398 : vector<1x16xf32> to vector<16xf32>
        %parallel_loop3A_400 = arith.addf %parallel_loop3A_395, %parallel_loop3A_399 : vector<16xf32>
        %parallel_loop3A_401 = arith.index_cast %parallel_loop3A_27 : i32 to index
        %parallel_loop3A_402 = arith.constant 416 : index
        %parallel_loop3A_403 = tpu.vector_load %arg8[%parallel_loop3A_401, %parallel_loop3A_402] {strides = array<i32>} : memref<32x1024xf32, #tpu.memory_space<vmem>>, vector<1x16xf32>,
        %parallel_loop3A_404 = vector.shape_cast %parallel_loop3A_403 : vector<1x16xf32> to vector<16xf32>
        %parallel_loop3A_405 = vector.shape_cast %parallel_loop3A_400 : vector<16xf32> to vector<1x16xf32>
        tpu.vector_store %arg8[%parallel_loop3A_401, %parallel_loop3A_402], %parallel_loop3A_405 {strides = array<i32>} : memref<32x1024xf32, #tpu.memory_space<vmem>>, vector<1x16xf32>,
        %parallel_loop3A_406 = arith.index_cast %parallel_loop3A_27 : i32 to index
        %parallel_loop3A_407 = arith.constant 432 : index
        %parallel_loop3A_408 = tpu.vector_load %arg8[%parallel_loop3A_406, %parallel_loop3A_407] {strides = array<i32>} : memref<32x1024xf32, #tpu.memory_space<vmem>>, vector<1x16xf32>,
        %parallel_loop3A_409 = vector.shape_cast %parallel_loop3A_408 : vector<1x16xf32> to vector<16xf32>
        %parallel_loop3A_410 = arith.index_cast %parallel_loop3A_27 : i32 to index
        %parallel_loop3A_411 = arith.constant 432 : index
        %parallel_loop3A_412 = tpu.vector_load %arg9[%parallel_loop3A_410, %parallel_loop3A_411] {strides = array<i32>} : memref<32x1024xf32, #tpu.memory_space<vmem>>, vector<1x16xf32>,
        %parallel_loop3A_413 = vector.shape_cast %parallel_loop3A_412 : vector<1x16xf32> to vector<16xf32>
        %parallel_loop3A_414 = arith.addf %parallel_loop3A_409, %parallel_loop3A_413 : vector<16xf32>
        %parallel_loop3A_415 = arith.index_cast %parallel_loop3A_27 : i32 to index
        %parallel_loop3A_416 = arith.constant 432 : index
        %parallel_loop3A_417 = tpu.vector_load %arg8[%parallel_loop3A_415, %parallel_loop3A_416] {strides = array<i32>} : memref<32x1024xf32, #tpu.memory_space<vmem>>, vector<1x16xf32>,
        %parallel_loop3A_418 = vector.shape_cast %parallel_loop3A_417 : vector<1x16xf32> to vector<16xf32>
        %parallel_loop3A_419 = vector.shape_cast %parallel_loop3A_414 : vector<16xf32> to vector<1x16xf32>
        tpu.vector_store %arg8[%parallel_loop3A_415, %parallel_loop3A_416], %parallel_loop3A_419 {strides = array<i32>} : memref<32x1024xf32, #tpu.memory_space<vmem>>, vector<1x16xf32>,
        %parallel_loop3A_420 = arith.index_cast %parallel_loop3A_27 : i32 to index
        %parallel_loop3A_421 = arith.constant 448 : index
        %parallel_loop3A_422 = tpu.vector_load %arg8[%parallel_loop3A_420, %parallel_loop3A_421] {strides = array<i32>} : memref<32x1024xf32, #tpu.memory_space<vmem>>, vector<1x16xf32>,
        %parallel_loop3A_423 = vector.shape_cast %parallel_loop3A_422 : vector<1x16xf32> to vector<16xf32>
        %parallel_loop3A_424 = arith.index_cast %parallel_loop3A_27 : i32 to index
        %parallel_loop3A_425 = arith.constant 448 : index
        %parallel_loop3A_426 = tpu.vector_load %arg9[%parallel_loop3A_424, %parallel_loop3A_425] {strides = array<i32>} : memref<32x1024xf32, #tpu.memory_space<vmem>>, vector<1x16xf32>,
        %parallel_loop3A_427 = vector.shape_cast %parallel_loop3A_426 : vector<1x16xf32> to vector<16xf32>
        %parallel_loop3A_428 = arith.addf %parallel_loop3A_423, %parallel_loop3A_427 : vector<16xf32>
        %parallel_loop3A_429 = arith.index_cast %parallel_loop3A_27 : i32 to index
        %parallel_loop3A_430 = arith.constant 448 : index
        %parallel_loop3A_431 = tpu.vector_load %arg8[%parallel_loop3A_429, %parallel_loop3A_430] {strides = array<i32>} : memref<32x1024xf32, #tpu.memory_space<vmem>>, vector<1x16xf32>,
        %parallel_loop3A_432 = vector.shape_cast %parallel_loop3A_431 : vector<1x16xf32> to vector<16xf32>
        %parallel_loop3A_433 = vector.shape_cast %parallel_loop3A_428 : vector<16xf32> to vector<1x16xf32>
        tpu.vector_store %arg8[%parallel_loop3A_429, %parallel_loop3A_430], %parallel_loop3A_433 {strides = array<i32>} : memref<32x1024xf32, #tpu.memory_space<vmem>>, vector<1x16xf32>,
        %parallel_loop3A_434 = arith.index_cast %parallel_loop3A_27 : i32 to index
        %parallel_loop3A_435 = arith.constant 464 : index
        %parallel_loop3A_436 = tpu.vector_load %arg8[%parallel_loop3A_434, %parallel_loop3A_435] {strides = array<i32>} : memref<32x1024xf32, #tpu.memory_space<vmem>>, vector<1x16xf32>,
        %parallel_loop3A_437 = vector.shape_cast %parallel_loop3A_436 : vector<1x16xf32> to vector<16xf32>
        %parallel_loop3A_438 = arith.index_cast %parallel_loop3A_27 : i32 to index
        %parallel_loop3A_439 = arith.constant 464 : index
        %parallel_loop3A_440 = tpu.vector_load %arg9[%parallel_loop3A_438, %parallel_loop3A_439] {strides = array<i32>} : memref<32x1024xf32, #tpu.memory_space<vmem>>, vector<1x16xf32>,
        %parallel_loop3A_441 = vector.shape_cast %parallel_loop3A_440 : vector<1x16xf32> to vector<16xf32>
        %parallel_loop3A_442 = arith.addf %parallel_loop3A_437, %parallel_loop3A_441 : vector<16xf32>
        %parallel_loop3A_443 = arith.index_cast %parallel_loop3A_27 : i32 to index
        %parallel_loop3A_444 = arith.constant 464 : index
        %parallel_loop3A_445 = tpu.vector_load %arg8[%parallel_loop3A_443, %parallel_loop3A_444] {strides = array<i32>} : memref<32x1024xf32, #tpu.memory_space<vmem>>, vector<1x16xf32>,
        %parallel_loop3A_446 = vector.shape_cast %parallel_loop3A_445 : vector<1x16xf32> to vector<16xf32>
        %parallel_loop3A_447 = vector.shape_cast %parallel_loop3A_442 : vector<16xf32> to vector<1x16xf32>
        tpu.vector_store %arg8[%parallel_loop3A_443, %parallel_loop3A_444], %parallel_loop3A_447 {strides = array<i32>} : memref<32x1024xf32, #tpu.memory_space<vmem>>, vector<1x16xf32>,
        %parallel_loop3A_448 = arith.index_cast %parallel_loop3A_27 : i32 to index
        %parallel_loop3A_449 = arith.constant 480 : index
        %parallel_loop3A_450 = tpu.vector_load %arg8[%parallel_loop3A_448, %parallel_loop3A_449] {strides = array<i32>} : memref<32x1024xf32, #tpu.memory_space<vmem>>, vector<1x16xf32>,
        %parallel_loop3A_451 = vector.shape_cast %parallel_loop3A_450 : vector<1x16xf32> to vector<16xf32>
        %parallel_loop3A_452 = arith.index_cast %parallel_loop3A_27 : i32 to index
        %parallel_loop3A_453 = arith.constant 480 : index
        %parallel_loop3A_454 = tpu.vector_load %arg9[%parallel_loop3A_452, %parallel_loop3A_453] {strides = array<i32>} : memref<32x1024xf32, #tpu.memory_space<vmem>>, vector<1x16xf32>,
        %parallel_loop3A_455 = vector.shape_cast %parallel_loop3A_454 : vector<1x16xf32> to vector<16xf32>
        %parallel_loop3A_456 = arith.addf %parallel_loop3A_451, %parallel_loop3A_455 : vector<16xf32>
        %parallel_loop3A_457 = arith.index_cast %parallel_loop3A_27 : i32 to index
        %parallel_loop3A_458 = arith.constant 480 : index
        %parallel_loop3A_459 = tpu.vector_load %arg8[%parallel_loop3A_457, %parallel_loop3A_458] {strides = array<i32>} : memref<32x1024xf32, #tpu.memory_space<vmem>>, vector<1x16xf32>,
        %parallel_loop3A_460 = vector.shape_cast %parallel_loop3A_459 : vector<1x16xf32> to vector<16xf32>
        %parallel_loop3A_461 = vector.shape_cast %parallel_loop3A_456 : vector<16xf32> to vector<1x16xf32>
        tpu.vector_store %arg8[%parallel_loop3A_457, %parallel_loop3A_458], %parallel_loop3A_461 {strides = array<i32>} : memref<32x1024xf32, #tpu.memory_space<vmem>>, vector<1x16xf32>,
        %parallel_loop3A_462 = arith.index_cast %parallel_loop3A_27 : i32 to index
        %parallel_loop3A_463 = arith.constant 496 : index
        %parallel_loop3A_464 = tpu.vector_load %arg8[%parallel_loop3A_462, %parallel_loop3A_463] {strides = array<i32>} : memref<32x1024xf32, #tpu.memory_space<vmem>>, vector<1x16xf32>,
        %parallel_loop3A_465 = vector.shape_cast %parallel_loop3A_464 : vector<1x16xf32> to vector<16xf32>
        %parallel_loop3A_466 = arith.index_cast %parallel_loop3A_27 : i32 to index
        %parallel_loop3A_467 = arith.constant 496 : index
        %parallel_loop3A_468 = tpu.vector_load %arg9[%parallel_loop3A_466, %parallel_loop3A_467] {strides = array<i32>} : memref<32x1024xf32, #tpu.memory_space<vmem>>, vector<1x16xf32>,
        %parallel_loop3A_469 = vector.shape_cast %parallel_loop3A_468 : vector<1x16xf32> to vector<16xf32>
        %parallel_loop3A_470 = arith.addf %parallel_loop3A_465, %parallel_loop3A_469 : vector<16xf32>
        %parallel_loop3A_471 = arith.index_cast %parallel_loop3A_27 : i32 to index
        %parallel_loop3A_472 = arith.constant 496 : index
        %parallel_loop3A_473 = tpu.vector_load %arg8[%parallel_loop3A_471, %parallel_loop3A_472] {strides = array<i32>} : memref<32x1024xf32, #tpu.memory_space<vmem>>, vector<1x16xf32>,
        %parallel_loop3A_474 = vector.shape_cast %parallel_loop3A_473 : vector<1x16xf32> to vector<16xf32>
        %parallel_loop3A_475 = vector.shape_cast %parallel_loop3A_470 : vector<16xf32> to vector<1x16xf32>
        tpu.vector_store %arg8[%parallel_loop3A_471, %parallel_loop3A_472], %parallel_loop3A_475 {strides = array<i32>} : memref<32x1024xf32, #tpu.memory_space<vmem>>, vector<1x16xf32>,
        %parallel_loop3A_476 = arith.index_cast %parallel_loop3A_27 : i32 to index
        %parallel_loop3A_477 = arith.constant 512 : index
        %parallel_loop3A_478 = tpu.vector_load %arg8[%parallel_loop3A_476, %parallel_loop3A_477] {strides = array<i32>} : memref<32x1024xf32, #tpu.memory_space<vmem>>, vector<1x16xf32>,
        %parallel_loop3A_479 = vector.shape_cast %parallel_loop3A_478 : vector<1x16xf32> to vector<16xf32>
        %parallel_loop3A_480 = arith.index_cast %parallel_loop3A_27 : i32 to index
        %parallel_loop3A_481 = arith.constant 512 : index
        %parallel_loop3A_482 = tpu.vector_load %arg9[%parallel_loop3A_480, %parallel_loop3A_481] {strides = array<i32>} : memref<32x1024xf32, #tpu.memory_space<vmem>>, vector<1x16xf32>,
        %parallel_loop3A_483 = vector.shape_cast %parallel_loop3A_482 : vector<1x16xf32> to vector<16xf32>
        %parallel_loop3A_484 = arith.addf %parallel_loop3A_479, %parallel_loop3A_483 : vector<16xf32>
        %parallel_loop3A_485 = arith.index_cast %parallel_loop3A_27 : i32 to index
        %parallel_loop3A_486 = arith.constant 512 : index
        %parallel_loop3A_487 = tpu.vector_load %arg8[%parallel_loop3A_485, %parallel_loop3A_486] {strides = array<i32>} : memref<32x1024xf32, #tpu.memory_space<vmem>>, vector<1x16xf32>,
        %parallel_loop3A_488 = vector.shape_cast %parallel_loop3A_487 : vector<1x16xf32> to vector<16xf32>
        %parallel_loop3A_489 = vector.shape_cast %parallel_loop3A_484 : vector<16xf32> to vector<1x16xf32>
        tpu.vector_store %arg8[%parallel_loop3A_485, %parallel_loop3A_486], %parallel_loop3A_489 {strides = array<i32>} : memref<32x1024xf32, #tpu.memory_space<vmem>>, vector<1x16xf32>,
        %parallel_loop3A_490 = arith.index_cast %parallel_loop3A_27 : i32 to index
        %parallel_loop3A_491 = arith.constant 528 : index
        %parallel_loop3A_492 = tpu.vector_load %arg8[%parallel_loop3A_490, %parallel_loop3A_491] {strides = array<i32>} : memref<32x1024xf32, #tpu.memory_space<vmem>>, vector<1x16xf32>,
        %parallel_loop3A_493 = vector.shape_cast %parallel_loop3A_492 : vector<1x16xf32> to vector<16xf32>
        %parallel_loop3A_494 = arith.index_cast %parallel_loop3A_27 : i32 to index
        %parallel_loop3A_495 = arith.constant 528 : index
        %parallel_loop3A_496 = tpu.vector_load %arg9[%parallel_loop3A_494, %parallel_loop3A_495] {strides = array<i32>} : memref<32x1024xf32, #tpu.memory_space<vmem>>, vector<1x16xf32>,
        %parallel_loop3A_497 = vector.shape_cast %parallel_loop3A_496 : vector<1x16xf32> to vector<16xf32>
        %parallel_loop3A_498 = arith.addf %parallel_loop3A_493, %parallel_loop3A_497 : vector<16xf32>
        %parallel_loop3A_499 = arith.index_cast %parallel_loop3A_27 : i32 to index
        %parallel_loop3A_500 = arith.constant 528 : index
        %parallel_loop3A_501 = tpu.vector_load %arg8[%parallel_loop3A_499, %parallel_loop3A_500] {strides = array<i32>} : memref<32x1024xf32, #tpu.memory_space<vmem>>, vector<1x16xf32>,
        %parallel_loop3A_502 = vector.shape_cast %parallel_loop3A_501 : vector<1x16xf32> to vector<16xf32>
        %parallel_loop3A_503 = vector.shape_cast %parallel_loop3A_498 : vector<16xf32> to vector<1x16xf32>
        tpu.vector_store %arg8[%parallel_loop3A_499, %parallel_loop3A_500], %parallel_loop3A_503 {strides = array<i32>} : memref<32x1024xf32, #tpu.memory_space<vmem>>, vector<1x16xf32>,
        %parallel_loop3A_504 = arith.index_cast %parallel_loop3A_27 : i32 to index
        %parallel_loop3A_505 = arith.constant 544 : index
        %parallel_loop3A_506 = tpu.vector_load %arg8[%parallel_loop3A_504, %parallel_loop3A_505] {strides = array<i32>} : memref<32x1024xf32, #tpu.memory_space<vmem>>, vector<1x16xf32>,
        %parallel_loop3A_507 = vector.shape_cast %parallel_loop3A_506 : vector<1x16xf32> to vector<16xf32>
        %parallel_loop3A_508 = arith.index_cast %parallel_loop3A_27 : i32 to index
        %parallel_loop3A_509 = arith.constant 544 : index
        %parallel_loop3A_510 = tpu.vector_load %arg9[%parallel_loop3A_508, %parallel_loop3A_509] {strides = array<i32>} : memref<32x1024xf32, #tpu.memory_space<vmem>>, vector<1x16xf32>,
        %parallel_loop3A_511 = vector.shape_cast %parallel_loop3A_510 : vector<1x16xf32> to vector<16xf32>
        %parallel_loop3A_512 = arith.addf %parallel_loop3A_507, %parallel_loop3A_511 : vector<16xf32>
        %parallel_loop3A_513 = arith.index_cast %parallel_loop3A_27 : i32 to index
        %parallel_loop3A_514 = arith.constant 544 : index
        %parallel_loop3A_515 = tpu.vector_load %arg8[%parallel_loop3A_513, %parallel_loop3A_514] {strides = array<i32>} : memref<32x1024xf32, #tpu.memory_space<vmem>>, vector<1x16xf32>,
        %parallel_loop3A_516 = vector.shape_cast %parallel_loop3A_515 : vector<1x16xf32> to vector<16xf32>
        %parallel_loop3A_517 = vector.shape_cast %parallel_loop3A_512 : vector<16xf32> to vector<1x16xf32>
        tpu.vector_store %arg8[%parallel_loop3A_513, %parallel_loop3A_514], %parallel_loop3A_517 {strides = array<i32>} : memref<32x1024xf32, #tpu.memory_space<vmem>>, vector<1x16xf32>,
        %parallel_loop3A_518 = arith.index_cast %parallel_loop3A_27 : i32 to index
        %parallel_loop3A_519 = arith.constant 560 : index
        %parallel_loop3A_520 = tpu.vector_load %arg8[%parallel_loop3A_518, %parallel_loop3A_519] {strides = array<i32>} : memref<32x1024xf32, #tpu.memory_space<vmem>>, vector<1x16xf32>,
        %parallel_loop3A_521 = vector.shape_cast %parallel_loop3A_520 : vector<1x16xf32> to vector<16xf32>
        %parallel_loop3A_522 = arith.index_cast %parallel_loop3A_27 : i32 to index
        %parallel_loop3A_523 = arith.constant 560 : index
        %parallel_loop3A_524 = tpu.vector_load %arg9[%parallel_loop3A_522, %parallel_loop3A_523] {strides = array<i32>} : memref<32x1024xf32, #tpu.memory_space<vmem>>, vector<1x16xf32>,
        %parallel_loop3A_525 = vector.shape_cast %parallel_loop3A_524 : vector<1x16xf32> to vector<16xf32>
        %parallel_loop3A_526 = arith.addf %parallel_loop3A_521, %parallel_loop3A_525 : vector<16xf32>
        %parallel_loop3A_527 = arith.index_cast %parallel_loop3A_27 : i32 to index
        %parallel_loop3A_528 = arith.constant 560 : index
        %parallel_loop3A_529 = tpu.vector_load %arg8[%parallel_loop3A_527, %parallel_loop3A_528] {strides = array<i32>} : memref<32x1024xf32, #tpu.memory_space<vmem>>, vector<1x16xf32>,
        %parallel_loop3A_530 = vector.shape_cast %parallel_loop3A_529 : vector<1x16xf32> to vector<16xf32>
        %parallel_loop3A_531 = vector.shape_cast %parallel_loop3A_526 : vector<16xf32> to vector<1x16xf32>
        tpu.vector_store %arg8[%parallel_loop3A_527, %parallel_loop3A_528], %parallel_loop3A_531 {strides = array<i32>} : memref<32x1024xf32, #tpu.memory_space<vmem>>, vector<1x16xf32>,
        %parallel_loop3A_532 = arith.index_cast %parallel_loop3A_27 : i32 to index
        %parallel_loop3A_533 = arith.constant 576 : index
        %parallel_loop3A_534 = tpu.vector_load %arg8[%parallel_loop3A_532, %parallel_loop3A_533] {strides = array<i32>} : memref<32x1024xf32, #tpu.memory_space<vmem>>, vector<1x16xf32>,
        %parallel_loop3A_535 = vector.shape_cast %parallel_loop3A_534 : vector<1x16xf32> to vector<16xf32>
        %parallel_loop3A_536 = arith.index_cast %parallel_loop3A_27 : i32 to index
        %parallel_loop3A_537 = arith.constant 576 : index
        %parallel_loop3A_538 = tpu.vector_load %arg9[%parallel_loop3A_536, %parallel_loop3A_537] {strides = array<i32>} : memref<32x1024xf32, #tpu.memory_space<vmem>>, vector<1x16xf32>,
        %parallel_loop3A_539 = vector.shape_cast %parallel_loop3A_538 : vector<1x16xf32> to vector<16xf32>
        %parallel_loop3A_540 = arith.addf %parallel_loop3A_535, %parallel_loop3A_539 : vector<16xf32>
        %parallel_loop3A_541 = arith.index_cast %parallel_loop3A_27 : i32 to index
        %parallel_loop3A_542 = arith.constant 576 : index
        %parallel_loop3A_543 = tpu.vector_load %arg8[%parallel_loop3A_541, %parallel_loop3A_542] {strides = array<i32>} : memref<32x1024xf32, #tpu.memory_space<vmem>>, vector<1x16xf32>,
        %parallel_loop3A_544 = vector.shape_cast %parallel_loop3A_543 : vector<1x16xf32> to vector<16xf32>
        %parallel_loop3A_545 = vector.shape_cast %parallel_loop3A_540 : vector<16xf32> to vector<1x16xf32>
        tpu.vector_store %arg8[%parallel_loop3A_541, %parallel_loop3A_542], %parallel_loop3A_545 {strides = array<i32>} : memref<32x1024xf32, #tpu.memory_space<vmem>>, vector<1x16xf32>,
        %parallel_loop3A_546 = arith.index_cast %parallel_loop3A_27 : i32 to index
        %parallel_loop3A_547 = arith.constant 592 : index
        %parallel_loop3A_548 = tpu.vector_load %arg8[%parallel_loop3A_546, %parallel_loop3A_547] {strides = array<i32>} : memref<32x1024xf32, #tpu.memory_space<vmem>>, vector<1x16xf32>,
        %parallel_loop3A_549 = vector.shape_cast %parallel_loop3A_548 : vector<1x16xf32> to vector<16xf32>
        %parallel_loop3A_550 = arith.index_cast %parallel_loop3A_27 : i32 to index
        %parallel_loop3A_551 = arith.constant 592 : index
        %parallel_loop3A_552 = tpu.vector_load %arg9[%parallel_loop3A_550, %parallel_loop3A_551] {strides = array<i32>} : memref<32x1024xf32, #tpu.memory_space<vmem>>, vector<1x16xf32>,
        %parallel_loop3A_553 = vector.shape_cast %parallel_loop3A_552 : vector<1x16xf32> to vector<16xf32>
        %parallel_loop3A_554 = arith.addf %parallel_loop3A_549, %parallel_loop3A_553 : vector<16xf32>
        %parallel_loop3A_555 = arith.index_cast %parallel_loop3A_27 : i32 to index
        %parallel_loop3A_556 = arith.constant 592 : index
        %parallel_loop3A_557 = tpu.vector_load %arg8[%parallel_loop3A_555, %parallel_loop3A_556] {strides = array<i32>} : memref<32x1024xf32, #tpu.memory_space<vmem>>, vector<1x16xf32>,
        %parallel_loop3A_558 = vector.shape_cast %parallel_loop3A_557 : vector<1x16xf32> to vector<16xf32>
        %parallel_loop3A_559 = vector.shape_cast %parallel_loop3A_554 : vector<16xf32> to vector<1x16xf32>
        tpu.vector_store %arg8[%parallel_loop3A_555, %parallel_loop3A_556], %parallel_loop3A_559 {strides = array<i32>} : memref<32x1024xf32, #tpu.memory_space<vmem>>, vector<1x16xf32>,
        %parallel_loop3A_560 = arith.index_cast %parallel_loop3A_27 : i32 to index
        %parallel_loop3A_561 = arith.constant 608 : index
        %parallel_loop3A_562 = tpu.vector_load %arg8[%parallel_loop3A_560, %parallel_loop3A_561] {strides = array<i32>} : memref<32x1024xf32, #tpu.memory_space<vmem>>, vector<1x16xf32>,
        %parallel_loop3A_563 = vector.shape_cast %parallel_loop3A_562 : vector<1x16xf32> to vector<16xf32>
        %parallel_loop3A_564 = arith.index_cast %parallel_loop3A_27 : i32 to index
        %parallel_loop3A_565 = arith.constant 608 : index
        %parallel_loop3A_566 = tpu.vector_load %arg9[%parallel_loop3A_564, %parallel_loop3A_565] {strides = array<i32>} : memref<32x1024xf32, #tpu.memory_space<vmem>>, vector<1x16xf32>,
        %parallel_loop3A_567 = vector.shape_cast %parallel_loop3A_566 : vector<1x16xf32> to vector<16xf32>
        %parallel_loop3A_568 = arith.addf %parallel_loop3A_563, %parallel_loop3A_567 : vector<16xf32>
        %parallel_loop3A_569 = arith.index_cast %parallel_loop3A_27 : i32 to index
        %parallel_loop3A_570 = arith.constant 608 : index
        %parallel_loop3A_571 = tpu.vector_load %arg8[%parallel_loop3A_569, %parallel_loop3A_570] {strides = array<i32>} : memref<32x1024xf32, #tpu.memory_space<vmem>>, vector<1x16xf32>,
        %parallel_loop3A_572 = vector.shape_cast %parallel_loop3A_571 : vector<1x16xf32> to vector<16xf32>
        %parallel_loop3A_573 = vector.shape_cast %parallel_loop3A_568 : vector<16xf32> to vector<1x16xf32>
        tpu.vector_store %arg8[%parallel_loop3A_569, %parallel_loop3A_570], %parallel_loop3A_573 {strides = array<i32>} : memref<32x1024xf32, #tpu.memory_space<vmem>>, vector<1x16xf32>,
        %parallel_loop3A_574 = arith.index_cast %parallel_loop3A_27 : i32 to index
        %parallel_loop3A_575 = arith.constant 624 : index
        %parallel_loop3A_576 = tpu.vector_load %arg8[%parallel_loop3A_574, %parallel_loop3A_575] {strides = array<i32>} : memref<32x1024xf32, #tpu.memory_space<vmem>>, vector<1x16xf32>,
        %parallel_loop3A_577 = vector.shape_cast %parallel_loop3A_576 : vector<1x16xf32> to vector<16xf32>
        %parallel_loop3A_578 = arith.index_cast %parallel_loop3A_27 : i32 to index
        %parallel_loop3A_579 = arith.constant 624 : index
        %parallel_loop3A_580 = tpu.vector_load %arg9[%parallel_loop3A_578, %parallel_loop3A_579] {strides = array<i32>} : memref<32x1024xf32, #tpu.memory_space<vmem>>, vector<1x16xf32>,
        %parallel_loop3A_581 = vector.shape_cast %parallel_loop3A_580 : vector<1x16xf32> to vector<16xf32>
        %parallel_loop3A_582 = arith.addf %parallel_loop3A_577, %parallel_loop3A_581 : vector<16xf32>
        %parallel_loop3A_583 = arith.index_cast %parallel_loop3A_27 : i32 to index
        %parallel_loop3A_584 = arith.constant 624 : index
        %parallel_loop3A_585 = tpu.vector_load %arg8[%parallel_loop3A_583, %parallel_loop3A_584] {strides = array<i32>} : memref<32x1024xf32, #tpu.memory_space<vmem>>, vector<1x16xf32>,
        %parallel_loop3A_586 = vector.shape_cast %parallel_loop3A_585 : vector<1x16xf32> to vector<16xf32>
        %parallel_loop3A_587 = vector.shape_cast %parallel_loop3A_582 : vector<16xf32> to vector<1x16xf32>
        tpu.vector_store %arg8[%parallel_loop3A_583, %parallel_loop3A_584], %parallel_loop3A_587 {strides = array<i32>} : memref<32x1024xf32, #tpu.memory_space<vmem>>, vector<1x16xf32>,
        %parallel_loop3A_588 = arith.index_cast %parallel_loop3A_27 : i32 to index
        %parallel_loop3A_589 = arith.constant 640 : index
        %parallel_loop3A_590 = tpu.vector_load %arg8[%parallel_loop3A_588, %parallel_loop3A_589] {strides = array<i32>} : memref<32x1024xf32, #tpu.memory_space<vmem>>, vector<1x16xf32>,
        %parallel_loop3A_591 = vector.shape_cast %parallel_loop3A_590 : vector<1x16xf32> to vector<16xf32>
        %parallel_loop3A_592 = arith.index_cast %parallel_loop3A_27 : i32 to index
        %parallel_loop3A_593 = arith.constant 640 : index
        %parallel_loop3A_594 = tpu.vector_load %arg9[%parallel_loop3A_592, %parallel_loop3A_593] {strides = array<i32>} : memref<32x1024xf32, #tpu.memory_space<vmem>>, vector<1x16xf32>,
        %parallel_loop3A_595 = vector.shape_cast %parallel_loop3A_594 : vector<1x16xf32> to vector<16xf32>
        %parallel_loop3A_596 = arith.addf %parallel_loop3A_591, %parallel_loop3A_595 : vector<16xf32>
        %parallel_loop3A_597 = arith.index_cast %parallel_loop3A_27 : i32 to index
        %parallel_loop3A_598 = arith.constant 640 : index
        %parallel_loop3A_599 = tpu.vector_load %arg8[%parallel_loop3A_597, %parallel_loop3A_598] {strides = array<i32>} : memref<32x1024xf32, #tpu.memory_space<vmem>>, vector<1x16xf32>,
        %parallel_loop3A_600 = vector.shape_cast %parallel_loop3A_599 : vector<1x16xf32> to vector<16xf32>
        %parallel_loop3A_601 = vector.shape_cast %parallel_loop3A_596 : vector<16xf32> to vector<1x16xf32>
        tpu.vector_store %arg8[%parallel_loop3A_597, %parallel_loop3A_598], %parallel_loop3A_601 {strides = array<i32>} : memref<32x1024xf32, #tpu.memory_space<vmem>>, vector<1x16xf32>,
        %parallel_loop3A_602 = arith.index_cast %parallel_loop3A_27 : i32 to index
        %parallel_loop3A_603 = arith.constant 656 : index
        %parallel_loop3A_604 = tpu.vector_load %arg8[%parallel_loop3A_602, %parallel_loop3A_603] {strides = array<i32>} : memref<32x1024xf32, #tpu.memory_space<vmem>>, vector<1x16xf32>,
        %parallel_loop3A_605 = vector.shape_cast %parallel_loop3A_604 : vector<1x16xf32> to vector<16xf32>
        %parallel_loop3A_606 = arith.index_cast %parallel_loop3A_27 : i32 to index
        %parallel_loop3A_607 = arith.constant 656 : index
        %parallel_loop3A_608 = tpu.vector_load %arg9[%parallel_loop3A_606, %parallel_loop3A_607] {strides = array<i32>} : memref<32x1024xf32, #tpu.memory_space<vmem>>, vector<1x16xf32>,
        %parallel_loop3A_609 = vector.shape_cast %parallel_loop3A_608 : vector<1x16xf32> to vector<16xf32>
        %parallel_loop3A_610 = arith.addf %parallel_loop3A_605, %parallel_loop3A_609 : vector<16xf32>
        %parallel_loop3A_611 = arith.index_cast %parallel_loop3A_27 : i32 to index
        %parallel_loop3A_612 = arith.constant 656 : index
        %parallel_loop3A_613 = tpu.vector_load %arg8[%parallel_loop3A_611, %parallel_loop3A_612] {strides = array<i32>} : memref<32x1024xf32, #tpu.memory_space<vmem>>, vector<1x16xf32>,
        %parallel_loop3A_614 = vector.shape_cast %parallel_loop3A_613 : vector<1x16xf32> to vector<16xf32>
        %parallel_loop3A_615 = vector.shape_cast %parallel_loop3A_610 : vector<16xf32> to vector<1x16xf32>
        tpu.vector_store %arg8[%parallel_loop3A_611, %parallel_loop3A_612], %parallel_loop3A_615 {strides = array<i32>} : memref<32x1024xf32, #tpu.memory_space<vmem>>, vector<1x16xf32>,
        %parallel_loop3A_616 = arith.index_cast %parallel_loop3A_27 : i32 to index
        %parallel_loop3A_617 = arith.constant 672 : index
        %parallel_loop3A_618 = tpu.vector_load %arg8[%parallel_loop3A_616, %parallel_loop3A_617] {strides = array<i32>} : memref<32x1024xf32, #tpu.memory_space<vmem>>, vector<1x16xf32>,
        %parallel_loop3A_619 = vector.shape_cast %parallel_loop3A_618 : vector<1x16xf32> to vector<16xf32>
        %parallel_loop3A_620 = arith.index_cast %parallel_loop3A_27 : i32 to index
        %parallel_loop3A_621 = arith.constant 672 : index
        %parallel_loop3A_622 = tpu.vector_load %arg9[%parallel_loop3A_620, %parallel_loop3A_621] {strides = array<i32>} : memref<32x1024xf32, #tpu.memory_space<vmem>>, vector<1x16xf32>,
        %parallel_loop3A_623 = vector.shape_cast %parallel_loop3A_622 : vector<1x16xf32> to vector<16xf32>
        %parallel_loop3A_624 = arith.addf %parallel_loop3A_619, %parallel_loop3A_623 : vector<16xf32>
        %parallel_loop3A_625 = arith.index_cast %parallel_loop3A_27 : i32 to index
        %parallel_loop3A_626 = arith.constant 672 : index
        %parallel_loop3A_627 = tpu.vector_load %arg8[%parallel_loop3A_625, %parallel_loop3A_626] {strides = array<i32>} : memref<32x1024xf32, #tpu.memory_space<vmem>>, vector<1x16xf32>,
        %parallel_loop3A_628 = vector.shape_cast %parallel_loop3A_627 : vector<1x16xf32> to vector<16xf32>
        %parallel_loop3A_629 = vector.shape_cast %parallel_loop3A_624 : vector<16xf32> to vector<1x16xf32>
        tpu.vector_store %arg8[%parallel_loop3A_625, %parallel_loop3A_626], %parallel_loop3A_629 {strides = array<i32>} : memref<32x1024xf32, #tpu.memory_space<vmem>>, vector<1x16xf32>,
        %parallel_loop3A_630 = arith.index_cast %parallel_loop3A_27 : i32 to index
        %parallel_loop3A_631 = arith.constant 688 : index
        %parallel_loop3A_632 = tpu.vector_load %arg8[%parallel_loop3A_630, %parallel_loop3A_631] {strides = array<i32>} : memref<32x1024xf32, #tpu.memory_space<vmem>>, vector<1x16xf32>,
        %parallel_loop3A_633 = vector.shape_cast %parallel_loop3A_632 : vector<1x16xf32> to vector<16xf32>
        %parallel_loop3A_634 = arith.index_cast %parallel_loop3A_27 : i32 to index
        %parallel_loop3A_635 = arith.constant 688 : index
        %parallel_loop3A_636 = tpu.vector_load %arg9[%parallel_loop3A_634, %parallel_loop3A_635] {strides = array<i32>} : memref<32x1024xf32, #tpu.memory_space<vmem>>, vector<1x16xf32>,
        %parallel_loop3A_637 = vector.shape_cast %parallel_loop3A_636 : vector<1x16xf32> to vector<16xf32>
        %parallel_loop3A_638 = arith.addf %parallel_loop3A_633, %parallel_loop3A_637 : vector<16xf32>
        %parallel_loop3A_639 = arith.index_cast %parallel_loop3A_27 : i32 to index
        %parallel_loop3A_640 = arith.constant 688 : index
        %parallel_loop3A_641 = tpu.vector_load %arg8[%parallel_loop3A_639, %parallel_loop3A_640] {strides = array<i32>} : memref<32x1024xf32, #tpu.memory_space<vmem>>, vector<1x16xf32>,
        %parallel_loop3A_642 = vector.shape_cast %parallel_loop3A_641 : vector<1x16xf32> to vector<16xf32>
        %parallel_loop3A_643 = vector.shape_cast %parallel_loop3A_638 : vector<16xf32> to vector<1x16xf32>
        tpu.vector_store %arg8[%parallel_loop3A_639, %parallel_loop3A_640], %parallel_loop3A_643 {strides = array<i32>} : memref<32x1024xf32, #tpu.memory_space<vmem>>, vector<1x16xf32>,
        %parallel_loop3A_644 = arith.index_cast %parallel_loop3A_27 : i32 to index
        %parallel_loop3A_645 = arith.constant 704 : index
        %parallel_loop3A_646 = tpu.vector_load %arg8[%parallel_loop3A_644, %parallel_loop3A_645] {strides = array<i32>} : memref<32x1024xf32, #tpu.memory_space<vmem>>, vector<1x16xf32>,
        %parallel_loop3A_647 = vector.shape_cast %parallel_loop3A_646 : vector<1x16xf32> to vector<16xf32>
        %parallel_loop3A_648 = arith.index_cast %parallel_loop3A_27 : i32 to index
        %parallel_loop3A_649 = arith.constant 704 : index
        %parallel_loop3A_650 = tpu.vector_load %arg9[%parallel_loop3A_648, %parallel_loop3A_649] {strides = array<i32>} : memref<32x1024xf32, #tpu.memory_space<vmem>>, vector<1x16xf32>,
        %parallel_loop3A_651 = vector.shape_cast %parallel_loop3A_650 : vector<1x16xf32> to vector<16xf32>
        %parallel_loop3A_652 = arith.addf %parallel_loop3A_647, %parallel_loop3A_651 : vector<16xf32>
        %parallel_loop3A_653 = arith.index_cast %parallel_loop3A_27 : i32 to index
        %parallel_loop3A_654 = arith.constant 704 : index
        %parallel_loop3A_655 = tpu.vector_load %arg8[%parallel_loop3A_653, %parallel_loop3A_654] {strides = array<i32>} : memref<32x1024xf32, #tpu.memory_space<vmem>>, vector<1x16xf32>,
        %parallel_loop3A_656 = vector.shape_cast %parallel_loop3A_655 : vector<1x16xf32> to vector<16xf32>
        %parallel_loop3A_657 = vector.shape_cast %parallel_loop3A_652 : vector<16xf32> to vector<1x16xf32>
        tpu.vector_store %arg8[%parallel_loop3A_653, %parallel_loop3A_654], %parallel_loop3A_657 {strides = array<i32>} : memref<32x1024xf32, #tpu.memory_space<vmem>>, vector<1x16xf32>,
        %parallel_loop3A_658 = arith.index_cast %parallel_loop3A_27 : i32 to index
        %parallel_loop3A_659 = arith.constant 720 : index
        %parallel_loop3A_660 = tpu.vector_load %arg8[%parallel_loop3A_658, %parallel_loop3A_659] {strides = array<i32>} : memref<32x1024xf32, #tpu.memory_space<vmem>>, vector<1x16xf32>,
        %parallel_loop3A_661 = vector.shape_cast %parallel_loop3A_660 : vector<1x16xf32> to vector<16xf32>
        %parallel_loop3A_662 = arith.index_cast %parallel_loop3A_27 : i32 to index
        %parallel_loop3A_663 = arith.constant 720 : index
        %parallel_loop3A_664 = tpu.vector_load %arg9[%parallel_loop3A_662, %parallel_loop3A_663] {strides = array<i32>} : memref<32x1024xf32, #tpu.memory_space<vmem>>, vector<1x16xf32>,
        %parallel_loop3A_665 = vector.shape_cast %parallel_loop3A_664 : vector<1x16xf32> to vector<16xf32>
        %parallel_loop3A_666 = arith.addf %parallel_loop3A_661, %parallel_loop3A_665 : vector<16xf32>
        %parallel_loop3A_667 = arith.index_cast %parallel_loop3A_27 : i32 to index
        %parallel_loop3A_668 = arith.constant 720 : index
        %parallel_loop3A_669 = tpu.vector_load %arg8[%parallel_loop3A_667, %parallel_loop3A_668] {strides = array<i32>} : memref<32x1024xf32, #tpu.memory_space<vmem>>, vector<1x16xf32>,
        %parallel_loop3A_670 = vector.shape_cast %parallel_loop3A_669 : vector<1x16xf32> to vector<16xf32>
        %parallel_loop3A_671 = vector.shape_cast %parallel_loop3A_666 : vector<16xf32> to vector<1x16xf32>
        tpu.vector_store %arg8[%parallel_loop3A_667, %parallel_loop3A_668], %parallel_loop3A_671 {strides = array<i32>} : memref<32x1024xf32, #tpu.memory_space<vmem>>, vector<1x16xf32>,
        %parallel_loop3A_672 = arith.index_cast %parallel_loop3A_27 : i32 to index
        %parallel_loop3A_673 = arith.constant 736 : index
        %parallel_loop3A_674 = tpu.vector_load %arg8[%parallel_loop3A_672, %parallel_loop3A_673] {strides = array<i32>} : memref<32x1024xf32, #tpu.memory_space<vmem>>, vector<1x16xf32>,
        %parallel_loop3A_675 = vector.shape_cast %parallel_loop3A_674 : vector<1x16xf32> to vector<16xf32>
        %parallel_loop3A_676 = arith.index_cast %parallel_loop3A_27 : i32 to index
        %parallel_loop3A_677 = arith.constant 736 : index
        %parallel_loop3A_678 = tpu.vector_load %arg9[%parallel_loop3A_676, %parallel_loop3A_677] {strides = array<i32>} : memref<32x1024xf32, #tpu.memory_space<vmem>>, vector<1x16xf32>,
        %parallel_loop3A_679 = vector.shape_cast %parallel_loop3A_678 : vector<1x16xf32> to vector<16xf32>
        %parallel_loop3A_680 = arith.addf %parallel_loop3A_675, %parallel_loop3A_679 : vector<16xf32>
        %parallel_loop3A_681 = arith.index_cast %parallel_loop3A_27 : i32 to index
        %parallel_loop3A_682 = arith.constant 736 : index
        %parallel_loop3A_683 = tpu.vector_load %arg8[%parallel_loop3A_681, %parallel_loop3A_682] {strides = array<i32>} : memref<32x1024xf32, #tpu.memory_space<vmem>>, vector<1x16xf32>,
        %parallel_loop3A_684 = vector.shape_cast %parallel_loop3A_683 : vector<1x16xf32> to vector<16xf32>
        %parallel_loop3A_685 = vector.shape_cast %parallel_loop3A_680 : vector<16xf32> to vector<1x16xf32>
        tpu.vector_store %arg8[%parallel_loop3A_681, %parallel_loop3A_682], %parallel_loop3A_685 {strides = array<i32>} : memref<32x1024xf32, #tpu.memory_space<vmem>>, vector<1x16xf32>,
        %parallel_loop3A_686 = arith.index_cast %parallel_loop3A_27 : i32 to index
        %parallel_loop3A_687 = arith.constant 752 : index
        %parallel_loop3A_688 = tpu.vector_load %arg8[%parallel_loop3A_686, %parallel_loop3A_687] {strides = array<i32>} : memref<32x1024xf32, #tpu.memory_space<vmem>>, vector<1x16xf32>,
        %parallel_loop3A_689 = vector.shape_cast %parallel_loop3A_688 : vector<1x16xf32> to vector<16xf32>
        %parallel_loop3A_690 = arith.index_cast %parallel_loop3A_27 : i32 to index
        %parallel_loop3A_691 = arith.constant 752 : index
        %parallel_loop3A_692 = tpu.vector_load %arg9[%parallel_loop3A_690, %parallel_loop3A_691] {strides = array<i32>} : memref<32x1024xf32, #tpu.memory_space<vmem>>, vector<1x16xf32>,
        %parallel_loop3A_693 = vector.shape_cast %parallel_loop3A_692 : vector<1x16xf32> to vector<16xf32>
        %parallel_loop3A_694 = arith.addf %parallel_loop3A_689, %parallel_loop3A_693 : vector<16xf32>
        %parallel_loop3A_695 = arith.index_cast %parallel_loop3A_27 : i32 to index
        %parallel_loop3A_696 = arith.constant 752 : index
        %parallel_loop3A_697 = tpu.vector_load %arg8[%parallel_loop3A_695, %parallel_loop3A_696] {strides = array<i32>} : memref<32x1024xf32, #tpu.memory_space<vmem>>, vector<1x16xf32>,
        %parallel_loop3A_698 = vector.shape_cast %parallel_loop3A_697 : vector<1x16xf32> to vector<16xf32>
        %parallel_loop3A_699 = vector.shape_cast %parallel_loop3A_694 : vector<16xf32> to vector<1x16xf32>
        tpu.vector_store %arg8[%parallel_loop3A_695, %parallel_loop3A_696], %parallel_loop3A_699 {strides = array<i32>} : memref<32x1024xf32, #tpu.memory_space<vmem>>, vector<1x16xf32>,
        %parallel_loop3A_700 = arith.index_cast %parallel_loop3A_27 : i32 to index
        %parallel_loop3A_701 = arith.constant 768 : index
        %parallel_loop3A_702 = tpu.vector_load %arg8[%parallel_loop3A_700, %parallel_loop3A_701] {strides = array<i32>} : memref<32x1024xf32, #tpu.memory_space<vmem>>, vector<1x16xf32>,
        %parallel_loop3A_703 = vector.shape_cast %parallel_loop3A_702 : vector<1x16xf32> to vector<16xf32>
        %parallel_loop3A_704 = arith.index_cast %parallel_loop3A_27 : i32 to index
        %parallel_loop3A_705 = arith.constant 768 : index
        %parallel_loop3A_706 = tpu.vector_load %arg9[%parallel_loop3A_704, %parallel_loop3A_705] {strides = array<i32>} : memref<32x1024xf32, #tpu.memory_space<vmem>>, vector<1x16xf32>,
        %parallel_loop3A_707 = vector.shape_cast %parallel_loop3A_706 : vector<1x16xf32> to vector<16xf32>
        %parallel_loop3A_708 = arith.addf %parallel_loop3A_703, %parallel_loop3A_707 : vector<16xf32>
        %parallel_loop3A_709 = arith.index_cast %parallel_loop3A_27 : i32 to index
        %parallel_loop3A_710 = arith.constant 768 : index
        %parallel_loop3A_711 = tpu.vector_load %arg8[%parallel_loop3A_709, %parallel_loop3A_710] {strides = array<i32>} : memref<32x1024xf32, #tpu.memory_space<vmem>>, vector<1x16xf32>,
        %parallel_loop3A_712 = vector.shape_cast %parallel_loop3A_711 : vector<1x16xf32> to vector<16xf32>
        %parallel_loop3A_713 = vector.shape_cast %parallel_loop3A_708 : vector<16xf32> to vector<1x16xf32>
        tpu.vector_store %arg8[%parallel_loop3A_709, %parallel_loop3A_710], %parallel_loop3A_713 {strides = array<i32>} : memref<32x1024xf32, #tpu.memory_space<vmem>>, vector<1x16xf32>,
        %parallel_loop3A_714 = arith.index_cast %parallel_loop3A_27 : i32 to index
        %parallel_loop3A_715 = arith.constant 784 : index
        %parallel_loop3A_716 = tpu.vector_load %arg8[%parallel_loop3A_714, %parallel_loop3A_715] {strides = array<i32>} : memref<32x1024xf32, #tpu.memory_space<vmem>>, vector<1x16xf32>,
        %parallel_loop3A_717 = vector.shape_cast %parallel_loop3A_716 : vector<1x16xf32> to vector<16xf32>
        %parallel_loop3A_718 = arith.index_cast %parallel_loop3A_27 : i32 to index
        %parallel_loop3A_719 = arith.constant 784 : index
        %parallel_loop3A_720 = tpu.vector_load %arg9[%parallel_loop3A_718, %parallel_loop3A_719] {strides = array<i32>} : memref<32x1024xf32, #tpu.memory_space<vmem>>, vector<1x16xf32>,
        %parallel_loop3A_721 = vector.shape_cast %parallel_loop3A_720 : vector<1x16xf32> to vector<16xf32>
        %parallel_loop3A_722 = arith.addf %parallel_loop3A_717, %parallel_loop3A_721 : vector<16xf32>
        %parallel_loop3A_723 = arith.index_cast %parallel_loop3A_27 : i32 to index
        %parallel_loop3A_724 = arith.constant 784 : index
        %parallel_loop3A_725 = tpu.vector_load %arg8[%parallel_loop3A_723, %parallel_loop3A_724] {strides = array<i32>} : memref<32x1024xf32, #tpu.memory_space<vmem>>, vector<1x16xf32>,
        %parallel_loop3A_726 = vector.shape_cast %parallel_loop3A_725 : vector<1x16xf32> to vector<16xf32>
        %parallel_loop3A_727 = vector.shape_cast %parallel_loop3A_722 : vector<16xf32> to vector<1x16xf32>
        tpu.vector_store %arg8[%parallel_loop3A_723, %parallel_loop3A_724], %parallel_loop3A_727 {strides = array<i32>} : memref<32x1024xf32, #tpu.memory_space<vmem>>, vector<1x16xf32>,
        %parallel_loop3A_728 = arith.index_cast %parallel_loop3A_27 : i32 to index
        %parallel_loop3A_729 = arith.constant 800 : index
        %parallel_loop3A_730 = tpu.vector_load %arg8[%parallel_loop3A_728, %parallel_loop3A_729] {strides = array<i32>} : memref<32x1024xf32, #tpu.memory_space<vmem>>, vector<1x16xf32>,
        %parallel_loop3A_731 = vector.shape_cast %parallel_loop3A_730 : vector<1x16xf32> to vector<16xf32>
        %parallel_loop3A_732 = arith.index_cast %parallel_loop3A_27 : i32 to index
        %parallel_loop3A_733 = arith.constant 800 : index
        %parallel_loop3A_734 = tpu.vector_load %arg9[%parallel_loop3A_732, %parallel_loop3A_733] {strides = array<i32>} : memref<32x1024xf32, #tpu.memory_space<vmem>>, vector<1x16xf32>,
        %parallel_loop3A_735 = vector.shape_cast %parallel_loop3A_734 : vector<1x16xf32> to vector<16xf32>
        %parallel_loop3A_736 = arith.addf %parallel_loop3A_731, %parallel_loop3A_735 : vector<16xf32>
        %parallel_loop3A_737 = arith.index_cast %parallel_loop3A_27 : i32 to index
        %parallel_loop3A_738 = arith.constant 800 : index
        %parallel_loop3A_739 = tpu.vector_load %arg8[%parallel_loop3A_737, %parallel_loop3A_738] {strides = array<i32>} : memref<32x1024xf32, #tpu.memory_space<vmem>>, vector<1x16xf32>,
        %parallel_loop3A_740 = vector.shape_cast %parallel_loop3A_739 : vector<1x16xf32> to vector<16xf32>
        %parallel_loop3A_741 = vector.shape_cast %parallel_loop3A_736 : vector<16xf32> to vector<1x16xf32>
        tpu.vector_store %arg8[%parallel_loop3A_737, %parallel_loop3A_738], %parallel_loop3A_741 {strides = array<i32>} : memref<32x1024xf32, #tpu.memory_space<vmem>>, vector<1x16xf32>,
        %parallel_loop3A_742 = arith.index_cast %parallel_loop3A_27 : i32 to index
        %parallel_loop3A_743 = arith.constant 816 : index
        %parallel_loop3A_744 = tpu.vector_load %arg8[%parallel_loop3A_742, %parallel_loop3A_743] {strides = array<i32>} : memref<32x1024xf32, #tpu.memory_space<vmem>>, vector<1x16xf32>,
        %parallel_loop3A_745 = vector.shape_cast %parallel_loop3A_744 : vector<1x16xf32> to vector<16xf32>
        %parallel_loop3A_746 = arith.index_cast %parallel_loop3A_27 : i32 to index
        %parallel_loop3A_747 = arith.constant 816 : index
        %parallel_loop3A_748 = tpu.vector_load %arg9[%parallel_loop3A_746, %parallel_loop3A_747] {strides = array<i32>} : memref<32x1024xf32, #tpu.memory_space<vmem>>, vector<1x16xf32>,
        %parallel_loop3A_749 = vector.shape_cast %parallel_loop3A_748 : vector<1x16xf32> to vector<16xf32>
        %parallel_loop3A_750 = arith.addf %parallel_loop3A_745, %parallel_loop3A_749 : vector<16xf32>
        %parallel_loop3A_751 = arith.index_cast %parallel_loop3A_27 : i32 to index
        %parallel_loop3A_752 = arith.constant 816 : index
        %parallel_loop3A_753 = tpu.vector_load %arg8[%parallel_loop3A_751, %parallel_loop3A_752] {strides = array<i32>} : memref<32x1024xf32, #tpu.memory_space<vmem>>, vector<1x16xf32>,
        %parallel_loop3A_754 = vector.shape_cast %parallel_loop3A_753 : vector<1x16xf32> to vector<16xf32>
        %parallel_loop3A_755 = vector.shape_cast %parallel_loop3A_750 : vector<16xf32> to vector<1x16xf32>
        tpu.vector_store %arg8[%parallel_loop3A_751, %parallel_loop3A_752], %parallel_loop3A_755 {strides = array<i32>} : memref<32x1024xf32, #tpu.memory_space<vmem>>, vector<1x16xf32>,
        %parallel_loop3A_756 = arith.index_cast %parallel_loop3A_27 : i32 to index
        %parallel_loop3A_757 = arith.constant 832 : index
        %parallel_loop3A_758 = tpu.vector_load %arg8[%parallel_loop3A_756, %parallel_loop3A_757] {strides = array<i32>} : memref<32x1024xf32, #tpu.memory_space<vmem>>, vector<1x16xf32>,
        %parallel_loop3A_759 = vector.shape_cast %parallel_loop3A_758 : vector<1x16xf32> to vector<16xf32>
        %parallel_loop3A_760 = arith.index_cast %parallel_loop3A_27 : i32 to index
        %parallel_loop3A_761 = arith.constant 832 : index
        %parallel_loop3A_762 = tpu.vector_load %arg9[%parallel_loop3A_760, %parallel_loop3A_761] {strides = array<i32>} : memref<32x1024xf32, #tpu.memory_space<vmem>>, vector<1x16xf32>,
        %parallel_loop3A_763 = vector.shape_cast %parallel_loop3A_762 : vector<1x16xf32> to vector<16xf32>
        %parallel_loop3A_764 = arith.addf %parallel_loop3A_759, %parallel_loop3A_763 : vector<16xf32>
        %parallel_loop3A_765 = arith.index_cast %parallel_loop3A_27 : i32 to index
        %parallel_loop3A_766 = arith.constant 832 : index
        %parallel_loop3A_767 = tpu.vector_load %arg8[%parallel_loop3A_765, %parallel_loop3A_766] {strides = array<i32>} : memref<32x1024xf32, #tpu.memory_space<vmem>>, vector<1x16xf32>,
        %parallel_loop3A_768 = vector.shape_cast %parallel_loop3A_767 : vector<1x16xf32> to vector<16xf32>
        %parallel_loop3A_769 = vector.shape_cast %parallel_loop3A_764 : vector<16xf32> to vector<1x16xf32>
        tpu.vector_store %arg8[%parallel_loop3A_765, %parallel_loop3A_766], %parallel_loop3A_769 {strides = array<i32>} : memref<32x1024xf32, #tpu.memory_space<vmem>>, vector<1x16xf32>,
        %parallel_loop3A_770 = arith.index_cast %parallel_loop3A_27 : i32 to index
        %parallel_loop3A_771 = arith.constant 848 : index
        %parallel_loop3A_772 = tpu.vector_load %arg8[%parallel_loop3A_770, %parallel_loop3A_771] {strides = array<i32>} : memref<32x1024xf32, #tpu.memory_space<vmem>>, vector<1x16xf32>,
        %parallel_loop3A_773 = vector.shape_cast %parallel_loop3A_772 : vector<1x16xf32> to vector<16xf32>
        %parallel_loop3A_774 = arith.index_cast %parallel_loop3A_27 : i32 to index
        %parallel_loop3A_775 = arith.constant 848 : index
        %parallel_loop3A_776 = tpu.vector_load %arg9[%parallel_loop3A_774, %parallel_loop3A_775] {strides = array<i32>} : memref<32x1024xf32, #tpu.memory_space<vmem>>, vector<1x16xf32>,
        %parallel_loop3A_777 = vector.shape_cast %parallel_loop3A_776 : vector<1x16xf32> to vector<16xf32>
        %parallel_loop3A_778 = arith.addf %parallel_loop3A_773, %parallel_loop3A_777 : vector<16xf32>
        %parallel_loop3A_779 = arith.index_cast %parallel_loop3A_27 : i32 to index
        %parallel_loop3A_780 = arith.constant 848 : index
        %parallel_loop3A_781 = tpu.vector_load %arg8[%parallel_loop3A_779, %parallel_loop3A_780] {strides = array<i32>} : memref<32x1024xf32, #tpu.memory_space<vmem>>, vector<1x16xf32>,
        %parallel_loop3A_782 = vector.shape_cast %parallel_loop3A_781 : vector<1x16xf32> to vector<16xf32>
        %parallel_loop3A_783 = vector.shape_cast %parallel_loop3A_778 : vector<16xf32> to vector<1x16xf32>
        tpu.vector_store %arg8[%parallel_loop3A_779, %parallel_loop3A_780], %parallel_loop3A_783 {strides = array<i32>} : memref<32x1024xf32, #tpu.memory_space<vmem>>, vector<1x16xf32>,
        %parallel_loop3A_784 = arith.index_cast %parallel_loop3A_27 : i32 to index
        %parallel_loop3A_785 = arith.constant 864 : index
        %parallel_loop3A_786 = tpu.vector_load %arg8[%parallel_loop3A_784, %parallel_loop3A_785] {strides = array<i32>} : memref<32x1024xf32, #tpu.memory_space<vmem>>, vector<1x16xf32>,
        %parallel_loop3A_787 = vector.shape_cast %parallel_loop3A_786 : vector<1x16xf32> to vector<16xf32>
        %parallel_loop3A_788 = arith.index_cast %parallel_loop3A_27 : i32 to index
        %parallel_loop3A_789 = arith.constant 864 : index
        %parallel_loop3A_790 = tpu.vector_load %arg9[%parallel_loop3A_788, %parallel_loop3A_789] {strides = array<i32>} : memref<32x1024xf32, #tpu.memory_space<vmem>>, vector<1x16xf32>,
        %parallel_loop3A_791 = vector.shape_cast %parallel_loop3A_790 : vector<1x16xf32> to vector<16xf32>
        %parallel_loop3A_792 = arith.addf %parallel_loop3A_787, %parallel_loop3A_791 : vector<16xf32>
        %parallel_loop3A_793 = arith.index_cast %parallel_loop3A_27 : i32 to index
        %parallel_loop3A_794 = arith.constant 864 : index
        %parallel_loop3A_795 = tpu.vector_load %arg8[%parallel_loop3A_793, %parallel_loop3A_794] {strides = array<i32>} : memref<32x1024xf32, #tpu.memory_space<vmem>>, vector<1x16xf32>,
        %parallel_loop3A_796 = vector.shape_cast %parallel_loop3A_795 : vector<1x16xf32> to vector<16xf32>
        %parallel_loop3A_797 = vector.shape_cast %parallel_loop3A_792 : vector<16xf32> to vector<1x16xf32>
        tpu.vector_store %arg8[%parallel_loop3A_793, %parallel_loop3A_794], %parallel_loop3A_797 {strides = array<i32>} : memref<32x1024xf32, #tpu.memory_space<vmem>>, vector<1x16xf32>,
        %parallel_loop3A_798 = arith.index_cast %parallel_loop3A_27 : i32 to index
        %parallel_loop3A_799 = arith.constant 880 : index
        %parallel_loop3A_800 = tpu.vector_load %arg8[%parallel_loop3A_798, %parallel_loop3A_799] {strides = array<i32>} : memref<32x1024xf32, #tpu.memory_space<vmem>>, vector<1x16xf32>,
        %parallel_loop3A_801 = vector.shape_cast %parallel_loop3A_800 : vector<1x16xf32> to vector<16xf32>
        %parallel_loop3A_802 = arith.index_cast %parallel_loop3A_27 : i32 to index
        %parallel_loop3A_803 = arith.constant 880 : index
        %parallel_loop3A_804 = tpu.vector_load %arg9[%parallel_loop3A_802, %parallel_loop3A_803] {strides = array<i32>} : memref<32x1024xf32, #tpu.memory_space<vmem>>, vector<1x16xf32>,
        %parallel_loop3A_805 = vector.shape_cast %parallel_loop3A_804 : vector<1x16xf32> to vector<16xf32>
        %parallel_loop3A_806 = arith.addf %parallel_loop3A_801, %parallel_loop3A_805 : vector<16xf32>
        %parallel_loop3A_807 = arith.index_cast %parallel_loop3A_27 : i32 to index
        %parallel_loop3A_808 = arith.constant 880 : index
        %parallel_loop3A_809 = tpu.vector_load %arg8[%parallel_loop3A_807, %parallel_loop3A_808] {strides = array<i32>} : memref<32x1024xf32, #tpu.memory_space<vmem>>, vector<1x16xf32>,
        %parallel_loop3A_810 = vector.shape_cast %parallel_loop3A_809 : vector<1x16xf32> to vector<16xf32>
        %parallel_loop3A_811 = vector.shape_cast %parallel_loop3A_806 : vector<16xf32> to vector<1x16xf32>
        tpu.vector_store %arg8[%parallel_loop3A_807, %parallel_loop3A_808], %parallel_loop3A_811 {strides = array<i32>} : memref<32x1024xf32, #tpu.memory_space<vmem>>, vector<1x16xf32>,
        %parallel_loop3A_812 = arith.index_cast %parallel_loop3A_27 : i32 to index
        %parallel_loop3A_813 = arith.constant 896 : index
        %parallel_loop3A_814 = tpu.vector_load %arg8[%parallel_loop3A_812, %parallel_loop3A_813] {strides = array<i32>} : memref<32x1024xf32, #tpu.memory_space<vmem>>, vector<1x16xf32>,
        %parallel_loop3A_815 = vector.shape_cast %parallel_loop3A_814 : vector<1x16xf32> to vector<16xf32>
        %parallel_loop3A_816 = arith.index_cast %parallel_loop3A_27 : i32 to index
        %parallel_loop3A_817 = arith.constant 896 : index
        %parallel_loop3A_818 = tpu.vector_load %arg9[%parallel_loop3A_816, %parallel_loop3A_817] {strides = array<i32>} : memref<32x1024xf32, #tpu.memory_space<vmem>>, vector<1x16xf32>,
        %parallel_loop3A_819 = vector.shape_cast %parallel_loop3A_818 : vector<1x16xf32> to vector<16xf32>
        %parallel_loop3A_820 = arith.addf %parallel_loop3A_815, %parallel_loop3A_819 : vector<16xf32>
        %parallel_loop3A_821 = arith.index_cast %parallel_loop3A_27 : i32 to index
        %parallel_loop3A_822 = arith.constant 896 : index
        %parallel_loop3A_823 = tpu.vector_load %arg8[%parallel_loop3A_821, %parallel_loop3A_822] {strides = array<i32>} : memref<32x1024xf32, #tpu.memory_space<vmem>>, vector<1x16xf32>,
        %parallel_loop3A_824 = vector.shape_cast %parallel_loop3A_823 : vector<1x16xf32> to vector<16xf32>
        %parallel_loop3A_825 = vector.shape_cast %parallel_loop3A_820 : vector<16xf32> to vector<1x16xf32>
        tpu.vector_store %arg8[%parallel_loop3A_821, %parallel_loop3A_822], %parallel_loop3A_825 {strides = array<i32>} : memref<32x1024xf32, #tpu.memory_space<vmem>>, vector<1x16xf32>,
        %parallel_loop3A_826 = arith.index_cast %parallel_loop3A_27 : i32 to index
        %parallel_loop3A_827 = arith.constant 912 : index
        %parallel_loop3A_828 = tpu.vector_load %arg8[%parallel_loop3A_826, %parallel_loop3A_827] {strides = array<i32>} : memref<32x1024xf32, #tpu.memory_space<vmem>>, vector<1x16xf32>,
        %parallel_loop3A_829 = vector.shape_cast %parallel_loop3A_828 : vector<1x16xf32> to vector<16xf32>
        %parallel_loop3A_830 = arith.index_cast %parallel_loop3A_27 : i32 to index
        %parallel_loop3A_831 = arith.constant 912 : index
        %parallel_loop3A_832 = tpu.vector_load %arg9[%parallel_loop3A_830, %parallel_loop3A_831] {strides = array<i32>} : memref<32x1024xf32, #tpu.memory_space<vmem>>, vector<1x16xf32>,
        %parallel_loop3A_833 = vector.shape_cast %parallel_loop3A_832 : vector<1x16xf32> to vector<16xf32>
        %parallel_loop3A_834 = arith.addf %parallel_loop3A_829, %parallel_loop3A_833 : vector<16xf32>
        %parallel_loop3A_835 = arith.index_cast %parallel_loop3A_27 : i32 to index
        %parallel_loop3A_836 = arith.constant 912 : index
        %parallel_loop3A_837 = tpu.vector_load %arg8[%parallel_loop3A_835, %parallel_loop3A_836] {strides = array<i32>} : memref<32x1024xf32, #tpu.memory_space<vmem>>, vector<1x16xf32>,
        %parallel_loop3A_838 = vector.shape_cast %parallel_loop3A_837 : vector<1x16xf32> to vector<16xf32>
        %parallel_loop3A_839 = vector.shape_cast %parallel_loop3A_834 : vector<16xf32> to vector<1x16xf32>
        tpu.vector_store %arg8[%parallel_loop3A_835, %parallel_loop3A_836], %parallel_loop3A_839 {strides = array<i32>} : memref<32x1024xf32, #tpu.memory_space<vmem>>, vector<1x16xf32>,
        %parallel_loop3A_840 = arith.index_cast %parallel_loop3A_27 : i32 to index
        %parallel_loop3A_841 = arith.constant 928 : index
        %parallel_loop3A_842 = tpu.vector_load %arg8[%parallel_loop3A_840, %parallel_loop3A_841] {strides = array<i32>} : memref<32x1024xf32, #tpu.memory_space<vmem>>, vector<1x16xf32>,
        %parallel_loop3A_843 = vector.shape_cast %parallel_loop3A_842 : vector<1x16xf32> to vector<16xf32>
        %parallel_loop3A_844 = arith.index_cast %parallel_loop3A_27 : i32 to index
        %parallel_loop3A_845 = arith.constant 928 : index
        %parallel_loop3A_846 = tpu.vector_load %arg9[%parallel_loop3A_844, %parallel_loop3A_845] {strides = array<i32>} : memref<32x1024xf32, #tpu.memory_space<vmem>>, vector<1x16xf32>,
        %parallel_loop3A_847 = vector.shape_cast %parallel_loop3A_846 : vector<1x16xf32> to vector<16xf32>
        %parallel_loop3A_848 = arith.addf %parallel_loop3A_843, %parallel_loop3A_847 : vector<16xf32>
        %parallel_loop3A_849 = arith.index_cast %parallel_loop3A_27 : i32 to index
        %parallel_loop3A_850 = arith.constant 928 : index
        %parallel_loop3A_851 = tpu.vector_load %arg8[%parallel_loop3A_849, %parallel_loop3A_850] {strides = array<i32>} : memref<32x1024xf32, #tpu.memory_space<vmem>>, vector<1x16xf32>,
        %parallel_loop3A_852 = vector.shape_cast %parallel_loop3A_851 : vector<1x16xf32> to vector<16xf32>
        %parallel_loop3A_853 = vector.shape_cast %parallel_loop3A_848 : vector<16xf32> to vector<1x16xf32>
        tpu.vector_store %arg8[%parallel_loop3A_849, %parallel_loop3A_850], %parallel_loop3A_853 {strides = array<i32>} : memref<32x1024xf32, #tpu.memory_space<vmem>>, vector<1x16xf32>,
        %parallel_loop3A_854 = arith.index_cast %parallel_loop3A_27 : i32 to index
        %parallel_loop3A_855 = arith.constant 944 : index
        %parallel_loop3A_856 = tpu.vector_load %arg8[%parallel_loop3A_854, %parallel_loop3A_855] {strides = array<i32>} : memref<32x1024xf32, #tpu.memory_space<vmem>>, vector<1x16xf32>,
        %parallel_loop3A_857 = vector.shape_cast %parallel_loop3A_856 : vector<1x16xf32> to vector<16xf32>
        %parallel_loop3A_858 = arith.index_cast %parallel_loop3A_27 : i32 to index
        %parallel_loop3A_859 = arith.constant 944 : index
        %parallel_loop3A_860 = tpu.vector_load %arg9[%parallel_loop3A_858, %parallel_loop3A_859] {strides = array<i32>} : memref<32x1024xf32, #tpu.memory_space<vmem>>, vector<1x16xf32>,
        %parallel_loop3A_861 = vector.shape_cast %parallel_loop3A_860 : vector<1x16xf32> to vector<16xf32>
        %parallel_loop3A_862 = arith.addf %parallel_loop3A_857, %parallel_loop3A_861 : vector<16xf32>
        %parallel_loop3A_863 = arith.index_cast %parallel_loop3A_27 : i32 to index
        %parallel_loop3A_864 = arith.constant 944 : index
        %parallel_loop3A_865 = tpu.vector_load %arg8[%parallel_loop3A_863, %parallel_loop3A_864] {strides = array<i32>} : memref<32x1024xf32, #tpu.memory_space<vmem>>, vector<1x16xf32>,
        %parallel_loop3A_866 = vector.shape_cast %parallel_loop3A_865 : vector<1x16xf32> to vector<16xf32>
        %parallel_loop3A_867 = vector.shape_cast %parallel_loop3A_862 : vector<16xf32> to vector<1x16xf32>
        tpu.vector_store %arg8[%parallel_loop3A_863, %parallel_loop3A_864], %parallel_loop3A_867 {strides = array<i32>} : memref<32x1024xf32, #tpu.memory_space<vmem>>, vector<1x16xf32>,
        %parallel_loop3A_868 = arith.index_cast %parallel_loop3A_27 : i32 to index
        %parallel_loop3A_869 = arith.constant 960 : index
        %parallel_loop3A_870 = tpu.vector_load %arg8[%parallel_loop3A_868, %parallel_loop3A_869] {strides = array<i32>} : memref<32x1024xf32, #tpu.memory_space<vmem>>, vector<1x16xf32>,
        %parallel_loop3A_871 = vector.shape_cast %parallel_loop3A_870 : vector<1x16xf32> to vector<16xf32>
        %parallel_loop3A_872 = arith.index_cast %parallel_loop3A_27 : i32 to index
        %parallel_loop3A_873 = arith.constant 960 : index
        %parallel_loop3A_874 = tpu.vector_load %arg9[%parallel_loop3A_872, %parallel_loop3A_873] {strides = array<i32>} : memref<32x1024xf32, #tpu.memory_space<vmem>>, vector<1x16xf32>,
        %parallel_loop3A_875 = vector.shape_cast %parallel_loop3A_874 : vector<1x16xf32> to vector<16xf32>
        %parallel_loop3A_876 = arith.addf %parallel_loop3A_871, %parallel_loop3A_875 : vector<16xf32>
        %parallel_loop3A_877 = arith.index_cast %parallel_loop3A_27 : i32 to index
        %parallel_loop3A_878 = arith.constant 960 : index
        %parallel_loop3A_879 = tpu.vector_load %arg8[%parallel_loop3A_877, %parallel_loop3A_878] {strides = array<i32>} : memref<32x1024xf32, #tpu.memory_space<vmem>>, vector<1x16xf32>,
        %parallel_loop3A_880 = vector.shape_cast %parallel_loop3A_879 : vector<1x16xf32> to vector<16xf32>
        %parallel_loop3A_881 = vector.shape_cast %parallel_loop3A_876 : vector<16xf32> to vector<1x16xf32>
        tpu.vector_store %arg8[%parallel_loop3A_877, %parallel_loop3A_878], %parallel_loop3A_881 {strides = array<i32>} : memref<32x1024xf32, #tpu.memory_space<vmem>>, vector<1x16xf32>,
        %parallel_loop3A_882 = arith.index_cast %parallel_loop3A_27 : i32 to index
        %parallel_loop3A_883 = arith.constant 976 : index
        %parallel_loop3A_884 = tpu.vector_load %arg8[%parallel_loop3A_882, %parallel_loop3A_883] {strides = array<i32>} : memref<32x1024xf32, #tpu.memory_space<vmem>>, vector<1x16xf32>,
        %parallel_loop3A_885 = vector.shape_cast %parallel_loop3A_884 : vector<1x16xf32> to vector<16xf32>
        %parallel_loop3A_886 = arith.index_cast %parallel_loop3A_27 : i32 to index
        %parallel_loop3A_887 = arith.constant 976 : index
        %parallel_loop3A_888 = tpu.vector_load %arg9[%parallel_loop3A_886, %parallel_loop3A_887] {strides = array<i32>} : memref<32x1024xf32, #tpu.memory_space<vmem>>, vector<1x16xf32>,
        %parallel_loop3A_889 = vector.shape_cast %parallel_loop3A_888 : vector<1x16xf32> to vector<16xf32>
        %parallel_loop3A_890 = arith.addf %parallel_loop3A_885, %parallel_loop3A_889 : vector<16xf32>
        %parallel_loop3A_891 = arith.index_cast %parallel_loop3A_27 : i32 to index
        %parallel_loop3A_892 = arith.constant 976 : index
        %parallel_loop3A_893 = tpu.vector_load %arg8[%parallel_loop3A_891, %parallel_loop3A_892] {strides = array<i32>} : memref<32x1024xf32, #tpu.memory_space<vmem>>, vector<1x16xf32>,
        %parallel_loop3A_894 = vector.shape_cast %parallel_loop3A_893 : vector<1x16xf32> to vector<16xf32>
        %parallel_loop3A_895 = vector.shape_cast %parallel_loop3A_890 : vector<16xf32> to vector<1x16xf32>
        tpu.vector_store %arg8[%parallel_loop3A_891, %parallel_loop3A_892], %parallel_loop3A_895 {strides = array<i32>} : memref<32x1024xf32, #tpu.memory_space<vmem>>, vector<1x16xf32>,
        %parallel_loop3A_896 = arith.index_cast %parallel_loop3A_27 : i32 to index
        %parallel_loop3A_897 = arith.constant 992 : index
        %parallel_loop3A_898 = tpu.vector_load %arg8[%parallel_loop3A_896, %parallel_loop3A_897] {strides = array<i32>} : memref<32x1024xf32, #tpu.memory_space<vmem>>, vector<1x16xf32>,
        %parallel_loop3A_899 = vector.shape_cast %parallel_loop3A_898 : vector<1x16xf32> to vector<16xf32>
        %parallel_loop3A_900 = arith.index_cast %parallel_loop3A_27 : i32 to index
        %parallel_loop3A_901 = arith.constant 992 : index
        %parallel_loop3A_902 = tpu.vector_load %arg9[%parallel_loop3A_900, %parallel_loop3A_901] {strides = array<i32>} : memref<32x1024xf32, #tpu.memory_space<vmem>>, vector<1x16xf32>,
        %parallel_loop3A_903 = vector.shape_cast %parallel_loop3A_902 : vector<1x16xf32> to vector<16xf32>
        %parallel_loop3A_904 = arith.addf %parallel_loop3A_899, %parallel_loop3A_903 : vector<16xf32>
        %parallel_loop3A_905 = arith.index_cast %parallel_loop3A_27 : i32 to index
        %parallel_loop3A_906 = arith.constant 992 : index
        %parallel_loop3A_907 = tpu.vector_load %arg8[%parallel_loop3A_905, %parallel_loop3A_906] {strides = array<i32>} : memref<32x1024xf32, #tpu.memory_space<vmem>>, vector<1x16xf32>,
        %parallel_loop3A_908 = vector.shape_cast %parallel_loop3A_907 : vector<1x16xf32> to vector<16xf32>
        %parallel_loop3A_909 = vector.shape_cast %parallel_loop3A_904 : vector<16xf32> to vector<1x16xf32>
        tpu.vector_store %arg8[%parallel_loop3A_905, %parallel_loop3A_906], %parallel_loop3A_909 {strides = array<i32>} : memref<32x1024xf32, #tpu.memory_space<vmem>>, vector<1x16xf32>,
        %parallel_loop3A_910 = arith.index_cast %parallel_loop3A_27 : i32 to index
        %parallel_loop3A_911 = arith.constant 1008 : index
        %parallel_loop3A_912 = tpu.vector_load %arg8[%parallel_loop3A_910, %parallel_loop3A_911] {strides = array<i32>} : memref<32x1024xf32, #tpu.memory_space<vmem>>, vector<1x16xf32>,
        %parallel_loop3A_913 = vector.shape_cast %parallel_loop3A_912 : vector<1x16xf32> to vector<16xf32>
        %parallel_loop3A_914 = arith.index_cast %parallel_loop3A_27 : i32 to index
        %parallel_loop3A_915 = arith.constant 1008 : index
        %parallel_loop3A_916 = tpu.vector_load %arg9[%parallel_loop3A_914, %parallel_loop3A_915] {strides = array<i32>} : memref<32x1024xf32, #tpu.memory_space<vmem>>, vector<1x16xf32>,
        %parallel_loop3A_917 = vector.shape_cast %parallel_loop3A_916 : vector<1x16xf32> to vector<16xf32>
        %parallel_loop3A_918 = arith.addf %parallel_loop3A_913, %parallel_loop3A_917 : vector<16xf32>
        %parallel_loop3A_919 = arith.index_cast %parallel_loop3A_27 : i32 to index
        %parallel_loop3A_920 = arith.constant 1008 : index
        %parallel_loop3A_921 = tpu.vector_load %arg8[%parallel_loop3A_919, %parallel_loop3A_920] {strides = array<i32>} : memref<32x1024xf32, #tpu.memory_space<vmem>>, vector<1x16xf32>,
        %parallel_loop3A_922 = vector.shape_cast %parallel_loop3A_921 : vector<1x16xf32> to vector<16xf32>
        %parallel_loop3A_923 = vector.shape_cast %parallel_loop3A_918 : vector<16xf32> to vector<1x16xf32>
        tpu.vector_store %arg8[%parallel_loop3A_919, %parallel_loop3A_920], %parallel_loop3A_923 {strides = array<i32>} : memref<32x1024xf32, #tpu.memory_space<vmem>>, vector<1x16xf32>,
      } {sc.loop_unroll_factor = 2 : i64, sc.parallel_access}
      "tpu.region"() ({
        %run_scoped3A = tpu.sem_alloc : memref<!tpu.dma_semaphore, #tpu.memory_space<semaphore_mem>>
        %dma_start3A_27 = arith.constant 0 : i32
        %dma_start3A_28 = tpu.memref_slice %arg5[%add3A_13, %dma_start3A_27] : memref<2048x1024xf32, #tpu.memory_space<hbm>> -> memref<32x1024xf32, #tpu.memory_space<hbm>>
        %dma_start3A_29 = arith.constant 0 : i32
        %dma_start3A_30 = tpu.memref_slice %arg5[%add3A_13, %dma_start3A_29] : memref<2048x1024xf32, #tpu.memory_space<hbm>> -> memref<32x1024xf32, #tpu.memory_space<hbm>>
        tpu.enqueue_dma source(%arg8 : memref<32x1024xf32, #tpu.memory_space<vmem>>) target(%dma_start3A_30 : memref<32x1024xf32, #tpu.memory_space<hbm>>) target_semaphore(%run_scoped3A : memref<!tpu.dma_semaphore, #tpu.memory_space<semaphore_mem>>)
        %dma_wait3A_31 = arith.constant 0 : i32
        %dma_wait3A_32 = tpu.memref_slice %arg5[%add3A_13, %dma_wait3A_31] : memref<2048x1024xf32, #tpu.memory_space<hbm>> -> memref<32x1024xf32, #tpu.memory_space<hbm>>
        %dma_wait3A_33 = arith.constant 0 : i32
        %dma_wait3A_34 = tpu.memref_slice %arg5[%add3A_13, %dma_wait3A_33] : memref<2048x1024xf32, #tpu.memory_space<hbm>> -> memref<32x1024xf32, #tpu.memory_space<hbm>>
        tpu.wait_dma2 semaphore(%run_scoped3A : memref<!tpu.dma_semaphore, #tpu.memory_space<semaphore_mem>>) src(%arg8 : memref<32x1024xf32, #tpu.memory_space<vmem>>) dst(%dma_wait3A_34 : memref<32x1024xf32, #tpu.memory_space<hbm>>)
        tpu.yield
      }) : () -> ()
      %scan3A_26 = arith.constant 0 : i32
      scf.yield %scan3A_26 : i32
    }
    %scan3A_6 = arith.constant 2 : i32
    return
  }
}

#map = affine_map<(d0, d1) -> (0, 0)>
#map1 = affine_map<(d0, d1) -> (0)>
module attributes {stable_mosaic.version = 14 : i64} {
  func.func @_dispatch_body(%arg0: i32, %arg1: i32, %arg2: memref<2048x1024xf32, #tpu.memory_space<hbm>>, %arg3: memref<2048xi32, #tpu.memory_space<hbm>>, %arg4: memref<2048xi32, #tpu.memory_space<hbm>>, %arg5: memref<2048x128xf32, #tpu.memory_space<hbm>>, %arg6: memref<2048x128xf32, #tpu.memory_space<hbm>>, %arg7: memref<8192x1024xf32, #tpu.memory_space<hbm>>, %arg8: memref<8192x128xf32, #tpu.memory_space<hbm>>, %arg9: memref<64xi32, #tpu.memory_space<vmem>>, %arg10: memref<64xi32, #tpu.memory_space<vmem>>, %arg11: memref<64x1024xf32, #tpu.memory_space<vmem>>, %arg12: memref<64x128xf32, #tpu.memory_space<vmem>>, %arg13: memref<64x128xf32, #tpu.memory_space<vmem>>, %arg14: memref<!tpu.dma_semaphore, #tpu.memory_space<semaphore_mem>>, %arg15: memref<!tpu.dma_semaphore, #tpu.memory_space<semaphore_mem>>) attributes {dimension_semantics = [#tpu.dimension_semantics<core_parallel>, #tpu.dimension_semantics<subcore_parallel>], iteration_bounds = array<i64: 2, 16>, scalar_prefetch = 0 : i64, scratch_operands = 7 : i64, tpu.core_type = #tpu.core_type<sc_vector_subcore>, window_params = [{transform_indices = #map}, {transform_indices = #map1}, {transform_indices = #map1}, {transform_indices = #map}, {transform_indices = #map}, {transform_indices = #map}, {transform_indices = #map}]} {
    %mul3A = arith.constant 2 : i32
    %mul3A_0 = arith.muli %arg1, %mul3A : i32
    %add3A = arith.addi %mul3A_0, %arg0 : i32
    %mul3A_1 = arith.constant 64 : i32
    %mul3A_2 = arith.muli %add3A, %mul3A_1 : i32
    %dma_start3A = tpu.memref_slice %arg3[%mul3A_2] : memref<2048xi32, #tpu.memory_space<hbm>> -> memref<64xi32, #tpu.memory_space<hbm>>
    %dma_start3A_3 = tpu.memref_slice %arg3[%mul3A_2] : memref<2048xi32, #tpu.memory_space<hbm>> -> memref<64xi32, #tpu.memory_space<hbm>>
    tpu.enqueue_dma source(%dma_start3A_3 : memref<64xi32, #tpu.memory_space<hbm>>) target(%arg9 : memref<64xi32, #tpu.memory_space<vmem>>) target_semaphore(%arg14 : memref<!tpu.dma_semaphore, #tpu.memory_space<semaphore_mem>>)
    %dma_start3A_4 = tpu.memref_slice %arg4[%mul3A_2] : memref<2048xi32, #tpu.memory_space<hbm>> -> memref<64xi32, #tpu.memory_space<hbm>>
    %dma_start3A_5 = tpu.memref_slice %arg4[%mul3A_2] : memref<2048xi32, #tpu.memory_space<hbm>> -> memref<64xi32, #tpu.memory_space<hbm>>
    tpu.enqueue_dma source(%dma_start3A_5 : memref<64xi32, #tpu.memory_space<hbm>>) target(%arg10 : memref<64xi32, #tpu.memory_space<vmem>>) target_semaphore(%arg14 : memref<!tpu.dma_semaphore, #tpu.memory_space<semaphore_mem>>)
    %dma_start3A_6 = arith.constant 0 : i32
    %dma_start3A_7 = tpu.memref_slice %arg2[%mul3A_2, %dma_start3A_6] : memref<2048x1024xf32, #tpu.memory_space<hbm>> -> memref<64x1024xf32, #tpu.memory_space<hbm>>
    %dma_start3A_8 = arith.constant 0 : i32
    %dma_start3A_9 = tpu.memref_slice %arg2[%mul3A_2, %dma_start3A_8] : memref<2048x1024xf32, #tpu.memory_space<hbm>> -> memref<64x1024xf32, #tpu.memory_space<hbm>>
    tpu.enqueue_dma source(%dma_start3A_9 : memref<64x1024xf32, #tpu.memory_space<hbm>>) target(%arg11 : memref<64x1024xf32, #tpu.memory_space<vmem>>) target_semaphore(%arg14 : memref<!tpu.dma_semaphore, #tpu.memory_space<semaphore_mem>>)
    %dma_start3A_10 = arith.constant 0 : i32
    %dma_start3A_11 = tpu.memref_slice %arg5[%mul3A_2, %dma_start3A_10] : memref<2048x128xf32, #tpu.memory_space<hbm>> -> memref<64x128xf32, #tpu.memory_space<hbm>>
    %dma_start3A_12 = arith.constant 0 : i32
    %dma_start3A_13 = tpu.memref_slice %arg5[%mul3A_2, %dma_start3A_12] : memref<2048x128xf32, #tpu.memory_space<hbm>> -> memref<64x128xf32, #tpu.memory_space<hbm>>
    tpu.enqueue_dma source(%dma_start3A_13 : memref<64x128xf32, #tpu.memory_space<hbm>>) target(%arg12 : memref<64x128xf32, #tpu.memory_space<vmem>>) target_semaphore(%arg14 : memref<!tpu.dma_semaphore, #tpu.memory_space<semaphore_mem>>)
    %dma_start3A_14 = arith.constant 0 : i32
    %dma_start3A_15 = tpu.memref_slice %arg6[%mul3A_2, %dma_start3A_14] : memref<2048x128xf32, #tpu.memory_space<hbm>> -> memref<64x128xf32, #tpu.memory_space<hbm>>
    %dma_start3A_16 = arith.constant 0 : i32
    %dma_start3A_17 = tpu.memref_slice %arg6[%mul3A_2, %dma_start3A_16] : memref<2048x128xf32, #tpu.memory_space<hbm>> -> memref<64x128xf32, #tpu.memory_space<hbm>>
    tpu.enqueue_dma source(%dma_start3A_17 : memref<64x128xf32, #tpu.memory_space<hbm>>) target(%arg13 : memref<64x128xf32, #tpu.memory_space<vmem>>) target_semaphore(%arg14 : memref<!tpu.dma_semaphore, #tpu.memory_space<semaphore_mem>>)
    %dma_wait3A = tpu.memref_slice %arg3[%mul3A_2] : memref<2048xi32, #tpu.memory_space<hbm>> -> memref<64xi32, #tpu.memory_space<hbm>>
    %dma_wait3A_18 = tpu.memref_slice %arg3[%mul3A_2] : memref<2048xi32, #tpu.memory_space<hbm>> -> memref<64xi32, #tpu.memory_space<hbm>>
    tpu.wait_dma2 semaphore(%arg14 : memref<!tpu.dma_semaphore, #tpu.memory_space<semaphore_mem>>) src(%dma_wait3A_18 : memref<64xi32, #tpu.memory_space<hbm>>) dst(%arg9 : memref<64xi32, #tpu.memory_space<vmem>>)
    %dma_wait3A_19 = tpu.memref_slice %arg4[%mul3A_2] : memref<2048xi32, #tpu.memory_space<hbm>> -> memref<64xi32, #tpu.memory_space<hbm>>
    %dma_wait3A_20 = tpu.memref_slice %arg4[%mul3A_2] : memref<2048xi32, #tpu.memory_space<hbm>> -> memref<64xi32, #tpu.memory_space<hbm>>
    tpu.wait_dma2 semaphore(%arg14 : memref<!tpu.dma_semaphore, #tpu.memory_space<semaphore_mem>>) src(%dma_wait3A_20 : memref<64xi32, #tpu.memory_space<hbm>>) dst(%arg10 : memref<64xi32, #tpu.memory_space<vmem>>)
    %dma_wait3A_21 = arith.constant 0 : i32
    %dma_wait3A_22 = tpu.memref_slice %arg2[%mul3A_2, %dma_wait3A_21] : memref<2048x1024xf32, #tpu.memory_space<hbm>> -> memref<64x1024xf32, #tpu.memory_space<hbm>>
    %dma_wait3A_23 = arith.constant 0 : i32
    %dma_wait3A_24 = tpu.memref_slice %arg2[%mul3A_2, %dma_wait3A_23] : memref<2048x1024xf32, #tpu.memory_space<hbm>> -> memref<64x1024xf32, #tpu.memory_space<hbm>>
    tpu.wait_dma2 semaphore(%arg14 : memref<!tpu.dma_semaphore, #tpu.memory_space<semaphore_mem>>) src(%dma_wait3A_24 : memref<64x1024xf32, #tpu.memory_space<hbm>>) dst(%arg11 : memref<64x1024xf32, #tpu.memory_space<vmem>>)
    %dma_wait3A_25 = arith.constant 0 : i32
    %dma_wait3A_26 = tpu.memref_slice %arg5[%mul3A_2, %dma_wait3A_25] : memref<2048x128xf32, #tpu.memory_space<hbm>> -> memref<64x128xf32, #tpu.memory_space<hbm>>
    %dma_wait3A_27 = arith.constant 0 : i32
    %dma_wait3A_28 = tpu.memref_slice %arg5[%mul3A_2, %dma_wait3A_27] : memref<2048x128xf32, #tpu.memory_space<hbm>> -> memref<64x128xf32, #tpu.memory_space<hbm>>
    tpu.wait_dma2 semaphore(%arg14 : memref<!tpu.dma_semaphore, #tpu.memory_space<semaphore_mem>>) src(%dma_wait3A_28 : memref<64x128xf32, #tpu.memory_space<hbm>>) dst(%arg12 : memref<64x128xf32, #tpu.memory_space<vmem>>)
    %dma_wait3A_29 = arith.constant 0 : i32
    %dma_wait3A_30 = tpu.memref_slice %arg6[%mul3A_2, %dma_wait3A_29] : memref<2048x128xf32, #tpu.memory_space<hbm>> -> memref<64x128xf32, #tpu.memory_space<hbm>>
    %dma_wait3A_31 = arith.constant 0 : i32
    %dma_wait3A_32 = tpu.memref_slice %arg6[%mul3A_2, %dma_wait3A_31] : memref<2048x128xf32, #tpu.memory_space<hbm>> -> memref<64x128xf32, #tpu.memory_space<hbm>>
    tpu.wait_dma2 semaphore(%arg14 : memref<!tpu.dma_semaphore, #tpu.memory_space<semaphore_mem>>) src(%dma_wait3A_32 : memref<64x128xf32, #tpu.memory_space<hbm>>) dst(%arg13 : memref<64x128xf32, #tpu.memory_space<vmem>>)
    %dma_start3A_33 = arith.constant 0 : i32
    %dma_start3A_34 = arith.constant 0 : i32
    %dma_start3A_35 = tpu.memref_slice %arg7[%dma_start3A_33, %dma_start3A_34] : memref<8192x1024xf32, #tpu.memory_space<hbm>> -> memref<8192x1024xf32, #tpu.memory_space<hbm>>
    tpu.enqueue_indirect_dma source(%arg11 : memref<64x1024xf32, #tpu.memory_space<vmem>>) target(%dma_start3A_35 : memref<8192x1024xf32, #tpu.memory_space<hbm>>) offsets(%arg9 : memref<64xi32, #tpu.memory_space<vmem>>) semaphore(%arg14 : memref<!tpu.dma_semaphore, #tpu.memory_space<semaphore_mem>>)
    %dma_start3A_36 = arith.constant 0 : i32
    %dma_start3A_37 = arith.constant 0 : i32
    %dma_start3A_38 = tpu.memref_slice %arg8[%dma_start3A_36, %dma_start3A_37] : memref<8192x128xf32, #tpu.memory_space<hbm>> -> memref<8192x128xf32, #tpu.memory_space<hbm>>
    tpu.enqueue_indirect_dma source(%arg12 : memref<64x128xf32, #tpu.memory_space<vmem>>) target(%dma_start3A_38 : memref<8192x128xf32, #tpu.memory_space<hbm>>) offsets(%arg9 : memref<64xi32, #tpu.memory_space<vmem>>) semaphore(%arg15 : memref<!tpu.dma_semaphore, #tpu.memory_space<semaphore_mem>>)
    %dma_start3A_39 = arith.constant 0 : i32
    %dma_start3A_40 = arith.constant 0 : i32
    %dma_start3A_41 = tpu.memref_slice %arg7[%dma_start3A_39, %dma_start3A_40] : memref<8192x1024xf32, #tpu.memory_space<hbm>> -> memref<8192x1024xf32, #tpu.memory_space<hbm>>
    tpu.enqueue_indirect_dma source(%arg11 : memref<64x1024xf32, #tpu.memory_space<vmem>>) target(%dma_start3A_41 : memref<8192x1024xf32, #tpu.memory_space<hbm>>) offsets(%arg10 : memref<64xi32, #tpu.memory_space<vmem>>) semaphore(%arg14 : memref<!tpu.dma_semaphore, #tpu.memory_space<semaphore_mem>>)
    %dma_start3A_42 = arith.constant 0 : i32
    %dma_start3A_43 = arith.constant 0 : i32
    %dma_start3A_44 = tpu.memref_slice %arg8[%dma_start3A_42, %dma_start3A_43] : memref<8192x128xf32, #tpu.memory_space<hbm>> -> memref<8192x128xf32, #tpu.memory_space<hbm>>
    tpu.enqueue_indirect_dma source(%arg13 : memref<64x128xf32, #tpu.memory_space<vmem>>) target(%dma_start3A_44 : memref<8192x128xf32, #tpu.memory_space<hbm>>) offsets(%arg10 : memref<64xi32, #tpu.memory_space<vmem>>) semaphore(%arg15 : memref<!tpu.dma_semaphore, #tpu.memory_space<semaphore_mem>>)
    %dma_wait3A_45 = arith.constant 0 : i32
    %dma_wait3A_46 = arith.constant 0 : i32
    %dma_wait3A_47 = tpu.memref_slice %arg7[%dma_wait3A_45, %dma_wait3A_46] : memref<8192x1024xf32, #tpu.memory_space<hbm>> -> memref<8192x1024xf32, #tpu.memory_space<hbm>>
    tpu.wait_indirect_dma semaphore(%arg14 : memref<!tpu.dma_semaphore, #tpu.memory_space<semaphore_mem>>) src(%arg11 : memref<64x1024xf32, #tpu.memory_space<vmem>>) dst(%dma_wait3A_47 : memref<8192x1024xf32, #tpu.memory_space<hbm>>)
    %dma_wait3A_48 = arith.constant 0 : i32
    %dma_wait3A_49 = arith.constant 0 : i32
    %dma_wait3A_50 = tpu.memref_slice %arg8[%dma_wait3A_48, %dma_wait3A_49] : memref<8192x128xf32, #tpu.memory_space<hbm>> -> memref<8192x128xf32, #tpu.memory_space<hbm>>
    tpu.wait_indirect_dma semaphore(%arg15 : memref<!tpu.dma_semaphore, #tpu.memory_space<semaphore_mem>>) src(%arg12 : memref<64x128xf32, #tpu.memory_space<vmem>>) dst(%dma_wait3A_50 : memref<8192x128xf32, #tpu.memory_space<hbm>>)
    %dma_wait3A_51 = arith.constant 0 : i32
    %dma_wait3A_52 = arith.constant 0 : i32
    %dma_wait3A_53 = tpu.memref_slice %arg7[%dma_wait3A_51, %dma_wait3A_52] : memref<8192x1024xf32, #tpu.memory_space<hbm>> -> memref<8192x1024xf32, #tpu.memory_space<hbm>>
    tpu.wait_indirect_dma semaphore(%arg14 : memref<!tpu.dma_semaphore, #tpu.memory_space<semaphore_mem>>) src(%arg11 : memref<64x1024xf32, #tpu.memory_space<vmem>>) dst(%dma_wait3A_53 : memref<8192x1024xf32, #tpu.memory_space<hbm>>)
    %dma_wait3A_54 = arith.constant 0 : i32
    %dma_wait3A_55 = arith.constant 0 : i32
    %dma_wait3A_56 = tpu.memref_slice %arg8[%dma_wait3A_54, %dma_wait3A_55] : memref<8192x128xf32, #tpu.memory_space<hbm>> -> memref<8192x128xf32, #tpu.memory_space<hbm>>
    tpu.wait_indirect_dma semaphore(%arg15 : memref<!tpu.dma_semaphore, #tpu.memory_space<semaphore_mem>>) src(%arg13 : memref<64x128xf32, #tpu.memory_space<vmem>>) dst(%dma_wait3A_56 : memref<8192x128xf32, #tpu.memory_space<hbm>>)
    return
  }
}

module attributes {stable_mosaic.version = 14 : i64} {
  func.func @_ffn_body(%arg0: i32, %arg1: memref<24xi32, #tpu.memory_space<smem>>, %arg2: memref<512x1024xf32, #tpu.memory_space<vmem>>, %arg3: memref<512x128xf32, #tpu.memory_space<vmem>>, %arg4: memref<1x1x2048x1024xf32, #tpu.memory_space<vmem>>, %arg5: memref<1x1x2048x1024xf32, #tpu.memory_space<vmem>>, %arg6: memref<1x1024x2048xf32, #tpu.memory_space<vmem>>, %arg7: memref<512x1024xf32, #tpu.memory_space<vmem>>) attributes {dimension_semantics = [#tpu.dimension_semantics<arbitrary>], iteration_bounds = array<i64: 16>, scalar_prefetch = 1 : i64, scratch_operands = 0 : i64, tpu.core_type = #tpu.core_type<tc>, window_params = [{transform_indices = @transform_0, window_bounds = array<i64: 512, 1024>}, {transform_indices = @transform_1, window_bounds = array<i64: 512, 128>}, {transform_indices = @transform_2, window_bounds = array<i64: 1, 1, 2048, 1024>}, {transform_indices = @transform_3, window_bounds = array<i64: 1, 1, 2048, 1024>}, {transform_indices = @transform_4, window_bounds = array<i64: 1, 1024, 2048>}, {transform_indices = @transform_5, window_bounds = array<i64: 512, 1024>}]} {
    %get3A = arith.constant 16 : index
    %get3A_0 = memref.load %arg1[%get3A] : memref<24xi32, #tpu.memory_space<smem>>
    %lt3A = arith.cmpi slt, %arg0, %get3A_0 : i32
    %convert_element_type3A = arith.extui %lt3A : i1 to i32
    %cond3A = arith.constant 0 : i32
    %cond3A_1 = arith.cmpi ne, %convert_element_type3A, %cond3A : i32
    scf.if %cond3A_1 {
      %get3A_2 = arith.constant 0 : index
      %get3A_3 = arith.constant 0 : index
      %get3A_4 = vector.load %arg2[%get3A_2, %get3A_3] : memref<512x1024xf32, #tpu.memory_space<vmem>>, vector<512x1024xf32>
      %get3A_5 = arith.constant 0 : index
      %get3A_6 = arith.constant 0 : index
      %get3A_7 = arith.constant 0 : index
      %get3A_8 = arith.constant 0 : index
      %get3A_9 = vector.load %arg4[%get3A_5, %get3A_6, %get3A_7, %get3A_8] : memref<1x1x2048x1024xf32, #tpu.memory_space<vmem>>, vector<1x1x2048x1024xf32>
      %get3A_10 = vector.shape_cast %get3A_9 : vector<1x1x2048x1024xf32> to vector<2048x1024xf32>
      %dot_general3A = arith.constant dense<0.000000e+00> : vector<512x2048xf32>
      %dot_general3A_11 = tpu.matmul %get3A_4, %get3A_10, %dot_general3A {dimension_numbers = #tpu.dot_dimension_numbers<[1], [1], [0], [0], [0, 0, 1, 0], [], []>, transpose_lhs_hint = false} : vector<512x1024xf32>, vector<2048x1024xf32>, vector<512x2048xf32> -> vector<512x2048xf32>
      %get3A_12 = arith.constant 0 : index
      %get3A_13 = arith.constant 0 : index
      %get3A_14 = arith.constant 0 : index
      %get3A_15 = arith.constant 0 : index
      %get3A_16 = vector.load %arg5[%get3A_12, %get3A_13, %get3A_14, %get3A_15] : memref<1x1x2048x1024xf32, #tpu.memory_space<vmem>>, vector<1x1x2048x1024xf32>
      %get3A_17 = vector.shape_cast %get3A_16 : vector<1x1x2048x1024xf32> to vector<2048x1024xf32>
      %dot_general3A_18 = arith.constant dense<0.000000e+00> : vector<512x2048xf32>
      %dot_general3A_19 = tpu.matmul %get3A_4, %get3A_17, %dot_general3A_18 {dimension_numbers = #tpu.dot_dimension_numbers<[1], [1], [0], [0], [0, 0, 1, 0], [], []>, transpose_lhs_hint = false} : vector<512x1024xf32>, vector<2048x1024xf32>, vector<512x2048xf32> -> vector<512x2048xf32>
      %logistic3A = arith.negf %dot_general3A_19 : vector<512x2048xf32>
      %logistic3A_20 = math.exp %logistic3A : vector<512x2048xf32>
      %logistic3A_21 = arith.constant 1.000000e+00 : f32
      %logistic3A_22 = vector.broadcast %logistic3A_21 : f32 to vector<512x2048xf32>
      %logistic3A_23 = arith.addf %logistic3A_22, %logistic3A_20 : vector<512x2048xf32>
      %logistic3A_24 = arith.divf %logistic3A_22, %logistic3A_23 : vector<512x2048xf32>
      %mul3A = arith.mulf %dot_general3A_19, %logistic3A_24 : vector<512x2048xf32>
      %mul3A_25 = arith.mulf %mul3A, %dot_general3A_11 : vector<512x2048xf32>
      %get3A_26 = arith.constant 0 : index
      %get3A_27 = arith.constant 0 : index
      %get3A_28 = arith.constant 0 : index
      %get3A_29 = vector.load %arg6[%get3A_26, %get3A_27, %get3A_28] : memref<1x1024x2048xf32, #tpu.memory_space<vmem>>, vector<1x1024x2048xf32>
      %get3A_30 = vector.shape_cast %get3A_29 : vector<1x1024x2048xf32> to vector<1024x2048xf32>
      %dot_general3A_31 = arith.constant dense<0.000000e+00> : vector<512x1024xf32>
      %dot_general3A_32 = tpu.matmul %mul3A_25, %get3A_30, %dot_general3A_31 {dimension_numbers = #tpu.dot_dimension_numbers<[1], [1], [0], [0], [0, 0, 1, 0], [], []>, transpose_lhs_hint = false} : vector<512x2048xf32>, vector<1024x2048xf32>, vector<512x1024xf32> -> vector<512x1024xf32>
      %get3A_33 = arith.constant 0 : index
      %get3A_34 = arith.constant 0 : index
      %get3A_35 = vector.load %arg3[%get3A_33, %get3A_34] : memref<512x128xf32, #tpu.memory_space<vmem>>, vector<512x1xf32>
      %mul3A_36 = vector.broadcast %get3A_35 : vector<512x1xf32> to vector<512x1024xf32>
      %mul3A_37 = arith.mulf %dot_general3A_32, %mul3A_36 : vector<512x1024xf32>
      %swap3A = arith.constant 0 : index
      %swap3A_38 = arith.constant 0 : index
      %swap3A_39 = vector.load %arg7[%swap3A, %swap3A_38] : memref<512x1024xf32, #tpu.memory_space<vmem>>, vector<512x1024xf32>
      tpu.vector_store %arg7[%swap3A, %swap3A_38], %mul3A_37 {strides = array<i32>} : memref<512x1024xf32, #tpu.memory_space<vmem>>, vector<512x1024xf32>,
    } else {
    }
    return
  }
  func.func @transform_0(%arg0: i32, %arg1: memref<24xi32, #tpu.memory_space<smem>>) -> (i32, i32) {
    %get3A = arith.constant 16 : index
    %get3A_0 = memref.load %arg1[%get3A] : memref<24xi32, #tpu.memory_space<smem>>
    %sub3A = arith.constant 1 : i32
    %sub3A_1 = arith.subi %get3A_0, %sub3A : i32
    %max3A = arith.constant 0 : i32
    %max3A_2 = arith.maxsi %sub3A_1, %max3A : i32
    %min3A = arith.minsi %arg0, %max3A_2 : i32
    %c0_i32 = arith.constant 0 : i32
    %c0_i32_3 = arith.constant 0 : i32
    return %min3A, %c0_i32 : i32, i32
  }
  func.func @transform_1(%arg0: i32, %arg1: memref<24xi32, #tpu.memory_space<smem>>) -> (i32, i32) {
    %get3A = arith.constant 16 : index
    %get3A_0 = memref.load %arg1[%get3A] : memref<24xi32, #tpu.memory_space<smem>>
    %sub3A = arith.constant 1 : i32
    %sub3A_1 = arith.subi %get3A_0, %sub3A : i32
    %max3A = arith.constant 0 : i32
    %max3A_2 = arith.maxsi %sub3A_1, %max3A : i32
    %min3A = arith.minsi %arg0, %max3A_2 : i32
    %c0_i32 = arith.constant 0 : i32
    %c0_i32_3 = arith.constant 0 : i32
    return %min3A, %c0_i32 : i32, i32
  }
  func.func @transform_2(%arg0: i32, %arg1: memref<24xi32, #tpu.memory_space<smem>>) -> (i32, i32, i32, i32) {
    %get3A = arith.constant 16 : index
    %get3A_0 = memref.load %arg1[%get3A] : memref<24xi32, #tpu.memory_space<smem>>
    %sub3A = arith.constant 1 : i32
    %sub3A_1 = arith.subi %get3A_0, %sub3A : i32
    %max3A = arith.constant 0 : i32
    %max3A_2 = arith.maxsi %sub3A_1, %max3A : i32
    %min3A = arith.minsi %arg0, %max3A_2 : i32
    %get3A_3 = arith.index_cast %min3A : i32 to index
    %get3A_4 = memref.load %arg1[%get3A_3] : memref<24xi32, #tpu.memory_space<smem>>
    %c0_i32 = arith.constant 0 : i32
    %c0_i32_5 = arith.constant 0 : i32
    %c0_i32_6 = arith.constant 0 : i32
    %c0_i32_7 = arith.constant 0 : i32
    return %get3A_4, %c0_i32, %c0_i32_5, %c0_i32_6 : i32, i32, i32, i32
  }
  func.func @transform_3(%arg0: i32, %arg1: memref<24xi32, #tpu.memory_space<smem>>) -> (i32, i32, i32, i32) {
    %get3A = arith.constant 16 : index
    %get3A_0 = memref.load %arg1[%get3A] : memref<24xi32, #tpu.memory_space<smem>>
    %sub3A = arith.constant 1 : i32
    %sub3A_1 = arith.subi %get3A_0, %sub3A : i32
    %max3A = arith.constant 0 : i32
    %max3A_2 = arith.maxsi %sub3A_1, %max3A : i32
    %min3A = arith.minsi %arg0, %max3A_2 : i32
    %get3A_3 = arith.index_cast %min3A : i32 to index
    %get3A_4 = memref.load %arg1[%get3A_3] : memref<24xi32, #tpu.memory_space<smem>>
    %c1_i32 = arith.constant 1 : i32
    %c0_i32 = arith.constant 0 : i32
    %c0_i32_5 = arith.constant 0 : i32
    %c0_i32_6 = arith.constant 0 : i32
    return %get3A_4, %c1_i32, %c0_i32, %c0_i32_5 : i32, i32, i32, i32
  }
  func.func @transform_4(%arg0: i32, %arg1: memref<24xi32, #tpu.memory_space<smem>>) -> (i32, i32, i32) {
    %get3A = arith.constant 16 : index
    %get3A_0 = memref.load %arg1[%get3A] : memref<24xi32, #tpu.memory_space<smem>>
    %sub3A = arith.constant 1 : i32
    %sub3A_1 = arith.subi %get3A_0, %sub3A : i32
    %max3A = arith.constant 0 : i32
    %max3A_2 = arith.maxsi %sub3A_1, %max3A : i32
    %min3A = arith.minsi %arg0, %max3A_2 : i32
    %get3A_3 = arith.index_cast %min3A : i32 to index
    %get3A_4 = memref.load %arg1[%get3A_3] : memref<24xi32, #tpu.memory_space<smem>>
    %c0_i32 = arith.constant 0 : i32
    %c0_i32_5 = arith.constant 0 : i32
    %c0_i32_6 = arith.constant 0 : i32
    return %get3A_4, %c0_i32, %c0_i32_5 : i32, i32, i32
  }
  func.func @transform_5(%arg0: i32, %arg1: memref<24xi32, #tpu.memory_space<smem>>) -> (i32, i32) {
    %c0_i32 = arith.constant 0 : i32
    %c0_i32_0 = arith.constant 0 : i32
    return %arg0, %c0_i32 : i32, i32
  }
}

module attributes {stable_mosaic.version = 14 : i64} {
  func.func @_router_body(%arg0: i32, %arg1: memref<2048x1024xf32, #tpu.memory_space<vmem>>, %arg2: memref<8x1024xf32, #tpu.memory_space<vmem>>, %arg3: memref<2048x1xi32, #tpu.memory_space<vmem>>, %arg4: memref<2048x1xi32, #tpu.memory_space<vmem>>, %arg5: memref<2048x128xf32, #tpu.memory_space<vmem>>, %arg6: memref<2048x128xf32, #tpu.memory_space<vmem>>, %arg7: memref<24x1xi32, #tpu.memory_space<vmem>>) attributes {dimension_semantics = [#tpu.dimension_semantics<arbitrary>], iteration_bounds = array<i64: 1>, scalar_prefetch = 0 : i64, scratch_operands = 0 : i64, tpu.core_type = #tpu.core_type<tc>, window_params = [{pipeline_mode = #tpu.pipeline_mode<synchronous>, transform_indices = @transform_0, window_bounds = array<i64: 2048, 1024>}, {pipeline_mode = #tpu.pipeline_mode<synchronous>, transform_indices = @transform_1, window_bounds = array<i64: 8, 1024>}, {pipeline_mode = #tpu.pipeline_mode<synchronous>, transform_indices = @transform_2, window_bounds = array<i64: 2048, 1>}, {pipeline_mode = #tpu.pipeline_mode<synchronous>, transform_indices = @transform_3, window_bounds = array<i64: 2048, 1>}, {pipeline_mode = #tpu.pipeline_mode<synchronous>, transform_indices = @transform_4, window_bounds = array<i64: 2048, 128>}, {pipeline_mode = #tpu.pipeline_mode<synchronous>, transform_indices = @transform_5, window_bounds = array<i64: 2048, 128>}, {pipeline_mode = #tpu.pipeline_mode<synchronous>, transform_indices = @transform_6, window_bounds = array<i64: 24, 1>}]} {
    %get3A = arith.constant 0 : index
    %get3A_0 = arith.constant 0 : index
    %get3A_1 = vector.load %arg1[%get3A, %get3A_0] : memref<2048x1024xf32, #tpu.memory_space<vmem>>, vector<2048x1024xf32>
    %get3A_2 = arith.constant 0 : index
    %get3A_3 = arith.constant 0 : index
    %get3A_4 = vector.load %arg2[%get3A_2, %get3A_3] : memref<8x1024xf32, #tpu.memory_space<vmem>>, vector<8x1024xf32>
    %dot_general3A = arith.constant dense<0.000000e+00> : vector<2048x8xf32>
    %dot_general3A_5 = tpu.matmul %get3A_1, %get3A_4, %dot_general3A {dimension_numbers = #tpu.dot_dimension_numbers<[1], [1], [0], [0], [0, 0, 1, 0], [], []>, transpose_lhs_hint = false} : vector<2048x1024xf32>, vector<8x1024xf32>, vector<2048x8xf32> -> vector<2048x8xf32>
    %jit3A = arith.constant -1.000000e+04 : f32
    %jit3A_6 = arith.constant 1.000000e+04 : f32
    %max3A = vector.broadcast %jit3A : f32 to vector<2048x8xf32>
    %max3A_7 = arith.maximumf %max3A, %dot_general3A_5 : vector<2048x8xf32>
    %min3A = vector.broadcast %jit3A_6 : f32 to vector<2048x8xf32>
    %min3A_8 = arith.minimumf %min3A, %max3A_7 : vector<2048x8xf32>
    %reduce_max3A = arith.constant dense<0xFF800000> : vector<2048xf32>
    %reduce_max3A_9 = vector.multi_reduction <maximumf>, %min3A_8, %reduce_max3A [1] : vector<2048x8xf32> to vector<2048xf32>
    %broadcast_in_dim3A = vector.shape_cast %reduce_max3A_9 : vector<2048xf32> to vector<2048x1xf32>
    %sub3A = vector.broadcast %broadcast_in_dim3A : vector<2048x1xf32> to vector<2048x8xf32>
    %sub3A_10 = arith.subf %min3A_8, %sub3A : vector<2048x8xf32>
    %exp3A = math.exp %sub3A_10 : vector<2048x8xf32>
    %reduce_sum3A = arith.constant dense<0.000000e+00> : vector<2048xf32>
    %reduce_sum3A_11 = vector.multi_reduction <add>, %exp3A, %reduce_sum3A [1] : vector<2048x8xf32> to vector<2048xf32>
    %broadcast_in_dim3A_12 = vector.shape_cast %reduce_sum3A_11 : vector<2048xf32> to vector<2048x1xf32>
    %add3A = arith.constant 9.99999993E-9 : f32
    %add3A_13 = vector.broadcast %add3A : f32 to vector<2048x1xf32>
    %add3A_14 = arith.addf %broadcast_in_dim3A_12, %add3A_13 : vector<2048x1xf32>
    %div3A = vector.broadcast %add3A_14 : vector<2048x1xf32> to vector<2048x8xf32>
    %div3A_15 = arith.divf %exp3A, %div3A : vector<2048x8xf32>
    %jit3A_16 = arith.constant 9.99999993E-9 : f32
    %jit3A_17 = arith.constant 1.000000e+00 : f32
    %max3A_18 = vector.broadcast %jit3A_16 : f32 to vector<2048x8xf32>
    %max3A_19 = arith.maximumf %max3A_18, %div3A_15 : vector<2048x8xf32>
    %min3A_20 = vector.broadcast %jit3A_17 : f32 to vector<2048x8xf32>
    %min3A_21 = arith.minimumf %min3A_20, %max3A_19 : vector<2048x8xf32>
    %iota3A = tpu.iota {dimensions = array<i32: 1>} : vector<2048x8xi32>
    %reduce_max3A_22 = arith.constant dense<0xFF800000> : vector<2048xf32>
    %reduce_max3A_23 = vector.multi_reduction <maximumf>, %min3A_21, %reduce_max3A_22 [1] : vector<2048x8xf32> to vector<2048xf32>
    %broadcast_in_dim3A_24 = vector.shape_cast %reduce_max3A_23 : vector<2048xf32> to vector<2048x1xf32>
    %eq3A = vector.broadcast %broadcast_in_dim3A_24 : vector<2048x1xf32> to vector<2048x8xf32>
    %eq3A_25 = arith.cmpf oeq, %min3A_21, %eq3A : vector<2048x8xf32>
    %jit3A_26 = arith.constant 8 : i32
    %broadcast_in_dim3A_27 = vector.broadcast %jit3A_26 : i32 to vector<2048x8xi32>
    %select_n3A = arith.select %eq3A_25, %iota3A, %broadcast_in_dim3A_27 : vector<2048x8xi1>, vector<2048x8xi32>
    %reduce_min3A = arith.constant dense<2147483647> : vector<2048xi32>
    %reduce_min3A_28 = vector.multi_reduction <minsi>, %select_n3A, %reduce_min3A [1] : vector<2048x8xi32> to vector<2048xi32>
    %broadcast_in_dim3A_29 = vector.shape_cast %reduce_min3A_28 : vector<2048xi32> to vector<2048x1xi32>
    %eq3A_30 = vector.broadcast %broadcast_in_dim3A_29 : vector<2048x1xi32> to vector<2048x8xi32>
    %eq3A_31 = arith.cmpi eq, %iota3A, %eq3A_30 : vector<2048x8xi32>
    %jit3A_32 = arith.constant -1.000000e+00 : f32
    %broadcast_in_dim3A_33 = vector.broadcast %jit3A_32 : f32 to vector<2048x8xf32>
    %select_n3A_34 = arith.select %eq3A_31, %broadcast_in_dim3A_33, %min3A_21 : vector<2048x8xi1>, vector<2048x8xf32>
    %reduce_max3A_35 = arith.constant dense<0xFF800000> : vector<2048xf32>
    %reduce_max3A_36 = vector.multi_reduction <maximumf>, %select_n3A_34, %reduce_max3A_35 [1] : vector<2048x8xf32> to vector<2048xf32>
    %broadcast_in_dim3A_37 = vector.shape_cast %reduce_max3A_36 : vector<2048xf32> to vector<2048x1xf32>
    %eq3A_38 = vector.broadcast %broadcast_in_dim3A_37 : vector<2048x1xf32> to vector<2048x8xf32>
    %eq3A_39 = arith.cmpf oeq, %select_n3A_34, %eq3A_38 : vector<2048x8xf32>
    %jit3A_40 = arith.constant 8 : i32
    %broadcast_in_dim3A_41 = vector.broadcast %jit3A_40 : i32 to vector<2048x8xi32>
    %select_n3A_42 = arith.select %eq3A_39, %iota3A, %broadcast_in_dim3A_41 : vector<2048x8xi1>, vector<2048x8xi32>
    %reduce_min3A_43 = arith.constant dense<2147483647> : vector<2048xi32>
    %reduce_min3A_44 = vector.multi_reduction <minsi>, %select_n3A_42, %reduce_min3A_43 [1] : vector<2048x8xi32> to vector<2048xi32>
    %broadcast_in_dim3A_45 = vector.shape_cast %reduce_min3A_44 : vector<2048xi32> to vector<2048x1xi32>
    %add3A_46 = arith.addf %broadcast_in_dim3A_24, %broadcast_in_dim3A_37 : vector<2048x1xf32>
    %div3A_47 = arith.divf %broadcast_in_dim3A_24, %add3A_46 : vector<2048x1xf32>
    %broadcast_in_dim3A_48 = vector.shape_cast %div3A_47 : vector<2048x1xf32> to vector<2048x1xf32>
    %broadcast_in_dim3A_49 = vector.broadcast %broadcast_in_dim3A_48 : vector<2048x1xf32> to vector<2048x128xf32>
    %swap3A = arith.constant 0 : index
    %swap3A_50 = arith.constant 0 : index
    %swap3A_51 = vector.load %arg5[%swap3A, %swap3A_50] : memref<2048x128xf32, #tpu.memory_space<vmem>>, vector<2048x128xf32>
    tpu.vector_store %arg5[%swap3A, %swap3A_50], %broadcast_in_dim3A_49 {strides = array<i32>} : memref<2048x128xf32, #tpu.memory_space<vmem>>, vector<2048x128xf32>,
    %div3A_52 = arith.divf %broadcast_in_dim3A_37, %add3A_46 : vector<2048x1xf32>
    %broadcast_in_dim3A_53 = vector.shape_cast %div3A_52 : vector<2048x1xf32> to vector<2048x1xf32>
    %broadcast_in_dim3A_54 = vector.broadcast %broadcast_in_dim3A_53 : vector<2048x1xf32> to vector<2048x128xf32>
    %swap3A_55 = arith.constant 0 : index
    %swap3A_56 = arith.constant 0 : index
    %swap3A_57 = vector.load %arg6[%swap3A_55, %swap3A_56] : memref<2048x128xf32, #tpu.memory_space<vmem>>, vector<2048x128xf32>
    tpu.vector_store %arg6[%swap3A_55, %swap3A_56], %broadcast_in_dim3A_54 {strides = array<i32>} : memref<2048x128xf32, #tpu.memory_space<vmem>>, vector<2048x128xf32>,
    %eq3A_58 = vector.broadcast %broadcast_in_dim3A_29 : vector<2048x1xi32> to vector<2048x8xi32>
    %eq3A_59 = arith.cmpi eq, %iota3A, %eq3A_58 : vector<2048x8xi32>
    %jit3A_60 = arith.constant 1.000000e+00 : f32
    %jit3A_61 = arith.constant 0.000000e+00 : f32
    %broadcast_in_dim3A_62 = vector.broadcast %jit3A_60 : f32 to vector<2048x8xf32>
    %broadcast_in_dim3A_63 = vector.broadcast %jit3A_61 : f32 to vector<2048x8xf32>
    %select_n3A_64 = arith.select %eq3A_59, %broadcast_in_dim3A_62, %broadcast_in_dim3A_63 : vector<2048x8xi1>, vector<2048x8xf32>
    %eq3A_65 = vector.broadcast %broadcast_in_dim3A_45 : vector<2048x1xi32> to vector<2048x8xi32>
    %eq3A_66 = arith.cmpi eq, %iota3A, %eq3A_65 : vector<2048x8xi32>
    %jit3A_67 = arith.constant 1.000000e+00 : f32
    %jit3A_68 = arith.constant 0.000000e+00 : f32
    %broadcast_in_dim3A_69 = vector.broadcast %jit3A_67 : f32 to vector<2048x8xf32>
    %broadcast_in_dim3A_70 = vector.broadcast %jit3A_68 : f32 to vector<2048x8xf32>
    %select_n3A_71 = arith.select %eq3A_66, %broadcast_in_dim3A_69, %broadcast_in_dim3A_70 : vector<2048x8xi1>, vector<2048x8xf32>
    %add3A_72 = arith.addf %select_n3A_64, %select_n3A_71 : vector<2048x8xf32>
    %iota3A_73 = tpu.iota {dimensions = array<i32: 0>} : vector<2048x2048xi32>
    %iota3A_74 = tpu.iota {dimensions = array<i32: 1>} : vector<2048x2048xi32>
    %lt3A = arith.cmpi slt, %iota3A_74, %iota3A_73 : vector<2048x2048xi32>
    %jit3A_75 = arith.constant 1.000000e+00 : f32
    %jit3A_76 = arith.constant 0.000000e+00 : f32
    %broadcast_in_dim3A_77 = vector.broadcast %jit3A_75 : f32 to vector<2048x2048xf32>
    %broadcast_in_dim3A_78 = vector.broadcast %jit3A_76 : f32 to vector<2048x2048xf32>
    %select_n3A_79 = arith.select %lt3A, %broadcast_in_dim3A_77, %broadcast_in_dim3A_78 : vector<2048x2048xi1>, vector<2048x2048xf32>
    %dot_general3A_80 = arith.constant dense<0.000000e+00> : vector<2048x8xf32>
    %dot_general3A_81 = tpu.matmul %select_n3A_79, %add3A_72, %dot_general3A_80 {dimension_numbers = #tpu.dot_dimension_numbers<[1], [0], [0], [1], [0, 0, 1, 1], [], []>, transpose_lhs_hint = false} : vector<2048x2048xf32>, vector<2048x8xf32>, vector<2048x8xf32> -> vector<2048x8xf32>
    %reduce_sum3A_82 = arith.constant dense<0.000000e+00> : vector<8xf32>
    %reduce_sum3A_83 = vector.multi_reduction <add>, %add3A_72, %reduce_sum3A_82 [0] : vector<2048x8xf32> to vector<8xf32>
    %broadcast_in_dim3A_84 = vector.shape_cast %reduce_sum3A_83 : vector<8xf32> to vector<1x8xf32>
    %div3A_85 = arith.constant 5.120000e+02 : f32
    %div3A_86 = vector.broadcast %div3A_85 : f32 to vector<1x8xf32>
    %div3A_87 = arith.divf %broadcast_in_dim3A_84, %div3A_86 : vector<1x8xf32>
    %ceil3A = math.ceil %div3A_87 : vector<1x8xf32>
    %mul3A = arith.constant 5.120000e+02 : f32
    %mul3A_88 = vector.broadcast %mul3A : f32 to vector<1x8xf32>
    %mul3A_89 = arith.mulf %ceil3A, %mul3A_88 : vector<1x8xf32>
    %broadcast_in_dim3A_90 = vector.shape_cast %mul3A_89 : vector<1x8xf32> to vector<1x8xf32>
    %broadcast_in_dim3A_91 = vector.broadcast %broadcast_in_dim3A_90 : vector<1x8xf32> to vector<2048x8xf32>
    %eq3A_92 = vector.broadcast %broadcast_in_dim3A_29 : vector<2048x1xi32> to vector<2048x8xi32>
    %eq3A_93 = arith.cmpi eq, %iota3A, %eq3A_92 : vector<2048x8xi32>
    %jit3A_94 = arith.constant 0.000000e+00 : f32
    %broadcast_in_dim3A_95 = vector.broadcast %jit3A_94 : f32 to vector<2048x8xf32>
    %select_n3A_96 = arith.select %eq3A_93, %dot_general3A_81, %broadcast_in_dim3A_95 : vector<2048x8xi1>, vector<2048x8xf32>
    %reduce_sum3A_97 = arith.constant dense<0.000000e+00> : vector<2048xf32>
    %reduce_sum3A_98 = vector.multi_reduction <add>, %select_n3A_96, %reduce_sum3A_97 [1] : vector<2048x8xf32> to vector<2048xf32>
    %broadcast_in_dim3A_99 = vector.shape_cast %reduce_sum3A_98 : vector<2048xf32> to vector<2048x1xf32>
    %eq3A_100 = vector.broadcast %broadcast_in_dim3A_45 : vector<2048x1xi32> to vector<2048x8xi32>
    %eq3A_101 = arith.cmpi eq, %iota3A, %eq3A_100 : vector<2048x8xi32>
    %jit3A_102 = arith.constant 0.000000e+00 : f32
    %broadcast_in_dim3A_103 = vector.broadcast %jit3A_102 : f32 to vector<2048x8xf32>
    %select_n3A_104 = arith.select %eq3A_101, %dot_general3A_81, %broadcast_in_dim3A_103 : vector<2048x8xi1>, vector<2048x8xf32>
    %reduce_sum3A_105 = arith.constant dense<0.000000e+00> : vector<2048xf32>
    %reduce_sum3A_106 = vector.multi_reduction <add>, %select_n3A_104, %reduce_sum3A_105 [1] : vector<2048x8xf32> to vector<2048xf32>
    %broadcast_in_dim3A_107 = vector.shape_cast %reduce_sum3A_106 : vector<2048xf32> to vector<2048x1xf32>
    %lt3A_108 = vector.broadcast %broadcast_in_dim3A_29 : vector<2048x1xi32> to vector<2048x8xi32>
    %lt3A_109 = arith.cmpi slt, %iota3A, %lt3A_108 : vector<2048x8xi32>
    %jit3A_110 = arith.constant 0.000000e+00 : f32
    %broadcast_in_dim3A_111 = vector.broadcast %jit3A_110 : f32 to vector<2048x8xf32>
    %select_n3A_112 = arith.select %lt3A_109, %broadcast_in_dim3A_91, %broadcast_in_dim3A_111 : vector<2048x8xi1>, vector<2048x8xf32>
    %reduce_sum3A_113 = arith.constant dense<0.000000e+00> : vector<2048xf32>
    %reduce_sum3A_114 = vector.multi_reduction <add>, %select_n3A_112, %reduce_sum3A_113 [1] : vector<2048x8xf32> to vector<2048xf32>
    %broadcast_in_dim3A_115 = vector.shape_cast %reduce_sum3A_114 : vector<2048xf32> to vector<2048x1xf32>
    %lt3A_116 = vector.broadcast %broadcast_in_dim3A_45 : vector<2048x1xi32> to vector<2048x8xi32>
    %lt3A_117 = arith.cmpi slt, %iota3A, %lt3A_116 : vector<2048x8xi32>
    %jit3A_118 = arith.constant 0.000000e+00 : f32
    %broadcast_in_dim3A_119 = vector.broadcast %jit3A_118 : f32 to vector<2048x8xf32>
    %select_n3A_120 = arith.select %lt3A_117, %broadcast_in_dim3A_91, %broadcast_in_dim3A_119 : vector<2048x8xi1>, vector<2048x8xf32>
    %reduce_sum3A_121 = arith.constant dense<0.000000e+00> : vector<2048xf32>
    %reduce_sum3A_122 = vector.multi_reduction <add>, %select_n3A_120, %reduce_sum3A_121 [1] : vector<2048x8xf32> to vector<2048xf32>
    %broadcast_in_dim3A_123 = vector.shape_cast %reduce_sum3A_122 : vector<2048xf32> to vector<2048x1xf32>
    %add3A_124 = arith.addf %broadcast_in_dim3A_115, %broadcast_in_dim3A_99 : vector<2048x1xf32>
    %convert_element_type3A = arith.fptosi %add3A_124 : vector<2048x1xf32> to vector<2048x1xi32>
    %swap3A_125 = arith.constant 0 : index
    %swap3A_126 = arith.constant 0 : index
    %swap3A_127 = vector.load %arg3[%swap3A_125, %swap3A_126] : memref<2048x1xi32, #tpu.memory_space<vmem>>, vector<2048x1xi32>
    tpu.vector_store %arg3[%swap3A_125, %swap3A_126], %convert_element_type3A {strides = array<i32>} : memref<2048x1xi32, #tpu.memory_space<vmem>>, vector<2048x1xi32>,
    %add3A_128 = arith.addf %broadcast_in_dim3A_123, %broadcast_in_dim3A_107 : vector<2048x1xf32>
    %convert_element_type3A_129 = arith.fptosi %add3A_128 : vector<2048x1xf32> to vector<2048x1xi32>
    %swap3A_130 = arith.constant 0 : index
    %swap3A_131 = arith.constant 0 : index
    %swap3A_132 = vector.load %arg4[%swap3A_130, %swap3A_131] : memref<2048x1xi32, #tpu.memory_space<vmem>>, vector<2048x1xi32>
    tpu.vector_store %arg4[%swap3A_130, %swap3A_131], %convert_element_type3A_129 {strides = array<i32>} : memref<2048x1xi32, #tpu.memory_space<vmem>>, vector<2048x1xi32>,
    %iota3A_133 = tpu.iota {dimensions = array<i32: 0>} : vector<8x8xi32>
    %iota3A_134 = tpu.iota {dimensions = array<i32: 1>} : vector<8x8xi32>
    %le3A = arith.cmpi sle, %iota3A_133, %iota3A_134 : vector<8x8xi32>
    %jit3A_135 = arith.constant 1.000000e+00 : f32
    %jit3A_136 = arith.constant 0.000000e+00 : f32
    %broadcast_in_dim3A_137 = vector.broadcast %jit3A_135 : f32 to vector<8x8xf32>
    %broadcast_in_dim3A_138 = vector.broadcast %jit3A_136 : f32 to vector<8x8xf32>
    %select_n3A_139 = arith.select %le3A, %broadcast_in_dim3A_137, %broadcast_in_dim3A_138 : vector<8x8xi1>, vector<8x8xf32>
    %dot_general3A_140 = arith.constant dense<0.000000e+00> : vector<1x8xf32>
    %dot_general3A_141 = tpu.matmul %mul3A_89, %select_n3A_139, %dot_general3A_140 {dimension_numbers = #tpu.dot_dimension_numbers<[1], [0], [0], [1], [0, 0, 1, 1], [], []>, transpose_lhs_hint = false} : vector<1x8xf32>, vector<8x8xf32>, vector<1x8xf32> -> vector<1x8xf32>
    %convert_element_type3A_142 = arith.fptosi %dot_general3A_141 : vector<1x8xf32> to vector<1x8xi32>
    %broadcast_in_dim3A_143 = vector.shape_cast %convert_element_type3A_142 : vector<1x8xi32> to vector<1x8xi32>
    %broadcast_in_dim3A_144 = vector.broadcast %broadcast_in_dim3A_143 : vector<1x8xi32> to vector<24x8xi32>
    %iota3A_145 = tpu.iota {dimensions = array<i32: 0>} : vector<24x8xi32>
    %mul3A_146 = arith.constant 512 : i32
    %mul3A_147 = vector.broadcast %mul3A_146 : i32 to vector<24x8xi32>
    %mul3A_148 = arith.muli %iota3A_145, %mul3A_147 : vector<24x8xi32>
    %le3A_149 = arith.cmpi sle, %broadcast_in_dim3A_144, %mul3A_148 : vector<24x8xi32>
    %jit3A_150 = arith.constant 1 : i32
    %jit3A_151 = arith.constant 0 : i32
    %broadcast_in_dim3A_152 = vector.broadcast %jit3A_150 : i32 to vector<24x8xi32>
    %broadcast_in_dim3A_153 = vector.broadcast %jit3A_151 : i32 to vector<24x8xi32>
    %select_n3A_154 = arith.select %le3A_149, %broadcast_in_dim3A_152, %broadcast_in_dim3A_153 : vector<24x8xi1>, vector<24x8xi32>
    %reduce_sum3A_155 = arith.constant dense<0> : vector<24xi32>
    %reduce_sum3A_156 = vector.multi_reduction <add>, %select_n3A_154, %reduce_sum3A_155 [1] : vector<24x8xi32> to vector<24xi32>
    %broadcast_in_dim3A_157 = vector.shape_cast %reduce_sum3A_156 : vector<24xi32> to vector<24x1xi32>
    %min3A_158 = arith.constant 7 : i32
    %min3A_159 = vector.broadcast %min3A_158 : i32 to vector<24x1xi32>
    %min3A_160 = arith.minsi %broadcast_in_dim3A_157, %min3A_159 : vector<24x1xi32>
    %reduce_max3A_161 = arith.constant dense<-2147483648> : vector<1xi32>
    %reduce_max3A_162 = vector.multi_reduction <maxsi>, %convert_element_type3A_142, %reduce_max3A_161 [1] : vector<1x8xi32> to vector<1xi32>
    %broadcast_in_dim3A_163 = vector.shape_cast %reduce_max3A_162 : vector<1xi32> to vector<1x1xi32>
    %jit3A_164 = arith.constant 512 : i32
    %div3A_165 = vector.broadcast %jit3A_164 : i32 to vector<1x1xi32>
    %div3A_166 = arith.divsi %broadcast_in_dim3A_163, %div3A_165 : vector<1x1xi32>
    %sign3A = arith.constant 0 : i32
    %sign3A_167 = vector.broadcast %sign3A : i32 to vector<1x1xi32>
    %sign3A_168 = arith.cmpi sgt, %broadcast_in_dim3A_163, %sign3A_167 : vector<1x1xi32>
    %sign3A_169 = arith.extui %sign3A_168 : vector<1x1xi1> to vector<1x1xi32>
    %sign3A_170 = arith.constant 0 : i32
    %sign3A_171 = vector.broadcast %sign3A_170 : i32 to vector<1x1xi32>
    %sign3A_172 = arith.cmpi slt, %broadcast_in_dim3A_163, %sign3A_171 : vector<1x1xi32>
    %sign3A_173 = arith.extui %sign3A_172 : vector<1x1xi1> to vector<1x1xi32>
    %sign3A_174 = arith.subi %sign3A_169, %sign3A_173 : vector<1x1xi32>
    %sign3A_175 = arith.constant 0 : i32
    %sign3A_176 = arith.cmpi sgt, %jit3A_164, %sign3A_175 : i32
    %sign3A_177 = arith.extui %sign3A_176 : i1 to i32
    %sign3A_178 = arith.constant 0 : i32
    %sign3A_179 = arith.cmpi slt, %jit3A_164, %sign3A_178 : i32
    %sign3A_180 = arith.extui %sign3A_179 : i1 to i32
    %sign3A_181 = arith.subi %sign3A_177, %sign3A_180 : i32
    %ne3A = vector.broadcast %sign3A_181 : i32 to vector<1x1xi32>
    %ne3A_182 = arith.cmpi ne, %sign3A_174, %ne3A : vector<1x1xi32>
    %rem3A = vector.broadcast %jit3A_164 : i32 to vector<1x1xi32>
    %rem3A_183 = arith.remsi %broadcast_in_dim3A_163, %rem3A : vector<1x1xi32>
    %ne3A_184 = arith.constant 0 : i32
    %ne3A_185 = vector.broadcast %ne3A_184 : i32 to vector<1x1xi32>
    %ne3A_186 = arith.cmpi ne, %rem3A_183, %ne3A_185 : vector<1x1xi32>
    %and3A = arith.andi %ne3A_182, %ne3A_186 : vector<1x1xi1>
    %sub3A_187 = arith.constant 1 : i32
    %sub3A_188 = vector.broadcast %sub3A_187 : i32 to vector<1x1xi32>
    %sub3A_189 = arith.subi %div3A_166, %sub3A_188 : vector<1x1xi32>
    %select_n3A_190 = arith.select %and3A, %sub3A_189, %div3A_166 : vector<1x1xi1>, vector<1x1xi32>
    %iota3A_191 = tpu.iota {dimensions = array<i32: 0>} : vector<24x1xi32>
    %lt3A_192 = arith.constant 16 : i32
    %lt3A_193 = vector.broadcast %lt3A_192 : i32 to vector<24x1xi32>
    %lt3A_194 = arith.cmpi slt, %iota3A_191, %lt3A_193 : vector<24x1xi32>
    %broadcast_in_dim3A_195 = vector.shape_cast %select_n3A_190 : vector<1x1xi32> to vector<1x1xi32>
    %broadcast_in_dim3A_196 = vector.broadcast %broadcast_in_dim3A_195 : vector<1x1xi32> to vector<24x1xi32>
    %select_n3A_197 = arith.select %lt3A_194, %min3A_160, %broadcast_in_dim3A_196 : vector<24x1xi1>, vector<24x1xi32>
    %swap3A_198 = arith.constant 0 : index
    %swap3A_199 = arith.constant 0 : index
    %swap3A_200 = vector.load %arg7[%swap3A_198, %swap3A_199] : memref<24x1xi32, #tpu.memory_space<vmem>>, vector<24x1xi32>
    tpu.vector_store %arg7[%swap3A_198, %swap3A_199], %select_n3A_197 {strides = array<i32>} : memref<24x1xi32, #tpu.memory_space<vmem>>, vector<24x1xi32>,
    return
  }
  func.func @transform_0(%arg0: i32) -> (i32, i32) {
    %c0_i32 = arith.constant 0 : i32
    %c0_i32_0 = arith.constant 0 : i32
    %c0_i32_1 = arith.constant 0 : i32
    return %c0_i32, %c0_i32_0 : i32, i32
  }
  func.func @transform_1(%arg0: i32) -> (i32, i32) {
    %c0_i32 = arith.constant 0 : i32
    %c0_i32_0 = arith.constant 0 : i32
    %c0_i32_1 = arith.constant 0 : i32
    return %c0_i32, %c0_i32_0 : i32, i32
  }
  func.func @transform_2(%arg0: i32) -> (i32, i32) {
    %c0_i32 = arith.constant 0 : i32
    %c0_i32_0 = arith.constant 0 : i32
    %c0_i32_1 = arith.constant 0 : i32
    return %c0_i32, %c0_i32_0 : i32, i32
  }
  func.func @transform_3(%arg0: i32) -> (i32, i32) {
    %c0_i32 = arith.constant 0 : i32
    %c0_i32_0 = arith.constant 0 : i32
    %c0_i32_1 = arith.constant 0 : i32
    return %c0_i32, %c0_i32_0 : i32, i32
  }
  func.func @transform_4(%arg0: i32) -> (i32, i32) {
    %c0_i32 = arith.constant 0 : i32
    %c0_i32_0 = arith.constant 0 : i32
    %c0_i32_1 = arith.constant 0 : i32
    return %c0_i32, %c0_i32_0 : i32, i32
  }
  func.func @transform_5(%arg0: i32) -> (i32, i32) {
    %c0_i32 = arith.constant 0 : i32
    %c0_i32_0 = arith.constant 0 : i32
    %c0_i32_1 = arith.constant 0 : i32
    return %c0_i32, %c0_i32_0 : i32, i32
  }
  func.func @transform_6(%arg0: i32) -> (i32, i32) {
    %c0_i32 = arith.constant 0 : i32
    %c0_i32_0 = arith.constant 0 : i32
    %c0_i32_1 = arith.constant 0 : i32
    return %c0_i32, %c0_i32_0 : i32, i32
  }
}

</mosaic_0001>

<sc_bundles>
// kernel: kernel.6.cloned.1.call-start
scs
__scs_entry_jumppad:
0x0: {  	(pc) =	sbr.rel $0x88, $3  }
0x1: {  	(tag) =	ssettag $0x0;
	lr =	simm.s32 $0x1  }
0x2: {  	[smem:$0x3F9D] =	sst lr;
	_ =	strace $0xD0000000  }
0x3: {  	_ = 	snop  }
0x4: {  	_ = 	snop  }
0x5: {  	_ = 	snop  }
0x6: {  	_ = 	snop  }
0x7: {  	_ = 	snop  }
__scs_overlays_trampoline_lowered:
0x8: {  	[smem:$0x3FAC] =	sst s0  }
0x9: {  	[smem:$0x3FAD] =	sst s1  }
0xa: {  	[smem:$0x3FAE] =	sst s2  }
0xb: {  	[smem:$0x3FAF] =	sst s3  }
0xc: {  	[smem:$0x3FB0] =	sst s4  }
0xd: {  	[smem:$0x3FB1] =	sst s5  }
0xe: {  	[smem:$0x3FB2] =	sst s6  }
0xf: {  	[smem:$0x3FB3] =	sst s7  }
0x10: {  	[smem:$0x3FB4] =	sst s8  }
0x11: {  	[smem:$0x3FB5] =	sst s9;
	s0 =	simm.s32 @!p0 $0x0  }
0x12: {  	s1 =	sld [smem:$0x3F9B];
	s0 =	simm.s32 @p0 $0x1  }
0x13: {  	[smem:$0x3FB6] =	sst s0;
	s0 =	simm.s32 @!p1 $0x0  }
0x14: {  	s2 =	sld [smem:$0x3F9A];
	s0 =	simm.s32 @p1 $0x1  }
0x15: {  	[smem:$0x3FB7] =	sst s0;
	s0 =	simm.s32 @!p2 $0x0  }
0x16: {  	s3 =	sld [smem:$0x3FDB];
	s0 =	simm.s32 @p2 $0x1  }
0x17: {  	s4 =	simm.s32 $0x1BF5;
	[smem:$0x3FB9] =	sst s0  }
0x18: {  	s0 =	sld [smem:$0x3F9C];
	_ =	swait.ge [sflag:s4], $0x0  }
0x19: {  	s7 =	sld [smem:$0x3F9D]  }
0x1a: {  	s8 =	sadd.s32 $0xFFFFE003, lr  }
0x1b: {  	s9 =	sadd.s32 $0xFFFFFEF7, lr;
	s5 =	simm.s32 $0xFFFFFFFF;
	p2 =	slt.u32 s8, $0xFFFFF086  }
0x1c: {  	p1 =	slt.u32 s9, $0xF7A;
	s5 =	simm.s32 @!p2 $0x0  }
0x1d: {  	s5 =	simm.s32 @p1 $0x1;
	p0 =	seq.s32 s7, s2  }
0x1e: {  	s7 =	smul.u32 @!p0 $0xF7A, s2;
	p2 =	seq.s32 @!p0 s5, $0x0  }
0x1f: {  	s9 =	smul.u32 $0xF7A, s1;
	s8 =	simm.s32 @!p0 $0x1BF5;
	p2 =	por !p2, p0  }
0x20: {  	[sflag:s8] =	ssyncset.s32 @!p0 $0xFFFFF086;
	s6 =	sadd.s32 @!p0 s3, s7;
	s7 =	simm.s32 @!p0 $0x108  }
0x21: {  	s3 =	sadd.s32 s3, s9;
	s6 =	sadd.s32 @!p0 $0x88, s6;
	s7 =	simm.s32 @p2 $0x1082  }
0x22: {  	[simem:s7], [sflag:s8] =	dma.local @!p0 [hbm:s6], $0xF7A  }
0x23: {  	s9 =	sor.u32 $0xD0000000, s2;
	s6 =	simm.s32 $0x108;
	_ =	swait.ge @!p0 [sflag:s8], $0x0  }
0x24: {  	s3 =	sadd.s32 $0x88, s3;
	s6 =	simm.s32 @!p1 $0x1082;
	[sflag:s4] =	ssyncset.s32 $0xFFFFF086  }
0x25: {  	[simem:s6], [sflag:s4] =	dma.local [hbm:s3], $0xF7A  }
0x26: {  	[smem:$0x3F9D] =	sst s1;
	(tag) =	ssettag s2;
	_ =	strace s9  }
0x27: {  	s1 =	sld [smem:$0x3FAD]  }
0x28: {  	s2 =	sld [smem:$0x3FAE]  }
0x29: {  	s4 =	sld [smem:$0x3FB0]  }
0x2a: {  	p0 =	seq.s32 s5, $0x0;
	s5 =	sld [smem:$0x3FB1]  }
0x2b: {  	s6 =	sld [smem:$0x3FB2]  }
0x2c: {  	s7 =	sld [smem:$0x3FB3]  }
0x2d: {  	s3 =	simm.s32 $0x108;
	s8 =	sld [smem:$0x3FB4]  }
0x2e: {  	s3 =	simm.s32 @!p0 $0x1082;
	s9 =	sld [smem:$0x3FB5]  }
0x2f: {  	lr =	sadd.s32 s0, s3;
	s0 =	sld [smem:$0x3FAC]  }
0x30: {  	s3 =	sld [smem:$0x3FAF]  }
0x31: {  	[smem:$0x3FB8] =	sst s10  }
0x32: {  	s10 =	sld [smem:$0x3FB6];
	_ =	sdelay $0x3  }
0x33: {  	p0 =	seq.s32 s10, $0x1;
	s10 =	sld [smem:$0x3FB8];
	_ =	sdelay $0x3  }
0x34: {  	[smem:$0x3FB8] =	sst s10  }
0x35: {  	s10 =	sld [smem:$0x3FB7];
	_ =	sdelay $0x3  }
0x36: {  	p1 =	seq.s32 s10, $0x1;
	s10 =	sld [smem:$0x3FB8];
	_ =	sdelay $0x3  }
0x37: {  	[smem:$0x3FB8] =	sst s10  }
0x38: {  	s10 =	sld [smem:$0x3FB9]  }
0x39: {  	_ = 	snop;
	(pc) =	sbr.ind lr, $3  }
0x3a: {  	_ = 	snop  }
0x3b: {  	_ = 	snop  }
0x3c: {  	p2 =	seq.s32 s10, $0x1;
	s10 =	sld [smem:$0x3FB8]  }
0x3d: {  	_ =	shalt  }
0x3e: {  	_ =	shalt  }
0x3f: {  	_ =	shalt  }
0x40: {  	_ =	shalt  }
0x41: {  	_ =	shalt  }
0x42: {  	_ =	shalt  }
0x43: {  	_ =	shalt  }
0x44: {  	_ =	shalt  }
0x45: {  	_ =	shalt  }
0x46: {  	_ =	shalt  }
0x47: {  	_ =	shalt  }
0x48: {  	_ =	shalt  }
0x49: {  	_ =	shalt  }
0x4a: {  	_ =	shalt  }
0x4b: {  	_ =	shalt  }
0x4c: {  	_ =	shalt  }
0x4d: {  	_ =	shalt  }
0x4e: {  	_ =	shalt  }
0x4f: {  	_ =	shalt  }
0x50: {  	_ =	shalt  }
0x51: {  	_ =	shalt  }
0x52: {  	_ =	shalt  }
0x53: {  	_ =	shalt  }
0x54: {  	_ =	shalt  }
0x55: {  	_ =	shalt  }
0x56: {  	_ =	shalt  }
0x57: {  	_ =	shalt  }
0x58: {  	_ =	shalt  }
0x59: {  	_ =	shalt  }
0x5a: {  	_ =	shalt  }
0x5b: {  	_ =	shalt  }
0x5c: {  	_ =	shalt  }
0x5d: {  	_ =	shalt  }
0x5e: {  	_ =	shalt  }
0x5f: {  	_ =	shalt  }
0x60: {  	_ =	shalt  }
0x61: {  	_ =	shalt  }
0x62: {  	_ =	shalt  }
0x63: {  	_ =	shalt  }
0x64: {  	_ =	shalt  }
0x65: {  	_ =	shalt  }
0x66: {  	_ =	shalt  }
0x67: {  	_ =	shalt  }
0x68: {  	_ =	shalt  }
0x69: {  	_ =	shalt  }
0x6a: {  	_ =	shalt  }
0x6b: {  	_ =	shalt  }
0x6c: {  	_ =	shalt  }
0x6d: {  	_ =	shalt  }
0x6e: {  	_ =	shalt  }
0x6f: {  	_ =	shalt  }
0x70: {  	_ =	shalt  }
0x71: {  	_ =	shalt  }
0x72: {  	_ =	shalt  }
0x73: {  	_ =	shalt  }
0x74: {  	_ =	shalt  }
0x75: {  	_ =	shalt  }
0x76: {  	_ =	shalt  }
0x77: {  	_ =	shalt  }
0x78: {  	_ =	shalt  }
0x79: {  	_ =	shalt  }
0x7a: {  	_ =	shalt  }
0x7b: {  	_ =	shalt  }
0x7c: {  	_ =	shalt  }
0x7d: {  	_ =	shalt  }
0x7e: {  	_ =	shalt  }
0x7f: {  	_ =	shalt  }
0x80: {  	_ =	shalt  }
0x81: {  	_ =	shalt  }
0x82: {  	_ =	shalt  }
0x83: {  	_ =	shalt  }
0x84: {  	_ =	shalt  }
0x85: {  	_ =	shalt  }
0x86: {  	_ =	shalt  }
0x87: {  	_ =	shalt  }
.Lfunc_end0:
.L_simem_size_0:
called_computation_lowered:
.L_overlay_start_0:
0x88: {  	s2 =	sld [smem:$0x3FD9]  }
0x89: {  	s3 =	sld [smem:$0x3FFE];
	_ =	sdelay $0x1  }
0x8a: {  	s1 =	srdreg.scid  }
0x8b: {  	s0 =	sand.u32 $0x1, s1  }
0x8c: {  	s17 =	sshll.u32 s0, $0xA;
	s2 =	sadd.s32 s3, s2  }
0x8d: {  	s2 =	sadd.s32 s2, s17  }
0x8e: {  	[smem:$0x3FC4] =	sst s2  }
0x8f: {  	_ = 	snop  }
0x90: {  	s2 =	sld [smem:$0x3FC9]  }
0x91: {  	s18 =	sld [smem:$0x3FD0];
	(tm) =	ssettm $0x1  }
0x92: {  	s4 =	sld [smem:$0x3FFB];
	_ =	sdelay $0x3  }
0x93: {  	_ =	strace s4  }
0x94: {  	s4 =	sld [smem:$0x3FFC];
	_ =	sdelay $0x3  }
0x95: {  	_ =	strace s4  }
0x96: {  	s4 =	sld [smem:$0x3FFD];
	_ =	sdelay $0x3  }
0x97: {  	_ =	strace s4  }
0x98: {  	_ =	strace $0x8FFFFFFF  }
0x99: {  	s19 =	sld [smem:$0x3FDB];
	_ =	sdelay $0x1  }
0x9a: {  	s5 =	simm.s32 $_scs_section_size  }
0x9b: {  	s6 =	simm.s32 $_size__tile_overlayer_lowered;
	s7 =	simm.s32 $_tile_overlayer_lowered  }
0x9c: {  	s22 =	simm.s32 $0x1BFF;
	s21 =	sshll.u32 s7, $0x1;
	s4 =	sadd.s32 s5, s19  }
0x9d: {  	s8 =	simm.s32 $0x0;
	s20 =	sshll.u32 s6, $0x1;
	s6 =	sadd.s32 s21, s4  }
0x9e: {  	[timem:s8], [sflag:s22] =	dma.local [hbm:s6], s20  }
0x9f: {  	_ =	swait.ge [sflag:s22], s20  }
0xa0: {  	s5 =	ssub.s32 $0x0, s20;
	[sflag:s22] =	ssyncset.done $0x0  }
0xa1: {  	[sflag:s22] =	ssyncadd.s32 s5;
	_ =	sdelay $0x1  }
0xa2: {  	s23 =	simm.s32 $0x1B8B  }
0xa3: {  	_ =	swait.ge [sflag:s23], $0x1  }
0xa4: {  	[sflag:s23] =	ssyncset.done $0x0  }
0xa5: {  	s25 =	simm.s32 $0x1B8E;
	s24 =	sld [smem:$0x3FFE];
	[sflag:s23] =	ssyncadd.s32 $0xFFFFFFFF  }
0xa6: {  	s26 =	simm.s32 $execute0_lowered;
	[smem:$0x3FD2] =	sst s25  }
0xa7: {  	s6 =	sshll.u32 s26, $0x1;
	_ =	strace $0x80000046;
	[dreg:$0x1] =	wrdreg $0xFFFFFFFF  }
0xa8: {  	s28 =	simm.s32 $_size_execute0_lowered;
	s4 =	sadd.s32 s4, s6;
	[dreg:$0x0] =	wrdreg $0x0  }
0xa9: {  	s6 =	sshll.u32 s28, $0x1;
	[dreg:$0x2] =	wrdreg s4  }
0xaa: {  	[dreg:$0x3] =	wrdreg s6  }
0xab: {  	[dreg:$0x4] =	wrdreg $0xC0  }
0xac: {  	_ =	task [dreg:s8], $0x5FFFF  }
0xad: {  	[dreg:$0x1] =	wrdreg $0xFFFFFFFF  }
0xae: {  	[dreg:$0x0] =	wrdreg $0x60  }
0xaf: {  	[dreg:$0x2] =	wrdreg s2  }
0xb0: {  	[dreg:$0x3] =	wrdreg s24  }
0xb1: {  	[dreg:$0x4] =	wrdreg s18  }
0xb2: {  	[dreg:$0x5] =	wrdreg $0x9  }
0xb3: {  	_ =	task.clear_ibuf [dreg:s8], $0x6FFFF;
	_ =	strace $0x90000046  }
0xb4: {  	s29 =	simm.s32 $0x9;
	_ =	strace $0x80000048  }
0xb5: {  	_ =	swait.ge [sflag:s29], $0x1  }
0xb6: {  	[sflag:s29] =	ssyncadd.s32 $0xFFFFFFFF  }
0xb7: {  	_ =	strace $0x90000048  }
0xb8: {  	_ =	sfence  }
0xb9: {  	s30 =	sld [smem:$0x0];
	_ =	sdelay $0x2  }
0xba: {  	s31 =	sshll.u32 s1, $0xD;
	s1 =	sshrl.u32 s1, $0x2  }
0xbb: {  	s3 =	sand.u32 $0x4000, s31;
	s1 =	sadd.s32 s1, s30  }
0xbc: {  	s0 =	sor.u32 s3, s0;
	s1 =	sshll.u32 s1, $0x11  }
0xbd: {  	s0 =	sor.u32 s1, s0  }
0xbe: {  	s0 =	sadd.s32 $0x8F2B, s0  }
0xbf: {  	[sflag:s0] =	ssyncadd.remote.s32 $0x1  }
0xc0: {  	_ =	sfence.sel $0xFFFF  }
0xc1: {  	[dreg:$0x0] =	wrdreg $0xFFFFFFFF;
	(pc) =	sbr.abs _section_cstart, $3  }
0xc2: {  	[dreg:$0x1] =	wrdreg $0xFFFFFFFF  }
0xc3: {  	_ =	task.clear_ibuf [dreg:s8], $0x2FFFF;
	_ =	strace $0x9FFFFFFF  }
0xc4: {  	(tm) =	ssettm $0x7FFFFFFF  }
0xc5: {  	_ =	shalt  }
tec
execute0_lowered:
.L_overlay_start_1:
0x0: {  	(tag) =	ssettag $0x1  }
0x1: {  	s0 =	srdreg.scid  }
0x2: {  	s1 =	rddreg [dreg:$0x0];
	s3 =	stileid.u32  }
0x3: {  	s2 =	rddreg [dreg:$0x1];
	s13 =	simm.s32 $0x1;
	s23 =	simm.s32 $0x100  }
0x4: {  	s29 =	simm.s32 $0x900;
	s30 =	simm.s32 $0x1100;
	s31 =	simm.s32 $0x1900  }
0x5: {  	s9 =	simm.s32 $0x3900;
	s11 =	simm.s32 $0x4100;
	s12 =	simm.s32 $0x4900  }
0x6: {  	s14 =	simm.s32 $0x5100;
	s15 =	simm.s32 $0x5900;
	s16 =	simm.s32 $0x6100  }
0x7: {  	s17 =	simm.s32 $0x6900;
	s18 =	simm.s32 $0x7100;
	s19 =	simm.s32 $0x7900  }
0x8: {  	s20 =	simm.s32 $0x8100;
	s21 =	simm.s32 $0x8900;
	s22 =	simm.s32 $0x9100  }
0x9: {  	s10 =	simm.s32 $0x9900;
	s28 =	simm.s32 $0xB100;
	s0 =	sand.u32 $0x1, s0  }
0xa: {  	s3 =	sshll.u32 s3, $0x7;
	s4 =	sshll.u32 s0, $0x6;
	s0 =	ssub.s32 $0x2, s0  }
0xb: {  	s4 =	sor.u32 s4, s3;
	s3 =	simm.s32 $0x0;
	s25 =	sshrl.u32 s0, $0x1  }
0xc: {  	s5 =	sshrl.u32 s4, $0x3;
	s6 =	sshll.u32 s4, $0x4;
	s4 =	sshll.u32 s4, $0x7  }
0xd: {  	[smem:$0x7FF] =	sst s3;
	s5 =	sadd.s32 s5, s2;
	s1 =	sadd.s32 s1, s4  }
0xe: {  	_ =	strace $0x80000047;
	s7 =	sadd.s32 $0x10600, s5;
	[dreg:$0x6] =	wrdreg s1  }
0xf: {  	s6 =	sadd.s32 s6, s2;
	s5 =	sadd.s32 $0x10800, s5;
	[dreg:$0x4] =	wrdreg s7  }
0x10: {  	s0 =	ssub.s32 s0, s25;
	s24 =	sadd.s32 $0x600, s6;
	[dreg:$0x5] =	wrdreg s5  }
0x11: {  	v2 =	vlaneseq.u32;
	s4 =	sadd.s32 $0x10A00, s2;
	s26 =	sadd.s32 $0x8600, s6;
	[dreg:$0x7] =	wrdreg s24  }
0x12: {  	vm0 =	vmmov $0xffff;
	v1 =	vshrl.u32 v2, $0x3;
	s8 =	smax.u32 s0, $0x1;
	s6 =	sadd.s32 $0x10C00, s2;
	[dreg:$0x8] =	wrdreg s26  }
0x13: {  	v0 =	vand.u32 $0x7, v2;
	v2 =	vor.u32 $0x8, v2;
	v1 =	vmul.u32 $0x8, v1;
	s5 =	sadd.s32 $0x10B00, s2;
	s7 =	sadd.s32 $0x10D00, s2;
	s26 =	simm.s32 $0xA900  }
.LBB2_1:
0x14: {  	s24 =	rddreg [dreg:$0x4]  }
0x15: {  	[tilespmem:s3], [sflag:$0x1] =	stream.linear.gather [hbm4b:s24+s3], $0x40, $0x38;
	[tilespmem:$0x14100] =	vst v63  }
0x16: {  	s25 =	rddreg [dreg:$0x5];
	s0 =	simm.s32 $0x80  }
0x17: {  	[tilespmem:s0], [sflag:$0x1] =	stream.linear.gather [hbm4b:s25+s3], $0x40, $0x38;
	[tilespmem:$0x14100] =	vst v63  }
0x18: {  	s2 =	rddreg [dreg:$0x6]  }
0x19: {  	[tilespmem:s23], [sflag:$0x1] =	stream.linear.gather [hbm4b:s2+s3], $0x10000, $0x38;
	[tilespmem:$0x14100] =	vst v63  }
0x1a: {  	s0 =	rddreg [dreg:$0x7];
	s2 =	simm.s32 $0x10100  }
0x1b: {  	[tilespmem:s2], [sflag:$0x1] =	stream.linear.gather [hbm4b:s0+s3], $0x2000, $0x38;
	[tilespmem:$0x14100] =	vst v63  }
0x1c: {  	s1 =	rddreg [dreg:$0x8];
	s25 =	simm.s32 $0x12100  }
0x1d: {  	[tilespmem:s25], [sflag:$0x1] =	stream.linear.gather [hbm4b:s1+s3], $0x2000, $0x38;
	[tilespmem:$0x14100] =	vst v63  }
0x1e: {  	_ =	swait.ge [sflag:s13], $0x40  }
0x1f: {  	[sflag:s13] =	ssyncset.done $0x0  }
0x20: {  	[sflag:s13] =	ssyncadd.s32 $0xFFFFFFC0  }
0x21: {  	_ =	swait.ge [sflag:s13], $0x40  }
0x22: {  	[sflag:s13] =	ssyncset.done $0x0  }
0x23: {  	[sflag:s13] =	ssyncadd.s32 $0xFFFFFFC0  }
0x24: {  	_ =	swait.ge [sflag:s13], $0x10000  }
0x25: {  	[sflag:s13] =	ssyncset.done $0x0  }
0x26: {  	[sflag:s13] =	ssyncadd.s32 $0xFFFF0000  }
0x27: {  	_ =	swait.ge [sflag:s13], $0x2000  }
0x28: {  	[sflag:s13] =	ssyncset.done $0x0  }
0x29: {  	[sflag:s13] =	ssyncadd.s32 $0xFFFFE000  }
0x2a: {  	_ =	swait.ge [sflag:s13], $0x2000  }
0x2b: {  	[sflag:s13] =	ssyncset.done $0x0  }
0x2c: {  	[sflag:s13] =	ssyncadd.s32 $0xFFFFE000  }
0x2d: {  	v3 =	vld [tilespmem:$0x0];
	_ =	sdelay $0x4  }
0x2e: {  	v4 =	vshll.u32 v3, $0x3  }
0x2f: {  	v3 =	vand.u32 $0x7, v3;
	v4 =	vand.u32 $0xFFFFFFC0, v4  }
0x30: {  	v3 =	vor.u32 v3, v4  }
0x31: {  	v4 =	vperm.xlane v3, v0;
	_ =	sdelay $0x1  }
0x32: {  	v4 =	vadd.s32 v1, v4;
	_ =	sdelay $0x4  }
0x33: {  	[hbm4b:s4+s3] =	stream.indirect_vreg.scatter [tilespmem:s23], [sflag:$0x1], $0x80, v4, vm0, $0xb8;
	[tilespmem:$0x14100] =	vst v63  }
0x34: {  	v3 =	vperm.xlane v3, v2  }
0x35: {  	[hbm4b:s5+s3] =	stream.indirect_vreg.scatter [tilespmem:s29], [sflag:$0x1], $0x80, v4, vm0, $0xb8;
	[tilespmem:$0x14100] =	vst v63  }
0x36: {  	v3 =	vadd.s32 v1, v3  }
0x37: {  	[hbm4b:s6+s3] =	stream.indirect_vreg.scatter [tilespmem:s30], [sflag:$0x1], $0x80, v4, vm0, $0xb8;
	[tilespmem:$0x14100] =	vst v63  }
0x38: {  	_ = 	snop  }
0x39: {  	[hbm4b:s7+s3] =	stream.indirect_vreg.scatter [tilespmem:s31], [sflag:$0x1], $0x80, v4, vm0, $0xb8;
	[tilespmem:$0x14100] =	vst v63  }
0x3a: {  	s1 =	simm.s32 $0x2100  }
0x3b: {  	[hbm4b:s4+s3] =	stream.indirect_vreg.scatter [tilespmem:s1], [sflag:$0x1], $0x80, v3, vm0, $0xb8;
	[tilespmem:$0x14100] =	vst v63  }
0x3c: {  	s2 =	simm.s32 $0x2900  }
0x3d: {  	[hbm4b:s5+s3] =	stream.indirect_vreg.scatter [tilespmem:s2], [sflag:$0x1], $0x80, v3, vm0, $0xb8;
	[tilespmem:$0x14100] =	vst v63  }
0x3e: {  	s2 =	simm.s32 $0x3100  }
0x3f: {  	[hbm4b:s6+s3] =	stream.indirect_vreg.scatter [tilespmem:s2], [sflag:$0x1], $0x80, v3, vm0, $0xb8;
	[tilespmem:$0x14100] =	vst v63  }
0x40: {  	_ = 	snop  }
0x41: {  	[hbm4b:s7+s3] =	stream.indirect_vreg.scatter [tilespmem:s9], [sflag:$0x1], $0x80, v3, vm0, $0xb8;
	[tilespmem:$0x14100] =	vst v63  }
0x42: {  	v3 =	vld [tilespmem:$0x10];
	_ =	sdelay $0x4  }
0x43: {  	v57 =	vshll.u32 v3, $0x3  }
0x44: {  	v3 =	vand.u32 $0x7, v3;
	v4 =	vand.u32 $0xFFFFFFC0, v57  }
0x45: {  	v3 =	vor.u32 v3, v4  }
0x46: {  	v4 =	vperm.xlane v3, v0;
	_ =	sdelay $0x1  }
0x47: {  	v4 =	vadd.s32 v1, v4;
	_ =	sdelay $0x4  }
0x48: {  	[hbm4b:s4+s3] =	stream.indirect_vreg.scatter [tilespmem:s11], [sflag:$0x1], $0x80, v4, vm0, $0xb8;
	[tilespmem:$0x14100] =	vst v63  }
0x49: {  	v3 =	vperm.xlane v3, v2  }
0x4a: {  	[hbm4b:s5+s3] =	stream.indirect_vreg.scatter [tilespmem:s12], [sflag:$0x1], $0x80, v4, vm0, $0xb8;
	[tilespmem:$0x14100] =	vst v63  }
0x4b: {  	v3 =	vadd.s32 v1, v3  }
0x4c: {  	[hbm4b:s6+s3] =	stream.indirect_vreg.scatter [tilespmem:s14], [sflag:$0x1], $0x80, v4, vm0, $0xb8;
	[tilespmem:$0x14100] =	vst v63  }
0x4d: {  	_ = 	snop  }
0x4e: {  	[hbm4b:s7+s3] =	stream.indirect_vreg.scatter [tilespmem:s15], [sflag:$0x1], $0x80, v4, vm0, $0xb8;
	[tilespmem:$0x14100] =	vst v63  }
0x4f: {  	_ = 	snop  }
0x50: {  	[hbm4b:s4+s3] =	stream.indirect_vreg.scatter [tilespmem:s16], [sflag:$0x1], $0x80, v3, vm0, $0xb8;
	[tilespmem:$0x14100] =	vst v63  }
0x51: {  	_ = 	snop  }
0x52: {  	[hbm4b:s5+s3] =	stream.indirect_vreg.scatter [tilespmem:s17], [sflag:$0x1], $0x80, v3, vm0, $0xb8;
	[tilespmem:$0x14100] =	vst v63  }
0x53: {  	_ = 	snop  }
0x54: {  	[hbm4b:s6+s3] =	stream.indirect_vreg.scatter [tilespmem:s18], [sflag:$0x1], $0x80, v3, vm0, $0xb8;
	[tilespmem:$0x14100] =	vst v63  }
0x55: {  	_ = 	snop  }
0x56: {  	[hbm4b:s7+s3] =	stream.indirect_vreg.scatter [tilespmem:s19], [sflag:$0x1], $0x80, v3, vm0, $0xb8;
	[tilespmem:$0x14100] =	vst v63  }
0x57: {  	v3 =	vld [tilespmem:$0x20];
	_ =	sdelay $0x4  }
0x58: {  	v58 =	vshll.u32 v3, $0x3  }
0x59: {  	v3 =	vand.u32 $0x7, v3;
	v4 =	vand.u32 $0xFFFFFFC0, v58  }
0x5a: {  	v3 =	vor.u32 v3, v4  }
0x5b: {  	v4 =	vperm.xlane v3, v0;
	_ =	sdelay $0x1  }
0x5c: {  	v4 =	vadd.s32 v1, v4;
	_ =	sdelay $0x4  }
0x5d: {  	[hbm4b:s4+s3] =	stream.indirect_vreg.scatter [tilespmem:s20], [sflag:$0x1], $0x80, v4, vm0, $0xb8;
	[tilespmem:$0x14100] =	vst v63  }
0x5e: {  	v3 =	vperm.xlane v3, v2  }
0x5f: {  	[hbm4b:s5+s3] =	stream.indirect_vreg.scatter [tilespmem:s21], [sflag:$0x1], $0x80, v4, vm0, $0xb8;
	[tilespmem:$0x14100] =	vst v63  }
0x60: {  	v3 =	vadd.s32 v1, v3  }
0x61: {  	[hbm4b:s6+s3] =	stream.indirect_vreg.scatter [tilespmem:s22], [sflag:$0x1], $0x80, v4, vm0, $0xb8;
	[tilespmem:$0x14100] =	vst v63  }
0x62: {  	_ = 	snop  }
0x63: {  	[hbm4b:s7+s3] =	stream.indirect_vreg.scatter [tilespmem:s10], [sflag:$0x1], $0x80, v4, vm0, $0xb8;
	[tilespmem:$0x14100] =	vst v63  }
0x64: {  	s25 =	simm.s32 $0xA100  }
0x65: {  	[hbm4b:s4+s3] =	stream.indirect_vreg.scatter [tilespmem:s25], [sflag:$0x1], $0x80, v3, vm0, $0xb8;
	[tilespmem:$0x14100] =	vst v63  }
0x66: {  	_ = 	snop  }
0x67: {  	[hbm4b:s5+s3] =	stream.indirect_vreg.scatter [tilespmem:s26], [sflag:$0x1], $0x80, v3, vm0, $0xb8;
	[tilespmem:$0x14100] =	vst v63  }
0x68: {  	_ = 	snop  }
0x69: {  	[hbm4b:s6+s3] =	stream.indirect_vreg.scatter [tilespmem:s28], [sflag:$0x1], $0x80, v3, vm0, $0xb8;
	[tilespmem:$0x14100] =	vst v63  }
0x6a: {  	s24 =	simm.s32 $0xB900  }
0x6b: {  	[hbm4b:s7+s3] =	stream.indirect_vreg.scatter [tilespmem:s24], [sflag:$0x1], $0x80, v3, vm0, $0xb8;
	[tilespmem:$0x14100] =	vst v63  }
0x6c: {  	v3 =	vld [tilespmem:$0x30];
	_ =	sdelay $0x4  }
0x6d: {  	v59 =	vshll.u32 v3, $0x3  }
0x6e: {  	v3 =	vand.u32 $0x7, v3;
	v4 =	vand.u32 $0xFFFFFFC0, v59  }
0x6f: {  	v3 =	vor.u32 v3, v4  }
0x70: {  	v4 =	vperm.xlane v3, v0;
	_ =	sdelay $0x1  }
0x71: {  	v4 =	vadd.s32 v1, v4;
	_ =	sdelay $0x3  }
0x72: {  	s1 =	simm.s32 $0xC100  }
0x73: {  	[hbm4b:s4+s3] =	stream.indirect_vreg.scatter [tilespmem:s1], [sflag:$0x1], $0x80, v4, vm0, $0xb8;
	[tilespmem:$0x14100] =	vst v63  }
0x74: {  	s24 =	simm.s32 $0xC900;
	v3 =	vperm.xlane v3, v2  }
0x75: {  	[hbm4b:s5+s3] =	stream.indirect_vreg.scatter [tilespmem:s24], [sflag:$0x1], $0x80, v4, vm0, $0xb8;
	[tilespmem:$0x14100] =	vst v63  }
0x76: {  	v3 =	vadd.s32 v1, v3;
	s1 =	simm.s32 $0xD100  }
0x77: {  	[hbm4b:s6+s3] =	stream.indirect_vreg.scatter [tilespmem:s1], [sflag:$0x1], $0x80, v4, vm0, $0xb8;
	[tilespmem:$0x14100] =	vst v63  }
0x78: {  	s24 =	simm.s32 $0xD900  }
0x79: {  	[hbm4b:s7+s3] =	stream.indirect_vreg.scatter [tilespmem:s24], [sflag:$0x1], $0x80, v4, vm0, $0xb8;
	[tilespmem:$0x14100] =	vst v63  }
0x7a: {  	s1 =	simm.s32 $0xE100  }
0x7b: {  	[hbm4b:s4+s3] =	stream.indirect_vreg.scatter [tilespmem:s1], [sflag:$0x1], $0x80, v3, vm0, $0xb8;
	[tilespmem:$0x14100] =	vst v63  }
0x7c: {  	s24 =	simm.s32 $0xE900  }
0x7d: {  	[hbm4b:s5+s3] =	stream.indirect_vreg.scatter [tilespmem:s24], [sflag:$0x1], $0x80, v3, vm0, $0xb8;
	[tilespmem:$0x14100] =	vst v63  }
0x7e: {  	s1 =	simm.s32 $0xF100  }
0x7f: {  	[hbm4b:s6+s3] =	stream.indirect_vreg.scatter [tilespmem:s1], [sflag:$0x1], $0x80, v3, vm0, $0xb8;
	[tilespmem:$0x14100] =	vst v63  }
0x80: {  	s24 =	simm.s32 $0xF900  }
0x81: {  	[hbm4b:s7+s3] =	stream.indirect_vreg.scatter [tilespmem:s24], [sflag:$0x1], $0x80, v3, vm0, $0xb8;
	[tilespmem:$0x14100] =	vst v63  }
0x82: {  	s0 =	simm.s32 $0x10100;
	s1 =	simm.s32 $0x40;
	s24 =	rddreg [dreg:$0x2]  }
0x83: {  	[hbm4b:s24+s1] =	stream.indirect.scatter [tilespmem:s0], [sflag:$0x2], $0x80, s3, s1, $0xb8;
	[tilespmem:$0x14100] =	vst v63  }
0x84: {  	v3 =	vld [tilespmem:$0x80];
	_ =	sdelay $0x4  }
0x85: {  	v60 =	vshll.u32 v3, $0x3  }
0x86: {  	v3 =	vand.u32 $0x7, v3;
	v4 =	vand.u32 $0xFFFFFFC0, v60  }
0x87: {  	v3 =	vor.u32 v3, v4  }
0x88: {  	v4 =	vperm.xlane v3, v0;
	_ =	sdelay $0x1  }
0x89: {  	v4 =	vadd.s32 v1, v4;
	_ =	sdelay $0x4  }
0x8a: {  	[hbm4b:s4+s3] =	stream.indirect_vreg.scatter [tilespmem:s23], [sflag:$0x1], $0x80, v4, vm0, $0xb8;
	[tilespmem:$0x14100] =	vst v63  }
0x8b: {  	v3 =	vperm.xlane v3, v2  }
0x8c: {  	[hbm4b:s5+s3] =	stream.indirect_vreg.scatter [tilespmem:s29], [sflag:$0x1], $0x80, v4, vm0, $0xb8;
	[tilespmem:$0x14100] =	vst v63  }
0x8d: {  	v3 =	vadd.s32 v1, v3  }
0x8e: {  	[hbm4b:s6+s3] =	stream.indirect_vreg.scatter [tilespmem:s30], [sflag:$0x1], $0x80, v4, vm0, $0xb8;
	[tilespmem:$0x14100] =	vst v63  }
0x8f: {  	_ = 	snop  }
0x90: {  	[hbm4b:s7+s3] =	stream.indirect_vreg.scatter [tilespmem:s31], [sflag:$0x1], $0x80, v4, vm0, $0xb8;
	[tilespmem:$0x14100] =	vst v63  }
0x91: {  	s1 =	simm.s32 $0x2100  }
0x92: {  	[hbm4b:s4+s3] =	stream.indirect_vreg.scatter [tilespmem:s1], [sflag:$0x1], $0x80, v3, vm0, $0xb8;
	[tilespmem:$0x14100] =	vst v63  }
0x93: {  	s1 =	simm.s32 $0x2900  }
0x94: {  	[hbm4b:s5+s3] =	stream.indirect_vreg.scatter [tilespmem:s1], [sflag:$0x1], $0x80, v3, vm0, $0xb8;
	[tilespmem:$0x14100] =	vst v63  }
0x95: {  	_ = 	snop  }
0x96: {  	[hbm4b:s6+s3] =	stream.indirect_vreg.scatter [tilespmem:s2], [sflag:$0x1], $0x80, v3, vm0, $0xb8;
	[tilespmem:$0x14100] =	vst v63  }
0x97: {  	_ = 	snop  }
0x98: {  	[hbm4b:s7+s3] =	stream.indirect_vreg.scatter [tilespmem:s9], [sflag:$0x1], $0x80, v3, vm0, $0xb8;
	[tilespmem:$0x14100] =	vst v63  }
0x99: {  	v3 =	vld [tilespmem:$0x90];
	_ =	sdelay $0x4  }
0x9a: {  	v61 =	vshll.u32 v3, $0x3  }
0x9b: {  	v3 =	vand.u32 $0x7, v3;
	v4 =	vand.u32 $0xFFFFFFC0, v61  }
0x9c: {  	v3 =	vor.u32 v3, v4  }
0x9d: {  	v4 =	vperm.xlane v3, v0;
	_ =	sdelay $0x1  }
0x9e: {  	v4 =	vadd.s32 v1, v4;
	_ =	sdelay $0x4  }
0x9f: {  	[hbm4b:s4+s3] =	stream.indirect_vreg.scatter [tilespmem:s11], [sflag:$0x1], $0x80, v4, vm0, $0xb8;
	[tilespmem:$0x14100] =	vst v63  }
0xa0: {  	v3 =	vperm.xlane v3, v2  }
0xa1: {  	[hbm4b:s5+s3] =	stream.indirect_vreg.scatter [tilespmem:s12], [sflag:$0x1], $0x80, v4, vm0, $0xb8;
	[tilespmem:$0x14100] =	vst v63  }
0xa2: {  	v3 =	vadd.s32 v1, v3  }
0xa3: {  	[hbm4b:s6+s3] =	stream.indirect_vreg.scatter [tilespmem:s14], [sflag:$0x1], $0x80, v4, vm0, $0xb8;
	[tilespmem:$0x14100] =	vst v63  }
0xa4: {  	_ = 	snop  }
0xa5: {  	[hbm4b:s7+s3] =	stream.indirect_vreg.scatter [tilespmem:s15], [sflag:$0x1], $0x80, v4, vm0, $0xb8;
	[tilespmem:$0x14100] =	vst v63  }
0xa6: {  	_ = 	snop  }
0xa7: {  	[hbm4b:s4+s3] =	stream.indirect_vreg.scatter [tilespmem:s16], [sflag:$0x1], $0x80, v3, vm0, $0xb8;
	[tilespmem:$0x14100] =	vst v63  }
0xa8: {  	_ = 	snop  }
0xa9: {  	[hbm4b:s5+s3] =	stream.indirect_vreg.scatter [tilespmem:s17], [sflag:$0x1], $0x80, v3, vm0, $0xb8;
	[tilespmem:$0x14100] =	vst v63  }
0xaa: {  	_ = 	snop  }
0xab: {  	[hbm4b:s6+s3] =	stream.indirect_vreg.scatter [tilespmem:s18], [sflag:$0x1], $0x80, v3, vm0, $0xb8;
	[tilespmem:$0x14100] =	vst v63  }
0xac: {  	_ = 	snop  }
0xad: {  	[hbm4b:s7+s3] =	stream.indirect_vreg.scatter [tilespmem:s19], [sflag:$0x1], $0x80, v3, vm0, $0xb8;
	[tilespmem:$0x14100] =	vst v63  }
0xae: {  	v3 =	vld [tilespmem:$0xA0];
	_ =	sdelay $0x4  }
0xaf: {  	v62 =	vshll.u32 v3, $0x3  }
0xb0: {  	v3 =	vand.u32 $0x7, v3;
	v4 =	vand.u32 $0xFFFFFFC0, v62  }
0xb1: {  	v3 =	vor.u32 v3, v4  }
0xb2: {  	v4 =	vperm.xlane v3, v0;
	_ =	sdelay $0x1  }
0xb3: {  	v4 =	vadd.s32 v1, v4;
	_ =	sdelay $0x4  }
0xb4: {  	[hbm4b:s4+s3] =	stream.indirect_vreg.scatter [tilespmem:s20], [sflag:$0x1], $0x80, v4, vm0, $0xb8;
	[tilespmem:$0x14100] =	vst v63  }
0xb5: {  	v3 =	vperm.xlane v3, v2  }
0xb6: {  	[hbm4b:s5+s3] =	stream.indirect_vreg.scatter [tilespmem:s21], [sflag:$0x1], $0x80, v4, vm0, $0xb8;
	[tilespmem:$0x14100] =	vst v63  }
0xb7: {  	v3 =	vadd.s32 v1, v3  }
0xb8: {  	[hbm4b:s6+s3] =	stream.indirect_vreg.scatter [tilespmem:s22], [sflag:$0x1], $0x80, v4, vm0, $0xb8;
	[tilespmem:$0x14100] =	vst v63  }
0xb9: {  	_ = 	snop  }
0xba: {  	[hbm4b:s7+s3] =	stream.indirect_vreg.scatter [tilespmem:s10], [sflag:$0x1], $0x80, v4, vm0, $0xb8;
	[tilespmem:$0x14100] =	vst v63  }
0xbb: {  	_ = 	snop  }
0xbc: {  	[hbm4b:s4+s3] =	stream.indirect_vreg.scatter [tilespmem:s25], [sflag:$0x1], $0x80, v3, vm0, $0xb8;
	[tilespmem:$0x14100] =	vst v63  }
0xbd: {  	_ = 	snop  }
0xbe: {  	[hbm4b:s5+s3] =	stream.indirect_vreg.scatter [tilespmem:s26], [sflag:$0x1], $0x80, v3, vm0, $0xb8;
	[tilespmem:$0x14100] =	vst v63  }
0xbf: {  	_ = 	snop  }
0xc0: {  	[hbm4b:s6+s3] =	stream.indirect_vreg.scatter [tilespmem:s28], [sflag:$0x1], $0x80, v3, vm0, $0xb8;
	[tilespmem:$0x14100] =	vst v63  }
0xc1: {  	s1 =	simm.s32 $0xB900  }
0xc2: {  	[hbm4b:s7+s3] =	stream.indirect_vreg.scatter [tilespmem:s1], [sflag:$0x1], $0x80, v3, vm0, $0xb8;
	[tilespmem:$0x14100] =	vst v63  }
0xc3: {  	v3 =	vld [tilespmem:$0xB0];
	_ =	sdelay $0x4  }
0xc4: {  	v63 =	vshll.u32 v3, $0x3  }
0xc5: {  	v3 =	vand.u32 $0x7, v3;
	v4 =	vand.u32 $0xFFFFFFC0, v63  }
0xc6: {  	v3 =	vor.u32 v3, v4  }
0xc7: {  	v4 =	vperm.xlane v3, v0;
	_ =	sdelay $0x1  }
0xc8: {  	v4 =	vadd.s32 v1, v4;
	_ =	sdelay $0x3  }
0xc9: {  	s2 =	simm.s32 $0xC100  }
0xca: {  	[hbm4b:s4+s3] =	stream.indirect_vreg.scatter [tilespmem:s2], [sflag:$0x1], $0x80, v4, vm0, $0xb8;
	[tilespmem:$0x14100] =	vst v63  }
0xcb: {  	s25 =	simm.s32 $0xC900;
	v3 =	vperm.xlane v3, v2  }
0xcc: {  	[hbm4b:s5+s3] =	stream.indirect_vreg.scatter [tilespmem:s25], [sflag:$0x1], $0x80, v4, vm0, $0xb8;
	[tilespmem:$0x14100] =	vst v63  }
0xcd: {  	s1 =	simm.s32 $0xD100;
	v3 =	vadd.s32 v1, v3  }
0xce: {  	[hbm4b:s6+s3] =	stream.indirect_vreg.scatter [tilespmem:s1], [sflag:$0x1], $0x80, v4, vm0, $0xb8;
	[tilespmem:$0x14100] =	vst v63  }
0xcf: {  	s2 =	simm.s32 $0xD900  }
0xd0: {  	[hbm4b:s7+s3] =	stream.indirect_vreg.scatter [tilespmem:s2], [sflag:$0x1], $0x80, v4, vm0, $0xb8;
	[tilespmem:$0x14100] =	vst v63  }
0xd1: {  	s25 =	simm.s32 $0xE100  }
0xd2: {  	[hbm4b:s4+s3] =	stream.indirect_vreg.scatter [tilespmem:s25], [sflag:$0x1], $0x80, v3, vm0, $0xb8;
	[tilespmem:$0x14100] =	vst v63  }
0xd3: {  	s1 =	simm.s32 $0xE900  }
0xd4: {  	[hbm4b:s5+s3] =	stream.indirect_vreg.scatter [tilespmem:s1], [sflag:$0x1], $0x80, v3, vm0, $0xb8;
	[tilespmem:$0x14100] =	vst v63  }
0xd5: {  	s2 =	simm.s32 $0xF100  }
0xd6: {  	[hbm4b:s6+s3] =	stream.indirect_vreg.scatter [tilespmem:s2], [sflag:$0x1], $0x80, v3, vm0, $0xb8;
	[tilespmem:$0x14100] =	vst v63  }
0xd7: {  	s25 =	simm.s32 $0xF900  }
0xd8: {  	[hbm4b:s7+s3] =	stream.indirect_vreg.scatter [tilespmem:s25], [sflag:$0x1], $0x80, v3, vm0, $0xb8;
	[tilespmem:$0x14100] =	vst v63  }
0xd9: {  	s1 =	simm.s32 $0x80;
	s2 =	simm.s32 $0x12100;
	s25 =	simm.s32 $0x40  }
0xda: {  	[hbm4b:s24+s25] =	stream.indirect.scatter [tilespmem:s2], [sflag:$0x2], $0x80, s1, s25, $0xb8;
	[tilespmem:$0x14100] =	vst v63  }
0xdb: {  	_ =	swait.ge [sflag:s13], $0x10000  }
0xdc: {  	[sflag:s13] =	ssyncset.done $0x0  }
0xdd: {  	s25 =	simm.s32 $0x2;
	[sflag:s13] =	ssyncadd.s32 $0xFFFF0000  }
0xde: {  	_ =	swait.ge [sflag:s25], $0x2000  }
0xdf: {  	[sflag:s25] =	ssyncset.done $0x0  }
0xe0: {  	[sflag:s25] =	ssyncadd.s32 $0xFFFFE000  }
0xe1: {  	p0 =	sne.s32 s8, $0x1;
	_ =	swait.ge [sflag:s13], $0x10000  }
.Ltmp0:
0xe2: {  	[sflag:s13] =	ssyncset.done $0x0;
	(pc) =	sbr.rel @p0 .LBB2_1-.Ltmp0, $4  }
0xe3: {  	[sflag:s13] =	ssyncadd.s32 $0xFFFF0000  }
0xe4: {  	_ =	swait.ge [sflag:s25], $0x2000  }
0xe5: {  	[sflag:s25] =	ssyncset.done $0x0  }
0xe6: {  	s8 =	sadd.s32 $0xFFFFFFFF, s8;
	[sflag:s25] =	ssyncadd.s32 $0xFFFFE000  }
0xe7: {  	_ =	sfence.sel $0x180000  }
0xe8: {  	[bflag:$0x0] =	sbarrier.arrive $0xFFFF  }
0xe9: {  	_ =	strace $0x90000047  }
0xea: {  	s0 =	stileid.u32;
	[bflag:$0x2] =	sbarrier.arrive $0xFFFF  }
0xeb: {  	p0 =	sne.s32 s0, $0x0;
	s0 =	rddreg [dreg:$0x3]  }
0xec: {  	s0 =	sadd.s32 @!p0 $0x100000, s0  }
0xed: {  	[sflag:s0] =	ssyncadd.tile.s32 @!p0 $0x1;
	_ =	shalt  }
.Lfunc_end2:
_tile_overlayer_lowered:
.L_overlay_start_2:
0xee: {  	(tag) =	ssettag $0x2  }
0xef: {  	s0 =	rddreg [dreg:$0x0];
	s2 =	stileid.u32  }
0xf0: {  	s1 =	rddreg [dreg:$0x1];
	p0 =	sne.s32 s2, $0x0  }
0xf1: {  	s3 =	rddreg [dreg:$0x2];
	[bflag:$0x3] =	sbarrier.arrive $0xFFFF;
	s2 =	simm.s32 @!p0 $0x1C03  }
0xf2: {  	[timem:s3], [sflag:s2] =	dma.local @!p0 [hbm:s0], s1  }
0xf3: {  	s0 =	simm.s32 @!p0 $0x3  }
0xf4: {  	_ =	swait.ge @!p0 [sflag:s0], s1  }
0xf5: {  	s1 =	ssub.s32 @!p0 $0x0, s1;
	[sflag:s0] =	ssyncset.done @!p0 $0x0  }
0xf6: {  	[sflag:s0] =	ssyncadd.s32 @!p0 s1  }
0xf7: {  	[bflag:$0x3] =	sbarrier.arrive $0xFFFF  }
0xf8: {  	_ =	shalt  }

// kernel: kernel.9.cloned.1.call-start
scs
__scs_entry_jumppad:
0x0: {  	(pc) =	sbr.rel $0x88, $3  }
0x1: {  	(tag) =	ssettag $0x0;
	lr =	simm.s32 $0x1  }
0x2: {  	[smem:$0x3F9D] =	sst lr;
	_ =	strace $0xD0000000  }
0x3: {  	_ = 	snop  }
0x4: {  	_ = 	snop  }
0x5: {  	_ = 	snop  }
0x6: {  	_ = 	snop  }
0x7: {  	_ = 	snop  }
__scs_overlays_trampoline_lowered:
0x8: {  	[smem:$0x3FAC] =	sst s0  }
0x9: {  	[smem:$0x3FAD] =	sst s1  }
0xa: {  	[smem:$0x3FAE] =	sst s2  }
0xb: {  	[smem:$0x3FAF] =	sst s3  }
0xc: {  	[smem:$0x3FB0] =	sst s4  }
0xd: {  	[smem:$0x3FB1] =	sst s5  }
0xe: {  	[smem:$0x3FB2] =	sst s6  }
0xf: {  	[smem:$0x3FB3] =	sst s7  }
0x10: {  	[smem:$0x3FB4] =	sst s8  }
0x11: {  	[smem:$0x3FB5] =	sst s9;
	s0 =	simm.s32 @!p0 $0x0  }
0x12: {  	s1 =	sld [smem:$0x3F9B];
	s0 =	simm.s32 @p0 $0x1  }
0x13: {  	[smem:$0x3FB6] =	sst s0;
	s0 =	simm.s32 @!p1 $0x0  }
0x14: {  	s2 =	sld [smem:$0x3F9A];
	s0 =	simm.s32 @p1 $0x1  }
0x15: {  	[smem:$0x3FB7] =	sst s0;
	s0 =	simm.s32 @!p2 $0x0  }
0x16: {  	s3 =	sld [smem:$0x3FDB];
	s0 =	simm.s32 @p2 $0x1  }
0x17: {  	s4 =	simm.s32 $0x1BF5;
	[smem:$0x3FB9] =	sst s0  }
0x18: {  	s0 =	sld [smem:$0x3F9C];
	_ =	swait.ge [sflag:s4], $0x0  }
0x19: {  	s7 =	sld [smem:$0x3F9D]  }
0x1a: {  	s8 =	sadd.s32 $0xFFFFE003, lr  }
0x1b: {  	s9 =	sadd.s32 $0xFFFFFEF7, lr;
	s5 =	simm.s32 $0xFFFFFFFF;
	p2 =	slt.u32 s8, $0xFFFFF086  }
0x1c: {  	p1 =	slt.u32 s9, $0xF7A;
	s5 =	simm.s32 @!p2 $0x0  }
0x1d: {  	s5 =	simm.s32 @p1 $0x1;
	p0 =	seq.s32 s7, s2  }
0x1e: {  	s7 =	smul.u32 @!p0 $0xF7A, s2;
	p2 =	seq.s32 @!p0 s5, $0x0  }
0x1f: {  	s9 =	smul.u32 $0xF7A, s1;
	s8 =	simm.s32 @!p0 $0x1BF5;
	p2 =	por !p2, p0  }
0x20: {  	[sflag:s8] =	ssyncset.s32 @!p0 $0xFFFFF086;
	s6 =	sadd.s32 @!p0 s3, s7;
	s7 =	simm.s32 @!p0 $0x108  }
0x21: {  	s3 =	sadd.s32 s3, s9;
	s6 =	sadd.s32 @!p0 $0x88, s6;
	s7 =	simm.s32 @p2 $0x1082  }
0x22: {  	[simem:s7], [sflag:s8] =	dma.local @!p0 [hbm:s6], $0xF7A  }
0x23: {  	s9 =	sor.u32 $0xD0000000, s2;
	s6 =	simm.s32 $0x108;
	_ =	swait.ge @!p0 [sflag:s8], $0x0  }
0x24: {  	s3 =	sadd.s32 $0x88, s3;
	s6 =	simm.s32 @!p1 $0x1082;
	[sflag:s4] =	ssyncset.s32 $0xFFFFF086  }
0x25: {  	[simem:s6], [sflag:s4] =	dma.local [hbm:s3], $0xF7A  }
0x26: {  	[smem:$0x3F9D] =	sst s1;
	(tag) =	ssettag s2;
	_ =	strace s9  }
0x27: {  	s1 =	sld [smem:$0x3FAD]  }
0x28: {  	s2 =	sld [smem:$0x3FAE]  }
0x29: {  	s4 =	sld [smem:$0x3FB0]  }
0x2a: {  	p0 =	seq.s32 s5, $0x0;
	s5 =	sld [smem:$0x3FB1]  }
0x2b: {  	s6 =	sld [smem:$0x3FB2]  }
0x2c: {  	s7 =	sld [smem:$0x3FB3]  }
0x2d: {  	s3 =	simm.s32 $0x108;
	s8 =	sld [smem:$0x3FB4]  }
0x2e: {  	s3 =	simm.s32 @!p0 $0x1082;
	s9 =	sld [smem:$0x3FB5]  }
0x2f: {  	lr =	sadd.s32 s0, s3;
	s0 =	sld [smem:$0x3FAC]  }
0x30: {  	s3 =	sld [smem:$0x3FAF]  }
0x31: {  	[smem:$0x3FB8] =	sst s10  }
0x32: {  	s10 =	sld [smem:$0x3FB6];
	_ =	sdelay $0x3  }
0x33: {  	p0 =	seq.s32 s10, $0x1;
	s10 =	sld [smem:$0x3FB8];
	_ =	sdelay $0x3  }
0x34: {  	[smem:$0x3FB8] =	sst s10  }
0x35: {  	s10 =	sld [smem:$0x3FB7];
	_ =	sdelay $0x3  }
0x36: {  	p1 =	seq.s32 s10, $0x1;
	s10 =	sld [smem:$0x3FB8];
	_ =	sdelay $0x3  }
0x37: {  	[smem:$0x3FB8] =	sst s10  }
0x38: {  	s10 =	sld [smem:$0x3FB9]  }
0x39: {  	_ = 	snop;
	(pc) =	sbr.ind lr, $3  }
0x3a: {  	_ = 	snop  }
0x3b: {  	_ = 	snop  }
0x3c: {  	p2 =	seq.s32 s10, $0x1;
	s10 =	sld [smem:$0x3FB8]  }
0x3d: {  	_ =	shalt  }
0x3e: {  	_ =	shalt  }
0x3f: {  	_ =	shalt  }
0x40: {  	_ =	shalt  }
0x41: {  	_ =	shalt  }
0x42: {  	_ =	shalt  }
0x43: {  	_ =	shalt  }
0x44: {  	_ =	shalt  }
0x45: {  	_ =	shalt  }
0x46: {  	_ =	shalt  }
0x47: {  	_ =	shalt  }
0x48: {  	_ =	shalt  }
0x49: {  	_ =	shalt  }
0x4a: {  	_ =	shalt  }
0x4b: {  	_ =	shalt  }
0x4c: {  	_ =	shalt  }
0x4d: {  	_ =	shalt  }
0x4e: {  	_ =	shalt  }
0x4f: {  	_ =	shalt  }
0x50: {  	_ =	shalt  }
0x51: {  	_ =	shalt  }
0x52: {  	_ =	shalt  }
0x53: {  	_ =	shalt  }
0x54: {  	_ =	shalt  }
0x55: {  	_ =	shalt  }
0x56: {  	_ =	shalt  }
0x57: {  	_ =	shalt  }
0x58: {  	_ =	shalt  }
0x59: {  	_ =	shalt  }
0x5a: {  	_ =	shalt  }
0x5b: {  	_ =	shalt  }
0x5c: {  	_ =	shalt  }
0x5d: {  	_ =	shalt  }
0x5e: {  	_ =	shalt  }
0x5f: {  	_ =	shalt  }
0x60: {  	_ =	shalt  }
0x61: {  	_ =	shalt  }
0x62: {  	_ =	shalt  }
0x63: {  	_ =	shalt  }
0x64: {  	_ =	shalt  }
0x65: {  	_ =	shalt  }
0x66: {  	_ =	shalt  }
0x67: {  	_ =	shalt  }
0x68: {  	_ =	shalt  }
0x69: {  	_ =	shalt  }
0x6a: {  	_ =	shalt  }
0x6b: {  	_ =	shalt  }
0x6c: {  	_ =	shalt  }
0x6d: {  	_ =	shalt  }
0x6e: {  	_ =	shalt  }
0x6f: {  	_ =	shalt  }
0x70: {  	_ =	shalt  }
0x71: {  	_ =	shalt  }
0x72: {  	_ =	shalt  }
0x73: {  	_ =	shalt  }
0x74: {  	_ =	shalt  }
0x75: {  	_ =	shalt  }
0x76: {  	_ =	shalt  }
0x77: {  	_ =	shalt  }
0x78: {  	_ =	shalt  }
0x79: {  	_ =	shalt  }
0x7a: {  	_ =	shalt  }
0x7b: {  	_ =	shalt  }
0x7c: {  	_ =	shalt  }
0x7d: {  	_ =	shalt  }
0x7e: {  	_ =	shalt  }
0x7f: {  	_ =	shalt  }
0x80: {  	_ =	shalt  }
0x81: {  	_ =	shalt  }
0x82: {  	_ =	shalt  }
0x83: {  	_ =	shalt  }
0x84: {  	_ =	shalt  }
0x85: {  	_ =	shalt  }
0x86: {  	_ =	shalt  }
0x87: {  	_ =	shalt  }
.Lfunc_end0:
.L_simem_size_0:
called_computation.1_lowered:
.L_overlay_start_0:
0x88: {  	s2 =	sld [smem:$0x3FD9]  }
0x89: {  	s3 =	sld [smem:$0x3FFE];
	_ =	sdelay $0x1  }
0x8a: {  	s1 =	srdreg.scid  }
0x8b: {  	s0 =	sand.u32 $0x1, s1  }
0x8c: {  	s17 =	sshll.u32 s0, $0xA;
	s2 =	sadd.s32 s3, s2  }
0x8d: {  	s2 =	sadd.s32 s2, s17  }
0x8e: {  	[smem:$0x3FC4] =	sst s2  }
0x8f: {  	_ = 	snop  }
0x90: {  	s2 =	sld [smem:$0x3FD0];
	(tm) =	ssettm $0x1  }
0x91: {  	s18 =	sld [smem:$0x3FFB];
	_ =	sdelay $0x3  }
0x92: {  	_ =	strace s18  }
0x93: {  	s3 =	sld [smem:$0x3FFC];
	_ =	sdelay $0x3  }
0x94: {  	_ =	strace s3  }
0x95: {  	s3 =	sld [smem:$0x3FFD];
	_ =	sdelay $0x3  }
0x96: {  	_ =	strace s3  }
0x97: {  	_ =	strace $0x8FFFFFFF  }
0x98: {  	s19 =	sld [smem:$0x3FDB];
	_ =	sdelay $0x1  }
0x99: {  	s4 =	simm.s32 $_scs_section_size  }
0x9a: {  	s5 =	simm.s32 $_size__tile_overlayer_lowered;
	s6 =	simm.s32 $_tile_overlayer_lowered  }
0x9b: {  	s22 =	simm.s32 $0x1BFF;
	s21 =	sshll.u32 s6, $0x1;
	s3 =	sadd.s32 s4, s19  }
0x9c: {  	s7 =	simm.s32 $0x0;
	s20 =	sshll.u32 s5, $0x1;
	s5 =	sadd.s32 s21, s3  }
0x9d: {  	[timem:s7], [sflag:s22] =	dma.local [hbm:s5], s20  }
0x9e: {  	_ =	swait.ge [sflag:s22], s20  }
0x9f: {  	s4 =	ssub.s32 $0x0, s20;
	[sflag:s22] =	ssyncset.done $0x0  }
0xa0: {  	[sflag:s22] =	ssyncadd.s32 s4;
	_ =	sdelay $0x1  }
0xa1: {  	s23 =	simm.s32 $0x1B8B  }
0xa2: {  	_ =	swait.ge [sflag:s23], $0x1  }
0xa3: {  	[sflag:s23] =	ssyncset.done $0x0  }
0xa4: {  	s25 =	simm.s32 $0x1B8E;
	s24 =	sld [smem:$0x3FFE];
	[sflag:s23] =	ssyncadd.s32 $0xFFFFFFFF  }
0xa5: {  	s26 =	simm.s32 $execute0_lowered;
	[smem:$0x3FD2] =	sst s25  }
0xa6: {  	s5 =	sshll.u32 s26, $0x1;
	_ =	strace $0x80000049;
	[dreg:$0x1] =	wrdreg $0xFFFFFFFF  }
0xa7: {  	s28 =	simm.s32 $_size_execute0_lowered;
	s3 =	sadd.s32 s3, s5;
	[dreg:$0x0] =	wrdreg $0x0  }
0xa8: {  	s5 =	sshll.u32 s28, $0x1;
	[dreg:$0x2] =	wrdreg s3  }
0xa9: {  	[dreg:$0x3] =	wrdreg s5  }
0xaa: {  	[dreg:$0x4] =	wrdreg $0xC0  }
0xab: {  	_ =	task [dreg:s7], $0x5FFFF  }
0xac: {  	[dreg:$0x1] =	wrdreg $0xFFFFFFFF  }
0xad: {  	[dreg:$0x0] =	wrdreg $0x60  }
0xae: {  	[dreg:$0x2] =	wrdreg s24  }
0xaf: {  	[dreg:$0x3] =	wrdreg s2  }
0xb0: {  	[dreg:$0x4] =	wrdreg $0x9  }
0xb1: {  	_ =	task.clear_ibuf [dreg:s7], $0x5FFFF;
	_ =	strace $0x90000049  }
0xb2: {  	s29 =	simm.s32 $0x9;
	_ =	strace $0x8000004B  }
0xb3: {  	_ =	swait.ge [sflag:s29], $0x1  }
0xb4: {  	[sflag:s29] =	ssyncadd.s32 $0xFFFFFFFF  }
0xb5: {  	_ =	strace $0x9000004B  }
0xb6: {  	_ =	sfence  }
0xb7: {  	s30 =	sld [smem:$0x0];
	_ =	sdelay $0x2  }
0xb8: {  	s31 =	sshll.u32 s1, $0xD;
	s1 =	sshrl.u32 s1, $0x2  }
0xb9: {  	s3 =	sand.u32 $0x4000, s31;
	s1 =	sadd.s32 s1, s30  }
0xba: {  	s0 =	sor.u32 s3, s0;
	s1 =	sshll.u32 s1, $0x11  }
0xbb: {  	s0 =	sor.u32 s1, s0  }
0xbc: {  	s0 =	sadd.s32 $0x8F2B, s0  }
0xbd: {  	[sflag:s0] =	ssyncadd.remote.s32 $0x1  }
0xbe: {  	_ =	sfence.sel $0xFFFF  }
0xbf: {  	[dreg:$0x0] =	wrdreg $0xFFFFFFFF;
	(pc) =	sbr.abs _section_cstart, $3  }
0xc0: {  	[dreg:$0x1] =	wrdreg $0xFFFFFFFF  }
0xc1: {  	_ =	task.clear_ibuf [dreg:s7], $0x2FFFF;
	_ =	strace $0x9FFFFFFF  }
0xc2: {  	(tm) =	ssettm $0x7FFFFFFF  }
0xc3: {  	_ =	shalt  }
tec
execute0_lowered:
.L_overlay_start_1:
0x0: {  	(tag) =	ssettag $0x1  }
0x1: {  	s0 =	rddreg [dreg:$0x0]  }
0x2: {  	s1 =	simm.s32 $0x0;
	s23 =	srdreg.scid;
	s4 =	stileid.u32  }
0x3: {  	[smem:$0x7FF] =	sst s1;
	s1 =	sand.u32 $0x1, s23;
	s2 =	sadd.s32 $0x110C00, s0  }
0x4: {  	s24 =	sadd.s32 $0x10600, s0;
	_ =	strace $0x8000004A;
	[dreg:$0x14] =	wrdreg s2  }
0x5: {  	s3 =	sadd.s32 $0x10800, s0;
	s28 =	sshll.u32 s4, $0x7;
	[dreg:$0x15] =	wrdreg s24  }
0x6: {  	s29 =	sadd.s32 $0x110D00, s0;
	s30 =	sadd.s32 $0x110E00, s0;
	[dreg:$0x16] =	wrdreg s3  }
0x7: {  	v2 =	vlaneseq.u32;
	s0 =	sadd.s32 $0x110F00, s0;
	s25 =	ssub.s32 $0x2, s1;
	[dreg:$0x18] =	wrdreg s29  }
0x8: {  	v0 =	vand.u32 $0x7, v2;
	v1 =	vshrl.u32 v2, $0x3;
	s1 =	sshll.u32 s1, $0x6;
	[dreg:$0x19] =	wrdreg s30;
	s26 =	sshrl.u32 s25, $0x1  }
0x9: {  	v63 =	vor.u32 $0x8, v2;
	[dreg:$0x1a] =	wrdreg s0;
	[tilespmem:$0x1FFD0] =	vst v0;
	v62 =	vmul.u32 $0x8, v1;
	s1 =	sor.u32 s1, s28;
	s2 =	ssub.s32 s25, s26  }
0xa: {  	s4 =	simm.s32 $0x100;
	[tilespmem:$0x1FFF0] =	vst v63;
	[dreg:$0x17] =	wrdreg s1;
	s31 =	smax.u32 s2, $0x1  }
0xb: {  	vm0 =	vmmov $0xffff;
	s3 =	simm.s32 $0x3;
	[tilespmem:$0x1FFE0] =	vst v62;
	s1 =	simm.s32 $0x0;
	[dreg:$0x1b] =	wrdreg s31  }
.LBB2_1:
0xc: {  	[dreg:$0x1c] =	wrdreg s1;
	p0 =	por $0x1, $0x1;
	s0 =	simm.s32 $0x0  }
.LBB2_2:
0xd: {  	s1 =	rddreg [dreg:$0x17]  }
0xe: {  	s17 =	rddreg [dreg:$0x15];
	s0 =	sor.u32 s1, s0  }
0xf: {  	[dreg:$0x1d] =	wrdreg s0;
	s0 =	sshrl.u32 s0, $0x3  }
0x10: {  	s1 =	simm.s32 $0x0;
	s2 =	sadd.s32 s17, s0  }
0x11: {  	[tilespmem:s1], [sflag:$0x3] =	stream.linear.gather [hbm4b:s2+s1], $0x20, $0x38;
	[tilespmem:$0x10100] =	vst v63  }
0x12: {  	_ =	swait.ge [sflag:s3], $0x20  }
0x13: {  	[sflag:s3] =	ssyncset.done $0x0;
	s18 =	rddreg [dreg:$0x16]  }
0x14: {  	s19 =	simm.s32 $0x80;
	[sflag:s3] =	ssyncadd.s32 $0xFFFFFFE0;
	s0 =	sadd.s32 s18, s0  }
0x15: {  	[tilespmem:s19], [sflag:$0x3] =	stream.linear.gather [hbm4b:s0+s1], $0x20, $0x38;
	[tilespmem:$0x10100] =	vst v63  }
0x16: {  	_ =	swait.ge [sflag:s3], $0x20  }
0x17: {  	[sflag:s3] =	ssyncset.done $0x0  }
0x18: {  	[sflag:s3] =	ssyncadd.s32 $0xFFFFFFE0  }
0x19: {  	v3 =	vld [tilespmem:$0x0];
	_ =	sdelay $0x2  }
0x1a: {  	v0 =	vld [tilespmem:$0x1FFD0];
	_ =	sdelay $0x1  }
0x1b: {  	v1 =	vld [tilespmem:$0x1FFE0];
	v4 =	vshll.u32 v3, $0x3  }
0x1c: {  	v3 =	vand.u32 $0x7, v3;
	v4 =	vand.u32 $0xFFFFFFC0, v4  }
0x1d: {  	v3 =	vor.u32 v3, v4  }
0x1e: {  	v4 =	vperm.xlane v3, v0;
	_ =	sdelay $0x1  }
0x1f: {  	v4 =	vadd.s32 v1, v4  }
0x20: {  	v2 =	vld [tilespmem:$0x1FFF0];
	_ =	sdelay $0x2  }
0x21: {  	s0 =	rddreg [dreg:$0x14]  }
0x22: {  	[tilespmem:s4], [sflag:$0x1] =	stream.indirect_vreg.gather [hbm4b:s0+s1], $0x80, v4, vm0, $0xb8;
	[tilespmem:$0x10100] =	vst v63  }
0x23: {  	s20 =	simm.s32 $0x900;
	s2 =	rddreg [dreg:$0x18];
	v3 =	vperm.xlane v3, v2  }
0x24: {  	[tilespmem:s20], [sflag:$0x1] =	stream.indirect_vreg.gather [hbm4b:s2+s1], $0x80, v4, vm0, $0xb8;
	[tilespmem:$0x10100] =	vst v63  }
0x25: {  	s21 =	simm.s32 $0x1100;
	s3 =	rddreg [dreg:$0x19];
	v3 =	vadd.s32 v1, v3  }
0x26: {  	[tilespmem:s21], [sflag:$0x1] =	stream.indirect_vreg.gather [hbm4b:s3+s1], $0x80, v4, vm0, $0xb8;
	[tilespmem:$0x10100] =	vst v63  }
0x27: {  	s5 =	simm.s32 $0x1900;
	s4 =	rddreg [dreg:$0x1a]  }
0x28: {  	[tilespmem:s5], [sflag:$0x1] =	stream.indirect_vreg.gather [hbm4b:s4+s1], $0x80, v4, vm0, $0xb8;
	[tilespmem:$0x10100] =	vst v63  }
0x29: {  	s22 =	simm.s32 $0x2100  }
0x2a: {  	[tilespmem:s22], [sflag:$0x1] =	stream.indirect_vreg.gather [hbm4b:s0+s1], $0x80, v3, vm0, $0xb8;
	[tilespmem:$0x10100] =	vst v63  }
0x2b: {  	s23 =	simm.s32 $0x2900  }
0x2c: {  	[tilespmem:s23], [sflag:$0x1] =	stream.indirect_vreg.gather [hbm4b:s2+s1], $0x80, v3, vm0, $0xb8;
	[tilespmem:$0x10100] =	vst v63  }
0x2d: {  	s24 =	simm.s32 $0x3100  }
0x2e: {  	[tilespmem:s24], [sflag:$0x1] =	stream.indirect_vreg.gather [hbm4b:s3+s1], $0x80, v3, vm0, $0xb8;
	[tilespmem:$0x10100] =	vst v63  }
0x2f: {  	s25 =	simm.s32 $0x3900  }
0x30: {  	[tilespmem:s25], [sflag:$0x1] =	stream.indirect_vreg.gather [hbm4b:s4+s1], $0x80, v3, vm0, $0xb8;
	[tilespmem:$0x10100] =	vst v63  }
0x31: {  	v3 =	vld [tilespmem:$0x10];
	_ =	sdelay $0x4  }
0x32: {  	v4 =	vshll.u32 v3, $0x3  }
0x33: {  	v3 =	vand.u32 $0x7, v3;
	v4 =	vand.u32 $0xFFFFFFC0, v4  }
0x34: {  	v3 =	vor.u32 v3, v4  }
0x35: {  	v4 =	vperm.xlane v3, v0;
	_ =	sdelay $0x1  }
0x36: {  	v4 =	vadd.s32 v1, v4;
	_ =	sdelay $0x3  }
0x37: {  	s26 =	simm.s32 $0x4100  }
0x38: {  	[tilespmem:s26], [sflag:$0x1] =	stream.indirect_vreg.gather [hbm4b:s0+s1], $0x80, v4, vm0, $0xb8;
	[tilespmem:$0x10100] =	vst v63  }
0x39: {  	s6 =	simm.s32 $0x4900;
	v3 =	vperm.xlane v3, v2  }
0x3a: {  	[tilespmem:s6], [sflag:$0x1] =	stream.indirect_vreg.gather [hbm4b:s2+s1], $0x80, v4, vm0, $0xb8;
	[tilespmem:$0x10100] =	vst v63  }
0x3b: {  	s7 =	simm.s32 $0x5100;
	v3 =	vadd.s32 v1, v3  }
0x3c: {  	[tilespmem:s7], [sflag:$0x1] =	stream.indirect_vreg.gather [hbm4b:s3+s1], $0x80, v4, vm0, $0xb8;
	[tilespmem:$0x10100] =	vst v63  }
0x3d: {  	s8 =	simm.s32 $0x5900  }
0x3e: {  	[tilespmem:s8], [sflag:$0x1] =	stream.indirect_vreg.gather [hbm4b:s4+s1], $0x80, v4, vm0, $0xb8;
	[tilespmem:$0x10100] =	vst v63  }
0x3f: {  	s9 =	simm.s32 $0x6100  }
0x40: {  	[tilespmem:s9], [sflag:$0x1] =	stream.indirect_vreg.gather [hbm4b:s0+s1], $0x80, v3, vm0, $0xb8;
	[tilespmem:$0x10100] =	vst v63  }
0x41: {  	s10 =	simm.s32 $0x6900  }
0x42: {  	[tilespmem:s10], [sflag:$0x1] =	stream.indirect_vreg.gather [hbm4b:s2+s1], $0x80, v3, vm0, $0xb8;
	[tilespmem:$0x10100] =	vst v63  }
0x43: {  	s11 =	simm.s32 $0x7100  }
0x44: {  	[tilespmem:s11], [sflag:$0x1] =	stream.indirect_vreg.gather [hbm4b:s3+s1], $0x80, v3, vm0, $0xb8;
	[tilespmem:$0x10100] =	vst v63  }
0x45: {  	s12 =	simm.s32 $0x7900  }
0x46: {  	[tilespmem:s12], [sflag:$0x1] =	stream.indirect_vreg.gather [hbm4b:s4+s1], $0x80, v3, vm0, $0xb8;
	[tilespmem:$0x10100] =	vst v63  }
0x47: {  	v3 =	vld [tilespmem:$0x80];
	_ =	sdelay $0x4  }
0x48: {  	v4 =	vshll.u32 v3, $0x3  }
0x49: {  	v3 =	vand.u32 $0x7, v3;
	v4 =	vand.u32 $0xFFFFFFC0, v4  }
0x4a: {  	v3 =	vor.u32 v3, v4  }
0x4b: {  	v4 =	vperm.xlane v3, v0;
	_ =	sdelay $0x1  }
0x4c: {  	v4 =	vadd.s32 v1, v4;
	_ =	sdelay $0x3  }
0x4d: {  	s13 =	simm.s32 $0x8100  }
0x4e: {  	[tilespmem:s13], [sflag:$0x2] =	stream.indirect_vreg.gather [hbm4b:s0+s1], $0x80, v4, vm0, $0xb8;
	[tilespmem:$0x10100] =	vst v63  }
0x4f: {  	s14 =	simm.s32 $0x8900;
	v3 =	vperm.xlane v3, v2  }
0x50: {  	[tilespmem:s14], [sflag:$0x2] =	stream.indirect_vreg.gather [hbm4b:s2+s1], $0x80, v4, vm0, $0xb8;
	[tilespmem:$0x10100] =	vst v63  }
0x51: {  	s15 =	simm.s32 $0x9100;
	v3 =	vadd.s32 v1, v3  }
0x52: {  	[tilespmem:s15], [sflag:$0x2] =	stream.indirect_vreg.gather [hbm4b:s3+s1], $0x80, v4, vm0, $0xb8;
	[tilespmem:$0x10100] =	vst v63  }
0x53: {  	s16 =	simm.s32 $0x9900  }
0x54: {  	[tilespmem:s16], [sflag:$0x2] =	stream.indirect_vreg.gather [hbm4b:s4+s1], $0x80, v4, vm0, $0xb8;
	[tilespmem:$0x10100] =	vst v63  }
0x55: {  	s17 =	simm.s32 $0xA100  }
0x56: {  	[tilespmem:s17], [sflag:$0x2] =	stream.indirect_vreg.gather [hbm4b:s0+s1], $0x80, v3, vm0, $0xb8;
	[tilespmem:$0x10100] =	vst v63  }
0x57: {  	s18 =	simm.s32 $0xA900  }
0x58: {  	[tilespmem:s18], [sflag:$0x2] =	stream.indirect_vreg.gather [hbm4b:s2+s1], $0x80, v3, vm0, $0xb8;
	[tilespmem:$0x10100] =	vst v63  }
0x59: {  	s19 =	simm.s32 $0xB100  }
0x5a: {  	[tilespmem:s19], [sflag:$0x2] =	stream.indirect_vreg.gather [hbm4b:s3+s1], $0x80, v3, vm0, $0xb8;
	[tilespmem:$0x10100] =	vst v63  }
0x5b: {  	s20 =	simm.s32 $0xB900  }
0x5c: {  	[tilespmem:s20], [sflag:$0x2] =	stream.indirect_vreg.gather [hbm4b:s4+s1], $0x80, v3, vm0, $0xb8;
	[tilespmem:$0x10100] =	vst v63  }
0x5d: {  	v3 =	vld [tilespmem:$0x90];
	_ =	sdelay $0x4  }
0x5e: {  	v4 =	vshll.u32 v3, $0x3  }
0x5f: {  	v3 =	vand.u32 $0x7, v3;
	v4 =	vand.u32 $0xFFFFFFC0, v4  }
0x60: {  	v3 =	vor.u32 v3, v4  }
0x61: {  	v4 =	vperm.xlane v3, v0;
	_ =	sdelay $0x1  }
0x62: {  	v4 =	vadd.s32 v1, v4;
	_ =	sdelay $0x3  }
0x63: {  	s21 =	simm.s32 $0xC100  }
0x64: {  	[tilespmem:s21], [sflag:$0x2] =	stream.indirect_vreg.gather [hbm4b:s0+s1], $0x80, v4, vm0, $0xb8;
	[tilespmem:$0x10100] =	vst v63  }
0x65: {  	s22 =	simm.s32 $0xC900;
	v3 =	vperm.xlane v3, v2  }
0x66: {  	[tilespmem:s22], [sflag:$0x2] =	stream.indirect_vreg.gather [hbm4b:s2+s1], $0x80, v4, vm0, $0xb8;
	[tilespmem:$0x10100] =	vst v63  }
0x67: {  	s23 =	simm.s32 $0xD100;
	v3 =	vadd.s32 v1, v3  }
0x68: {  	[tilespmem:s23], [sflag:$0x2] =	stream.indirect_vreg.gather [hbm4b:s3+s1], $0x80, v4, vm0, $0xb8;
	[tilespmem:$0x10100] =	vst v63  }
0x69: {  	s24 =	simm.s32 $0xD900  }
0x6a: {  	[tilespmem:s24], [sflag:$0x2] =	stream.indirect_vreg.gather [hbm4b:s4+s1], $0x80, v4, vm0, $0xb8;
	[tilespmem:$0x10100] =	vst v63  }
0x6b: {  	s25 =	simm.s32 $0xE100  }
0x6c: {  	[tilespmem:s25], [sflag:$0x2] =	stream.indirect_vreg.gather [hbm4b:s0+s1], $0x80, v3, vm0, $0xb8;
	[tilespmem:$0x10100] =	vst v63  }
0x6d: {  	s26 =	simm.s32 $0xE900  }
0x6e: {  	[tilespmem:s26], [sflag:$0x2] =	stream.indirect_vreg.gather [hbm4b:s2+s1], $0x80, v3, vm0, $0xb8;
	[tilespmem:$0x10100] =	vst v63  }
0x6f: {  	s2 =	simm.s32 $0xF100  }
0x70: {  	[tilespmem:s2], [sflag:$0x2] =	stream.indirect_vreg.gather [hbm4b:s3+s1], $0x80, v3, vm0, $0xb8;
	[tilespmem:$0x10100] =	vst v63  }
0x71: {  	s3 =	simm.s32 $0xF900  }
0x72: {  	[tilespmem:s3], [sflag:$0x2] =	stream.indirect_vreg.gather [hbm4b:s4+s1], $0x80, v3, vm0, $0xb8;
	[tilespmem:$0x10100] =	vst v63  }
0x73: {  	s4 =	simm.s32 $0x1  }
0x74: {  	_ =	swait.ge [sflag:s4], $0x8000  }
0x75: {  	[sflag:s4] =	ssyncset.done $0x0  }
0x76: {  	s5 =	simm.s32 $0x2;
	[sflag:s4] =	ssyncadd.s32 $0xFFFF8000  }
0x77: {  	_ =	swait.ge [sflag:s5], $0x8000  }
0x78: {  	s6 =	sand.u32 $0x6000, s1;
	s7 =	sand.u32 $0x300, s1;
	[sflag:s5] =	ssyncset.done $0x0  }
0x79: {  	s0 =	sor.u32 s7, s6;
	[sflag:s5] =	ssyncadd.s32 $0xFFFF8000  }
0x7a: {  	v3 =	vld [tilespmem:s0+$0x180]  }
0x7b: {  	v4 =	vld [tilespmem:s0+$0x8180]  }
0x7c: {  	v5 =	vld [tilespmem:s0+$0x190]  }
0x7d: {  	v6 =	vld [tilespmem:s0+$0x8190]  }
0x7e: {  	v7 =	vld [tilespmem:s0+$0x1A0]  }
0x7f: {  	v8 =	vld [tilespmem:s0+$0x81A0]  }
0x80: {  	v9 =	vld [tilespmem:s0+$0x1B0]  }
0x81: {  	v10 =	vld [tilespmem:s0+$0x81B0]  }
0x82: {  	v11 =	vld [tilespmem:s0+$0x1C0]  }
0x83: {  	v12 =	vld [tilespmem:s0+$0x81C0]  }
0x84: {  	v13 =	vld [tilespmem:s0+$0x1D0]  }
0x85: {  	v14 =	vld [tilespmem:s0+$0x81D0]  }
0x86: {  	v15 =	vld [tilespmem:s0+$0x1E0]  }
0x87: {  	v16 =	vld [tilespmem:s0+$0x81E0]  }
0x88: {  	v17 =	vld [tilespmem:s0+$0x1F0]  }
0x89: {  	v18 =	vld [tilespmem:s0+$0x81F0]  }
0x8a: {  	v19 =	vld [tilespmem:s0+$0x580]  }
0x8b: {  	v20 =	vld [tilespmem:s0+$0x8580]  }
0x8c: {  	v21 =	vld [tilespmem:s0+$0x590]  }
0x8d: {  	v22 =	vld [tilespmem:s0+$0x8590]  }
0x8e: {  	v23 =	vld [tilespmem:s0+$0x5A0]  }
0x8f: {  	v24 =	vld [tilespmem:s0+$0x85A0]  }
0x90: {  	v25 =	vld [tilespmem:s0+$0x5B0]  }
0x91: {  	v26 =	vld [tilespmem:s0+$0x85B0]  }
0x92: {  	v27 =	vld [tilespmem:s0+$0x5C0]  }
0x93: {  	v28 =	vld [tilespmem:s0+$0x85C0]  }
0x94: {  	v29 =	vld [tilespmem:s0+$0x5D0]  }
0x95: {  	v30 =	vld [tilespmem:s0+$0x85D0]  }
0x96: {  	v31 =	vld [tilespmem:s0+$0x5E0]  }
0x97: {  	v32 =	vld [tilespmem:s0+$0x85E0]  }
0x98: {  	v33 =	vld [tilespmem:s0+$0x5F0]  }
0x99: {  	v34 =	vld [tilespmem:s0+$0x85F0]  }
0x9a: {  	v35 =	vld [tilespmem:s0+$0x980]  }
0x9b: {  	v36 =	vld [tilespmem:s0+$0x8980]  }
0x9c: {  	v37 =	vld [tilespmem:s0+$0x990]  }
0x9d: {  	v38 =	vld [tilespmem:s0+$0x8990]  }
0x9e: {  	v39 =	vld [tilespmem:s0+$0x9A0]  }
0x9f: {  	v40 =	vld [tilespmem:s0+$0x89A0]  }
0xa0: {  	v41 =	vld [tilespmem:s0+$0x9B0]  }
0xa1: {  	v42 =	vld [tilespmem:s0+$0x89B0]  }
0xa2: {  	v43 =	vld [tilespmem:s0+$0x9C0]  }
0xa3: {  	v44 =	vld [tilespmem:s0+$0x89C0]  }
0xa4: {  	v45 =	vld [tilespmem:s0+$0x9D0]  }
0xa5: {  	v46 =	vld [tilespmem:s0+$0x89D0]  }
0xa6: {  	v47 =	vld [tilespmem:s0+$0x9E0]  }
0xa7: {  	v48 =	vld [tilespmem:s0+$0x89E0]  }
0xa8: {  	v49 =	vld [tilespmem:s0+$0x9F0]  }
0xa9: {  	v50 =	vld [tilespmem:s0+$0x89F0]  }
0xaa: {  	v51 =	vld [tilespmem:s0+$0xD80]  }
0xab: {  	v52 =	vld [tilespmem:s0+$0x8D80]  }
0xac: {  	v53 =	vld [tilespmem:s0+$0xD90]  }
0xad: {  	v54 =	vld [tilespmem:s0+$0x8D90]  }
0xae: {  	v55 =	vld [tilespmem:s0+$0xDA0]  }
0xaf: {  	v56 =	vld [tilespmem:s0+$0xDE0]  }
0xb0: {  	v57 =	vld [tilespmem:s0+$0x8DE0]  }
0xb1: {  	v58 =	vld [tilespmem:s0+$0xDF0];
	v3 =	vadd.f32 v4, v3  }
0xb2: {  	v59 =	vld [tilespmem:s0+$0x8DF0];
	v5 =	vadd.f32 v6, v5  }
0xb3: {  	v60 =	vld [tilespmem:s0+$0x1180];
	[tilespmem:s0+$0x180] =	vst v3;
	v3 =	vadd.f32 v8, v7  }
0xb4: {  	v61 =	vld [tilespmem:s0+$0x9180];
	[tilespmem:s0+$0x190] =	vst v5;
	v5 =	vadd.f32 v10, v9  }
0xb5: {  	v62 =	vld [tilespmem:s0+$0x1190];
	[tilespmem:s0+$0x1A0] =	vst v3;
	v3 =	vadd.f32 v12, v11  }
0xb6: {  	v63 =	vld [tilespmem:s0+$0x9190];
	[tilespmem:s0+$0x1B0] =	vst v5;
	v5 =	vadd.f32 v14, v13  }
0xb7: {  	v4 =	vld [tilespmem:s0+$0x8DA0];
	[tilespmem:s0+$0x1C0] =	vst v3;
	v3 =	vadd.f32 v16, v15  }
0xb8: {  	v6 =	vld [tilespmem:s0+$0xDB0];
	[tilespmem:s0+$0x1D0] =	vst v5;
	v5 =	vadd.f32 v18, v17  }
0xb9: {  	v7 =	vld [tilespmem:s0+$0x8DB0];
	[tilespmem:s0+$0x1E0] =	vst v3;
	v3 =	vadd.f32 v20, v19  }
0xba: {  	v8 =	vld [tilespmem:s0+$0xDC0];
	[tilespmem:s0+$0x1F0] =	vst v5;
	v5 =	vadd.f32 v22, v21  }
0xbb: {  	v9 =	vld [tilespmem:s0+$0x8DC0];
	[tilespmem:s0+$0x580] =	vst v3;
	v3 =	vadd.f32 v24, v23  }
0xbc: {  	v10 =	vld [tilespmem:s0+$0xDD0];
	[tilespmem:s0+$0x590] =	vst v5;
	v5 =	vadd.f32 v26, v25  }
0xbd: {  	v11 =	vld [tilespmem:s0+$0x8DD0];
	[tilespmem:s0+$0x5A0] =	vst v3;
	v3 =	vadd.f32 v28, v27  }
0xbe: {  	v12 =	vld [tilespmem:s0+$0x8130];
	[tilespmem:s0+$0x5B0] =	vst v5;
	v5 =	vadd.f32 v30, v29  }
0xbf: {  	v13 =	vld [tilespmem:s0+$0x140];
	[tilespmem:s0+$0x5C0] =	vst v3;
	v3 =	vadd.f32 v32, v31  }
0xc0: {  	[tilespmem:s0+$0x5D0] =	vst v5;
	v5 =	vadd.f32 v34, v33;
	v34 =	vld [tilespmem:s0+$0x11A0]  }
0xc1: {  	[tilespmem:s0+$0x5E0] =	vst v3;
	v3 =	vadd.f32 v36, v35;
	v36 =	vld [tilespmem:s0+$0x91A0]  }
0xc2: {  	[tilespmem:s0+$0x5F0] =	vst v5;
	v5 =	vadd.f32 v38, v37;
	v38 =	vld [tilespmem:s0+$0x11B0]  }
0xc3: {  	[tilespmem:s0+$0x980] =	vst v3;
	v3 =	vadd.f32 v40, v39;
	v40 =	vld [tilespmem:s0+$0x91B0]  }
0xc4: {  	[tilespmem:s0+$0x990] =	vst v5;
	v5 =	vadd.f32 v42, v41;
	v42 =	vld [tilespmem:s0+$0x11C0]  }
0xc5: {  	[tilespmem:s0+$0x9A0] =	vst v3;
	v3 =	vadd.f32 v44, v43;
	v44 =	vld [tilespmem:s0+$0x91C0]  }
0xc6: {  	[tilespmem:s0+$0x9B0] =	vst v5;
	v5 =	vadd.f32 v46, v45;
	v46 =	vld [tilespmem:s0+$0x11D0]  }
0xc7: {  	[tilespmem:s0+$0x9C0] =	vst v3;
	v3 =	vadd.f32 v48, v47;
	v48 =	vld [tilespmem:s0+$0x91D0]  }
0xc8: {  	[tilespmem:s0+$0x9D0] =	vst v5;
	v5 =	vadd.f32 v50, v49;
	v49 =	vld [tilespmem:s0+$0x11E0]  }
0xc9: {  	v50 =	vld [tilespmem:s0+$0x91E0];
	[tilespmem:s0+$0x9E0] =	vst v3;
	v3 =	vadd.f32 v52, v51  }
0xca: {  	[tilespmem:s0+$0x9F0] =	vst v5;
	v5 =	vadd.f32 v54, v53;
	v51 =	vld [tilespmem:s0+$0x11F0]  }
0xcb: {  	v52 =	vld [tilespmem:s0+$0x15B0];
	[tilespmem:s0+$0xD80] =	vst v3;
	v3 =	vadd.f32 v4, v55  }
0xcc: {  	v53 =	vld [tilespmem:s0+$0x95B0];
	[tilespmem:s0+$0xD90] =	vst v5;
	v5 =	vadd.f32 v7, v6  }
0xcd: {  	v54 =	vld [tilespmem:s0+$0x15C0];
	[tilespmem:s0+$0xDA0] =	vst v3;
	v3 =	vadd.f32 v9, v8  }
0xce: {  	v4 =	vld [tilespmem:s0+$0x91F0];
	[tilespmem:s0+$0xDB0] =	vst v5;
	v5 =	vadd.f32 v11, v10  }
0xcf: {  	v6 =	vld [tilespmem:s0+$0x1580];
	[tilespmem:s0+$0xDC0] =	vst v3;
	v3 =	vadd.f32 v57, v56  }
0xd0: {  	v7 =	vld [tilespmem:s0+$0x9580];
	[tilespmem:s0+$0xDD0] =	vst v5;
	v5 =	vadd.f32 v59, v58  }
0xd1: {  	v55 =	vld [tilespmem:s0+$0x15D0];
	[tilespmem:s0+$0xDE0] =	vst v3;
	v3 =	vadd.f32 v61, v60  }
0xd2: {  	v8 =	vld [tilespmem:s0+$0x1590];
	[tilespmem:s0+$0xDF0] =	vst v5;
	v5 =	vadd.f32 v63, v62  }
0xd3: {  	v9 =	vld [tilespmem:s0+$0x9590];
	[tilespmem:s0+$0x1180] =	vst v3;
	v3 =	vadd.f32 v36, v34  }
0xd4: {  	v10 =	vld [tilespmem:s0+$0x15A0];
	[tilespmem:s0+$0x1190] =	vst v5;
	v5 =	vadd.f32 v40, v38  }
0xd5: {  	v11 =	vld [tilespmem:s0+$0x95A0];
	[tilespmem:s0+$0x11A0] =	vst v3;
	v3 =	vadd.f32 v44, v42  }
0xd6: {  	v56 =	vld [tilespmem:s0+$0x95D0];
	[tilespmem:s0+$0x11B0] =	vst v5;
	v5 =	vadd.f32 v48, v46  }
0xd7: {  	v57 =	vld [tilespmem:s0+$0x15E0];
	[tilespmem:s0+$0x11C0] =	vst v3;
	v3 =	vadd.f32 v50, v49  }
0xd8: {  	v4 =	vadd.f32 v4, v51;
	[tilespmem:s0+$0x11D0] =	vst v5;
	v5 =	vld [tilespmem:s0+$0x95E0]  }
0xd9: {  	[tilespmem:s0+$0x11E0] =	vst v3;
	v3 =	vadd.f32 v7, v6;
	v6 =	vld [tilespmem:s0+$0x15F0]  }
0xda: {  	[tilespmem:s0+$0x11F0] =	vst v4;
	v4 =	vadd.f32 v9, v8;
	v7 =	vld [tilespmem:s0+$0x95F0]  }
0xdb: {  	v8 =	vld [tilespmem:s0+$0x95C0];
	[tilespmem:s0+$0x1580] =	vst v3;
	v3 =	vadd.f32 v11, v10  }
0xdc: {  	v14 =	vld [tilespmem:s0+$0x8140];
	[tilespmem:s0+$0x1590] =	vst v4;
	v4 =	vadd.f32 v53, v52  }
0xdd: {  	v15 =	vld [tilespmem:s0+$0x150];
	[tilespmem:s0+$0x15A0] =	vst v3;
	v3 =	vadd.f32 v56, v55  }
0xde: {  	s1 =	sand.u32 $0x3, s1;
	v16 =	vld [tilespmem:s0+$0x160];
	[tilespmem:s0+$0x15B0] =	vst v4;
	v4 =	vadd.f32 v5, v57  }
0xdf: {  	s1 =	sshll.u32 s1, $0x8;
	v18 =	vld [tilespmem:s0+$0x8160];
	[tilespmem:s0+$0x15D0] =	vst v3;
	v3 =	vadd.f32 v7, v6  }
0xe0: {  	s28 =	sadd.s32 $0x0, s1;
	v17 =	vld [tilespmem:s0+$0x510];
	[tilespmem:s0+$0x15E0] =	vst v4;
	v7 =	vadd.f32 v8, v54  }
0xe1: {  	s1 =	sadd.s32 $0x80, s28;
	v19 =	vld [tilespmem:s0+$0x170];
	[tilespmem:s0+$0x15F0] =	vst v3  }
0xe2: {  	s8 =	sor.u32 $0x1800, s1;
	v20 =	vld [tilespmem:s0+$0x8170];
	[tilespmem:s0+$0x15C0] =	vst v7  }
0xe3: {  	v7 =	vld [tilespmem:s8+$0x100]  }
0xe4: {  	v8 =	vld [tilespmem:s8+$0x8100]  }
0xe5: {  	v21 =	vld [tilespmem:s0+$0x500]  }
0xe6: {  	v22 =	vld [tilespmem:s0+$0x8500]  }
0xe7: {  	v23 =	vld [tilespmem:s0+$0x8510]  }
0xe8: {  	v25 =	vld [tilespmem:s0+$0x520]  }
0xe9: {  	v26 =	vld [tilespmem:s0+$0x8520];
	v7 =	vadd.f32 v8, v7  }
0xea: {  	v24 =	vld [tilespmem:s0+$0x8540]  }
0xeb: {  	s9 =	sor.u32 $0x1810, s1;
	v27 =	vld [tilespmem:s0+$0x530];
	[tilespmem:s8+$0x100] =	vst v7  }
0xec: {  	v7 =	vld [tilespmem:s9+$0x100]  }
0xed: {  	v58 =	vld [tilespmem:s9+$0x8100]  }
0xee: {  	v28 =	vld [tilespmem:s0+$0x8530]  }
0xef: {  	v29 =	vld [tilespmem:s0+$0x540]  }
0xf0: {  	v30 =	vld [tilespmem:s0+$0x550]  }
0xf1: {  	v32 =	vld [tilespmem:s0+$0x8550]  }
0xf2: {  	v33 =	vld [tilespmem:s0+$0x560];
	v7 =	vadd.f32 v58, v7  }
0xf3: {  	v31 =	vld [tilespmem:s0+$0x900]  }
0xf4: {  	s10 =	sor.u32 $0x1820, s1;
	v35 =	vld [tilespmem:s0+$0x570];
	[tilespmem:s9+$0x100] =	vst v7  }
0xf5: {  	v7 =	vld [tilespmem:s10+$0x100]  }
0xf6: {  	v59 =	vld [tilespmem:s10+$0x8100]  }
0xf7: {  	v37 =	vld [tilespmem:s0+$0x8900]  }
0xf8: {  	v39 =	vld [tilespmem:s0+$0x910]  }
0xf9: {  	v41 =	vld [tilespmem:s0+$0x920]  }
0xfa: {  	v43 =	vld [tilespmem:s0+$0x930]  }
0xfb: {  	v45 =	vld [tilespmem:s0+$0x970];
	v7 =	vadd.f32 v59, v7  }
0xfc: {  	v47 =	vld [tilespmem:s0+$0x950]  }
0xfd: {  	s11 =	sor.u32 $0x1830, s1;
	v51 =	vld [tilespmem:s0+$0x8970];
	[tilespmem:s10+$0x100] =	vst v7  }
0xfe: {  	v7 =	vld [tilespmem:s11+$0x100]  }
0xff: {  	v60 =	vld [tilespmem:s11+$0x8100]  }
0x100: {  	v9 =	vld [tilespmem:s0+$0x100]  }
0x101: {  	v34 =	vld [tilespmem:s0+$0x8560]  }
0x102: {  	v36 =	vld [tilespmem:s0+$0x8570]  }
0x103: {  	v40 =	vld [tilespmem:s0+$0x8910]  }
0x104: {  	v38 =	vld [tilespmem:s0+$0x8930];
	v7 =	vadd.f32 v60, v7  }
0x105: {  	v53 =	vld [tilespmem:s0+$0xD00]  }
0x106: {  	s12 =	sor.u32 $0x1840, s1;
	v52 =	vld [tilespmem:s0+$0x8D20];
	[tilespmem:s11+$0x100] =	vst v7  }
0x107: {  	v7 =	vld [tilespmem:s12+$0x100]  }
0x108: {  	v61 =	vld [tilespmem:s12+$0x8100]  }
0x109: {  	v42 =	vld [tilespmem:s0+$0x8920]  }
0x10a: {  	v44 =	vld [tilespmem:s0+$0x940]  }
0x10b: {  	v46 =	vld [tilespmem:s0+$0x8940]  }
0x10c: {  	v48 =	vld [tilespmem:s0+$0x8950]  }
0x10d: {  	v45 =	vadd.f32 v51, v45;
	v51 =	vld [tilespmem:s0+$0x9500];
	v7 =	vadd.f32 v61, v7  }
0x10e: {  	v49 =	vld [tilespmem:s0+$0x960]  }
0x10f: {  	s13 =	sor.u32 $0x1850, s1;
	v50 =	vld [tilespmem:s0+$0x8960];
	[tilespmem:s12+$0x100] =	vst v7  }
0x110: {  	v7 =	vld [tilespmem:s13+$0x100]  }
0x111: {  	v62 =	vld [tilespmem:s13+$0x8100]  }
0x112: {  	v10 =	vld [tilespmem:s0+$0x8100]  }
0x113: {  	v11 =	vld [tilespmem:s0+$0x130]  }
0x114: {  	v5 =	vld [tilespmem:s0+$0x110]  }
0x115: {  	v57 =	vld [tilespmem:s0+$0xD20]  }
0x116: {  	v55 =	vld [tilespmem:s0+$0xD10];
	v7 =	vadd.f32 v62, v7  }
0x117: {  	v4 =	vld [tilespmem:s0+$0x120]  }
0x118: {  	s14 =	sor.u32 $0x1860, s1;
	v6 =	vld [tilespmem:s0+$0x8110];
	[tilespmem:s13+$0x100] =	vst v7  }
0x119: {  	v7 =	vld [tilespmem:s14+$0x100]  }
0x11a: {  	v63 =	vld [tilespmem:s14+$0x8100]  }
0x11b: {  	v3 =	vld [tilespmem:s0+$0x8120]  }
0x11c: {  	v56 =	vld [tilespmem:s0+$0x8D10];
	v9 =	vadd.f32 v10, v9  }
0x11d: {  	v54 =	vld [tilespmem:s0+$0x8D00]  }
0x11e: {  	[tilespmem:s0+$0x100] =	vst v9;
	v9 =	vld [tilespmem:s0+$0x8D50]  }
0x11f: {  	v5 =	vadd.f32 v6, v5;
	v6 =	vld [tilespmem:s0+$0xD50];
	v7 =	vadd.f32 v63, v7  }
0x120: {  	v3 =	vadd.f32 v3, v4;
	v4 =	vld [tilespmem:s0+$0xD60]  }
0x121: {  	s15 =	sor.u32 $0x1870, s1;
	v8 =	vld [tilespmem:s0+$0x8150];
	[tilespmem:s14+$0x100] =	vst v7  }
0x122: {  	v7 =	vld [tilespmem:s15+$0x100]  }
0x123: {  	[tilespmem:s0+$0x110] =	vst v5;
	v5 =	vadd.f32 v12, v11;
	v59 =	vld [tilespmem:s15+$0x8100]  }
0x124: {  	v11 =	vld [tilespmem:s0+$0x8D60];
	[tilespmem:s0+$0x120] =	vst v3;
	v3 =	vadd.f32 v14, v13  }
0x125: {  	v10 =	vld [tilespmem:s0+$0x8D40];
	[tilespmem:s0+$0x130] =	vst v5;
	v6 =	vadd.f32 v9, v6  }
0x126: {  	v12 =	vld [tilespmem:s0+$0xD70];
	[tilespmem:s0+$0x140] =	vst v3;
	v3 =	vadd.f32 v18, v16  }
0x127: {  	v13 =	vld [tilespmem:s0+$0x8D70];
	[tilespmem:s0+$0xD50] =	vst v6;
	v5 =	vadd.f32 v8, v15  }
0x128: {  	v14 =	vld [tilespmem:s0+$0x1100];
	[tilespmem:s0+$0x160] =	vst v3;
	v7 =	vadd.f32 v59, v7  }
0x129: {  	v4 =	vadd.f32 v11, v4;
	v11 =	vld [tilespmem:s0+$0x1520];
	[tilespmem:s0+$0x150] =	vst v5  }
0x12a: {  	s16 =	sor.u32 $0x1C00, s1;
	v15 =	vld [tilespmem:s0+$0x9100];
	v5 =	vadd.f32 v20, v19;
	[tilespmem:s15+$0x100] =	vst v7  }
0x12b: {  	v3 =	vadd.f32 v22, v21;
	[tilespmem:s0+$0xD60] =	vst v4;
	v7 =	vld [tilespmem:s16+$0x100]  }
0x12c: {  	[tilespmem:s0+$0x170] =	vst v5;
	v5 =	vadd.f32 v23, v17;
	v8 =	vld [tilespmem:s16+$0x8100]  }
0x12d: {  	v6 =	vadd.f32 v13, v12;
	[tilespmem:s0+$0x500] =	vst v3;
	v3 =	vld [tilespmem:s0+$0x1110]  }
0x12e: {  	v58 =	vld [tilespmem:s0+$0xD30];
	[tilespmem:s0+$0x510] =	vst v5;
	v5 =	vadd.f32 v26, v25  }
0x12f: {  	[tilespmem:s0+$0xD70] =	vst v6;
	v6 =	vld [tilespmem:s0+$0x1530];
	v4 =	vadd.f32 v15, v14  }
0x130: {  	v17 =	vld [tilespmem:s0+$0x1120];
	[tilespmem:s0+$0x520] =	vst v5;
	v5 =	vadd.f32 v24, v29  }
0x131: {  	[tilespmem:s0+$0x1100] =	vst v4;
	v4 =	vld [tilespmem:s0+$0x9530];
	v7 =	vadd.f32 v8, v7  }
0x132: {  	[tilespmem:s0+$0x540] =	vst v5;
	v5 =	vadd.f32 v34, v33;
	v33 =	vld [tilespmem:s0+$0x9130]  }
0x133: {  	s17 =	sor.u32 $0x1C10, s1;
	v61 =	vld [tilespmem:s0+$0xD40];
	[tilespmem:s16+$0x100] =	vst v7  }
0x134: {  	v28 =	vadd.f32 v28, v27;
	v7 =	vld [tilespmem:s17+$0x100]  }
0x135: {  	v30 =	vadd.f32 v32, v30;
	v32 =	vld [tilespmem:s17+$0x8100]  }
0x136: {  	[tilespmem:s0+$0x530] =	vst v28;
	v34 =	vadd.f32 v40, v39;
	v40 =	vld [tilespmem:s0+$0x9150]  }
0x137: {  	[tilespmem:s0+$0x560] =	vst v5;
	v5 =	vadd.f32 v37, v31;
	v37 =	vld [tilespmem:s0+$0x1150]  }
0x138: {  	[tilespmem:s0+$0x550] =	vst v30;
	v4 =	vadd.f32 v4, v6;
	v6 =	vld [tilespmem:s0+$0x9570]  }
0x139: {  	[tilespmem:s0+$0x900] =	vst v5;
	v5 =	vld [tilespmem:s0+$0x9140];
	v10 =	vadd.f32 v10, v61  }
0x13a: {  	[tilespmem:s0+$0x970] =	vst v45;
	v60 =	vld [tilespmem:s0+$0x8D30];
	v7 =	vadd.f32 v32, v7  }
0x13b: {  	[tilespmem:s0+$0xD40] =	vst v10;
	v10 =	vld [tilespmem:s0+$0x9510]  }
0x13c: {  	s18 =	sor.u32 $0x1C20, s1;
	v39 =	vadd.f32 v38, v43;
	v62 =	vadd.f32 v36, v35;
	v35 =	vld [tilespmem:s0+$0x1140];
	[tilespmem:s17+$0x100] =	vst v7  }
0x13d: {  	[tilespmem:s0+$0x910] =	vst v34;
	v36 =	vadd.f32 v42, v41;
	v41 =	vld [tilespmem:s18+$0x100]  }
0x13e: {  	[tilespmem:s0+$0x930] =	vst v39;
	v43 =	vld [tilespmem:s18+$0x8100]  }
0x13f: {  	[tilespmem:s0+$0x1530] =	vst v4;
	v8 =	vld [tilespmem:s0+$0x9110]  }
0x140: {  	v42 =	vadd.f32 v48, v47;
	v47 =	vld [tilespmem:s0+$0x1170];
	[tilespmem:s0+$0x570] =	vst v62  }
0x141: {  	v48 =	vadd.f32 v56, v55;
	[tilespmem:s0+$0x920] =	vst v36;
	v59 =	vld [tilespmem:s0+$0x9120]  }
0x142: {  	v56 =	vld [tilespmem:s0+$0x9540];
	[tilespmem:s0+$0x950] =	vst v42;
	v7 =	vadd.f32 v46, v44  }
0x143: {  	[tilespmem:s0+$0xD10] =	vst v48;
	v63 =	vld [tilespmem:s0+$0x1130];
	v16 =	vadd.f32 v43, v41  }
0x144: {  	v3 =	vadd.f32 v8, v3;
	v44 =	vld [tilespmem:s0+$0x1160];
	[tilespmem:s0+$0x940] =	vst v7  }
0x145: {  	s19 =	sor.u32 $0x1C30, s1;
	v46 =	vld [tilespmem:s0+$0x9160];
	v7 =	vadd.f32 v50, v49;
	[tilespmem:s18+$0x100] =	vst v16  }
0x146: {  	[tilespmem:s0+$0x1110] =	vst v3;
	v3 =	vadd.f32 v59, v17;
	v16 =	vld [tilespmem:s19+$0x100]  }
0x147: {  	[tilespmem:s0+$0x960] =	vst v7;
	v7 =	vadd.f32 v54, v53;
	v9 =	vld [tilespmem:s19+$0x8100]  }
0x148: {  	v55 =	vadd.f32 v33, v63;
	v59 =	vld [tilespmem:s0+$0x9550];
	[tilespmem:s0+$0x1120] =	vst v3  }
0x149: {  	v3 =	vadd.f32 v5, v35;
	[tilespmem:s0+$0xD00] =	vst v7;
	v7 =	vld [tilespmem:s0+$0x1500]  }
0x14a: {  	[tilespmem:s0+$0x1130] =	vst v55;
	v49 =	vld [tilespmem:s0+$0x9170];
	v50 =	vadd.f32 v52, v57  }
0x14b: {  	[tilespmem:s0+$0x1140] =	vst v3;
	v54 =	vld [tilespmem:s0+$0x9520];
	v3 =	vadd.f32 v46, v44  }
0x14c: {  	v52 =	vadd.f32 v60, v58;
	v58 =	vld [tilespmem:s0+$0x1550];
	[tilespmem:s0+$0xD20] =	vst v50;
	v8 =	vadd.f32 v9, v16  }
0x14d: {  	[tilespmem:s0+$0x1160] =	vst v3;
	v9 =	vld [tilespmem:s0+$0x1540]  }
0x14e: {  	s20 =	sor.u32 $0x1C40, s1;
	v53 =	vld [tilespmem:s0+$0x1510];
	v3 =	vadd.f32 v51, v7;
	[tilespmem:s19+$0x100] =	vst v8  }
0x14f: {  	[tilespmem:s0+$0xD30] =	vst v52;
	v8 =	vadd.f32 v40, v37;
	v5 =	vld [tilespmem:s20+$0x100]  }
0x150: {  	[tilespmem:s0+$0x1500] =	vst v3;
	v3 =	vadd.f32 v54, v11;
	v57 =	vld [tilespmem:s20+$0x8100]  }
0x151: {  	v7 =	vld [tilespmem:s0+$0x1560];
	[tilespmem:s0+$0x1150] =	vst v8;
	v8 =	vadd.f32 v49, v47  }
0x152: {  	v11 =	vld [tilespmem:s0+$0x1570];
	[tilespmem:s0+$0x1520] =	vst v3;
	v3 =	vadd.f32 v56, v9  }
0x153: {  	[tilespmem:s0+$0x1170] =	vst v8;
	v8 =	vadd.f32 v10, v53;
	v10 =	vld [tilespmem:s0+$0x9560]  }
0x154: {  	[tilespmem:s0+$0x1540] =	vst v3;
	v3 =	vadd.f32 v59, v58  }
0x155: {  	s21 =	sor.u32 $0x1800, s28;
	[tilespmem:s0+$0x1510] =	vst v8;
	v4 =	vadd.f32 v57, v5  }
0x156: {  	v5 =	vld [tilespmem:s21+$0x100];
	[tilespmem:s0+$0x1550] =	vst v3  }
0x157: {  	s22 =	sor.u32 $0x1C50, s1;
	v3 =	vadd.f32 v6, v11;
	[tilespmem:s20+$0x100] =	vst v4  }
0x158: {  	v4 =	vadd.f32 v10, v7;
	v7 =	vld [tilespmem:s22+$0x100]  }
0x159: {  	v6 =	vld [tilespmem:s22+$0x8100];
	[tilespmem:s0+$0x1570] =	vst v3  }
0x15a: {  	[tilespmem:s0+$0x1560] =	vst v4  }
0x15b: {  	v3 =	vld [tilespmem:s21+$0x8100];
	_ =	sdelay $0x2  }
0x15c: {  	v4 =	vadd.f32 v6, v7;
	_ =	sdelay $0x1  }
0x15d: {  	s23 =	sor.u32 $0x1C60, s1;
	[tilespmem:s22+$0x100] =	vst v4;
	v3 =	vadd.f32 v3, v5  }
0x15e: {  	v4 =	vld [tilespmem:s23+$0x100]  }
0x15f: {  	s24 =	sor.u32 $0x1810, s28;
	v5 =	vld [tilespmem:s23+$0x8100];
	[tilespmem:s21+$0x100] =	vst v3  }
0x160: {  	v3 =	vld [tilespmem:s24+$0x100]  }
0x161: {  	v6 =	vld [tilespmem:s24+$0x8100];
	_ =	sdelay $0x2  }
0x162: {  	v4 =	vadd.f32 v5, v4;
	_ =	sdelay $0x1  }
0x163: {  	[tilespmem:s23+$0x100] =	vst v4;
	v4 =	vadd.f32 v6, v3;
	_ =	sdelay $0x1  }
0x164: {  	s25 =	sor.u32 $0x1820, s28;
	[tilespmem:s24+$0x100] =	vst v4  }
0x165: {  	v4 =	vld [tilespmem:s25+$0x100]  }
0x166: {  	v5 =	vld [tilespmem:s25+$0x8100]  }
0x167: {  	s26 =	simm.s32 $0x100;
	s2 =	simm.s32 $0x800  }
0x168: {  	s6 =	sand.u32 $0x6000, s2;
	s3 =	sand.u32 $0x300, s26  }
0x169: {  	s0 =	sor.u32 $0x1C70, s1;
	s1 =	sor.u32 s3, s6  }
0x16a: {  	v7 =	vld [tilespmem:s1+$0x190]  }
0x16b: {  	v3 =	vld [tilespmem:s0+$0x100];
	v4 =	vadd.f32 v5, v4  }
0x16c: {  	v6 =	vld [tilespmem:s1+$0x8180]  }
0x16d: {  	s5 =	sor.u32 $0x1830, s28;
	v5 =	vld [tilespmem:s1+$0x180];
	[tilespmem:s25+$0x100] =	vst v4  }
0x16e: {  	v4 =	vld [tilespmem:s5+$0x100]  }
0x16f: {  	v8 =	vld [tilespmem:s1+$0x8190]  }
0x170: {  	v9 =	vld [tilespmem:s1+$0x1A0]  }
0x171: {  	v10 =	vld [tilespmem:s1+$0x81A0]  }
0x172: {  	v11 =	vld [tilespmem:s1+$0x1B0]  }
0x173: {  	v12 =	vld [tilespmem:s1+$0x81B0]  }
0x174: {  	v13 =	vld [tilespmem:s1+$0x1C0]  }
0x175: {  	v14 =	vld [tilespmem:s1+$0x81C0]  }
0x176: {  	v15 =	vld [tilespmem:s1+$0x1D0]  }
0x177: {  	v16 =	vld [tilespmem:s1+$0x81D0]  }
0x178: {  	v17 =	vld [tilespmem:s1+$0x1E0]  }
0x179: {  	v18 =	vld [tilespmem:s1+$0x81E0]  }
0x17a: {  	v19 =	vld [tilespmem:s1+$0x1F0]  }
0x17b: {  	v20 =	vld [tilespmem:s1+$0x81F0]  }
0x17c: {  	v21 =	vld [tilespmem:s1+$0x580]  }
0x17d: {  	v22 =	vld [tilespmem:s1+$0x8580]  }
0x17e: {  	v23 =	vld [tilespmem:s1+$0x590]  }
0x17f: {  	v24 =	vld [tilespmem:s1+$0x8590]  }
0x180: {  	v25 =	vld [tilespmem:s1+$0x5A0]  }
0x181: {  	v26 =	vld [tilespmem:s1+$0x85A0]  }
0x182: {  	v27 =	vld [tilespmem:s1+$0x5B0]  }
0x183: {  	v60 =	vld [tilespmem:s1+$0x85B0]  }
0x184: {  	v29 =	vld [tilespmem:s1+$0x5C0]  }
0x185: {  	v61 =	vld [tilespmem:s1+$0x85C0]  }
0x186: {  	v31 =	vld [tilespmem:s1+$0x5D0]  }
0x187: {  	v62 =	vld [tilespmem:s1+$0x85D0]  }
0x188: {  	v33 =	vld [tilespmem:s1+$0x5E0]  }
0x189: {  	v63 =	vld [tilespmem:s1+$0x85E0]  }
0x18a: {  	v35 =	vld [tilespmem:s1+$0x5F0]  }
0x18b: {  	v36 =	vld [tilespmem:s1+$0x85F0]  }
0x18c: {  	v37 =	vld [tilespmem:s1+$0x980]  }
0x18d: {  	v38 =	vld [tilespmem:s1+$0x8980]  }
0x18e: {  	v39 =	vld [tilespmem:s1+$0x990]  }
0x18f: {  	v40 =	vld [tilespmem:s1+$0x8990]  }
0x190: {  	v41 =	vld [tilespmem:s1+$0x9A0]  }
0x191: {  	v42 =	vld [tilespmem:s1+$0x89A0]  }
0x192: {  	v43 =	vld [tilespmem:s1+$0x9B0]  }
0x193: {  	v44 =	vld [tilespmem:s1+$0x89B0]  }
0x194: {  	v45 =	vld [tilespmem:s1+$0x9C0]  }
0x195: {  	v46 =	vld [tilespmem:s1+$0x89C0]  }
0x196: {  	v47 =	vld [tilespmem:s1+$0x9D0]  }
0x197: {  	v48 =	vld [tilespmem:s1+$0x89D0]  }
0x198: {  	v49 =	vld [tilespmem:s1+$0x9E0]  }
0x199: {  	v50 =	vld [tilespmem:s1+$0x89E0]  }
0x19a: {  	v51 =	vld [tilespmem:s1+$0x9F0]  }
0x19b: {  	v52 =	vld [tilespmem:s1+$0x89F0]  }
0x19c: {  	v53 =	vld [tilespmem:s1+$0xD80]  }
0x19d: {  	v54 =	vld [tilespmem:s1+$0x8D80]  }
0x19e: {  	v55 =	vld [tilespmem:s1+$0xD90]  }
0x19f: {  	v56 =	vld [tilespmem:s1+$0x8D90]  }
0x1a0: {  	v57 =	vld [tilespmem:s1+$0xDA0]  }
0x1a1: {  	v58 =	vld [tilespmem:s1+$0xDF0]  }
0x1a2: {  	v59 =	vld [tilespmem:s1+$0x8DF0]  }
0x1a3: {  	v28 =	vld [tilespmem:s1+$0x520]  }
0x1a4: {  	v30 =	vld [tilespmem:s1+$0x530]  }
0x1a5: {  	v32 =	vld [tilespmem:s1+$0x540]  }
0x1a6: {  	v34 =	vld [tilespmem:s1+$0x900]  }
0x1a7: {  	v5 =	vadd.f32 v6, v5;
	v6 =	vld [tilespmem:s1+$0x8DA0]  }
0x1a8: {  	v7 =	vadd.f32 v8, v7;
	v8 =	vld [tilespmem:s1+$0xDB0]  }
0x1a9: {  	[tilespmem:s1+$0x180] =	vst v5;
	v5 =	vadd.f32 v10, v9;
	v9 =	vld [tilespmem:s1+$0x8DB0]  }
0x1aa: {  	v10 =	vld [tilespmem:s1+$0xDC0];
	[tilespmem:s1+$0x190] =	vst v7;
	v7 =	vadd.f32 v12, v11  }
0x1ab: {  	[tilespmem:s1+$0x1A0] =	vst v5;
	v5 =	vadd.f32 v14, v13;
	v11 =	vld [tilespmem:s1+$0x8DC0]  }
0x1ac: {  	v12 =	vld [tilespmem:s1+$0xDD0];
	[tilespmem:s1+$0x1B0] =	vst v7;
	v7 =	vadd.f32 v16, v15  }
0x1ad: {  	v13 =	vld [tilespmem:s1+$0x8DD0];
	[tilespmem:s1+$0x1C0] =	vst v5;
	v5 =	vadd.f32 v18, v17  }
0x1ae: {  	v14 =	vld [tilespmem:s1+$0xDE0];
	[tilespmem:s1+$0x1D0] =	vst v7;
	v7 =	vadd.f32 v20, v19  }
0x1af: {  	v15 =	vld [tilespmem:s1+$0x8DE0];
	[tilespmem:s1+$0x1E0] =	vst v5;
	v5 =	vadd.f32 v22, v21  }
0x1b0: {  	v16 =	vld [tilespmem:s1+$0x140];
	[tilespmem:s1+$0x1F0] =	vst v7;
	v7 =	vadd.f32 v24, v23  }
0x1b1: {  	v17 =	vld [tilespmem:s1+$0x8140];
	[tilespmem:s1+$0x580] =	vst v5;
	v5 =	vadd.f32 v26, v25  }
0x1b2: {  	[tilespmem:s1+$0x590] =	vst v7;
	v7 =	vadd.f32 v60, v27;
	v60 =	vld [tilespmem:s1+$0x1180]  }
0x1b3: {  	[tilespmem:s1+$0x5A0] =	vst v5;
	v5 =	vadd.f32 v61, v29;
	v61 =	vld [tilespmem:s1+$0x9180]  }
0x1b4: {  	[tilespmem:s1+$0x5B0] =	vst v7;
	v7 =	vadd.f32 v62, v31;
	v62 =	vld [tilespmem:s1+$0x1190]  }
0x1b5: {  	[tilespmem:s1+$0x5C0] =	vst v5;
	v5 =	vadd.f32 v63, v33;
	v63 =	vld [tilespmem:s1+$0x9190]  }
0x1b6: {  	[tilespmem:s1+$0x5D0] =	vst v7;
	v7 =	vadd.f32 v36, v35;
	v36 =	vld [tilespmem:s1+$0x11A0]  }
0x1b7: {  	[tilespmem:s1+$0x5E0] =	vst v5;
	v5 =	vadd.f32 v38, v37;
	v38 =	vld [tilespmem:s1+$0x91A0]  }
0x1b8: {  	[tilespmem:s1+$0x5F0] =	vst v7;
	v7 =	vadd.f32 v40, v39;
	v40 =	vld [tilespmem:s1+$0x11B0]  }
0x1b9: {  	[tilespmem:s1+$0x980] =	vst v5;
	v5 =	vadd.f32 v42, v41;
	v42 =	vld [tilespmem:s1+$0x91B0]  }
0x1ba: {  	[tilespmem:s1+$0x990] =	vst v7;
	v7 =	vadd.f32 v44, v43;
	v43 =	vld [tilespmem:s1+$0x11C0]  }
0x1bb: {  	[tilespmem:s1+$0x9A0] =	vst v5;
	v5 =	vadd.f32 v46, v45;
	v44 =	vld [tilespmem:s1+$0x91C0]  }
0x1bc: {  	v45 =	vld [tilespmem:s1+$0x11D0];
	[tilespmem:s1+$0x9B0] =	vst v7;
	v7 =	vadd.f32 v48, v47  }
0x1bd: {  	v46 =	vld [tilespmem:s1+$0x91D0];
	[tilespmem:s1+$0x9C0] =	vst v5;
	v5 =	vadd.f32 v50, v49  }
0x1be: {  	v47 =	vld [tilespmem:s1+$0x11E0];
	[tilespmem:s1+$0x9D0] =	vst v7;
	v7 =	vadd.f32 v52, v51  }
0x1bf: {  	v48 =	vld [tilespmem:s1+$0x91E0];
	[tilespmem:s1+$0x9E0] =	vst v5;
	v5 =	vadd.f32 v54, v53  }
0x1c0: {  	v49 =	vld [tilespmem:s1+$0x11F0];
	[tilespmem:s1+$0x9F0] =	vst v7;
	v7 =	vadd.f32 v56, v55  }
0x1c1: {  	[tilespmem:s1+$0xD80] =	vst v5;
	v5 =	vadd.f32 v6, v57;
	v6 =	vld [tilespmem:s1+$0x91F0]  }
0x1c2: {  	v50 =	vld [tilespmem:s1+$0x15A0];
	[tilespmem:s1+$0xD90] =	vst v7;
	v7 =	vadd.f32 v9, v8  }
0x1c3: {  	v51 =	vld [tilespmem:s1+$0x95A0];
	[tilespmem:s1+$0xDA0] =	vst v5;
	v5 =	vadd.f32 v11, v10  }
0x1c4: {  	v52 =	vld [tilespmem:s1+$0x15B0];
	[tilespmem:s1+$0xDB0] =	vst v7;
	v7 =	vadd.f32 v13, v12  }
0x1c5: {  	v53 =	vld [tilespmem:s1+$0x95B0];
	[tilespmem:s1+$0xDC0] =	vst v5;
	v5 =	vadd.f32 v15, v14  }
0x1c6: {  	v54 =	vld [tilespmem:s1+$0x15C0];
	v6 =	vadd.f32 v6, v49;
	[tilespmem:s1+$0xDD0] =	vst v7  }
0x1c7: {  	v55 =	vld [tilespmem:s1+$0x15D0];
	v7 =	vadd.f32 v59, v58;
	[tilespmem:s1+$0xDE0] =	vst v5  }
0x1c8: {  	v10 =	vld [tilespmem:s1+$0x1590];
	v5 =	vadd.f32 v61, v60;
	[tilespmem:s1+$0x11F0] =	vst v6  }
0x1c9: {  	v11 =	vld [tilespmem:s1+$0x9590];
	[tilespmem:s1+$0xDF0] =	vst v7;
	v7 =	vadd.f32 v63, v62  }
0x1ca: {  	v8 =	vld [tilespmem:s1+$0x1580];
	[tilespmem:s1+$0x1180] =	vst v5;
	v5 =	vadd.f32 v38, v36  }
0x1cb: {  	v9 =	vld [tilespmem:s1+$0x9580];
	[tilespmem:s1+$0x1190] =	vst v7;
	v7 =	vadd.f32 v42, v40  }
0x1cc: {  	v56 =	vld [tilespmem:s1+$0x95D0];
	[tilespmem:s1+$0x11A0] =	vst v5;
	v5 =	vadd.f32 v44, v43  }
0x1cd: {  	v57 =	vld [tilespmem:s1+$0x15E0];
	[tilespmem:s1+$0x11B0] =	vst v7;
	v7 =	vadd.f32 v46, v45  }
0x1ce: {  	v6 =	vadd.f32 v11, v10;
	v11 =	vld [tilespmem:s1+$0x95C0];
	[tilespmem:s1+$0x11C0] =	vst v5;
	v5 =	vadd.f32 v48, v47  }
0x1cf: {  	v10 =	vadd.f32 v51, v50;
	[tilespmem:s1+$0x11D0] =	vst v7;
	v7 =	vld [tilespmem:s1+$0x95E0]  }
0x1d0: {  	[tilespmem:s1+$0x11E0] =	vst v5;
	v5 =	vadd.f32 v9, v8;
	v8 =	vld [tilespmem:s1+$0x15F0]  }
0x1d1: {  	[tilespmem:s1+$0x15A0] =	vst v10;
	v10 =	vadd.f32 v56, v55;
	v9 =	vld [tilespmem:s1+$0x95F0]  }
0x1d2: {  	v18 =	vld [tilespmem:s1+$0x150];
	[tilespmem:s1+$0x1590] =	vst v6;
	v6 =	vadd.f32 v53, v52  }
0x1d3: {  	s7 =	simm.s32 $0x1;
	v19 =	vld [tilespmem:s1+$0x160];
	[tilespmem:s1+$0x15D0] =	vst v10;
	v10 =	vadd.f32 v11, v54  }
0x1d4: {  	s3 =	sand.u32 $0x3, s7;
	v21 =	vld [tilespmem:s1+$0x8160];
	[tilespmem:s1+$0x15B0] =	vst v6  }
0x1d5: {  	s3 =	sshll.u32 s3, $0x8;
	v22 =	vld [tilespmem:s1+$0x170];
	[tilespmem:s1+$0x15C0] =	vst v10;
	v6 =	vadd.f32 v7, v57  }
0x1d6: {  	s29 =	sadd.s32 $0x800, s3;
	v20 =	vld [tilespmem:s1+$0x510];
	[tilespmem:s1+$0x1580] =	vst v5;
	v8 =	vadd.f32 v9, v8  }
0x1d7: {  	s3 =	sadd.s32 $0x80, s29;
	v23 =	vld [tilespmem:s1+$0x8170];
	[tilespmem:s1+$0x15E0] =	vst v6  }
0x1d8: {  	s8 =	sor.u32 $0x1800, s3;
	v24 =	vld [tilespmem:s1+$0x500];
	[tilespmem:s1+$0x15F0] =	vst v8  }
0x1d9: {  	v10 =	vld [tilespmem:s8+$0x100]  }
0x1da: {  	v11 =	vld [tilespmem:s8+$0x8100]  }
0x1db: {  	v25 =	vld [tilespmem:s1+$0x8500]  }
0x1dc: {  	v26 =	vld [tilespmem:s1+$0x8510]  }
0x1dd: {  	v29 =	vld [tilespmem:s1+$0x8520]  }
0x1de: {  	v27 =	vld [tilespmem:s1+$0x8540]  }
0x1df: {  	v31 =	vld [tilespmem:s1+$0x8530];
	v10 =	vadd.f32 v11, v10  }
0x1e0: {  	v33 =	vld [tilespmem:s1+$0x550]  }
0x1e1: {  	s9 =	sor.u32 $0x1810, s3;
	v35 =	vld [tilespmem:s1+$0x8550];
	[tilespmem:s8+$0x100] =	vst v10  }
0x1e2: {  	v10 =	vld [tilespmem:s9+$0x100]  }
0x1e3: {  	v58 =	vld [tilespmem:s9+$0x8100]  }
0x1e4: {  	v37 =	vld [tilespmem:s1+$0x8560]  }
0x1e5: {  	v39 =	vld [tilespmem:s1+$0x8570]  }
0x1e6: {  	v41 =	vld [tilespmem:s1+$0x8930]  }
0x1e7: {  	v12 =	vld [tilespmem:s1+$0x100]  }
0x1e8: {  	v13 =	vld [tilespmem:s1+$0x8100];
	v10 =	vadd.f32 v58, v10  }
0x1e9: {  	v14 =	vld [tilespmem:s1+$0x130]  }
0x1ea: {  	s10 =	sor.u32 $0x1820, s3;
	v15 =	vld [tilespmem:s1+$0x8130];
	[tilespmem:s9+$0x100] =	vst v10  }
0x1eb: {  	v10 =	vld [tilespmem:s10+$0x100]  }
0x1ec: {  	v59 =	vld [tilespmem:s10+$0x8100]  }
0x1ed: {  	v49 =	vld [tilespmem:s1+$0x8940]  }
0x1ee: {  	v50 =	vld [tilespmem:s1+$0x950]  }
0x1ef: {  	v51 =	vld [tilespmem:s1+$0x8950]  }
0x1f0: {  	v36 =	vld [tilespmem:s1+$0x560]  }
0x1f1: {  	v38 =	vld [tilespmem:s1+$0x570];
	v10 =	vadd.f32 v59, v10  }
0x1f2: {  	v52 =	vld [tilespmem:s1+$0x960]  }
0x1f3: {  	s11 =	sor.u32 $0x1830, s3;
	v53 =	vld [tilespmem:s1+$0x8960];
	[tilespmem:s10+$0x100] =	vst v10  }
0x1f4: {  	v10 =	vld [tilespmem:s11+$0x100]  }
0x1f5: {  	v60 =	vld [tilespmem:s11+$0x8100]  }
0x1f6: {  	v56 =	vld [tilespmem:s1+$0xD00]  }
0x1f7: {  	v12 =	vadd.f32 v13, v12;
	v13 =	vld [tilespmem:s1+$0x8D30]  }
0x1f8: {  	v40 =	vld [tilespmem:s1+$0x8900]  }
0x1f9: {  	v42 =	vld [tilespmem:s1+$0x910]  }
0x1fa: {  	v43 =	vld [tilespmem:s1+$0x8910];
	v10 =	vadd.f32 v60, v10  }
0x1fb: {  	v44 =	vld [tilespmem:s1+$0x920];
	[tilespmem:s1+$0x100] =	vst v12  }
0x1fc: {  	s12 =	sor.u32 $0x1840, s3;
	v12 =	vld [tilespmem:s1+$0xD50];
	[tilespmem:s11+$0x100] =	vst v10  }
0x1fd: {  	v10 =	vld [tilespmem:s12+$0x100]  }
0x1fe: {  	v61 =	vld [tilespmem:s12+$0x8100]  }
0x1ff: {  	v45 =	vld [tilespmem:s1+$0x8920]  }
0x200: {  	v47 =	vld [tilespmem:s1+$0x940]  }
0x201: {  	v46 =	vld [tilespmem:s1+$0x930]  }
0x202: {  	v48 =	vld [tilespmem:s1+$0x970];
	v38 =	vadd.f32 v39, v38  }
0x203: {  	v54 =	vld [tilespmem:s1+$0x8970];
	v10 =	vadd.f32 v61, v10  }
0x204: {  	[tilespmem:s1+$0x570] =	vst v38;
	v5 =	vld [tilespmem:s5+$0x8100]  }
0x205: {  	s13 =	sor.u32 $0x1850, s3;
	v38 =	vadd.f32 v49, v47;
	v47 =	vld [tilespmem:s1+$0x9160];
	[tilespmem:s12+$0x100] =	vst v10  }
0x206: {  	v43 =	vadd.f32 v43, v42;
	v10 =	vld [tilespmem:s13+$0x100]  }
0x207: {  	v62 =	vld [tilespmem:s13+$0x8100]  }
0x208: {  	[tilespmem:s1+$0x910] =	vst v43;
	v43 =	vadd.f32 v54, v48;
	v48 =	vld [tilespmem:s1+$0x1170]  }
0x209: {  	v49 =	vld [tilespmem:s1+$0x9170]  }
0x20a: {  	v54 =	vld [tilespmem:s1+$0x9520]  }
0x20b: {  	v7 =	vld [tilespmem:s1+$0x110]  }
0x20c: {  	v9 =	vld [tilespmem:s1+$0x8110];
	v10 =	vadd.f32 v62, v10  }
0x20d: {  	v6 =	vld [tilespmem:s1+$0x120]  }
0x20e: {  	s14 =	sor.u32 $0x1860, s3;
	v8 =	vld [tilespmem:s1+$0x8120];
	[tilespmem:s13+$0x100] =	vst v10  }
0x20f: {  	v10 =	vld [tilespmem:s14+$0x100]  }
0x210: {  	v55 =	vld [tilespmem:s14+$0x8100]  }
0x211: {  	v57 =	vld [tilespmem:s1+$0x8D00]  }
0x212: {  	v7 =	vadd.f32 v9, v7;
	v9 =	vld [tilespmem:s1+$0xD40]  }
0x213: {  	v6 =	vadd.f32 v8, v6;
	v8 =	vld [tilespmem:s1+$0x8D40]  }
0x214: {  	[tilespmem:s1+$0x110] =	vst v7;
	v7 =	vadd.f32 v15, v14;
	v14 =	vld [tilespmem:s1+$0xD60]  }
0x215: {  	v15 =	vld [tilespmem:s1+$0x8D60];
	[tilespmem:s1+$0x120] =	vst v6;
	v10 =	vadd.f32 v55, v10  }
0x216: {  	v11 =	vld [tilespmem:s1+$0x8150];
	[tilespmem:s1+$0x130] =	vst v7  }
0x217: {  	s15 =	sor.u32 $0x1870, s3;
	v6 =	vld [tilespmem:s1+$0x8D50];
	v7 =	vadd.f32 v17, v16;
	[tilespmem:s14+$0x100] =	vst v10  }
0x218: {  	v10 =	vld [tilespmem:s15+$0x100]  }
0x219: {  	[tilespmem:s1+$0x140] =	vst v7;
	v7 =	vadd.f32 v21, v19;
	v62 =	vld [tilespmem:s15+$0x8100]  }
0x21a: {  	v17 =	vld [tilespmem:s1+$0xD70]  }
0x21b: {  	v16 =	vld [tilespmem:s1+$0x9110];
	[tilespmem:s1+$0x160] =	vst v7;
	v7 =	vadd.f32 v25, v24  }
0x21c: {  	v19 =	vld [tilespmem:s1+$0x1100]  }
0x21d: {  	v8 =	vadd.f32 v8, v9;
	v9 =	vld [tilespmem:s1+$0x9500];
	[tilespmem:s1+$0x500] =	vst v7;
	v7 =	vadd.f32 v29, v28  }
0x21e: {  	v11 =	vadd.f32 v11, v18;
	v18 =	vld [tilespmem:s1+$0x8D70];
	v10 =	vadd.f32 v62, v10  }
0x21f: {  	v24 =	vld [tilespmem:s1+$0x9120];
	[tilespmem:s1+$0x520] =	vst v7  }
0x220: {  	s16 =	sor.u32 $0x1C00, s3;
	v7 =	vld [tilespmem:s1+$0x1110];
	[tilespmem:s15+$0x100] =	vst v10  }
0x221: {  	[tilespmem:s1+$0x150] =	vst v11;
	v11 =	vadd.f32 v23, v22;
	v10 =	vld [tilespmem:s16+$0x100]  }
0x222: {  	v6 =	vadd.f32 v6, v12;
	v63 =	vld [tilespmem:s16+$0x8100]  }
0x223: {  	v22 =	vld [tilespmem:s1+$0x1120];
	[tilespmem:s1+$0x170] =	vst v11;
	v11 =	vadd.f32 v26, v20  }
0x224: {  	v58 =	vld [tilespmem:s1+$0xD10];
	[tilespmem:s1+$0xD50] =	vst v6;
	v6 =	vadd.f32 v18, v17  }
0x225: {  	v35 =	vadd.f32 v35, v33;
	v20 =	vld [tilespmem:s1+$0x9100];
	[tilespmem:s1+$0x510] =	vst v11  }
0x226: {  	v11 =	vadd.f32 v31, v30;
	[tilespmem:s1+$0xD70] =	vst v6;
	v6 =	vadd.f32 v16, v7;
	v7 =	vld [tilespmem:s1+$0x1520]  }
0x227: {  	[tilespmem:s1+$0x550] =	vst v35;
	v59 =	vld [tilespmem:s1+$0x8D10];
	v10 =	vadd.f32 v63, v10  }
0x228: {  	[tilespmem:s1+$0x530] =	vst v11;
	v11 =	vadd.f32 v27, v32;
	v60 =	vld [tilespmem:s1+$0xD20]  }
0x229: {  	s17 =	sor.u32 $0x1C10, s3;
	v61 =	vld [tilespmem:s1+$0xD30];
	[tilespmem:s16+$0x100] =	vst v10  }
0x22a: {  	[tilespmem:s1+$0x540] =	vst v11;
	v11 =	vld [tilespmem:s17+$0x100]  }
0x22b: {  	[tilespmem:s1+$0x940] =	vst v38;
	v39 =	vld [tilespmem:s17+$0x8100]  }
0x22c: {  	[tilespmem:s1+$0xD40] =	vst v8;
	v8 =	vadd.f32 v15, v14;
	v55 =	vld [tilespmem:s1+$0x8D20]  }
0x22d: {  	[tilespmem:s1+$0x970] =	vst v43;
	v4 =	vadd.f32 v5, v4;
	v62 =	vld [tilespmem:s1+$0x1130]  }
0x22e: {  	[tilespmem:s1+$0xD60] =	vst v8;
	v8 =	vadd.f32 v20, v19;
	v63 =	vld [tilespmem:s1+$0x9130]  }
0x22f: {  	[tilespmem:s5+$0x100] =	vst v4;
	v10 =	vadd.f32 v37, v36;
	v37 =	vld [tilespmem:s1+$0x1140]  }
0x230: {  	[tilespmem:s1+$0x1100] =	vst v8;
	v36 =	vadd.f32 v41, v46;
	v41 =	vld [tilespmem:s1+$0x9150];
	v11 =	vadd.f32 v39, v11  }
0x231: {  	v46 =	vadd.f32 v59, v58;
	v58 =	vld [tilespmem:s1+$0x1550];
	[tilespmem:s1+$0x560] =	vst v10;
	v10 =	vadd.f32 v40, v34  }
0x232: {  	s18 =	sor.u32 $0x1C20, s3;
	v59 =	vld [tilespmem:s1+$0x9560];
	[tilespmem:s17+$0x100] =	vst v11  }
0x233: {  	[tilespmem:s1+$0x900] =	vst v10;
	v10 =	vadd.f32 v45, v44;
	v42 =	vld [tilespmem:s18+$0x100]  }
0x234: {  	[tilespmem:s1+$0x1110] =	vst v6;
	v11 =	vadd.f32 v53, v52;
	v44 =	vld [tilespmem:s18+$0x8100]  }
0x235: {  	v8 =	vadd.f32 v24, v22;
	v40 =	vadd.f32 v51, v50;
	v50 =	vld [tilespmem:s1+$0x1510];
	[tilespmem:s1+$0x920] =	vst v10  }
0x236: {  	v10 =	vld [tilespmem:s1+$0x9140];
	[tilespmem:s1+$0x960] =	vst v11;
	v11 =	vadd.f32 v57, v56  }
0x237: {  	[tilespmem:s1+$0x1120] =	vst v8;
	v13 =	vadd.f32 v13, v61;
	v45 =	vld [tilespmem:s1+$0x1160]  }
0x238: {  	v39 =	vld [tilespmem:s1+$0x1150];
	[tilespmem:s1+$0xD00] =	vst v11;
	v11 =	vadd.f32 v55, v60  }
0x239: {  	[tilespmem:s1+$0xD30] =	vst v13;
	v53 =	vld [tilespmem:s1+$0x9510];
	v21 =	vadd.f32 v44, v42  }
0x23a: {  	[tilespmem:s1+$0xD20] =	vst v11;
	v11 =	vld [tilespmem:s1+$0x1500]  }
0x23b: {  	s19 =	sor.u32 $0x1C30, s3;
	v8 =	vadd.f32 v10, v37;
	v10 =	vld [tilespmem:s1+$0x9530];
	[tilespmem:s18+$0x100] =	vst v21  }
0x23c: {  	[tilespmem:s1+$0x930] =	vst v36;
	v6 =	vadd.f32 v63, v62;
	v51 =	vld [tilespmem:s19+$0x100]  }
0x23d: {  	[tilespmem:s1+$0x1140] =	vst v8;
	v8 =	vadd.f32 v47, v45;
	v52 =	vld [tilespmem:s19+$0x8100]  }
0x23e: {  	[tilespmem:s1+$0x1130] =	vst v6;
	v6 =	vadd.f32 v41, v39;
	v55 =	vld [tilespmem:s1+$0x1530]  }
0x23f: {  	v56 =	vld [tilespmem:s1+$0x1540];
	[tilespmem:s1+$0x1160] =	vst v8;
	v8 =	vadd.f32 v9, v11  }
0x240: {  	v57 =	vld [tilespmem:s1+$0x9540];
	[tilespmem:s1+$0x1150] =	vst v6;
	v6 =	vadd.f32 v49, v48  }
0x241: {  	v9 =	vld [tilespmem:s1+$0x9550];
	[tilespmem:s1+$0x1500] =	vst v8;
	v8 =	vadd.f32 v53, v50  }
0x242: {  	[tilespmem:s1+$0x1170] =	vst v6;
	v11 =	vld [tilespmem:s1+$0x1560];
	v6 =	vadd.f32 v52, v51  }
0x243: {  	[tilespmem:s1+$0x1510] =	vst v8;
	v8 =	vadd.f32 v10, v55;
	v10 =	vld [tilespmem:s1+$0x9570]  }
0x244: {  	s20 =	sor.u32 $0x1C40, s3;
	[tilespmem:s19+$0x100] =	vst v6;
	v6 =	vadd.f32 v54, v7;
	v7 =	vld [tilespmem:s1+$0x1570]  }
0x245: {  	v5 =	vld [tilespmem:s20+$0x100];
	[tilespmem:s1+$0x1530] =	vst v8  }
0x246: {  	v8 =	vld [tilespmem:s20+$0x8100];
	[tilespmem:s1+$0x1520] =	vst v6;
	v6 =	vadd.f32 v57, v56  }
0x247: {  	[tilespmem:s1+$0xD10] =	vst v46  }
0x248: {  	[tilespmem:s1+$0x1540] =	vst v6;
	v6 =	vadd.f32 v9, v58  }
0x249: {  	s21 =	sor.u32 $0x1800, s29;
	[tilespmem:s1+$0x950] =	vst v40;
	v9 =	vadd.f32 v59, v11  }
0x24a: {  	s6 =	sor.u32 $0x1840, s28;
	v4 =	vld [tilespmem:s21+$0x100];
	v7 =	vadd.f32 v10, v7;
	[tilespmem:s1+$0x1550] =	vst v6  }
0x24b: {  	v6 =	vld [tilespmem:s6+$0x100];
	[tilespmem:s1+$0x1560] =	vst v9;
	v5 =	vadd.f32 v8, v5  }
0x24c: {  	s9 =	simm.s32 $0x200;
	s10 =	simm.s32 $0x1000;
	v9 =	vld [tilespmem:s6+$0x8100];
	[tilespmem:s1+$0x1570] =	vst v7  }
0x24d: {  	s22 =	sor.u32 $0x1C50, s3;
	s5 =	sand.u32 $0x6000, s10;
	s1 =	sand.u32 $0x300, s9;
	v7 =	vld [tilespmem:s21+$0x8100];
	[tilespmem:s20+$0x100] =	vst v5  }
0x24e: {  	s1 =	sor.u32 s1, s5;
	v8 =	vld [tilespmem:s22+$0x8100]  }
0x24f: {  	v11 =	vld [tilespmem:s1+$0x180]  }
0x250: {  	v12 =	vld [tilespmem:s1+$0x8180]  }
0x251: {  	v13 =	vld [tilespmem:s1+$0x190]  }
0x252: {  	v14 =	vld [tilespmem:s1+$0x8190]  }
0x253: {  	v15 =	vld [tilespmem:s1+$0x1A0]  }
0x254: {  	v16 =	vld [tilespmem:s1+$0x81A0]  }
0x255: {  	v17 =	vld [tilespmem:s1+$0x1B0]  }
0x256: {  	v18 =	vld [tilespmem:s1+$0x81B0]  }
0x257: {  	v19 =	vld [tilespmem:s1+$0x1C0]  }
0x258: {  	v20 =	vld [tilespmem:s1+$0x81C0]  }
0x259: {  	v21 =	vld [tilespmem:s1+$0x1D0]  }
0x25a: {  	v22 =	vld [tilespmem:s1+$0x81D0]  }
0x25b: {  	v23 =	vld [tilespmem:s1+$0x1E0]  }
0x25c: {  	v24 =	vld [tilespmem:s1+$0x81E0]  }
0x25d: {  	v25 =	vld [tilespmem:s1+$0x1F0]  }
0x25e: {  	v26 =	vld [tilespmem:s1+$0x81F0]  }
0x25f: {  	v27 =	vld [tilespmem:s1+$0x580]  }
0x260: {  	v60 =	vld [tilespmem:s1+$0x8580]  }
0x261: {  	v29 =	vld [tilespmem:s1+$0x590]  }
0x262: {  	v61 =	vld [tilespmem:s1+$0x8590]  }
0x263: {  	v31 =	vld [tilespmem:s1+$0x5A0]  }
0x264: {  	v62 =	vld [tilespmem:s1+$0x85A0]  }
0x265: {  	v33 =	vld [tilespmem:s1+$0x5B0]  }
0x266: {  	v63 =	vld [tilespmem:s1+$0x85B0]  }
0x267: {  	v35 =	vld [tilespmem:s1+$0x5C0]  }
0x268: {  	v36 =	vld [tilespmem:s1+$0x85C0]  }
0x269: {  	v37 =	vld [tilespmem:s1+$0x5D0]  }
0x26a: {  	v38 =	vld [tilespmem:s1+$0x85D0]  }
0x26b: {  	v39 =	vld [tilespmem:s1+$0x5E0]  }
0x26c: {  	v40 =	vld [tilespmem:s1+$0x85E0]  }
0x26d: {  	v41 =	vld [tilespmem:s1+$0x5F0]  }
0x26e: {  	v42 =	vld [tilespmem:s1+$0x85F0]  }
0x26f: {  	v43 =	vld [tilespmem:s1+$0x980]  }
0x270: {  	v44 =	vld [tilespmem:s1+$0x8980]  }
0x271: {  	v45 =	vld [tilespmem:s1+$0x990]  }
0x272: {  	v46 =	vld [tilespmem:s1+$0x8990]  }
0x273: {  	v47 =	vld [tilespmem:s1+$0x9A0]  }
0x274: {  	v48 =	vld [tilespmem:s1+$0x89A0]  }
0x275: {  	v49 =	vld [tilespmem:s1+$0x9B0]  }
0x276: {  	v50 =	vld [tilespmem:s1+$0x89B0]  }
0x277: {  	v51 =	vld [tilespmem:s1+$0x9C0]  }
0x278: {  	v52 =	vld [tilespmem:s1+$0x89C0];
	v5 =	vadd.f32 v9, v6  }
0x279: {  	v53 =	vld [tilespmem:s1+$0x9D0]  }
0x27a: {  	s23 =	sor.u32 $0x1850, s28;
	v6 =	vld [tilespmem:s22+$0x100];
	[tilespmem:s6+$0x100] =	vst v5;
	v4 =	vadd.f32 v7, v4  }
0x27b: {  	v5 =	vld [tilespmem:s23+$0x100]  }
0x27c: {  	s24 =	sor.u32 $0x1810, s29;
	v7 =	vld [tilespmem:s23+$0x8100];
	[tilespmem:s21+$0x100] =	vst v4  }
0x27d: {  	v4 =	vld [tilespmem:s24+$0x100]  }
0x27e: {  	v9 =	vld [tilespmem:s24+$0x8100]  }
0x27f: {  	v54 =	vld [tilespmem:s1+$0x89D0];
	v6 =	vadd.f32 v8, v6  }
0x280: {  	v55 =	vld [tilespmem:s1+$0x9E0]  }
0x281: {  	s25 =	sor.u32 $0x1C60, s3;
	v56 =	vld [tilespmem:s1+$0x89E0];
	[tilespmem:s22+$0x100] =	vst v6;
	v5 =	vadd.f32 v7, v5  }
0x282: {  	v6 =	vld [tilespmem:s25+$0x100]  }
0x283: {  	s26 =	sor.u32 $0x1860, s28;
	v7 =	vld [tilespmem:s25+$0x8100];
	[tilespmem:s23+$0x100] =	vst v5;
	v4 =	vadd.f32 v9, v4  }
0x284: {  	v5 =	vld [tilespmem:s26+$0x100]  }
0x285: {  	s2 =	sor.u32 $0x1820, s29;
	v8 =	vld [tilespmem:s26+$0x8100];
	[tilespmem:s24+$0x100] =	vst v4  }
0x286: {  	v4 =	vld [tilespmem:s2+$0x100]  }
0x287: {  	v9 =	vld [tilespmem:s2+$0x8100]  }
0x288: {  	v57 =	vld [tilespmem:s1+$0x9F0];
	v6 =	vadd.f32 v7, v6  }
0x289: {  	v58 =	vld [tilespmem:s1+$0x89F0]  }
0x28a: {  	s3 =	sor.u32 $0x1C70, s3;
	v7 =	vld [tilespmem:s0+$0x8100];
	[tilespmem:s25+$0x100] =	vst v6;
	v5 =	vadd.f32 v8, v5  }
0x28b: {  	v6 =	vld [tilespmem:s3+$0x100]  }
0x28c: {  	s7 =	sor.u32 $0x1870, s28;
	v8 =	vld [tilespmem:s3+$0x8100];
	[tilespmem:s26+$0x100] =	vst v5;
	v4 =	vadd.f32 v9, v4  }
0x28d: {  	v5 =	vld [tilespmem:s7+$0x100]  }
0x28e: {  	s8 =	sor.u32 $0x1830, s29;
	v9 =	vld [tilespmem:s7+$0x8100];
	[tilespmem:s2+$0x100] =	vst v4  }
0x28f: {  	v4 =	vld [tilespmem:s8+$0x100]  }
0x290: {  	v10 =	vld [tilespmem:s8+$0x8100]  }
0x291: {  	v59 =	vld [tilespmem:s1+$0xDE0];
	v3 =	vadd.f32 v7, v3  }
0x292: {  	v7 =	vld [tilespmem:s1+$0xD80];
	v6 =	vadd.f32 v8, v6  }
0x293: {  	[tilespmem:s0+$0x100] =	vst v3;
	v8 =	vld [tilespmem:s1+$0x8D80];
	v3 =	vadd.f32 v9, v5  }
0x294: {  	[tilespmem:s3+$0x100] =	vst v6;
	v6 =	vld [tilespmem:s1+$0x8D90];
	v9 =	vadd.f32 v12, v11  }
0x295: {  	v5 =	vld [tilespmem:s1+$0xD90];
	v4 =	vadd.f32 v10, v4;
	[tilespmem:s7+$0x100] =	vst v3  }
0x296: {  	v11 =	vld [tilespmem:s1+$0xDB0];
	v10 =	vadd.f32 v14, v13;
	[tilespmem:s1+$0x180] =	vst v9  }
0x297: {  	v12 =	vld [tilespmem:s1+$0x8DB0];
	v9 =	vadd.f32 v16, v15;
	[tilespmem:s8+$0x100] =	vst v4  }
0x298: {  	v3 =	vld [tilespmem:s1+$0xDA0];
	v7 =	vadd.f32 v8, v7;
	[tilespmem:s1+$0x190] =	vst v10  }
0x299: {  	v13 =	vld [tilespmem:s1+$0xDC0];
	v10 =	vadd.f32 v18, v17;
	[tilespmem:s1+$0x1A0] =	vst v9  }
0x29a: {  	v14 =	vld [tilespmem:s1+$0x8DC0];
	v9 =	vadd.f32 v20, v19;
	[tilespmem:s1+$0xD80] =	vst v7  }
0x29b: {  	v15 =	vld [tilespmem:s1+$0xDD0];
	v5 =	vadd.f32 v6, v5;
	[tilespmem:s1+$0x1B0] =	vst v10  }
0x29c: {  	v4 =	vld [tilespmem:s1+$0x8DA0];
	v10 =	vadd.f32 v22, v21;
	[tilespmem:s1+$0x1C0] =	vst v9  }
0x29d: {  	v16 =	vld [tilespmem:s1+$0x8DD0];
	v9 =	vadd.f32 v24, v23;
	[tilespmem:s1+$0xD90] =	vst v5  }
0x29e: {  	v8 =	vld [tilespmem:s1+$0x91E0];
	v5 =	vadd.f32 v12, v11;
	[tilespmem:s1+$0x1D0] =	vst v10  }
0x29f: {  	v7 =	vld [tilespmem:s1+$0x1580];
	v10 =	vadd.f32 v26, v25;
	[tilespmem:s1+$0x1E0] =	vst v9  }
0x2a0: {  	v6 =	vld [tilespmem:s1+$0x11F0];
	v9 =	vadd.f32 v60, v27;
	[tilespmem:s1+$0xDB0] =	vst v5  }
0x2a1: {  	v11 =	vld [tilespmem:s1+$0x9590];
	v3 =	vadd.f32 v4, v3;
	[tilespmem:s1+$0x1F0] =	vst v10  }
0x2a2: {  	v60 =	vld [tilespmem:s1+$0x8DE0];
	v5 =	vadd.f32 v16, v15;
	[tilespmem:s1+$0x580] =	vst v9  }
0x2a3: {  	v4 =	vld [tilespmem:s1+$0x91F0];
	v10 =	vadd.f32 v61, v29;
	[tilespmem:s1+$0xDA0] =	vst v3  }
0x2a4: {  	v61 =	vld [tilespmem:s1+$0xDF0];
	v9 =	vadd.f32 v62, v31;
	[tilespmem:s1+$0xDD0] =	vst v5  }
0x2a5: {  	v62 =	vld [tilespmem:s1+$0x8DF0];
	v3 =	vadd.f32 v14, v13;
	[tilespmem:s1+$0x590] =	vst v10  }
0x2a6: {  	v10 =	vadd.f32 v63, v33;
	v63 =	vld [tilespmem:s1+$0x1180];
	[tilespmem:s1+$0x5A0] =	vst v9  }
0x2a7: {  	v9 =	vadd.f32 v36, v35;
	v36 =	vld [tilespmem:s1+$0x9180];
	[tilespmem:s1+$0xDC0] =	vst v3  }
0x2a8: {  	v3 =	vadd.f32 v60, v59;
	[tilespmem:s1+$0x5B0] =	vst v10;
	v10 =	vadd.f32 v38, v37;
	v38 =	vld [tilespmem:s1+$0x1190]  }
0x2a9: {  	[tilespmem:s1+$0x5C0] =	vst v9;
	v9 =	vadd.f32 v40, v39;
	v40 =	vld [tilespmem:s1+$0x9190]  }
0x2aa: {  	v4 =	vadd.f32 v4, v6;
	v6 =	vld [tilespmem:s1+$0x15F0];
	[tilespmem:s1+$0xDE0] =	vst v3  }
0x2ab: {  	[tilespmem:s1+$0x5D0] =	vst v10;
	v10 =	vadd.f32 v42, v41;
	v41 =	vld [tilespmem:s1+$0x11A0]  }
0x2ac: {  	v5 =	vadd.f32 v62, v61;
	[tilespmem:s1+$0x5E0] =	vst v9;
	v42 =	vld [tilespmem:s1+$0x91A0]  }
0x2ad: {  	v9 =	vadd.f32 v44, v43;
	v43 =	vld [tilespmem:s1+$0x11B0];
	[tilespmem:s1+$0x11F0] =	vst v4  }
0x2ae: {  	v44 =	vld [tilespmem:s1+$0x91B0];
	[tilespmem:s1+$0xDF0] =	vst v5  }
0x2af: {  	v3 =	vadd.f32 v36, v63;
	[tilespmem:s1+$0x5F0] =	vst v10;
	v10 =	vadd.f32 v46, v45;
	v45 =	vld [tilespmem:s1+$0x11C0]  }
0x2b0: {  	[tilespmem:s1+$0x980] =	vst v9;
	v46 =	vld [tilespmem:s1+$0x91C0]  }
0x2b1: {  	v9 =	vadd.f32 v48, v47;
	v47 =	vld [tilespmem:s1+$0x11D0];
	[tilespmem:s1+$0x1180] =	vst v3  }
0x2b2: {  	v48 =	vld [tilespmem:s1+$0x91D0];
	[tilespmem:s1+$0x990] =	vst v10;
	v10 =	vadd.f32 v50, v49  }
0x2b3: {  	[tilespmem:s1+$0x9A0] =	vst v9;
	v9 =	vadd.f32 v52, v51;
	v49 =	vld [tilespmem:s1+$0x11E0]  }
0x2b4: {  	v50 =	vld [tilespmem:s1+$0x15A0];
	v3 =	vadd.f32 v42, v41;
	[tilespmem:s1+$0x9B0] =	vst v10  }
0x2b5: {  	v51 =	vld [tilespmem:s1+$0x95A0];
	v10 =	vadd.f32 v54, v53;
	[tilespmem:s1+$0x9C0] =	vst v9  }
0x2b6: {  	v52 =	vld [tilespmem:s1+$0x15B0];
	v9 =	vadd.f32 v56, v55;
	[tilespmem:s1+$0x11A0] =	vst v3  }
0x2b7: {  	v53 =	vld [tilespmem:s1+$0x95B0];
	[tilespmem:s1+$0x9D0] =	vst v10;
	v10 =	vadd.f32 v58, v57  }
0x2b8: {  	v5 =	vadd.f32 v40, v38;
	[tilespmem:s1+$0x9E0] =	vst v9;
	v9 =	vld [tilespmem:s1+$0x9580]  }
0x2b9: {  	v3 =	vadd.f32 v46, v45;
	[tilespmem:s1+$0x9F0] =	vst v10;
	v10 =	vld [tilespmem:s1+$0x1590]  }
0x2ba: {  	[tilespmem:s1+$0x1190] =	vst v5;
	v5 =	vadd.f32 v44, v43;
	v54 =	vld [tilespmem:s1+$0x15C0]  }
0x2bb: {  	v55 =	vld [tilespmem:s1+$0x15D0];
	[tilespmem:s1+$0x11C0] =	vst v3;
	v3 =	vadd.f32 v8, v49  }
0x2bc: {  	v56 =	vld [tilespmem:s1+$0x95D0];
	[tilespmem:s1+$0x11B0] =	vst v5;
	v5 =	vadd.f32 v48, v47  }
0x2bd: {  	v8 =	vld [tilespmem:s1+$0x15E0];
	[tilespmem:s1+$0x11E0] =	vst v3;
	v3 =	vadd.f32 v9, v7  }
0x2be: {  	[tilespmem:s1+$0x11D0] =	vst v5;
	v5 =	vld [tilespmem:s1+$0x95E0];
	v4 =	vadd.f32 v11, v10  }
0x2bf: {  	v7 =	vld [tilespmem:s1+$0x95F0];
	[tilespmem:s1+$0x1580] =	vst v3;
	v3 =	vadd.f32 v51, v50  }
0x2c0: {  	v9 =	vld [tilespmem:s1+$0x95C0];
	[tilespmem:s1+$0x1590] =	vst v4  }
0x2c1: {  	v10 =	vld [tilespmem:s1+$0x100];
	[tilespmem:s1+$0x15A0] =	vst v3  }
0x2c2: {  	v11 =	vld [tilespmem:s1+$0x8100]  }
0x2c3: {  	v12 =	vld [tilespmem:s1+$0x8130]  }
0x2c4: {  	v13 =	vld [tilespmem:s1+$0x140]  }
0x2c5: {  	v14 =	vld [tilespmem:s1+$0x8140]  }
0x2c6: {  	v4 =	vadd.f32 v53, v52;
	v15 =	vld [tilespmem:s1+$0x150]  }
0x2c7: {  	s11 =	simm.s32 $0x2;
	v3 =	vadd.f32 v56, v55;
	v16 =	vld [tilespmem:s1+$0x160]  }
0x2c8: {  	s0 =	sand.u32 $0x3, s11;
	v18 =	vld [tilespmem:s1+$0x8160];
	[tilespmem:s1+$0x15B0] =	vst v4;
	v4 =	vadd.f32 v5, v8  }
0x2c9: {  	s0 =	sshll.u32 s0, $0x8;
	v19 =	vld [tilespmem:s1+$0x170];
	[tilespmem:s1+$0x15D0] =	vst v3;
	v3 =	vadd.f32 v7, v6  }
0x2ca: {  	s30 =	sadd.s32 $0x1000, s0;
	v20 =	vld [tilespmem:s1+$0x8170];
	v7 =	vadd.f32 v9, v54;
	[tilespmem:s1+$0x15E0] =	vst v4  }
0x2cb: {  	s0 =	sadd.s32 $0x80, s30;
	v21 =	vld [tilespmem:s1+$0x500];
	[tilespmem:s1+$0x15F0] =	vst v3  }
0x2cc: {  	s12 =	sor.u32 $0x1800, s0;
	v22 =	vld [tilespmem:s1+$0x8500];
	[tilespmem:s1+$0x15C0] =	vst v7  }
0x2cd: {  	v7 =	vld [tilespmem:s12+$0x100]  }
0x2ce: {  	v8 =	vld [tilespmem:s12+$0x8100]  }
0x2cf: {  	v17 =	vld [tilespmem:s1+$0x510]  }
0x2d0: {  	v23 =	vld [tilespmem:s1+$0x8510]  }
0x2d1: {  	v25 =	vld [tilespmem:s1+$0x520]  }
0x2d2: {  	v26 =	vld [tilespmem:s1+$0x8520]  }
0x2d3: {  	v27 =	vld [tilespmem:s1+$0x530];
	v7 =	vadd.f32 v8, v7  }
0x2d4: {  	v28 =	vld [tilespmem:s1+$0x8530]  }
0x2d5: {  	s13 =	sor.u32 $0x1810, s0;
	v29 =	vld [tilespmem:s1+$0x540];
	[tilespmem:s12+$0x100] =	vst v7  }
0x2d6: {  	v7 =	vld [tilespmem:s13+$0x100]  }
0x2d7: {  	v57 =	vld [tilespmem:s13+$0x8100]  }
0x2d8: {  	v24 =	vld [tilespmem:s1+$0x8540]  }
0x2d9: {  	v30 =	vld [tilespmem:s1+$0x550]  }
0x2da: {  	v32 =	vld [tilespmem:s1+$0x8550]  }
0x2db: {  	v33 =	vld [tilespmem:s1+$0x560]  }
0x2dc: {  	v34 =	vld [tilespmem:s1+$0x8560];
	v7 =	vadd.f32 v57, v7  }
0x2dd: {  	v35 =	vld [tilespmem:s1+$0x570]  }
0x2de: {  	s14 =	sor.u32 $0x1820, s0;
	v36 =	vld [tilespmem:s1+$0x8570];
	[tilespmem:s13+$0x100] =	vst v7  }
0x2df: {  	v7 =	vld [tilespmem:s14+$0x100]  }
0x2e0: {  	v58 =	vld [tilespmem:s14+$0x8100]  }
0x2e1: {  	v31 =	vld [tilespmem:s1+$0x900]  }
0x2e2: {  	v37 =	vld [tilespmem:s1+$0x8900]  }
0x2e3: {  	v39 =	vld [tilespmem:s1+$0x910]  }
0x2e4: {  	v40 =	vld [tilespmem:s1+$0x8910]  }
0x2e5: {  	v41 =	vld [tilespmem:s1+$0x920];
	v7 =	vadd.f32 v58, v7  }
0x2e6: {  	v42 =	vld [tilespmem:s1+$0x8920]  }
0x2e7: {  	s15 =	sor.u32 $0x1830, s0;
	v43 =	vld [tilespmem:s1+$0x930];
	[tilespmem:s14+$0x100] =	vst v7  }
0x2e8: {  	v7 =	vld [tilespmem:s15+$0x100]  }
0x2e9: {  	v59 =	vld [tilespmem:s15+$0x8100]  }
0x2ea: {  	v38 =	vld [tilespmem:s1+$0x8930]  }
0x2eb: {  	v44 =	vld [tilespmem:s1+$0x940]  }
0x2ec: {  	v46 =	vld [tilespmem:s1+$0x8940]  }
0x2ed: {  	v47 =	vld [tilespmem:s1+$0x950]  }
0x2ee: {  	v48 =	vld [tilespmem:s1+$0x8950];
	v7 =	vadd.f32 v59, v7  }
0x2ef: {  	v49 =	vld [tilespmem:s1+$0x960]  }
0x2f0: {  	s16 =	sor.u32 $0x1840, s0;
	v50 =	vld [tilespmem:s1+$0x8960];
	[tilespmem:s15+$0x100] =	vst v7  }
0x2f1: {  	v7 =	vld [tilespmem:s16+$0x100]  }
0x2f2: {  	v60 =	vld [tilespmem:s16+$0x8100]  }
0x2f3: {  	v45 =	vld [tilespmem:s1+$0x970]  }
0x2f4: {  	v51 =	vld [tilespmem:s1+$0x8970]  }
0x2f5: {  	v53 =	vld [tilespmem:s1+$0xD00]  }
0x2f6: {  	v55 =	vld [tilespmem:s1+$0xD10]  }
0x2f7: {  	v56 =	vld [tilespmem:s1+$0x8D10];
	v7 =	vadd.f32 v60, v7  }
0x2f8: {  	v52 =	vld [tilespmem:s1+$0x8D20]  }
0x2f9: {  	s17 =	sor.u32 $0x1850, s0;
	v5 =	vld [tilespmem:s1+$0x110];
	[tilespmem:s16+$0x100] =	vst v7  }
0x2fa: {  	v7 =	vld [tilespmem:s17+$0x100]  }
0x2fb: {  	v61 =	vld [tilespmem:s17+$0x8100]  }
0x2fc: {  	v6 =	vld [tilespmem:s1+$0x8110]  }
0x2fd: {  	v9 =	vld [tilespmem:s1+$0x130]  }
0x2fe: {  	v54 =	vld [tilespmem:s1+$0x8D00]  }
0x2ff: {  	v4 =	vld [tilespmem:s1+$0x120]  }
0x300: {  	v3 =	vld [tilespmem:s1+$0x8120];
	v7 =	vadd.f32 v61, v7  }
0x301: {  	v10 =	vadd.f32 v11, v10;
	v11 =	vld [tilespmem:s1+$0x8D30]  }
0x302: {  	s18 =	sor.u32 $0x1860, s0;
	v5 =	vadd.f32 v6, v5;
	v6 =	vld [tilespmem:s1+$0xD40];
	[tilespmem:s17+$0x100] =	vst v7  }
0x303: {  	v7 =	vld [tilespmem:s18+$0x100]  }
0x304: {  	v62 =	vld [tilespmem:s18+$0x8100]  }
0x305: {  	[tilespmem:s1+$0x100] =	vst v10;
	v10 =	vld [tilespmem:s1+$0xD60]  }
0x306: {  	v3 =	vadd.f32 v3, v4;
	v4 =	vld [tilespmem:s1+$0x8D40];
	[tilespmem:s1+$0x110] =	vst v5;
	v5 =	vadd.f32 v12, v9  }
0x307: {  	v9 =	vld [tilespmem:s1+$0xD50]  }
0x308: {  	v12 =	vld [tilespmem:s1+$0x8D60];
	[tilespmem:s1+$0x130] =	vst v5;
	v5 =	vadd.f32 v14, v13  }
0x309: {  	v8 =	vld [tilespmem:s1+$0x8150];
	[tilespmem:s1+$0x120] =	vst v3;
	v7 =	vadd.f32 v62, v7  }
0x30a: {  	v3 =	vld [tilespmem:s1+$0x8D50];
	[tilespmem:s1+$0x140] =	vst v5  }
0x30b: {  	s19 =	sor.u32 $0x1870, s0;
	v14 =	vld [tilespmem:s1+$0xD70];
	v5 =	vadd.f32 v18, v16;
	[tilespmem:s18+$0x100] =	vst v7  }
0x30c: {  	v7 =	vld [tilespmem:s19+$0x100]  }
0x30d: {  	[tilespmem:s1+$0x160] =	vst v5;
	v5 =	vadd.f32 v22, v21;
	v63 =	vld [tilespmem:s19+$0x8100]  }
0x30e: {  	v4 =	vadd.f32 v4, v6;
	v6 =	vld [tilespmem:s1+$0x9500]  }
0x30f: {  	v8 =	vadd.f32 v8, v15;
	v15 =	vld [tilespmem:s1+$0x8D70];
	[tilespmem:s1+$0x500] =	vst v5;
	v5 =	vadd.f32 v26, v25  }
0x310: {  	v3 =	vadd.f32 v3, v9;
	v9 =	vld [tilespmem:s1+$0x1510]  }
0x311: {  	[tilespmem:s1+$0x520] =	vst v5;
	v5 =	vld [tilespmem:s1+$0x1110]  }
0x312: {  	v58 =	vld [tilespmem:s1+$0xD30];
	v7 =	vadd.f32 v63, v7  }
0x313: {  	[tilespmem:s1+$0x150] =	vst v8;
	v59 =	vld [tilespmem:s1+$0x1100]  }
0x314: {  	s20 =	sor.u32 $0x1C00, s0;
	v8 =	vadd.f32 v20, v19;
	v60 =	vld [tilespmem:s1+$0x9100];
	[tilespmem:s19+$0x100] =	vst v7  }
0x315: {  	[tilespmem:s1+$0xD40] =	vst v4;
	v7 =	vld [tilespmem:s20+$0x100]  }
0x316: {  	[tilespmem:s1+$0x170] =	vst v8;
	v8 =	vadd.f32 v23, v17;
	v20 =	vld [tilespmem:s20+$0x8100]  }
0x317: {  	v4 =	vadd.f32 v12, v10;
	[tilespmem:s1+$0xD50] =	vst v3;
	v61 =	vld [tilespmem:s1+$0x9110]  }
0x318: {  	v57 =	vld [tilespmem:s1+$0xD20];
	[tilespmem:s1+$0x510] =	vst v8;
	v8 =	vadd.f32 v28, v27  }
0x319: {  	[tilespmem:s1+$0xD60] =	vst v4;
	v3 =	vadd.f32 v15, v14;
	v11 =	vadd.f32 v11, v58;
	v58 =	vld [tilespmem:s1+$0x9520]  }
0x31a: {  	[tilespmem:s1+$0x530] =	vst v8;
	v8 =	vadd.f32 v24, v29;
	v4 =	vadd.f32 v60, v59;
	v59 =	vld [tilespmem:s1+$0x1530]  }
0x31b: {  	[tilespmem:s1+$0xD70] =	vst v3;
	v60 =	vld [tilespmem:s1+$0x1540];
	v7 =	vadd.f32 v20, v7  }
0x31c: {  	[tilespmem:s1+$0x540] =	vst v8;
	v3 =	vadd.f32 v61, v5;
	v5 =	vld [tilespmem:s1+$0x1520]  }
0x31d: {  	s21 =	sor.u32 $0x1C10, s0;
	v61 =	vld [tilespmem:s1+$0x9540];
	[tilespmem:s20+$0x100] =	vst v7  }
0x31e: {  	[tilespmem:s1+$0xD30] =	vst v11;
	v62 =	vadd.f32 v32, v30;
	v8 =	vld [tilespmem:s21+$0x100]  }
0x31f: {  	[tilespmem:s1+$0x1100] =	vst v4;
	v7 =	vadd.f32 v34, v33;
	v34 =	vadd.f32 v36, v35;
	v35 =	vld [tilespmem:s21+$0x8100]  }
0x320: {  	[tilespmem:s1+$0x1110] =	vst v3;
	v63 =	vld [tilespmem:s1+$0x1120]  }
0x321: {  	[tilespmem:s1+$0x550] =	vst v62;
	v36 =	vld [tilespmem:s1+$0x9120]  }
0x322: {  	[tilespmem:s1+$0x560] =	vst v7;
	v7 =	vadd.f32 v37, v31;
	v37 =	vadd.f32 v40, v39;
	v39 =	vld [tilespmem:s1+$0x1130]  }
0x323: {  	[tilespmem:s1+$0x570] =	vst v34;
	v40 =	vld [tilespmem:s1+$0x9130]  }
0x324: {  	[tilespmem:s1+$0x900] =	vst v7;
	v7 =	vadd.f32 v42, v41;
	v42 =	vld [tilespmem:s1+$0x1140];
	v8 =	vadd.f32 v35, v8  }
0x325: {  	[tilespmem:s1+$0x910] =	vst v37;
	v41 =	vadd.f32 v38, v43;
	v43 =	vadd.f32 v46, v44;
	v44 =	vld [tilespmem:s1+$0x1150]  }
0x326: {  	s22 =	sor.u32 $0x1C20, s0;
	v46 =	vadd.f32 v48, v47;
	v47 =	vld [tilespmem:s1+$0x9150];
	[tilespmem:s21+$0x100] =	vst v8  }
0x327: {  	[tilespmem:s1+$0x920] =	vst v7;
	v48 =	vld [tilespmem:s22+$0x100]  }
0x328: {  	[tilespmem:s1+$0x930] =	vst v41;
	v8 =	vadd.f32 v50, v49;
	v50 =	vld [tilespmem:s22+$0x8100]  }
0x329: {  	v7 =	vld [tilespmem:s1+$0x9140];
	[tilespmem:s1+$0x940] =	vst v43  }
0x32a: {  	v49 =	vadd.f32 v51, v45;
	v51 =	vld [tilespmem:s1+$0x1160];
	[tilespmem:s1+$0x960] =	vst v8;
	v8 =	vadd.f32 v54, v53  }
0x32b: {  	v4 =	vadd.f32 v36, v63;
	[tilespmem:s1+$0x950] =	vst v46;
	v54 =	vld [tilespmem:s1+$0x9160]  }
0x32c: {  	v53 =	vadd.f32 v56, v55;
	v55 =	vld [tilespmem:s1+$0x1170];
	[tilespmem:s1+$0xD00] =	vst v8;
	v8 =	vadd.f32 v52, v57  }
0x32d: {  	[tilespmem:s1+$0x1120] =	vst v4;
	v56 =	vld [tilespmem:s1+$0x9170];
	v18 =	vadd.f32 v50, v48  }
0x32e: {  	v3 =	vadd.f32 v40, v39;
	[tilespmem:s1+$0xD20] =	vst v8;
	v8 =	vld [tilespmem:s1+$0x1500]  }
0x32f: {  	s23 =	sor.u32 $0x1C30, s0;
	v4 =	vadd.f32 v7, v42;
	v57 =	vld [tilespmem:s1+$0x9510];
	[tilespmem:s22+$0x100] =	vst v18  }
0x330: {  	[tilespmem:s1+$0x1130] =	vst v3;
	v10 =	vld [tilespmem:s23+$0x100]  }
0x331: {  	[tilespmem:s1+$0x1140] =	vst v4;
	v4 =	vadd.f32 v54, v51;
	v11 =	vld [tilespmem:s23+$0x8100]  }
0x332: {  	v3 =	vadd.f32 v47, v44;
	[tilespmem:s1+$0x970] =	vst v49;
	v7 =	vld [tilespmem:s1+$0x9530]  }
0x333: {  	v62 =	vld [tilespmem:s1+$0x1550];
	[tilespmem:s1+$0x1160] =	vst v4;
	v4 =	vadd.f32 v6, v8  }
0x334: {  	[tilespmem:s1+$0x1150] =	vst v3;
	v3 =	vadd.f32 v56, v55;
	v6 =	vld [tilespmem:s1+$0x9550]  }
0x335: {  	v8 =	vld [tilespmem:s1+$0x1560];
	[tilespmem:s1+$0x1500] =	vst v4;
	v4 =	vadd.f32 v57, v9  }
0x336: {  	[tilespmem:s1+$0x1170] =	vst v3;
	v9 =	vld [tilespmem:s1+$0x9560];
	v3 =	vadd.f32 v11, v10  }
0x337: {  	[tilespmem:s1+$0x1510] =	vst v4;
	v4 =	vadd.f32 v7, v59;
	v7 =	vld [tilespmem:s1+$0x9570]  }
0x338: {  	s24 =	sor.u32 $0x1C40, s0;
	[tilespmem:s23+$0x100] =	vst v3;
	v3 =	vadd.f32 v58, v5;
	v5 =	vld [tilespmem:s1+$0x1570]  }
0x339: {  	v10 =	vld [tilespmem:s24+$0x100];
	[tilespmem:s1+$0x1530] =	vst v4  }
0x33a: {  	v4 =	vld [tilespmem:s24+$0x8100];
	[tilespmem:s1+$0x1520] =	vst v3;
	v3 =	vadd.f32 v61, v60  }
0x33b: {  	s5 =	sor.u32 $0x1C00, s28;
	[tilespmem:s1+$0xD10] =	vst v53  }
0x33c: {  	s25 =	sor.u32 $0x1800, s30;
	v8 =	vadd.f32 v9, v8;
	v9 =	vld [tilespmem:s5+$0x8100];
	[tilespmem:s1+$0x1540] =	vst v3  }
0x33d: {  	s26 =	sor.u32 $0x1840, s29;
	v3 =	vadd.f32 v6, v62;
	v6 =	vld [tilespmem:s25+$0x100]  }
0x33e: {  	v5 =	vadd.f32 v7, v5;
	[tilespmem:s1+$0x1560] =	vst v8;
	v7 =	vld [tilespmem:s26+$0x8100]  }
0x33f: {  	s6 =	sor.u32 $0x1C50, s0;
	v8 =	vld [tilespmem:s5+$0x100];
	[tilespmem:s1+$0x1550] =	vst v3;
	v4 =	vadd.f32 v4, v10  }
0x340: {  	s10 =	sor.u32 $0x1C60, s0;
	s16 =	simm.s32 $0x300;
	s17 =	simm.s32 $0x1800;
	v3 =	vld [tilespmem:s26+$0x100];
	[tilespmem:s1+$0x1570] =	vst v5  }
0x341: {  	s13 =	sor.u32 $0x1C70, s0;
	s0 =	sand.u32 $0x300, s16;
	s1 =	sand.u32 $0x6000, s17;
	v5 =	vld [tilespmem:s25+$0x8100];
	[tilespmem:s24+$0x100] =	vst v4  }
0x342: {  	s0 =	sor.u32 s0, s1;
	v4 =	vld [tilespmem:s6+$0x100]  }
0x343: {  	v11 =	vld [tilespmem:s0+$0x8180]  }
0x344: {  	v12 =	vld [tilespmem:s0+$0x190]  }
0x345: {  	v13 =	vld [tilespmem:s0+$0x8190]  }
0x346: {  	v14 =	vld [tilespmem:s0+$0x1A0]  }
0x347: {  	v15 =	vld [tilespmem:s0+$0x81A0]  }
0x348: {  	v16 =	vld [tilespmem:s0+$0x1B0]  }
0x349: {  	v17 =	vld [tilespmem:s0+$0x81B0]  }
0x34a: {  	v18 =	vld [tilespmem:s0+$0x1C0]  }
0x34b: {  	v19 =	vld [tilespmem:s0+$0x81C0]  }
0x34c: {  	v20 =	vld [tilespmem:s0+$0x1D0]  }
0x34d: {  	v21 =	vld [tilespmem:s0+$0x81D0]  }
0x34e: {  	v22 =	vld [tilespmem:s0+$0x1E0]  }
0x34f: {  	v23 =	vld [tilespmem:s0+$0x81E0]  }
0x350: {  	v24 =	vld [tilespmem:s0+$0x1F0]  }
0x351: {  	v25 =	vld [tilespmem:s0+$0x81F0]  }
0x352: {  	v26 =	vld [tilespmem:s0+$0x580]  }
0x353: {  	v27 =	vld [tilespmem:s0+$0x8580]  }
0x354: {  	v28 =	vld [tilespmem:s0+$0x590]  }
0x355: {  	v29 =	vld [tilespmem:s0+$0x8590]  }
0x356: {  	v30 =	vld [tilespmem:s0+$0x5A0]  }
0x357: {  	v31 =	vld [tilespmem:s0+$0x85A0]  }
0x358: {  	v32 =	vld [tilespmem:s0+$0x5B0]  }
0x359: {  	v33 =	vld [tilespmem:s0+$0x85B0]  }
0x35a: {  	v34 =	vld [tilespmem:s0+$0x5C0]  }
0x35b: {  	v35 =	vld [tilespmem:s0+$0x85C0]  }
0x35c: {  	v36 =	vld [tilespmem:s0+$0x5D0]  }
0x35d: {  	v37 =	vld [tilespmem:s0+$0x85D0]  }
0x35e: {  	v38 =	vld [tilespmem:s0+$0x5E0]  }
0x35f: {  	v39 =	vld [tilespmem:s0+$0x85E0]  }
0x360: {  	v40 =	vld [tilespmem:s0+$0x5F0]  }
0x361: {  	v41 =	vld [tilespmem:s0+$0x85F0]  }
0x362: {  	v42 =	vld [tilespmem:s0+$0x980]  }
0x363: {  	v43 =	vld [tilespmem:s0+$0x8980]  }
0x364: {  	v44 =	vld [tilespmem:s0+$0x990]  }
0x365: {  	v45 =	vld [tilespmem:s0+$0x8990]  }
0x366: {  	v46 =	vld [tilespmem:s0+$0x9A0]  }
0x367: {  	v47 =	vld [tilespmem:s0+$0x89A0]  }
0x368: {  	v48 =	vld [tilespmem:s0+$0x9B0]  }
0x369: {  	v49 =	vld [tilespmem:s0+$0x89B0]  }
0x36a: {  	v50 =	vld [tilespmem:s0+$0x9C0]  }
0x36b: {  	v51 =	vld [tilespmem:s0+$0x89C0]  }
0x36c: {  	v52 =	vld [tilespmem:s0+$0x9D0]  }
0x36d: {  	v53 =	vld [tilespmem:s0+$0x89D0]  }
0x36e: {  	v54 =	vld [tilespmem:s0+$0x9E0]  }
0x36f: {  	v55 =	vld [tilespmem:s0+$0x89E0]  }
0x370: {  	v56 =	vld [tilespmem:s0+$0x9F0]  }
0x371: {  	v57 =	vld [tilespmem:s0+$0x89F0]  }
0x372: {  	v58 =	vld [tilespmem:s0+$0xD80]  }
0x373: {  	v59 =	vld [tilespmem:s0+$0x8D80]  }
0x374: {  	v60 =	vld [tilespmem:s0+$0xD90];
	v3 =	vadd.f32 v7, v3  }
0x375: {  	v61 =	vld [tilespmem:s0+$0x8D90]  }
0x376: {  	s7 =	sor.u32 $0x1850, s29;
	v7 =	vld [tilespmem:s6+$0x8100];
	[tilespmem:s26+$0x100] =	vst v3;
	v3 =	vadd.f32 v5, v6  }
0x377: {  	v5 =	vld [tilespmem:s7+$0x100]  }
0x378: {  	s8 =	sor.u32 $0x1810, s30;
	v6 =	vadd.f32 v9, v8;
	v8 =	vld [tilespmem:s7+$0x8100];
	[tilespmem:s25+$0x100] =	vst v3  }
0x379: {  	v3 =	vld [tilespmem:s8+$0x100]  }
0x37a: {  	s9 =	sor.u32 $0x1C10, s28;
	[tilespmem:s5+$0x100] =	vst v6;
	v6 =	vld [tilespmem:s8+$0x8100]  }
0x37b: {  	v4 =	vadd.f32 v7, v4;
	v7 =	vld [tilespmem:s9+$0x100]  }
0x37c: {  	v9 =	vld [tilespmem:s9+$0x8100]  }
0x37d: {  	v62 =	vld [tilespmem:s0+$0xDA0];
	[tilespmem:s6+$0x100] =	vst v4  }
0x37e: {  	v4 =	vadd.f32 v8, v5;
	v5 =	vld [tilespmem:s10+$0x100]  }
0x37f: {  	v8 =	vld [tilespmem:s10+$0x8100];
	v3 =	vadd.f32 v6, v3  }
0x380: {  	v12 =	vadd.f32 v13, v12;
	v13 =	vld [tilespmem:s0+$0xDB0]  }
0x381: {  	s12 =	sor.u32 $0x1820, s30;
	v63 =	vadd.f32 v17, v16;
	v16 =	vld [tilespmem:s0+$0x8DC0];
	v7 =	vadd.f32 v9, v7;
	[tilespmem:s8+$0x100] =	vst v3  }
0x382: {  	[tilespmem:s7+$0x100] =	vst v4;
	v9 =	vld [tilespmem:s12+$0x100]  }
0x383: {  	s7 =	sor.u32 $0x1C20, s28;
	[tilespmem:s9+$0x100] =	vst v7;
	v7 =	vld [tilespmem:s12+$0x8100]  }
0x384: {  	v3 =	vadd.f32 v8, v5;
	v8 =	vld [tilespmem:s7+$0x100]  }
0x385: {  	v10 =	vld [tilespmem:s7+$0x8100]  }
0x386: {  	v17 =	vld [tilespmem:s0+$0xDD0]  }
0x387: {  	v21 =	vadd.f32 v21, v20;
	v20 =	vld [tilespmem:s0+$0x8DE0]  }
0x388: {  	v25 =	vadd.f32 v25, v24;
	v24 =	vld [tilespmem:s0+$0x9180]  }
0x389: {  	v29 =	vadd.f32 v29, v28;
	v28 =	vld [tilespmem:s0+$0x91A0]  }
0x38a: {  	v7 =	vadd.f32 v7, v9;
	v9 =	vadd.f32 v10, v8;
	v10 =	vld [tilespmem:s0+$0x180]  }
0x38b: {  	v33 =	vadd.f32 v33, v32;
	v32 =	vld [tilespmem:s0+$0x91C0];
	[tilespmem:s0+$0x190] =	vst v12  }
0x38c: {  	v56 =	vadd.f32 v57, v56;
	v57 =	vld [tilespmem:s0+$0x11E0];
	[tilespmem:s0+$0x1B0] =	vst v63  }
0x38d: {  	v41 =	vadd.f32 v41, v40;
	v40 =	vld [tilespmem:s0+$0x1580];
	[tilespmem:s0+$0x1D0] =	vst v21  }
0x38e: {  	v45 =	vadd.f32 v45, v44;
	v44 =	vld [tilespmem:s0+$0x9590];
	[tilespmem:s0+$0x1F0] =	vst v25  }
0x38f: {  	v53 =	vadd.f32 v53, v52;
	v52 =	vld [tilespmem:s0+$0x15C0];
	[tilespmem:s0+$0x590] =	vst v29;
	v10 =	vadd.f32 v11, v10  }
0x390: {  	v37 =	vadd.f32 v37, v36;
	v61 =	vadd.f32 v61, v60;
	v60 =	vld [tilespmem:s0+$0x95C0];
	[tilespmem:s0+$0x5B0] =	vst v33  }
0x391: {  	v36 =	vld [tilespmem:s0+$0x8D30];
	[tilespmem:s0+$0x180] =	vst v10;
	v10 =	vadd.f32 v15, v14  }
0x392: {  	v21 =	vld [tilespmem:s0+$0xDF0];
	[tilespmem:s0+$0x5D0] =	vst v37  }
0x393: {  	v25 =	vld [tilespmem:s0+$0x1190];
	[tilespmem:s0+$0x1A0] =	vst v10;
	v10 =	vadd.f32 v19, v18  }
0x394: {  	v49 =	vadd.f32 v49, v48;
	[tilespmem:s0+$0x5F0] =	vst v41;
	v29 =	vld [tilespmem:s0+$0x11B0]  }
0x395: {  	v33 =	vld [tilespmem:s0+$0x11D0];
	[tilespmem:s0+$0x1C0] =	vst v10;
	v10 =	vadd.f32 v23, v22  }
0x396: {  	[tilespmem:s0+$0x9B0] =	vst v49;
	v63 =	vld [tilespmem:s0+$0x11F0]  }
0x397: {  	v41 =	vld [tilespmem:s0+$0x9580];
	[tilespmem:s0+$0x1E0] =	vst v10;
	v10 =	vadd.f32 v27, v26  }
0x398: {  	[tilespmem:s0+$0x9D0] =	vst v53;
	v49 =	vld [tilespmem:s0+$0x15B0]  }
0x399: {  	v53 =	vld [tilespmem:s0+$0x15D0];
	[tilespmem:s0+$0x580] =	vst v10;
	v10 =	vadd.f32 v31, v30  }
0x39a: {  	[tilespmem:s0+$0x9F0] =	vst v56;
	v56 =	vld [tilespmem:s0+$0x15E0]  }
0x39b: {  	v12 =	vld [tilespmem:s0+$0x110];
	[tilespmem:s0+$0x5A0] =	vst v10;
	v10 =	vadd.f32 v35, v34  }
0x39c: {  	[tilespmem:s0+$0xD90] =	vst v61;
	v37 =	vld [tilespmem:s0+$0x8D70];
	v61 =	vadd.f32 v60, v52  }
0x39d: {  	s11 =	sor.u32 $0x1860, s29;
	v52 =	vld [tilespmem:s0+$0x540];
	[tilespmem:s0+$0x5C0] =	vst v10;
	v10 =	vadd.f32 v39, v38  }
0x39e: {  	[tilespmem:s0+$0x15C0] =	vst v61;
	v4 =	vld [tilespmem:s11+$0x100]  }
0x39f: {  	v6 =	vld [tilespmem:s11+$0x8100];
	[tilespmem:s0+$0x5E0] =	vst v10;
	v10 =	vadd.f32 v43, v42  }
0x3a0: {  	v60 =	vld [tilespmem:s0+$0x8570];
	[tilespmem:s10+$0x100] =	vst v3  }
0x3a1: {  	v61 =	vld [tilespmem:s0+$0x900];
	[tilespmem:s0+$0x980] =	vst v10;
	v10 =	vadd.f32 v47, v46  }
0x3a2: {  	v3 =	vld [tilespmem:s13+$0x100]  }
0x3a3: {  	v11 =	vld [tilespmem:s0+$0x8DA0];
	[tilespmem:s0+$0x9A0] =	vst v10;
	v10 =	vadd.f32 v51, v50  }
0x3a4: {  	[tilespmem:s0+$0x990] =	vst v45;
	v4 =	vadd.f32 v6, v4;
	v14 =	vld [tilespmem:s0+$0x8DB0]  }
0x3a5: {  	v22 =	vld [tilespmem:s0+$0x8DF0];
	[tilespmem:s0+$0x9C0] =	vst v10;
	v10 =	vadd.f32 v55, v54  }
0x3a6: {  	[tilespmem:s11+$0x100] =	vst v4;
	v15 =	vld [tilespmem:s0+$0xDC0]  }
0x3a7: {  	v26 =	vld [tilespmem:s0+$0x9190];
	[tilespmem:s0+$0x9E0] =	vst v10;
	v10 =	vadd.f32 v59, v58  }
0x3a8: {  	[tilespmem:s12+$0x100] =	vst v7;
	v19 =	vld [tilespmem:s0+$0xDE0]  }
0x3a9: {  	v18 =	vld [tilespmem:s0+$0x8DD0];
	[tilespmem:s0+$0xD80] =	vst v10;
	v10 =	vadd.f32 v11, v62  }
0x3aa: {  	[tilespmem:s7+$0x100] =	vst v9;
	v23 =	vld [tilespmem:s0+$0x1180];
	v45 =	vadd.f32 v22, v21  }
0x3ab: {  	v27 =	vld [tilespmem:s0+$0x11A0];
	[tilespmem:s0+$0xDA0] =	vst v10;
	v10 =	vadd.f32 v16, v15  }
0x3ac: {  	v30 =	vld [tilespmem:s0+$0x91B0];
	[tilespmem:s0+$0xDF0] =	vst v45;
	v48 =	vadd.f32 v26, v25  }
0x3ad: {  	v31 =	vld [tilespmem:s0+$0x11C0];
	[tilespmem:s0+$0xDC0] =	vst v10;
	v10 =	vadd.f32 v20, v19  }
0x3ae: {  	v39 =	vadd.f32 v14, v13;
	[tilespmem:s0+$0x1190] =	vst v48;
	v43 =	vld [tilespmem:s0+$0x1590]  }
0x3af: {  	v55 =	vld [tilespmem:s0+$0x91D0];
	[tilespmem:s0+$0xDE0] =	vst v10;
	v10 =	vadd.f32 v24, v23  }
0x3b0: {  	[tilespmem:s0+$0xDB0] =	vst v39;
	v42 =	vadd.f32 v18, v17;
	v59 =	vld [tilespmem:s0+$0x91E0]  }
0x3b1: {  	v11 =	vld [tilespmem:s0+$0x91F0];
	[tilespmem:s0+$0x1180] =	vst v10;
	v10 =	vadd.f32 v28, v27  }
0x3b2: {  	[tilespmem:s0+$0xDD0] =	vst v42;
	v46 =	vld [tilespmem:s0+$0x15A0];
	v51 =	vadd.f32 v30, v29  }
0x3b3: {  	v47 =	vld [tilespmem:s0+$0x95A0];
	[tilespmem:s0+$0x11A0] =	vst v10;
	v10 =	vadd.f32 v32, v31  }
0x3b4: {  	v50 =	vld [tilespmem:s0+$0x95B0];
	[tilespmem:s0+$0x11B0] =	vst v51;
	v54 =	vadd.f32 v55, v33  }
0x3b5: {  	v58 =	vld [tilespmem:s0+$0x15F0];
	[tilespmem:s0+$0x11C0] =	vst v10;
	v10 =	vadd.f32 v59, v57  }
0x3b6: {  	v55 =	vld [tilespmem:s0+$0x95D0];
	[tilespmem:s0+$0x11D0] =	vst v54;
	v11 =	vadd.f32 v11, v63  }
0x3b7: {  	v57 =	vld [tilespmem:s0+$0x95E0];
	[tilespmem:s0+$0x11E0] =	vst v10;
	v10 =	vadd.f32 v41, v40  }
0x3b8: {  	[tilespmem:s0+$0x11F0] =	vst v11;
	v11 =	vadd.f32 v44, v43;
	v59 =	vld [tilespmem:s0+$0x95F0]  }
0x3b9: {  	s14 =	sor.u32 $0x1870, s29;
	v5 =	vld [tilespmem:s13+$0x8100];
	[tilespmem:s0+$0x1580] =	vst v10;
	v10 =	vadd.f32 v47, v46  }
0x3ba: {  	s19 =	simm.s32 $0x3;
	v4 =	vld [tilespmem:s14+$0x100];
	[tilespmem:s0+$0x1590] =	vst v11;
	v11 =	vadd.f32 v50, v49  }
0x3bb: {  	s15 =	sor.u32 $0x1830, s30;
	s1 =	sand.u32 $0x3, s19;
	v6 =	vld [tilespmem:s14+$0x8100];
	[tilespmem:s0+$0x15A0] =	vst v10;
	v10 =	vadd.f32 v55, v53  }
0x3bc: {  	s1 =	sshll.u32 s1, $0x8;
	v7 =	vld [tilespmem:s15+$0x100];
	[tilespmem:s0+$0x15B0] =	vst v11;
	v11 =	vadd.f32 v57, v56  }
0x3bd: {  	s18 =	sor.u32 $0x1C30, s28;
	s6 =	sadd.s32 $0x1800, s1;
	v8 =	vld [tilespmem:s15+$0x8100];
	[tilespmem:s0+$0x15D0] =	vst v10;
	v10 =	vadd.f32 v59, v58  }
0x3be: {  	s1 =	sadd.s32 $0x80, s6;
	v9 =	vld [tilespmem:s18+$0x100];
	[tilespmem:s0+$0x15E0] =	vst v11  }
0x3bf: {  	s20 =	sor.u32 $0x1800, s1;
	v3 =	vadd.f32 v5, v3;
	v5 =	vld [tilespmem:s0+$0x8900];
	[tilespmem:s0+$0x15F0] =	vst v10  }
0x3c0: {  	v14 =	vld [tilespmem:s20+$0x100]  }
0x3c1: {  	v62 =	vld [tilespmem:s20+$0x8100]  }
0x3c2: {  	[tilespmem:s13+$0x100] =	vst v3;
	v3 =	vadd.f32 v8, v7;
	v8 =	vld [tilespmem:s0+$0x910]  }
0x3c3: {  	v21 =	vld [tilespmem:s0+$0x140]  }
0x3c4: {  	v34 =	vld [tilespmem:s0+$0xD00]  }
0x3c5: {  	v35 =	vld [tilespmem:s0+$0x8D00]  }
0x3c6: {  	v26 =	vld [tilespmem:s0+$0x8160];
	v14 =	vadd.f32 v62, v14  }
0x3c7: {  	v25 =	vld [tilespmem:s0+$0x510]  }
0x3c8: {  	s21 =	sor.u32 $0x1810, s1;
	v13 =	vld [tilespmem:s0+$0x8110];
	[tilespmem:s20+$0x100] =	vst v14  }
0x3c9: {  	v14 =	vld [tilespmem:s21+$0x100]  }
0x3ca: {  	v46 =	vld [tilespmem:s21+$0x8100]  }
0x3cb: {  	v38 =	vld [tilespmem:s0+$0x1100]  }
0x3cc: {  	v48 =	vld [tilespmem:s0+$0x520]  }
0x3cd: {  	v17 =	vld [tilespmem:s0+$0x100]  }
0x3ce: {  	v18 =	vld [tilespmem:s0+$0x8100]  }
0x3cf: {  	v39 =	vld [tilespmem:s0+$0x9100];
	v14 =	vadd.f32 v46, v14  }
0x3d0: {  	v29 =	vld [tilespmem:s0+$0x500]  }
0x3d1: {  	s22 =	sor.u32 $0x1820, s1;
	v30 =	vld [tilespmem:s0+$0x8500];
	[tilespmem:s21+$0x100] =	vst v14  }
0x3d2: {  	v14 =	vld [tilespmem:s22+$0x100]  }
0x3d3: {  	v47 =	vld [tilespmem:s22+$0x8100]  }
0x3d4: {  	v51 =	vld [tilespmem:s0+$0x8530]  }
0x3d5: {  	v16 =	vld [tilespmem:s18+$0x8100]  }
0x3d6: {  	v15 =	vld [tilespmem:s0+$0x8150]  }
0x3d7: {  	v54 =	vld [tilespmem:s0+$0x550]  }
0x3d8: {  	v19 =	vld [tilespmem:s0+$0x130];
	v14 =	vadd.f32 v47, v14  }
0x3d9: {  	v20 =	vld [tilespmem:s0+$0x8130]  }
0x3da: {  	s23 =	sor.u32 $0x1830, s1;
	v63 =	vld [tilespmem:s0+$0x8140];
	[tilespmem:s22+$0x100] =	vst v14  }
0x3db: {  	v14 =	vld [tilespmem:s23+$0x100]  }
0x3dc: {  	v55 =	vld [tilespmem:s23+$0x8100]  }
0x3dd: {  	v4 =	vadd.f32 v6, v4;
	v23 =	vld [tilespmem:s0+$0x150]  }
0x3de: {  	v24 =	vld [tilespmem:s0+$0x160]  }
0x3df: {  	[tilespmem:s14+$0x100] =	vst v4;
	v4 =	vadd.f32 v16, v9;
	v9 =	vld [tilespmem:s0+$0x8910]  }
0x3e0: {  	v27 =	vld [tilespmem:s0+$0x170]  }
0x3e1: {  	v28 =	vld [tilespmem:s0+$0x8170];
	v14 =	vadd.f32 v55, v14  }
0x3e2: {  	v49 =	vld [tilespmem:s0+$0x8520]  }
0x3e3: {  	s24 =	sor.u32 $0x1840, s1;
	v50 =	vld [tilespmem:s0+$0x530];
	[tilespmem:s23+$0x100] =	vst v14  }
0x3e4: {  	v6 =	vld [tilespmem:s24+$0x100]  }
0x3e5: {  	v7 =	vld [tilespmem:s24+$0x8100]  }
0x3e6: {  	v11 =	vld [tilespmem:s0+$0x120]  }
0x3e7: {  	[tilespmem:s18+$0x100] =	vst v4;
	v4 =	vadd.f32 v13, v12;
	v10 =	vld [tilespmem:s0+$0x8120]  }
0x3e8: {  	[tilespmem:s15+$0x100] =	vst v3;
	v31 =	vld [tilespmem:s0+$0x8510]  }
0x3e9: {  	v3 =	vadd.f32 v18, v17;
	[tilespmem:s0+$0x110] =	vst v4;
	v4 =	vld [tilespmem:s0+$0x930]  }
0x3ea: {  	v40 =	vld [tilespmem:s0+$0x1110];
	v6 =	vadd.f32 v7, v6  }
0x3eb: {  	[tilespmem:s0+$0x100] =	vst v3;
	v56 =	vld [tilespmem:s0+$0x8550]  }
0x3ec: {  	s25 =	sor.u32 $0x1850, s1;
	v59 =	vld [tilespmem:s0+$0x570];
	v3 =	vadd.f32 v10, v11;
	v11 =	vadd.f32 v63, v21;
	[tilespmem:s24+$0x100] =	vst v6  }
0x3ed: {  	v6 =	vld [tilespmem:s25+$0x100]  }
0x3ee: {  	[tilespmem:s0+$0x140] =	vst v11;
	v11 =	vadd.f32 v26, v24;
	v14 =	vld [tilespmem:s25+$0x8100]  }
0x3ef: {  	v10 =	vld [tilespmem:s0+$0x8920];
	[tilespmem:s0+$0x120] =	vst v3;
	v3 =	vadd.f32 v20, v19  }
0x3f0: {  	v63 =	vld [tilespmem:s0+$0x940];
	[tilespmem:s0+$0x160] =	vst v11;
	v11 =	vadd.f32 v30, v29  }
0x3f1: {  	v62 =	vld [tilespmem:s0+$0x920];
	[tilespmem:s0+$0x130] =	vst v3;
	v3 =	vadd.f32 v15, v23  }
0x3f2: {  	v24 =	vld [tilespmem:s0+$0x8940];
	[tilespmem:s0+$0x500] =	vst v11;
	v11 =	vadd.f32 v49, v48  }
0x3f3: {  	v26 =	vld [tilespmem:s0+$0x950];
	[tilespmem:s0+$0x150] =	vst v3;
	v6 =	vadd.f32 v14, v6  }
0x3f4: {  	v29 =	vld [tilespmem:s0+$0x970];
	[tilespmem:s0+$0x520] =	vst v11;
	v11 =	vadd.f32 v51, v50  }
0x3f5: {  	s26 =	sor.u32 $0x1860, s1;
	v5 =	vadd.f32 v5, v61;
	v3 =	vadd.f32 v28, v27;
	v27 =	vld [tilespmem:s0+$0x8950];
	[tilespmem:s25+$0x100] =	vst v6  }
0x3f6: {  	[tilespmem:s0+$0x530] =	vst v11;
	v11 =	vld [tilespmem:s26+$0x100]  }
0x3f7: {  	[tilespmem:s0+$0x900] =	vst v5;
	v6 =	vadd.f32 v56, v54;
	v33 =	vld [tilespmem:s26+$0x8100]  }
0x3f8: {  	v28 =	vld [tilespmem:s0+$0x960];
	v5 =	vadd.f32 v10, v62;
	[tilespmem:s0+$0x170] =	vst v3  }
0x3f9: {  	v7 =	vld [tilespmem:s0+$0x8930];
	[tilespmem:s0+$0x550] =	vst v6;
	v6 =	vadd.f32 v60, v59  }
0x3fa: {  	v3 =	vadd.f32 v31, v25;
	v31 =	vld [tilespmem:s0+$0x8970];
	[tilespmem:s0+$0x920] =	vst v5  }
0x3fb: {  	v5 =	vld [tilespmem:s0+$0x8D20];
	[tilespmem:s0+$0x570] =	vst v6;
	v6 =	vadd.f32 v9, v8  }
0x3fc: {  	[tilespmem:s0+$0x510] =	vst v3;
	v3 =	vld [tilespmem:s0+$0x8960];
	v10 =	vadd.f32 v33, v11  }
0x3fd: {  	v8 =	vld [tilespmem:s0+$0xD10];
	[tilespmem:s0+$0x910] =	vst v6  }
0x3fe: {  	s3 =	sor.u32 $0x1870, s1;
	v4 =	vadd.f32 v7, v4;
	v7 =	vadd.f32 v24, v63;
	v6 =	vld [tilespmem:s0+$0xD20];
	[tilespmem:s26+$0x100] =	vst v10  }
0x3ff: {  	v10 =	vld [tilespmem:s3+$0x100]  }
0x400: {  	[tilespmem:s0+$0x940] =	vst v7;
	v7 =	vld [tilespmem:s3+$0x8100]  }
0x401: {  	v3 =	vadd.f32 v3, v28;
	v11 =	vld [tilespmem:s0+$0xD30]  }
0x402: {  	[tilespmem:s0+$0x930] =	vst v4;
	v4 =	vadd.f32 v27, v26;
	v9 =	vld [tilespmem:s0+$0x8D10]  }
0x403: {  	v41 =	vld [tilespmem:s0+$0x1120];
	[tilespmem:s0+$0x960] =	vst v3;
	v3 =	vadd.f32 v35, v34  }
0x404: {  	v57 =	vld [tilespmem:s0+$0x560];
	[tilespmem:s0+$0x950] =	vst v4;
	v4 =	vadd.f32 v31, v29  }
0x405: {  	v53 =	vld [tilespmem:s0+$0x8540];
	[tilespmem:s0+$0xD00] =	vst v3;
	v3 =	vadd.f32 v5, v6;
	v6 =	vadd.f32 v7, v10  }
0x406: {  	v58 =	vld [tilespmem:s0+$0x8560];
	[tilespmem:s0+$0x970] =	vst v4;
	v7 =	vadd.f32 v36, v11  }
0x407: {  	s4 =	sor.u32 $0x1C00, s1;
	v4 =	vadd.f32 v9, v8;
	v8 =	vld [tilespmem:s0+$0xD40];
	[tilespmem:s3+$0x100] =	vst v6  }
0x408: {  	[tilespmem:s0+$0xD30] =	vst v7;
	v7 =	vld [tilespmem:s4+$0x100]  }
0x409: {  	v10 =	vld [tilespmem:s4+$0x8100]  }
0x40a: {  	v9 =	vld [tilespmem:s0+$0xD60]  }
0x40b: {  	v5 =	vld [tilespmem:s0+$0x8D40]  }
0x40c: {  	v32 =	vadd.f32 v58, v57;
	[tilespmem:s0+$0xD10] =	vst v4;
	v4 =	vld [tilespmem:s0+$0xD50]  }
0x40d: {  	v30 =	vadd.f32 v53, v52;
	[tilespmem:s0+$0xD20] =	vst v3;
	v3 =	vld [tilespmem:s0+$0x8D50]  }
0x40e: {  	[tilespmem:s0+$0x560] =	vst v32;
	v11 =	vld [tilespmem:s0+$0xD70];
	v7 =	vadd.f32 v10, v7  }
0x40f: {  	[tilespmem:s0+$0x540] =	vst v30;
	v6 =	vld [tilespmem:s0+$0x8D60]  }
0x410: {  	s5 =	sor.u32 $0x1C10, s1;
	v10 =	vld [tilespmem:s0+$0x9110];
	[tilespmem:s4+$0x100] =	vst v7  }
0x411: {  	v7 =	vld [tilespmem:s5+$0x100]  }
0x412: {  	v42 =	vld [tilespmem:s5+$0x8100]  }
0x413: {  	v43 =	vld [tilespmem:s0+$0x9120]  }
0x414: {  	v44 =	vld [tilespmem:s0+$0x1130]  }
0x415: {  	v45 =	vld [tilespmem:s0+$0x9130]  }
0x416: {  	v46 =	vld [tilespmem:s0+$0x1140]  }
0x417: {  	v47 =	vld [tilespmem:s0+$0x9140]  }
0x418: {  	v48 =	vld [tilespmem:s0+$0x1150];
	v7 =	vadd.f32 v42, v7  }
0x419: {  	v49 =	vld [tilespmem:s0+$0x9150]  }
0x41a: {  	s7 =	sor.u32 $0x1C20, s1;
	v51 =	vld [tilespmem:s0+$0x1160];
	[tilespmem:s5+$0x100] =	vst v7  }
0x41b: {  	v7 =	vld [tilespmem:s7+$0x100]  }
0x41c: {  	v50 =	vld [tilespmem:s7+$0x8100]  }
0x41d: {  	v52 =	vld [tilespmem:s0+$0x9160]  }
0x41e: {  	v53 =	vld [tilespmem:s0+$0x1170]  }
0x41f: {  	v54 =	vld [tilespmem:s0+$0x9170]  }
0x420: {  	v5 =	vadd.f32 v5, v8;
	v55 =	vld [tilespmem:s0+$0x1500]  }
0x421: {  	v56 =	vld [tilespmem:s0+$0x9500];
	v7 =	vadd.f32 v50, v7  }
0x422: {  	[tilespmem:s0+$0xD40] =	vst v5;
	v8 =	vld [tilespmem:s0+$0x1510]  }
0x423: {  	s8 =	sor.u32 $0x1C30, s1;
	v3 =	vadd.f32 v3, v4;
	v5 =	vadd.f32 v6, v9;
	v9 =	vld [tilespmem:s0+$0x1520];
	[tilespmem:s7+$0x100] =	vst v7  }
0x424: {  	v4 =	vld [tilespmem:s8+$0x100]  }
0x425: {  	[tilespmem:s0+$0xD50] =	vst v3;
	v3 =	vadd.f32 v37, v11;
	v6 =	vld [tilespmem:s8+$0x8100]  }
0x426: {  	v11 =	vld [tilespmem:s0+$0x1530];
	[tilespmem:s0+$0xD60] =	vst v5;
	v5 =	vadd.f32 v39, v38  }
0x427: {  	v58 =	vld [tilespmem:s0+$0x9540];
	[tilespmem:s0+$0xD70] =	vst v3;
	v3 =	vadd.f32 v10, v40  }
0x428: {  	v61 =	vld [tilespmem:s0+$0x1550];
	[tilespmem:s0+$0x1100] =	vst v5;
	v5 =	vadd.f32 v43, v41  }
0x429: {  	v63 =	vld [tilespmem:s0+$0x9550];
	[tilespmem:s0+$0x1110] =	vst v3;
	v57 =	vadd.f32 v47, v46  }
0x42a: {  	v10 =	vld [tilespmem:s0+$0x9520];
	[tilespmem:s0+$0x1120] =	vst v5;
	v4 =	vadd.f32 v6, v4  }
0x42b: {  	v5 =	vadd.f32 v45, v44;
	[tilespmem:s0+$0x1140] =	vst v57;
	v7 =	vld [tilespmem:s0+$0x9510]  }
0x42c: {  	v3 =	vld [tilespmem:s0+$0x9530];
	[tilespmem:s8+$0x100] =	vst v4;
	v4 =	vadd.f32 v49, v48  }
0x42d: {  	s9 =	sor.u32 $0x1C40, s1;
	v59 =	vadd.f32 v52, v51;
	[tilespmem:s0+$0x1130] =	vst v5;
	v6 =	vld [tilespmem:s0+$0x1540]  }
0x42e: {  	v5 =	vld [tilespmem:s9+$0x100];
	[tilespmem:s0+$0x1150] =	vst v4;
	v4 =	vadd.f32 v54, v53  }
0x42f: {  	v62 =	vadd.f32 v56, v55;
	[tilespmem:s0+$0x1160] =	vst v59;
	v60 =	vld [tilespmem:s9+$0x8100]  }
0x430: {  	[tilespmem:s0+$0x1170] =	vst v4;
	v4 =	vadd.f32 v7, v8;
	v7 =	vld [tilespmem:s0+$0x1560]  }
0x431: {  	[tilespmem:s0+$0x1500] =	vst v62;
	v8 =	vadd.f32 v10, v9;
	v9 =	vld [tilespmem:s0+$0x9560]  }
0x432: {  	v3 =	vadd.f32 v3, v11;
	[tilespmem:s0+$0x1510] =	vst v4;
	v4 =	vld [tilespmem:s0+$0x1570]  }
0x433: {  	v6 =	vadd.f32 v58, v6;
	[tilespmem:s0+$0x1520] =	vst v8;
	v8 =	vld [tilespmem:s0+$0x9570]  }
0x434: {  	[tilespmem:s0+$0x1530] =	vst v3;
	v3 =	vadd.f32 v60, v5  }
0x435: {  	s10 =	sor.u32 $0x1800, s6;
	[tilespmem:s0+$0x1540] =	vst v6;
	v5 =	vadd.f32 v63, v61  }
0x436: {  	s11 =	sor.u32 $0x1840, s30;
	v6 =	vld [tilespmem:s10+$0x100];
	[tilespmem:s9+$0x100] =	vst v3  }
0x437: {  	[tilespmem:s0+$0x1550] =	vst v5;
	v5 =	vld [tilespmem:s11+$0x8100];
	v3 =	vadd.f32 v9, v7  }
0x438: {  	s12 =	sor.u32 $0x1C50, s1;
	v7 =	vld [tilespmem:s11+$0x100];
	v4 =	vadd.f32 v8, v4  }
0x439: {  	v8 =	vld [tilespmem:s12+$0x100];
	[tilespmem:s0+$0x1560] =	vst v3  }
0x43a: {  	v3 =	vld [tilespmem:s12+$0x8100];
	[tilespmem:s0+$0x1570] =	vst v4  }
0x43b: {  	s13 =	sor.u32 $0x1C00, s29;
	v4 =	vld [tilespmem:s10+$0x8100]  }
0x43c: {  	v10 =	vld [tilespmem:s13+$0x8100]  }
0x43d: {  	v9 =	vld [tilespmem:s13+$0x100];
	v5 =	vadd.f32 v5, v7  }
0x43e: {  	s14 =	sor.u32 $0x1C40, s28  }
0x43f: {  	s15 =	sor.u32 $0x1850, s30;
	v7 =	vld [tilespmem:s14+$0x100];
	v3 =	vadd.f32 v3, v8;
	[tilespmem:s11+$0x100] =	vst v5  }
0x440: {  	v5 =	vld [tilespmem:s15+$0x100];
	v4 =	vadd.f32 v4, v6  }
0x441: {  	[tilespmem:s12+$0x100] =	vst v3;
	v3 =	vld [tilespmem:s15+$0x8100]  }
0x442: {  	s17 =	sor.u32 $0x1810, s6;
	v9 =	vadd.f32 v10, v9;
	v8 =	vld [tilespmem:s14+$0x8100];
	[tilespmem:s10+$0x100] =	vst v4  }
0x443: {  	v4 =	vld [tilespmem:s17+$0x100]  }
0x444: {  	s16 =	sor.u32 $0x1C60, s1;
	[tilespmem:s13+$0x100] =	vst v9;
	v9 =	vld [tilespmem:s17+$0x8100]  }
0x445: {  	v6 =	vld [tilespmem:s16+$0x100]  }
0x446: {  	s18 =	sor.u32 $0x1C10, s29;
	v3 =	vadd.f32 v3, v5;
	v5 =	vld [tilespmem:s16+$0x8100]  }
0x447: {  	v10 =	vld [tilespmem:s18+$0x100]  }
0x448: {  	v7 =	vadd.f32 v8, v7;
	v8 =	vld [tilespmem:s18+$0x8100]  }
0x449: {  	[tilespmem:s15+$0x100] =	vst v3;
	v3 =	vadd.f32 v9, v4  }
0x44a: {  	s8 =	sor.u32 $0x1C50, s28;
	[tilespmem:s14+$0x100] =	vst v7  }
0x44b: {  	s19 =	sor.u32 $0x1860, s30;
	v7 =	vld [tilespmem:s8+$0x100];
	[tilespmem:s17+$0x100] =	vst v3;
	v3 =	vadd.f32 v5, v6  }
0x44c: {  	v4 =	vld [tilespmem:s19+$0x100]  }
0x44d: {  	s4 =	sor.u32 $0x1C70, s1;
	v8 =	vadd.f32 v8, v10;
	v9 =	vld [tilespmem:s19+$0x8100];
	[tilespmem:s16+$0x100] =	vst v3  }
0x44e: {  	v0 =	vld [tilespmem:s4+$0x100]  }
0x44f: {  	s9 =	sor.u32 $0x1C20, s29;
	v10 =	vld [tilespmem:s8+$0x8100];
	[tilespmem:s18+$0x100] =	vst v8  }
0x450: {  	s20 =	sor.u32 $0x1820, s6;
	v20 =	vld [tilespmem:s9+$0x100]  }
0x451: {  	v11 =	vld [tilespmem:s20+$0x100]  }
0x452: {  	v5 =	vld [tilespmem:s20+$0x8100]  }
0x453: {  	v6 =	vadd.f32 v9, v4;
	v9 =	vld [tilespmem:s9+$0x8100];
	[tilespmem:$0x1FFB0] =	vst v0  }
0x454: {  	v0 =	vld [tilespmem:s4+$0x8100];
	_ =	sdelay $0x2  }
0x455: {  	s21 =	simm.s32 $0x400;
	s22 =	simm.s32 $0x2000  }
0x456: {  	s5 =	sand.u32 $0x300, s21;
	s7 =	sand.u32 $0x6000, s22  }
0x457: {  	s5 =	sor.u32 s5, s7;
	[tilespmem:$0x1FFC0] =	vst v0  }
0x458: {  	v12 =	vld [tilespmem:s5+$0x180]  }
0x459: {  	v13 =	vld [tilespmem:s5+$0x8180]  }
0x45a: {  	v14 =	vld [tilespmem:s5+$0x190]  }
0x45b: {  	v15 =	vld [tilespmem:s5+$0x8190]  }
0x45c: {  	v16 =	vld [tilespmem:s5+$0x1A0]  }
0x45d: {  	v17 =	vld [tilespmem:s5+$0x81A0]  }
0x45e: {  	v7 =	vadd.f32 v10, v7;
	v18 =	vld [tilespmem:s5+$0x1B0]  }
0x45f: {  	v19 =	vld [tilespmem:s5+$0x81B0]  }
0x460: {  	[tilespmem:s8+$0x100] =	vst v7;
	v7 =	vadd.f32 v9, v20;
	v20 =	vld [tilespmem:s5+$0x1C0]  }
0x461: {  	v21 =	vld [tilespmem:s5+$0x81C0]  }
0x462: {  	v22 =	vld [tilespmem:s5+$0x1D0]  }
0x463: {  	v23 =	vld [tilespmem:s5+$0x81D0]  }
0x464: {  	v24 =	vld [tilespmem:s5+$0x1E0]  }
0x465: {  	v25 =	vld [tilespmem:s5+$0x81E0]  }
0x466: {  	v26 =	vld [tilespmem:s5+$0x1F0]  }
0x467: {  	v27 =	vld [tilespmem:s5+$0x81F0]  }
0x468: {  	v28 =	vld [tilespmem:s5+$0x580]  }
0x469: {  	v29 =	vld [tilespmem:s5+$0x8580]  }
0x46a: {  	v30 =	vld [tilespmem:s5+$0x590]  }
0x46b: {  	v31 =	vld [tilespmem:s5+$0x8590]  }
0x46c: {  	v32 =	vld [tilespmem:s5+$0x5A0]  }
0x46d: {  	v33 =	vld [tilespmem:s5+$0x85A0]  }
0x46e: {  	v34 =	vld [tilespmem:s5+$0x5B0]  }
0x46f: {  	v35 =	vld [tilespmem:s5+$0x85B0]  }
0x470: {  	v36 =	vld [tilespmem:s5+$0x5C0]  }
0x471: {  	v37 =	vld [tilespmem:s5+$0x85C0]  }
0x472: {  	v38 =	vld [tilespmem:s5+$0x5D0]  }
0x473: {  	v39 =	vld [tilespmem:s5+$0x85D0]  }
0x474: {  	v40 =	vld [tilespmem:s5+$0x5E0]  }
0x475: {  	v41 =	vld [tilespmem:s5+$0x85E0]  }
0x476: {  	v42 =	vld [tilespmem:s5+$0x5F0]  }
0x477: {  	v43 =	vld [tilespmem:s5+$0x85F0]  }
0x478: {  	v44 =	vld [tilespmem:s5+$0x980]  }
0x479: {  	v45 =	vld [tilespmem:s5+$0x8980]  }
0x47a: {  	v46 =	vld [tilespmem:s5+$0x990]  }
0x47b: {  	v47 =	vld [tilespmem:s5+$0x8990]  }
0x47c: {  	v48 =	vld [tilespmem:s5+$0x9A0]  }
0x47d: {  	v49 =	vld [tilespmem:s5+$0x89A0]  }
0x47e: {  	v50 =	vld [tilespmem:s5+$0x9B0]  }
0x47f: {  	v51 =	vld [tilespmem:s5+$0x89B0]  }
0x480: {  	v52 =	vld [tilespmem:s5+$0x9C0]  }
0x481: {  	v53 =	vld [tilespmem:s5+$0x89C0]  }
0x482: {  	v54 =	vld [tilespmem:s5+$0x9D0]  }
0x483: {  	v55 =	vld [tilespmem:s5+$0x89D0]  }
0x484: {  	v56 =	vld [tilespmem:s5+$0x9E0]  }
0x485: {  	v57 =	vld [tilespmem:s5+$0x89E0]  }
0x486: {  	v58 =	vld [tilespmem:s5+$0x9F0]  }
0x487: {  	v59 =	vld [tilespmem:s5+$0x89F0]  }
0x488: {  	v60 =	vld [tilespmem:s5+$0xD80]  }
0x489: {  	v61 =	vld [tilespmem:s5+$0x8D80]  }
0x48a: {  	v62 =	vld [tilespmem:s5+$0xD90]  }
0x48b: {  	v63 =	vld [tilespmem:s5+$0x8D90]  }
0x48c: {  	v0 =	vld [tilespmem:s5+$0xDA0]  }
0x48d: {  	v1 =	vld [tilespmem:s5+$0x8120]  }
0x48e: {  	v4 =	vld [tilespmem:s5+$0xD10]  }
0x48f: {  	v3 =	vld [tilespmem:s5+$0x8D10]  }
0x490: {  	s0 =	sor.u32 $0x1870, s30;
	[tilespmem:s19+$0x100] =	vst v6;
	v2 =	vld [tilespmem:s5+$0x8D20]  }
0x491: {  	v5 =	vadd.f32 v5, v11;
	v6 =	vld [tilespmem:s0+$0x100]  }
0x492: {  	s1 =	sor.u32 $0x1C60, s28;
	v8 =	vld [tilespmem:s0+$0x8100]  }
0x493: {  	s3 =	sor.u32 $0x1830, s6;
	[tilespmem:s20+$0x100] =	vst v5;
	v5 =	vld [tilespmem:s1+$0x100]  }
0x494: {  	v10 =	vld [tilespmem:s3+$0x100]  }
0x495: {  	v12 =	vadd.f32 v13, v12;
	v13 =	vld [tilespmem:s5+$0x8DA0]  }
0x496: {  	v14 =	vadd.f32 v15, v14;
	v15 =	vld [tilespmem:s5+$0xDB0]  }
0x497: {  	v21 =	vadd.f32 v21, v20;
	v20 =	vld [tilespmem:s5+$0x8DD0];
	[tilespmem:s5+$0x180] =	vst v12  }
0x498: {  	v25 =	vadd.f32 v25, v24;
	v24 =	vld [tilespmem:s5+$0x8DF0];
	[tilespmem:s5+$0x190] =	vst v14  }
0x499: {  	v27 =	vadd.f32 v27, v26;
	v26 =	vld [tilespmem:s5+$0x9180];
	[tilespmem:s5+$0x1C0] =	vst v21  }
0x49a: {  	v29 =	vadd.f32 v29, v28;
	v28 =	vld [tilespmem:s5+$0x9190];
	[tilespmem:s5+$0x1E0] =	vst v25  }
0x49b: {  	v31 =	vadd.f32 v31, v30;
	v33 =	vadd.f32 v33, v32;
	v30 =	vld [tilespmem:s5+$0x91A0];
	[tilespmem:s5+$0x1F0] =	vst v27  }
0x49c: {  	v35 =	vadd.f32 v35, v34;
	v37 =	vadd.f32 v37, v36;
	v32 =	vld [tilespmem:s5+$0x91B0];
	[tilespmem:s5+$0x580] =	vst v29  }
0x49d: {  	v40 =	vadd.f32 v41, v40;
	v41 =	vadd.f32 v43, v42;
	v34 =	vld [tilespmem:s5+$0x91C0];
	[tilespmem:s5+$0x590] =	vst v31  }
0x49e: {  	v42 =	vadd.f32 v45, v44;
	v44 =	vadd.f32 v49, v48;
	v48 =	vld [tilespmem:s5+$0x11D0];
	[tilespmem:s5+$0x5A0] =	vst v33  }
0x49f: {  	v39 =	vadd.f32 v39, v38;
	v45 =	vadd.f32 v51, v50;
	v50 =	vld [tilespmem:s5+$0x91D0];
	[tilespmem:s5+$0x5B0] =	vst v35  }
0x4a0: {  	v43 =	vadd.f32 v47, v46;
	v46 =	vadd.f32 v53, v52;
	v52 =	vld [tilespmem:s5+$0x11E0];
	[tilespmem:s5+$0x5C0] =	vst v37  }
0x4a1: {  	v47 =	vadd.f32 v55, v54;
	v54 =	vld [tilespmem:s5+$0x91E0];
	[tilespmem:s5+$0x5D0] =	vst v39  }
0x4a2: {  	v49 =	vadd.f32 v57, v56;
	v56 =	vld [tilespmem:s5+$0x11F0];
	[tilespmem:s5+$0x5E0] =	vst v40  }
0x4a3: {  	v57 =	vld [tilespmem:s5+$0x91F0];
	[tilespmem:s5+$0x5F0] =	vst v41  }
0x4a4: {  	v51 =	vadd.f32 v59, v58;
	v59 =	vld [tilespmem:s5+$0x1580];
	[tilespmem:s5+$0x980] =	vst v42  }
0x4a5: {  	v53 =	vadd.f32 v61, v60;
	v60 =	vld [tilespmem:s5+$0x9580];
	[tilespmem:s5+$0x990] =	vst v43  }
0x4a6: {  	v55 =	vadd.f32 v63, v62;
	v62 =	vld [tilespmem:s5+$0x1590];
	[tilespmem:s5+$0x9A0] =	vst v44  }
0x4a7: {  	v63 =	vld [tilespmem:s5+$0x9590];
	[tilespmem:s5+$0x9B0] =	vst v45  }
0x4a8: {  	v12 =	vadd.f32 v17, v16;
	v16 =	vld [tilespmem:s5+$0x8DB0];
	[tilespmem:s5+$0x9C0] =	vst v46  }
0x4a9: {  	v17 =	vld [tilespmem:s5+$0xDC0];
	[tilespmem:s5+$0x9D0] =	vst v47  }
0x4aa: {  	v14 =	vadd.f32 v19, v18;
	v18 =	vld [tilespmem:s5+$0x8DC0];
	[tilespmem:s5+$0x9E0] =	vst v49  }
0x4ab: {  	v19 =	vld [tilespmem:s5+$0xDD0];
	[tilespmem:s5+$0x9F0] =	vst v51  }
0x4ac: {  	v21 =	vld [tilespmem:s5+$0xDE0];
	[tilespmem:s5+$0xD80] =	vst v53  }
0x4ad: {  	v25 =	vld [tilespmem:s5+$0x1180];
	[tilespmem:s5+$0xD90] =	vst v55  }
0x4ae: {  	v27 =	vld [tilespmem:s5+$0x1190];
	[tilespmem:s5+$0x1B0] =	vst v14;
	v14 =	vadd.f32 v23, v22  }
0x4af: {  	[tilespmem:s5+$0x1A0] =	vst v12;
	v22 =	vld [tilespmem:s5+$0x8DE0];
	v0 =	vadd.f32 v13, v0  }
0x4b0: {  	v29 =	vld [tilespmem:s5+$0x11A0];
	v48 =	vadd.f32 v50, v48;
	[tilespmem:s5+$0x1D0] =	vst v14  }
0x4b1: {  	v31 =	vld [tilespmem:s5+$0x11B0];
	v12 =	vadd.f32 v57, v56;
	[tilespmem:s5+$0xDA0] =	vst v0  }
0x4b2: {  	v33 =	vld [tilespmem:s5+$0x11C0];
	v0 =	vadd.f32 v18, v17;
	[tilespmem:s5+$0x11D0] =	vst v48  }
0x4b3: {  	v40 =	vld [tilespmem:s5+$0x15A0];
	v53 =	vadd.f32 v63, v62;
	[tilespmem:s5+$0x11F0] =	vst v12  }
0x4b4: {  	v41 =	vld [tilespmem:s5+$0x95A0];
	[tilespmem:s5+$0xDC0] =	vst v0;
	v0 =	vadd.f32 v22, v21  }
0x4b5: {  	v43 =	vld [tilespmem:s5+$0x15B0];
	v58 =	vadd.f32 v16, v15;
	[tilespmem:s5+$0x1590] =	vst v53  }
0x4b6: {  	v44 =	vld [tilespmem:s5+$0x95B0];
	[tilespmem:s5+$0xDE0] =	vst v0;
	v0 =	vadd.f32 v26, v25  }
0x4b7: {  	v46 =	vld [tilespmem:s5+$0x15C0];
	v61 =	vadd.f32 v20, v19;
	[tilespmem:s5+$0xDB0] =	vst v58  }
0x4b8: {  	v47 =	vld [tilespmem:s5+$0x15D0];
	[tilespmem:s5+$0x1180] =	vst v0;
	v0 =	vadd.f32 v30, v29  }
0x4b9: {  	v49 =	vld [tilespmem:s5+$0x95D0];
	v42 =	vadd.f32 v28, v27;
	[tilespmem:s5+$0xDD0] =	vst v61  }
0x4ba: {  	v55 =	vld [tilespmem:s5+$0x95C0];
	[tilespmem:s5+$0x11A0] =	vst v0;
	v0 =	vadd.f32 v34, v33  }
0x4bb: {  	v51 =	vld [tilespmem:s5+$0x95E0];
	v45 =	vadd.f32 v32, v31;
	[tilespmem:s5+$0x1190] =	vst v42  }
0x4bc: {  	v23 =	vld [tilespmem:s5+$0xDF0];
	[tilespmem:s5+$0x11C0] =	vst v0;
	v0 =	vadd.f32 v54, v52  }
0x4bd: {  	v50 =	vld [tilespmem:s5+$0x15E0];
	v56 =	vadd.f32 v44, v43;
	[tilespmem:s5+$0x11B0] =	vst v45  }
0x4be: {  	v52 =	vld [tilespmem:s5+$0x15F0];
	[tilespmem:s5+$0x11E0] =	vst v0;
	v0 =	vadd.f32 v60, v59  }
0x4bf: {  	v57 =	vadd.f32 v55, v46;
	[tilespmem:s5+$0x15B0] =	vst v56;
	v54 =	vld [tilespmem:s5+$0x95F0]  }
0x4c0: {  	v11 =	vld [tilespmem:s3+$0x8100];
	[tilespmem:s5+$0x1580] =	vst v0;
	v0 =	vadd.f32 v41, v40  }
0x4c1: {  	s31 =	simm.s32 $0x4;
	v36 =	vld [tilespmem:s5+$0x530];
	v24 =	vadd.f32 v24, v23;
	[tilespmem:s5+$0x15C0] =	vst v57  }
0x4c2: {  	s23 =	sand.u32 $0x3, s31;
	v38 =	vld [tilespmem:s5+$0x540];
	[tilespmem:s5+$0x15A0] =	vst v0;
	v0 =	vadd.f32 v49, v47  }
0x4c3: {  	s7 =	sshll.u32 s23, $0x8;
	v3 =	vadd.f32 v3, v4;
	v4 =	vld [tilespmem:s5+$0x1160];
	v13 =	vadd.f32 v51, v50;
	[tilespmem:s5+$0xDF0] =	vst v24  }
0x4c4: {  	s8 =	sadd.s32 $0x2000, s7;
	v35 =	vld [tilespmem:s5+$0x8520];
	[tilespmem:s5+$0x15D0] =	vst v0;
	v0 =	vadd.f32 v54, v52  }
0x4c5: {  	s7 =	sadd.s32 $0x80, s8;
	v37 =	vld [tilespmem:s5+$0x8530];
	[tilespmem:s5+$0x15E0] =	vst v13  }
0x4c6: {  	s24 =	sor.u32 $0x1800, s7;
	v39 =	vld [tilespmem:s5+$0x550];
	[tilespmem:s5+$0x15F0] =	vst v0  }
0x4c7: {  	v16 =	vld [tilespmem:s24+$0x100]  }
0x4c8: {  	v58 =	vld [tilespmem:s24+$0x8100]  }
0x4c9: {  	v14 =	vld [tilespmem:s5+$0x8110]  }
0x4ca: {  	v18 =	vld [tilespmem:s5+$0x100]  }
0x4cb: {  	v19 =	vld [tilespmem:s5+$0x8100]  }
0x4cc: {  	v15 =	vld [tilespmem:s5+$0x110]  }
0x4cd: {  	v20 =	vld [tilespmem:s5+$0x130];
	v16 =	vadd.f32 v58, v16  }
0x4ce: {  	v17 =	vld [tilespmem:s5+$0x8150]  }
0x4cf: {  	s25 =	sor.u32 $0x1810, s7;
	v27 =	vld [tilespmem:s5+$0x8160];
	[tilespmem:s24+$0x100] =	vst v16  }
0x4d0: {  	v16 =	vld [tilespmem:s25+$0x100]  }
0x4d1: {  	v59 =	vld [tilespmem:s25+$0x8100]  }
0x4d2: {  	v28 =	vld [tilespmem:s5+$0x170]  }
0x4d3: {  	v31 =	vld [tilespmem:s5+$0x8500]  }
0x4d4: {  	v32 =	vld [tilespmem:s5+$0x8510]  }
0x4d5: {  	v43 =	vld [tilespmem:s5+$0x8560]  }
0x4d6: {  	v44 =	vld [tilespmem:s5+$0x570];
	v16 =	vadd.f32 v59, v16  }
0x4d7: {  	v46 =	vld [tilespmem:s5+$0x8900]  }
0x4d8: {  	s26 =	sor.u32 $0x1820, s7;
	v48 =	vld [tilespmem:s5+$0x910];
	[tilespmem:s25+$0x100] =	vst v16  }
0x4d9: {  	v16 =	vld [tilespmem:s26+$0x100]  }
0x4da: {  	v60 =	vld [tilespmem:s26+$0x8100]  }
0x4db: {  	v53 =	vld [tilespmem:s5+$0x940]  }
0x4dc: {  	v55 =	vld [tilespmem:s5+$0x8940]  }
0x4dd: {  	v21 =	vld [tilespmem:s5+$0x8130]  }
0x4de: {  	v22 =	vld [tilespmem:s5+$0x140]  }
0x4df: {  	v23 =	vld [tilespmem:s5+$0x8140];
	v16 =	vadd.f32 v60, v16  }
0x4e0: {  	v42 =	vld [tilespmem:s5+$0x560]  }
0x4e1: {  	s10 =	sor.u32 $0x1830, s7;
	v45 =	vld [tilespmem:s5+$0x8570];
	[tilespmem:s26+$0x100] =	vst v16  }
0x4e2: {  	v16 =	vld [tilespmem:s10+$0x100]  }
0x4e3: {  	v61 =	vld [tilespmem:s10+$0x8100]  }
0x4e4: {  	v56 =	vld [tilespmem:s5+$0x950]  }
0x4e5: {  	v57 =	vld [tilespmem:s5+$0x8950]  }
0x4e6: {  	v50 =	vld [tilespmem:s5+$0x920]  }
0x4e7: {  	v51 =	vld [tilespmem:s5+$0x8920]  }
0x4e8: {  	v24 =	vld [tilespmem:s5+$0x150];
	v16 =	vadd.f32 v61, v16  }
0x4e9: {  	v25 =	vld [tilespmem:s5+$0x160]  }
0x4ea: {  	s11 =	sor.u32 $0x1840, s7;
	v26 =	vld [tilespmem:s5+$0x510];
	[tilespmem:s10+$0x100] =	vst v16  }
0x4eb: {  	v16 =	vld [tilespmem:s11+$0x100]  }
0x4ec: {  	v62 =	vld [tilespmem:s11+$0x8100]  }
0x4ed: {  	v13 =	vld [tilespmem:s5+$0x120]  }
0x4ee: {  	v14 =	vadd.f32 v14, v15;
	v15 =	vld [tilespmem:s5+$0x8D30]  }
0x4ef: {  	v18 =	vadd.f32 v19, v18;
	v29 =	vld [tilespmem:s5+$0x8170]  }
0x4f0: {  	v30 =	vld [tilespmem:s5+$0x500]  }
0x4f1: {  	[tilespmem:s5+$0x100] =	vst v18;
	v18 =	vld [tilespmem:s5+$0x8D40];
	v16 =	vadd.f32 v62, v16  }
0x4f2: {  	[tilespmem:s5+$0x110] =	vst v14;
	v14 =	vadd.f32 v21, v20;
	v20 =	vld [tilespmem:s5+$0xD50]  }
0x4f3: {  	s12 =	sor.u32 $0x1850, s7;
	v21 =	vld [tilespmem:s5+$0x1110];
	[tilespmem:s11+$0x100] =	vst v16  }
0x4f4: {  	v16 =	vld [tilespmem:s12+$0x100]  }
0x4f5: {  	v63 =	vld [tilespmem:s12+$0x8100]  }
0x4f6: {  	v43 =	vadd.f32 v43, v42;
	v42 =	vld [tilespmem:s5+$0x1150]  }
0x4f7: {  	v34 =	vld [tilespmem:s5+$0x520]  }
0x4f8: {  	v33 =	vld [tilespmem:s5+$0x8540]  }
0x4f9: {  	[tilespmem:s5+$0x130] =	vst v14;
	v14 =	vld [tilespmem:s5+$0x8D50];
	v1 =	vadd.f32 v1, v13  }
0x4fa: {  	v27 =	vadd.f32 v27, v25;
	v25 =	vld [tilespmem:s5+$0x1100];
	v16 =	vadd.f32 v63, v16  }
0x4fb: {  	v13 =	vld [tilespmem:s5+$0xD40];
	[tilespmem:s5+$0x120] =	vst v1  }
0x4fc: {  	s13 =	sor.u32 $0x1860, s7;
	v1 =	vadd.f32 v23, v22;
	v23 =	vld [tilespmem:s5+$0xD70];
	[tilespmem:s12+$0x100] =	vst v16  }
0x4fd: {  	v16 =	vld [tilespmem:s13+$0x100]  }
0x4fe: {  	v30 =	vadd.f32 v31, v30;
	v61 =	vld [tilespmem:s13+$0x8100]  }
0x4ff: {  	v22 =	vld [tilespmem:s5+$0x9110]  }
0x500: {  	[tilespmem:s5+$0x500] =	vst v30;
	v30 =	vld [tilespmem:s5+$0x9120]  }
0x501: {  	v41 =	vld [tilespmem:s5+$0x8550]  }
0x502: {  	v38 =	vadd.f32 v33, v38;
	v40 =	vld [tilespmem:s5+$0x900]  }
0x503: {  	[tilespmem:s5+$0x140] =	vst v1;
	v1 =	vadd.f32 v17, v24;
	v17 =	vld [tilespmem:s5+$0xD60];
	v16 =	vadd.f32 v61, v16  }
0x504: {  	v24 =	vld [tilespmem:s5+$0x8D70];
	[tilespmem:s5+$0x540] =	vst v38  }
0x505: {  	s14 =	sor.u32 $0x1870, s7;
	v38 =	vadd.f32 v51, v50;
	v50 =	vld [tilespmem:s5+$0x1170];
	[tilespmem:s13+$0x100] =	vst v16  }
0x506: {  	v0 =	vld [tilespmem:s14+$0x100]  }
0x507: {  	v19 =	vld [tilespmem:s14+$0x8100]  }
0x508: {  	v51 =	vld [tilespmem:s5+$0x9170]  }
0x509: {  	v49 =	vld [tilespmem:s5+$0x8910]  }
0x50a: {  	v47 =	vld [tilespmem:s5+$0x8930]  }
0x50b: {  	[tilespmem:s5+$0x150] =	vst v1;
	v1 =	vadd.f32 v29, v28;
	v28 =	vld [tilespmem:s5+$0x1120]  }
0x50c: {  	v52 =	vld [tilespmem:s5+$0x930];
	v0 =	vadd.f32 v19, v0  }
0x50d: {  	v54 =	vld [tilespmem:s5+$0x970];
	[tilespmem:s5+$0x170] =	vst v1  }
0x50e: {  	s15 =	sor.u32 $0x1C00, s7;
	v1 =	vadd.f32 v32, v26;
	v26 =	vld [tilespmem:s5+$0x9100];
	[tilespmem:s14+$0x100] =	vst v0  }
0x50f: {  	v29 =	vld [tilespmem:s15+$0x100]  }
0x510: {  	v31 =	vld [tilespmem:s15+$0x8100]  }
0x511: {  	[tilespmem:s9+$0x100] =	vst v7;
	v32 =	vld [tilespmem:s5+$0x9130]  }
0x512: {  	v10 =	vadd.f32 v11, v10;
	[tilespmem:s5+$0xD10] =	vst v3;
	v61 =	vld [tilespmem:s5+$0xD20]  }
0x513: {  	[tilespmem:s5+$0x510] =	vst v1;
	v1 =	vadd.f32 v37, v36;
	v16 =	vld [tilespmem:s5+$0xD30]  }
0x514: {  	[tilespmem:s3+$0x100] =	vst v10;
	v41 =	vadd.f32 v41, v39;
	v39 =	vadd.f32 v55, v53;
	v53 =	vld [tilespmem:s5+$0x9500]  }
0x515: {  	v36 =	vadd.f32 v46, v40;
	v40 =	vld [tilespmem:s5+$0x1140];
	[tilespmem:s5+$0x530] =	vst v1;
	v1 =	vadd.f32 v31, v29  }
0x516: {  	[tilespmem:s5+$0x560] =	vst v43;
	v58 =	vld [tilespmem:s5+$0x960]  }
0x517: {  	s16 =	sor.u32 $0x1C10, s7;
	v59 =	vld [tilespmem:s5+$0x8960];
	v2 =	vadd.f32 v2, v61;
	[tilespmem:s15+$0x100] =	vst v1  }
0x518: {  	[tilespmem:s5+$0x550] =	vst v41;
	v3 =	vadd.f32 v15, v16;
	v1 =	vadd.f32 v45, v44;
	v45 =	vld [tilespmem:s16+$0x100]  }
0x519: {  	[tilespmem:s5+$0xD20] =	vst v2;
	v37 =	vld [tilespmem:s16+$0x8100]  }
0x51a: {  	v2 =	vadd.f32 v18, v13;
	[tilespmem:s5+$0xD30] =	vst v3;
	v0 =	vld [tilespmem:s5+$0x8D60]  }
0x51b: {  	v41 =	vadd.f32 v57, v56;
	v56 =	vld [tilespmem:s5+$0x9510];
	[tilespmem:s5+$0x570] =	vst v1;
	v1 =	vadd.f32 v49, v48  }
0x51c: {  	v57 =	vld [tilespmem:s5+$0x1520];
	[tilespmem:s5+$0xD40] =	vst v2;
	v2 =	vadd.f32 v14, v20  }
0x51d: {  	v43 =	vadd.f32 v59, v58;
	v58 =	vld [tilespmem:s5+$0x9520];
	[tilespmem:s5+$0x910] =	vst v1;
	v1 =	vadd.f32 v47, v52  }
0x51e: {  	v60 =	vld [tilespmem:s5+$0x8970];
	[tilespmem:s5+$0xD50] =	vst v2;
	v19 =	vadd.f32 v37, v45  }
0x51f: {  	v0 =	vadd.f32 v0, v17;
	v31 =	vld [tilespmem:s5+$0x1130];
	[tilespmem:s5+$0x930] =	vst v1  }
0x520: {  	s17 =	sor.u32 $0x1C20, s7;
	v2 =	vadd.f32 v24, v23;
	v1 =	vld [tilespmem:s5+$0x9140];
	[tilespmem:s16+$0x100] =	vst v19  }
0x521: {  	[tilespmem:s5+$0xD60] =	vst v0;
	v0 =	vadd.f32 v26, v25;
	v46 =	vld [tilespmem:s17+$0x100]  }
0x522: {  	[tilespmem:s5+$0xD70] =	vst v2;
	v2 =	vadd.f32 v22, v21;
	v48 =	vld [tilespmem:s17+$0x8100]  }
0x523: {  	v44 =	vld [tilespmem:s5+$0x9150];
	[tilespmem:s5+$0x1100] =	vst v0;
	v0 =	vadd.f32 v30, v28  }
0x524: {  	v59 =	vld [tilespmem:s5+$0x1540];
	[tilespmem:s5+$0x1110] =	vst v2;
	v2 =	vadd.f32 v32, v31  }
0x525: {  	v3 =	vld [tilespmem:s5+$0x1500];
	[tilespmem:s5+$0x1120] =	vst v0  }
0x526: {  	[tilespmem:s5+$0x1130] =	vst v2;
	v2 =	vld [tilespmem:s5+$0x9530];
	v0 =	vadd.f32 v1, v40  }
0x527: {  	[tilespmem:s5+$0x160] =	vst v27;
	v45 =	vadd.f32 v60, v54;
	v54 =	vld [tilespmem:s5+$0x1510];
	v52 =	vadd.f32 v48, v46  }
0x528: {  	v60 =	vld [tilespmem:s5+$0x9540];
	[tilespmem:s5+$0x1140] =	vst v0;
	v0 =	vadd.f32 v44, v42  }
0x529: {  	s18 =	sor.u32 $0x1C30, s7;
	v35 =	vadd.f32 v35, v34;
	v1 =	vld [tilespmem:s5+$0x1530];
	[tilespmem:s17+$0x100] =	vst v52  }
0x52a: {  	[tilespmem:s5+$0x1150] =	vst v0;
	v0 =	vadd.f32 v51, v50;
	v16 =	vld [tilespmem:s18+$0x100]  }
0x52b: {  	[tilespmem:s5+$0x520] =	vst v35;
	v3 =	vadd.f32 v53, v3;
	v55 =	vld [tilespmem:s18+$0x8100]  }
0x52c: {  	v62 =	vld [tilespmem:s5+$0xD00];
	[tilespmem:s5+$0x1170] =	vst v0;
	v0 =	vadd.f32 v56, v54  }
0x52d: {  	[tilespmem:s5+$0x1500] =	vst v3;
	v3 =	vadd.f32 v58, v57;
	v49 =	vld [tilespmem:s5+$0x9160]  }
0x52e: {  	v63 =	vld [tilespmem:s5+$0x8D00];
	[tilespmem:s5+$0x1510] =	vst v0;
	v0 =	vadd.f32 v2, v1  }
0x52f: {  	[tilespmem:s5+$0x1520] =	vst v3;
	v3 =	vld [tilespmem:s5+$0x9560];
	v2 =	vadd.f32 v60, v59  }
0x530: {  	v1 =	vld [tilespmem:s5+$0x1560];
	[tilespmem:s5+$0x1530] =	vst v0;
	v16 =	vadd.f32 v55, v16  }
0x531: {  	v0 =	vld [tilespmem:s5+$0x1570];
	[tilespmem:s5+$0x1540] =	vst v2  }
0x532: {  	s19 =	sor.u32 $0x1C40, s7;
	v4 =	vadd.f32 v49, v4;
	v2 =	vld [tilespmem:s5+$0x9570];
	[tilespmem:s18+$0x100] =	vst v16  }
0x533: {  	[tilespmem:s5+$0x920] =	vst v38;
	v61 =	vld [tilespmem:s19+$0x100]  }
0x534: {  	s2 =	sor.u32 $0x1C30, s29;
	[tilespmem:s5+$0x1160] =	vst v4;
	v4 =	vld [tilespmem:s19+$0x8100]  }
0x535: {  	v7 =	vld [tilespmem:s2+$0x100];
	[tilespmem:s5+$0x940] =	vst v39;
	s11 =	sor.u32 $0x1840, s6  }
0x536: {  	[tilespmem:s5+$0x900] =	vst v36;
	v1 =	vadd.f32 v3, v1;
	v3 =	vld [tilespmem:s11+$0x100]  }
0x537: {  	[tilespmem:s5+$0x950] =	vst v41;
	v47 =	vadd.f32 v63, v62;
	v0 =	vadd.f32 v2, v0;
	v2 =	vld [tilespmem:s11+$0x8100]  }
0x538: {  	v9 =	vld [tilespmem:s2+$0x8100];
	[tilespmem:s5+$0x960] =	vst v43  }
0x539: {  	v62 =	vld [tilespmem:s5+$0x1550];
	[tilespmem:s5+$0xD00] =	vst v47;
	v4 =	vadd.f32 v4, v61  }
0x53a: {  	s10 =	sor.u32 $0x1800, s8;
	v63 =	vld [tilespmem:s5+$0x9550];
	[tilespmem:s5+$0x970] =	vst v45  }
0x53b: {  	s20 =	sor.u32 $0x1C50, s7;
	v11 =	vld [tilespmem:s10+$0x100];
	[tilespmem:s19+$0x100] =	vst v4  }
0x53c: {  	v2 =	vadd.f32 v2, v3;
	v4 =	vadd.f32 v8, v6;
	v6 =	vld [tilespmem:s20+$0x100]  }
0x53d: {  	[tilespmem:s5+$0x1560] =	vst v1;
	v10 =	vld [tilespmem:s20+$0x8100]  }
0x53e: {  	v12 =	vld [tilespmem:s1+$0x8100];
	s24 =	sor.u32 $0x1850, s6;
	[tilespmem:s11+$0x100] =	vst v2  }
0x53f: {  	s21 =	sor.u32 $0x1C00, s30;
	v8 =	vadd.f32 v63, v62;
	[tilespmem:s0+$0x100] =	vst v4;
	v2 =	vld [tilespmem:s24+$0x100]  }
0x540: {  	[tilespmem:s5+$0x1570] =	vst v0;
	v4 =	vadd.f32 v9, v7;
	v1 =	vld [tilespmem:s21+$0x100]  }
0x541: {  	[tilespmem:s5+$0x1550] =	vst v8;
	v0 =	vld [tilespmem:s21+$0x8100]  }
0x542: {  	s22 =	sor.u32 $0x1C40, s29;
	[tilespmem:s2+$0x100] =	vst v4;
	v4 =	vld [tilespmem:s10+$0x8100];
	v6 =	vadd.f32 v10, v6  }
0x543: {  	v7 =	vld [tilespmem:s22+$0x100]  }
0x544: {  	s23 =	sor.u32 $0x1C60, s7;
	v3 =	vld [tilespmem:s22+$0x8100];
	[tilespmem:s20+$0x100] =	vst v6  }
0x545: {  	v5 =	vadd.f32 v12, v5;
	v6 =	vld [tilespmem:s23+$0x100]  }
0x546: {  	v0 =	vadd.f32 v0, v1;
	v8 =	vld [tilespmem:s23+$0x8100]  }
0x547: {  	s28 =	sor.u32 $0x1C70, s28;
	[tilespmem:s1+$0x100] =	vst v5;
	v1 =	vadd.f32 v4, v11;
	v4 =	vld [tilespmem:s24+$0x8100]  }
0x548: {  	s25 =	sor.u32 $0x1C10, s30;
	v11 =	vld [tilespmem:s28+$0x100];
	[tilespmem:s21+$0x100] =	vst v0  }
0x549: {  	s26 =	sor.u32 $0x1810, s8;
	[tilespmem:s10+$0x100] =	vst v1;
	v0 =	vld [tilespmem:s25+$0x100]  }
0x54a: {  	v1 =	vadd.f32 v3, v7;
	v3 =	vld [tilespmem:s26+$0x100]  }
0x54b: {  	v7 =	vld [tilespmem:s26+$0x8100];
	v6 =	vadd.f32 v8, v6  }
0x54c: {  	s10 =	sor.u32 $0x1C50, s29;
	[tilespmem:s22+$0x100] =	vst v1;
	v1 =	vld [tilespmem:s25+$0x8100]  }
0x54d: {  	s9 =	sor.u32 $0x1C70, s7;
	v2 =	vadd.f32 v4, v2;
	v4 =	vld [tilespmem:s10+$0x100];
	[tilespmem:s23+$0x100] =	vst v6  }
0x54e: {  	v8 =	vld [tilespmem:s9+$0x100]  }
0x54f: {  	s7 =	sor.u32 $0x1860, s6;
	[tilespmem:s24+$0x100] =	vst v2;
	v9 =	vld [tilespmem:s9+$0x8100]  }
0x550: {  	v2 =	vadd.f32 v7, v3;
	v3 =	vld [tilespmem:s7+$0x100]  }
0x551: {  	v6 =	vld [tilespmem:s7+$0x8100]  }
0x552: {  	s14 =	sor.u32 $0x1820, s8;
	v0 =	vadd.f32 v1, v0;
	v1 =	vld [tilespmem:s10+$0x8100];
	[tilespmem:s26+$0x100] =	vst v2  }
0x553: {  	v2 =	vld [tilespmem:s14+$0x100]  }
0x554: {  	s12 =	sor.u32 $0x1C20, s30;
	[tilespmem:s25+$0x100] =	vst v0;
	v0 =	vld [tilespmem:s14+$0x8100]  }
0x555: {  	s24 =	sor.u32 $0x1C30, s6;
	v10 =	vld [tilespmem:s12+$0x100]  }
0x556: {  	s25 =	sor.u32 $0x1C40, s6;
	v5 =	vld [tilespmem:s12+$0x8100];
	[dreg:$0x5] =	wrdreg s24  }
0x557: {  	s26 =	sor.u32 $0x1C50, s6;
	[dreg:$0x4] =	wrdreg s25;
	v3 =	vadd.f32 v6, v3  }
0x558: {  	[dreg:$0x3] =	wrdreg s26  }
0x559: {  	[tilespmem:s7+$0x100] =	vst v3  }
0x55a: {  	v0 =	vadd.f32 v0, v2;
	v2 =	vld [tilespmem:$0x1FFB0]  }
0x55b: {  	p1 =	por p0, p0;
	s3 =	sor.u32 $0x1830, s8;
	v3 =	vld [tilespmem:$0x1FFC0]  }
0x55c: {  	s13 =	sor.u32 $0x1C70, s29;
	s15 =	sor.u32 $0x1C40, s30;
	s16 =	sor.u32 $0x1C30, s30  }
0x55d: {  	s17 =	sor.u32 $0x1C70, s30;
	s18 =	sor.u32 $0x1C60, s30;
	s19 =	sor.u32 $0x1C70, s6;
	v1 =	vadd.f32 v1, v4  }
0x55e: {  	s11 =	sor.u32 $0x1870, s8;
	s0 =	sor.u32 $0x1C60, s29;
	s5 =	sor.u32 $0x1870, s6;
	v4 =	vld [tilespmem:s28+$0x8100]  }
0x55f: {  	s2 =	sor.u32 $0x1C50, s30;
	s30 =	sor.u32 $0x1C30, s8;
	s20 =	sor.u32 $0x1C20, s6;
	v6 =	vld [tilespmem:s5+$0x100];
	[tilespmem:s10+$0x100] =	vst v1  }
0x560: {  	s21 =	sor.u32 $0x1C60, s6;
	s29 =	sor.u32 $0x1C70, s8;
	s7 =	sor.u32 $0x1C10, s8;
	v7 =	vld [tilespmem:s5+$0x8100];
	[tilespmem:s14+$0x100] =	vst v0;
	v2 =	vadd.f32 v3, v2  }
0x561: {  	s22 =	sor.u32 $0x1C10, s6;
	s23 =	sor.u32 $0x1C00, s6;
	v3 =	vld [tilespmem:s0+$0x100];
	[dreg:$0x7] =	wrdreg s7  }
0x562: {  	s6 =	sor.u32 $0x1C50, s8;
	s26 =	sor.u32 $0x1840, s8;
	s10 =	sor.u32 $0x1C40, s8;
	v0 =	vadd.f32 v5, v10;
	[tilespmem:s4+$0x100] =	vst v2  }
0x563: {  	s25 =	sor.u32 $0x1850, s8;
	s24 =	sor.u32 $0x1860, s8;
	v1 =	vadd.f32 v9, v8;
	v8 =	vld [tilespmem:s3+$0x100];
	[dreg:$0x6] =	wrdreg s10  }
0x564: {  	s14 =	sor.u32 $0x1C00, s8;
	s7 =	sor.u32 $0x1C20, s8;
	s4 =	simm.s32 $0x500;
	[tilespmem:s12+$0x100] =	vst v0;
	v9 =	vld [tilespmem:s3+$0x8100]  }
0x565: {  	v4 =	vadd.f32 v4, v11;
	s10 =	sor.u32 $0x1C60, s8;
	s8 =	simm.s32 $0x2800;
	[tilespmem:s9+$0x100] =	vst v1;
	s12 =	simm.s32 $0x8;
	v5 =	vld [tilespmem:s16+$0x100]  }
.LBB2_3:
0x566: {  	_ = 	snop  }
0x567: {  	s1 =	sand.u32 $0x6000, s8;
	s9 =	sand.u32 $0x300, s4;
	v1 =	vld [tilespmem:s16+$0x8100];
	[tilespmem:s28+$0x100] =	vst v4  }
0x568: {  	s9 =	sor.u32 s9, s1;
	v2 =	vld [tilespmem:s0+$0x8100]  }
0x569: {  	v4 =	vld [tilespmem:s9+$0x180]  }
0x56a: {  	v0 =	vadd.f32 v7, v6;
	v7 =	vld [tilespmem:s9+$0x190]  }
0x56b: {  	v10 =	vld [tilespmem:s9+$0x1D0]  }
0x56c: {  	v11 =	vld [tilespmem:s9+$0x81D0]  }
0x56d: {  	v12 =	vld [tilespmem:s9+$0x1E0]  }
0x56e: {  	v13 =	vld [tilespmem:s9+$0x81E0]  }
0x56f: {  	v14 =	vld [tilespmem:s9+$0x1F0]  }
0x570: {  	v15 =	vld [tilespmem:s9+$0x81F0]  }
0x571: {  	v16 =	vld [tilespmem:s9+$0x580]  }
0x572: {  	v17 =	vld [tilespmem:s9+$0x8580]  }
0x573: {  	v18 =	vld [tilespmem:s9+$0x590]  }
0x574: {  	v19 =	vld [tilespmem:s9+$0x8590]  }
0x575: {  	v20 =	vld [tilespmem:s9+$0x5A0]  }
0x576: {  	v21 =	vld [tilespmem:s9+$0x85A0]  }
0x577: {  	v22 =	vld [tilespmem:s9+$0x5B0]  }
0x578: {  	v23 =	vld [tilespmem:s9+$0x85B0]  }
0x579: {  	v24 =	vld [tilespmem:s9+$0x5C0]  }
0x57a: {  	v25 =	vld [tilespmem:s9+$0x85C0]  }
0x57b: {  	v26 =	vld [tilespmem:s9+$0x5D0]  }
0x57c: {  	v27 =	vld [tilespmem:s9+$0x85D0]  }
0x57d: {  	v28 =	vld [tilespmem:s9+$0x5E0]  }
0x57e: {  	v29 =	vld [tilespmem:s9+$0x85E0]  }
0x57f: {  	v30 =	vld [tilespmem:s9+$0x5F0]  }
0x580: {  	v31 =	vld [tilespmem:s9+$0x85F0]  }
0x581: {  	v32 =	vld [tilespmem:s9+$0x980]  }
0x582: {  	v33 =	vld [tilespmem:s9+$0x8980]  }
0x583: {  	v34 =	vld [tilespmem:s9+$0x990]  }
0x584: {  	v35 =	vld [tilespmem:s9+$0x8990]  }
0x585: {  	v36 =	vld [tilespmem:s9+$0x9A0]  }
0x586: {  	v37 =	vld [tilespmem:s9+$0x89A0]  }
0x587: {  	v38 =	vld [tilespmem:s9+$0x9B0]  }
0x588: {  	v39 =	vld [tilespmem:s9+$0x89B0]  }
0x589: {  	v40 =	vld [tilespmem:s9+$0x9C0]  }
0x58a: {  	v41 =	vld [tilespmem:s9+$0x89C0]  }
0x58b: {  	v42 =	vld [tilespmem:s9+$0x9D0]  }
0x58c: {  	v43 =	vld [tilespmem:s9+$0x89D0]  }
0x58d: {  	v44 =	vld [tilespmem:s9+$0x9E0]  }
0x58e: {  	v45 =	vld [tilespmem:s9+$0x89E0]  }
0x58f: {  	v46 =	vld [tilespmem:s9+$0x9F0]  }
0x590: {  	v47 =	vld [tilespmem:s9+$0x89F0]  }
0x591: {  	v48 =	vld [tilespmem:s9+$0xD80]  }
0x592: {  	v49 =	vld [tilespmem:s9+$0x8D80]  }
0x593: {  	v50 =	vld [tilespmem:s9+$0xD90]  }
0x594: {  	v51 =	vld [tilespmem:s9+$0x8D90]  }
0x595: {  	v52 =	vld [tilespmem:s9+$0xDA0]  }
0x596: {  	[tilespmem:s5+$0x100] =	vst v0;
	v0 =	vld [tilespmem:s9+$0x8180]  }
0x597: {  	v6 =	vadd.f32 v9, v8;
	v8 =	vld [tilespmem:s9+$0x8190]  }
0x598: {  	v9 =	vld [tilespmem:s9+$0x81C0]  }
0x599: {  	v1 =	vadd.f32 v1, v5;
	v5 =	vld [tilespmem:s9+$0x1A0]  }
0x59a: {  	[tilespmem:s3+$0x100] =	vst v6;
	v2 =	vadd.f32 v2, v3;
	v3 =	vld [tilespmem:s9+$0x81A0]  }
0x59b: {  	[tilespmem:s16+$0x100] =	vst v1;
	v1 =	vld [tilespmem:s9+$0x1B0]  }
0x59c: {  	[tilespmem:s0+$0x100] =	vst v2;
	v2 =	vld [tilespmem:s9+$0x81B0]  }
0x59d: {  	v6 =	vld [tilespmem:s9+$0x1C0]  }
0x59e: {  	v61 =	vld [tilespmem:s9+$0x9180];
	v0 =	vadd.f32 v0, v4  }
0x59f: {  	v62 =	vld [tilespmem:s9+$0x1190];
	v7 =	vadd.f32 v8, v7  }
0x5a0: {  	v63 =	vld [tilespmem:s9+$0x9190];
	[tilespmem:s9+$0x180] =	vst v0;
	v0 =	vadd.f32 v3, v5  }
0x5a1: {  	v53 =	vld [tilespmem:s9+$0x91B0];
	[tilespmem:s9+$0x190] =	vst v7;
	v1 =	vadd.f32 v2, v1  }
0x5a2: {  	v54 =	vld [tilespmem:s9+$0x11C0];
	[tilespmem:s9+$0x1A0] =	vst v0;
	v0 =	vadd.f32 v9, v6  }
0x5a3: {  	v55 =	vld [tilespmem:s9+$0x91C0];
	[tilespmem:s9+$0x1B0] =	vst v1;
	v1 =	vadd.f32 v11, v10  }
0x5a4: {  	v56 =	vld [tilespmem:s9+$0x11D0];
	[tilespmem:s9+$0x1C0] =	vst v0;
	v0 =	vadd.f32 v13, v12  }
0x5a5: {  	v57 =	vld [tilespmem:s9+$0x91D0];
	[tilespmem:s9+$0x1D0] =	vst v1;
	v1 =	vadd.f32 v15, v14  }
0x5a6: {  	v58 =	vld [tilespmem:s9+$0x11E0];
	[tilespmem:s9+$0x1E0] =	vst v0;
	v0 =	vadd.f32 v17, v16  }
0x5a7: {  	v59 =	vld [tilespmem:s9+$0x91E0];
	[tilespmem:s9+$0x1F0] =	vst v1;
	v1 =	vadd.f32 v19, v18  }
0x5a8: {  	v60 =	vld [tilespmem:s9+$0x11F0];
	[tilespmem:s9+$0x580] =	vst v0;
	v0 =	vadd.f32 v21, v20  }
0x5a9: {  	v4 =	vld [tilespmem:s9+$0x8DA0];
	[tilespmem:s9+$0x590] =	vst v1;
	v1 =	vadd.f32 v23, v22  }
0x5aa: {  	v8 =	vld [tilespmem:s9+$0xDB0];
	[tilespmem:s9+$0x5A0] =	vst v0;
	v0 =	vadd.f32 v25, v24  }
0x5ab: {  	v7 =	vld [tilespmem:s9+$0x8DD0];
	[tilespmem:s9+$0x5B0] =	vst v1;
	v1 =	vadd.f32 v27, v26  }
0x5ac: {  	v3 =	vld [tilespmem:s9+$0x8DB0];
	[tilespmem:s9+$0x5C0] =	vst v0;
	v0 =	vadd.f32 v29, v28  }
0x5ad: {  	v5 =	vld [tilespmem:s9+$0x8DC0];
	[tilespmem:s9+$0x5D0] =	vst v1;
	v1 =	vadd.f32 v31, v30  }
0x5ae: {  	v2 =	vld [tilespmem:s9+$0xDC0];
	[tilespmem:s9+$0x5E0] =	vst v0;
	v0 =	vadd.f32 v33, v32  }
0x5af: {  	v6 =	vld [tilespmem:s9+$0xDD0];
	[tilespmem:s9+$0x5F0] =	vst v1;
	v1 =	vadd.f32 v35, v34  }
0x5b0: {  	v9 =	vld [tilespmem:s9+$0xDE0];
	[tilespmem:s9+$0x980] =	vst v0;
	v0 =	vadd.f32 v37, v36  }
0x5b1: {  	v10 =	vld [tilespmem:s9+$0x8DE0];
	[tilespmem:s9+$0x990] =	vst v1;
	v1 =	vadd.f32 v39, v38  }
0x5b2: {  	v11 =	vld [tilespmem:s9+$0xDF0];
	[tilespmem:s9+$0x9A0] =	vst v0;
	v0 =	vadd.f32 v41, v40  }
0x5b3: {  	v12 =	vld [tilespmem:s9+$0x8DF0];
	[tilespmem:s9+$0x9B0] =	vst v1;
	v1 =	vadd.f32 v43, v42  }
0x5b4: {  	v13 =	vld [tilespmem:s9+$0x1180];
	[tilespmem:s9+$0x9C0] =	vst v0;
	v0 =	vadd.f32 v45, v44  }
0x5b5: {  	v31 =	vld [tilespmem:s9+$0x11A0];
	[tilespmem:s9+$0x9D0] =	vst v1;
	v1 =	vadd.f32 v47, v46  }
0x5b6: {  	v33 =	vld [tilespmem:s9+$0x91A0];
	[tilespmem:s9+$0x9E0] =	vst v0;
	v0 =	vadd.f32 v49, v48  }
0x5b7: {  	v35 =	vld [tilespmem:s9+$0x11B0];
	[tilespmem:s9+$0x9F0] =	vst v1;
	v1 =	vadd.f32 v51, v50  }
0x5b8: {  	[tilespmem:s9+$0xD80] =	vst v0;
	v0 =	vadd.f32 v4, v52;
	v4 =	vld [tilespmem:s9+$0x91F0]  }
0x5b9: {  	[tilespmem:s9+$0xD90] =	vst v1;
	v1 =	vadd.f32 v3, v8;
	v3 =	vld [tilespmem:s9+$0x1580]  }
0x5ba: {  	[tilespmem:s9+$0xDA0] =	vst v0;
	v0 =	vadd.f32 v5, v2;
	v2 =	vld [tilespmem:s9+$0x9580]  }
0x5bb: {  	v5 =	vld [tilespmem:s9+$0x1590];
	[tilespmem:s9+$0xDB0] =	vst v1;
	v1 =	vadd.f32 v7, v6  }
0x5bc: {  	v8 =	vld [tilespmem:s9+$0x95A0];
	[tilespmem:s9+$0xDC0] =	vst v0;
	v0 =	vadd.f32 v10, v9  }
0x5bd: {  	v6 =	vld [tilespmem:s9+$0x9590];
	[tilespmem:s9+$0xDD0] =	vst v1;
	v1 =	vadd.f32 v12, v11  }
0x5be: {  	v7 =	vld [tilespmem:s9+$0x15A0];
	[tilespmem:s9+$0xDE0] =	vst v0;
	v0 =	vadd.f32 v61, v13  }
0x5bf: {  	v9 =	vld [tilespmem:s9+$0x15B0];
	[tilespmem:s9+$0xDF0] =	vst v1;
	v1 =	vadd.f32 v63, v62  }
0x5c0: {  	v10 =	vld [tilespmem:s9+$0x95B0];
	[tilespmem:s9+$0x1180] =	vst v0;
	v0 =	vadd.f32 v33, v31  }
0x5c1: {  	v11 =	vld [tilespmem:s9+$0x15C0];
	[tilespmem:s9+$0x1190] =	vst v1;
	v1 =	vadd.f32 v53, v35  }
0x5c2: {  	v61 =	vld [tilespmem:s9+$0x15D0];
	[tilespmem:s9+$0x11A0] =	vst v0;
	v0 =	vadd.f32 v55, v54  }
0x5c3: {  	v62 =	vld [tilespmem:s9+$0x95D0];
	[tilespmem:s9+$0x11B0] =	vst v1;
	v1 =	vadd.f32 v57, v56  }
0x5c4: {  	v63 =	vld [tilespmem:s9+$0x15E0];
	[tilespmem:s9+$0x11C0] =	vst v0;
	v0 =	vadd.f32 v59, v58  }
0x5c5: {  	[tilespmem:s9+$0x11D0] =	vst v1;
	v1 =	vadd.f32 v4, v60;
	v4 =	vld [tilespmem:s9+$0x95E0]  }
0x5c6: {  	[tilespmem:s9+$0x11E0] =	vst v0;
	v0 =	vadd.f32 v2, v3;
	v2 =	vld [tilespmem:s9+$0x15F0]  }
0x5c7: {  	v3 =	vld [tilespmem:s9+$0x95F0];
	[tilespmem:s9+$0x11F0] =	vst v1;
	v1 =	vadd.f32 v6, v5  }
0x5c8: {  	[tilespmem:s9+$0x1580] =	vst v0;
	v0 =	vadd.f32 v8, v7;
	v5 =	vld [tilespmem:s9+$0x95C0]  }
0x5c9: {  	[dreg:$0xe] =	wrdreg s7;
	s7 =	smov.u32 s19;
	s31 =	sadd.s32 $0x1, s31;
	v6 =	vld [tilespmem:s9+$0x100];
	[tilespmem:s9+$0x1590] =	vst v1;
	v1 =	vadd.f32 v10, v9  }
0x5ca: {  	[dreg:$0xa] =	wrdreg s7;
	s7 =	sand.u32 $0x3, s31;
	v7 =	vld [tilespmem:s9+$0x8100];
	[tilespmem:s9+$0x15A0] =	vst v0;
	v0 =	vadd.f32 v62, v61  }
0x5cb: {  	s1 =	sshll.u32 s7, $0x8;
	v8 =	vld [tilespmem:s9+$0x110];
	[tilespmem:s9+$0x15B0] =	vst v1;
	v1 =	vadd.f32 v4, v63  }
0x5cc: {  	s28 =	smov.u32 s13;
	s13 =	smov.u32 s29;
	s29 =	sadd.s32 s1, s8;
	v4 =	vld [tilespmem:s9+$0x8110];
	[tilespmem:s9+$0x15D0] =	vst v0;
	v0 =	vadd.f32 v3, v2  }
0x5cd: {  	s0 =	smov.u32 s18;
	s18 =	sadd.s32 $0x80, s29;
	v2 =	vld [tilespmem:s9+$0x120];
	v3 =	vadd.f32 v5, v11;
	[tilespmem:s9+$0x15E0] =	vst v1  }
0x5ce: {  	s7 =	sor.u32 $0x1800, s18;
	v1 =	vld [tilespmem:s9+$0x8120];
	[tilespmem:s9+$0x15F0] =	vst v0  }
0x5cf: {  	v0 =	vadd.f32 v7, v6;
	[tilespmem:s9+$0x15C0] =	vst v3;
	v3 =	vld [tilespmem:s7+$0x100]  }
0x5d0: {  	v5 =	vld [tilespmem:s7+$0x8100]  }
0x5d1: {  	v6 =	vld [tilespmem:s9+$0x8130];
	[tilespmem:s9+$0x100] =	vst v0;
	v0 =	vadd.f32 v4, v8  }
0x5d2: {  	v4 =	vld [tilespmem:s9+$0x130]  }
0x5d3: {  	[tilespmem:s9+$0x110] =	vst v0;
	v0 =	vadd.f32 v1, v2;
	v1 =	vld [tilespmem:s9+$0x140]  }
0x5d4: {  	v2 =	vld [tilespmem:s9+$0x8140]  }
0x5d5: {  	[tilespmem:s9+$0x120] =	vst v0;
	v0 =	vld [tilespmem:s9+$0x150];
	v3 =	vadd.f32 v5, v3  }
0x5d6: {  	v5 =	vld [tilespmem:s9+$0x8150]  }
0x5d7: {  	v4 =	vadd.f32 v6, v4;
	v6 =	vld [tilespmem:s9+$0x160];
	[tilespmem:s7+$0x100] =	vst v3;
	s7 =	sor.u32 $0x1810, s18  }
0x5d8: {  	v3 =	vld [tilespmem:s7+$0x100]  }
0x5d9: {  	v1 =	vadd.f32 v2, v1;
	v2 =	vld [tilespmem:s7+$0x8100]  }
0x5da: {  	[tilespmem:s9+$0x130] =	vst v4;
	v4 =	vld [tilespmem:s9+$0x8160]  }
0x5db: {  	v7 =	vld [tilespmem:s9+$0x8500]  }
0x5dc: {  	[tilespmem:s9+$0x140] =	vst v1;
	v0 =	vadd.f32 v5, v0;
	v1 =	vld [tilespmem:s9+$0x170]  }
0x5dd: {  	v5 =	vld [tilespmem:s9+$0x8170]  }
0x5de: {  	[tilespmem:s9+$0x150] =	vst v0;
	v0 =	vld [tilespmem:s9+$0x500];
	v2 =	vadd.f32 v2, v3  }
0x5df: {  	v3 =	vadd.f32 v4, v6;
	v4 =	vld [tilespmem:s9+$0x510]  }
0x5e0: {  	v6 =	vld [tilespmem:s9+$0x8510];
	[tilespmem:s7+$0x100] =	vst v2;
	s7 =	sor.u32 $0x1820, s18  }
0x5e1: {  	v2 =	vld [tilespmem:s7+$0x100]  }
0x5e2: {  	[tilespmem:s9+$0x160] =	vst v3;
	v1 =	vadd.f32 v5, v1;
	v3 =	vld [tilespmem:s7+$0x8100]  }
0x5e3: {  	v5 =	vld [tilespmem:s9+$0x8520];
	v0 =	vadd.f32 v7, v0  }
0x5e4: {  	[tilespmem:s9+$0x170] =	vst v1;
	v1 =	vld [tilespmem:s9+$0x520]  }
0x5e5: {  	[tilespmem:s9+$0x500] =	vst v0;
	v0 =	vadd.f32 v6, v4;
	v4 =	vld [tilespmem:s9+$0x530]  }
0x5e6: {  	v6 =	vld [tilespmem:s9+$0x8530]  }
0x5e7: {  	[tilespmem:s9+$0x510] =	vst v0;
	v0 =	vld [tilespmem:s9+$0x540];
	v2 =	vadd.f32 v3, v2  }
0x5e8: {  	v3 =	vld [tilespmem:s9+$0x8540]  }
0x5e9: {  	v1 =	vadd.f32 v5, v1;
	v5 =	vld [tilespmem:s9+$0x550];
	[tilespmem:s7+$0x100] =	vst v2;
	s7 =	sor.u32 $0x1830, s18  }
0x5ea: {  	v2 =	vld [tilespmem:s7+$0x100]  }
0x5eb: {  	[tilespmem:s9+$0x520] =	vst v1;
	v1 =	vadd.f32 v6, v4;
	v4 =	vld [tilespmem:s7+$0x8100]  }
0x5ec: {  	v6 =	vld [tilespmem:s9+$0x8550]  }
0x5ed: {  	v7 =	vld [tilespmem:s9+$0x8570]  }
0x5ee: {  	[tilespmem:s9+$0x530] =	vst v1;
	v0 =	vadd.f32 v3, v0;
	v1 =	vld [tilespmem:s9+$0x560]  }
0x5ef: {  	v3 =	vld [tilespmem:s9+$0x8560]  }
0x5f0: {  	[tilespmem:s9+$0x540] =	vst v0;
	v0 =	vld [tilespmem:s9+$0x570];
	v2 =	vadd.f32 v4, v2  }
0x5f1: {  	v4 =	vadd.f32 v6, v5;
	v5 =	vld [tilespmem:s9+$0x900]  }
0x5f2: {  	v6 =	vld [tilespmem:s9+$0x8900];
	[tilespmem:s7+$0x100] =	vst v2;
	s7 =	sor.u32 $0x1840, s18  }
0x5f3: {  	v2 =	vld [tilespmem:s7+$0x100]  }
0x5f4: {  	v1 =	vadd.f32 v3, v1;
	v3 =	vld [tilespmem:s7+$0x8100]  }
0x5f5: {  	[tilespmem:s9+$0x550] =	vst v4;
	v4 =	vld [tilespmem:s9+$0x8910];
	v0 =	vadd.f32 v7, v0  }
0x5f6: {  	[tilespmem:s9+$0x560] =	vst v1;
	v1 =	vld [tilespmem:s9+$0x910]  }
0x5f7: {  	[tilespmem:s9+$0x570] =	vst v0;
	v0 =	vadd.f32 v6, v5;
	v5 =	vld [tilespmem:s9+$0x920]  }
0x5f8: {  	v6 =	vld [tilespmem:s9+$0x8920]  }
0x5f9: {  	v7 =	vld [tilespmem:s9+$0x8960];
	v2 =	vadd.f32 v3, v2  }
0x5fa: {  	[tilespmem:s9+$0x900] =	vst v0;
	v0 =	vld [tilespmem:s9+$0x930]  }
0x5fb: {  	v3 =	vld [tilespmem:s9+$0x8930];
	v1 =	vadd.f32 v4, v1;
	[tilespmem:s7+$0x100] =	vst v2;
	s7 =	sor.u32 $0x1850, s18  }
0x5fc: {  	v2 =	vld [tilespmem:s7+$0x100]  }
0x5fd: {  	[tilespmem:s9+$0x910] =	vst v1;
	v1 =	vadd.f32 v6, v5;
	v5 =	vld [tilespmem:s7+$0x8100]  }
0x5fe: {  	v4 =	vld [tilespmem:s9+$0x940]  }
0x5ff: {  	v6 =	vld [tilespmem:s9+$0x8940]  }
0x600: {  	[tilespmem:s9+$0x920] =	vst v1;
	v0 =	vadd.f32 v3, v0;
	v1 =	vld [tilespmem:s9+$0x950]  }
0x601: {  	v3 =	vld [tilespmem:s9+$0x8950]  }
0x602: {  	[tilespmem:s9+$0x930] =	vst v0;
	v0 =	vld [tilespmem:s9+$0x960];
	v2 =	vadd.f32 v5, v2  }
0x603: {  	v5 =	vld [tilespmem:s9+$0x970]  }
0x604: {  	v4 =	vadd.f32 v6, v4;
	v6 =	vld [tilespmem:s9+$0x8970];
	[tilespmem:s7+$0x100] =	vst v2;
	s7 =	sor.u32 $0x1860, s18  }
0x605: {  	v2 =	vld [tilespmem:s7+$0x100]  }
0x606: {  	v1 =	vadd.f32 v3, v1;
	v3 =	vld [tilespmem:s7+$0x8100]  }
0x607: {  	[tilespmem:s9+$0x940] =	vst v4;
	v4 =	vld [tilespmem:s9+$0x8D00];
	v0 =	vadd.f32 v7, v0  }
0x608: {  	[tilespmem:s9+$0x950] =	vst v1;
	v1 =	vld [tilespmem:s9+$0xD00]  }
0x609: {  	[tilespmem:s9+$0x960] =	vst v0;
	v0 =	vadd.f32 v6, v5;
	v5 =	vld [tilespmem:s9+$0xD10]  }
0x60a: {  	v6 =	vld [tilespmem:s9+$0x8D10]  }
0x60b: {  	v7 =	vld [tilespmem:s9+$0x8D50];
	v2 =	vadd.f32 v3, v2  }
0x60c: {  	[tilespmem:s9+$0x970] =	vst v0;
	v0 =	vld [tilespmem:s9+$0xD20]  }
0x60d: {  	v3 =	vld [tilespmem:s9+$0x8D20];
	v1 =	vadd.f32 v4, v1;
	[tilespmem:s7+$0x100] =	vst v2;
	s7 =	sor.u32 $0x1870, s18  }
0x60e: {  	v2 =	vld [tilespmem:s7+$0x100]  }
0x60f: {  	[tilespmem:s9+$0xD00] =	vst v1;
	v1 =	vadd.f32 v6, v5;
	v5 =	vld [tilespmem:s7+$0x8100]  }
0x610: {  	v4 =	vld [tilespmem:s9+$0xD30]  }
0x611: {  	v6 =	vld [tilespmem:s9+$0x8D30]  }
0x612: {  	[tilespmem:s9+$0xD10] =	vst v1;
	v0 =	vadd.f32 v3, v0;
	v1 =	vld [tilespmem:s9+$0xD40]  }
0x613: {  	v3 =	vld [tilespmem:s9+$0x8D40]  }
0x614: {  	[tilespmem:s9+$0xD20] =	vst v0;
	v0 =	vld [tilespmem:s9+$0xD50];
	v2 =	vadd.f32 v5, v2  }
0x615: {  	v5 =	vld [tilespmem:s9+$0xD60]  }
0x616: {  	v4 =	vadd.f32 v6, v4;
	v6 =	vld [tilespmem:s9+$0x8D60];
	[tilespmem:s7+$0x100] =	vst v2;
	s7 =	sor.u32 $0x1C00, s18  }
0x617: {  	v2 =	vld [tilespmem:s7+$0x100]  }
0x618: {  	v1 =	vadd.f32 v3, v1;
	v3 =	vld [tilespmem:s7+$0x8100]  }
0x619: {  	[tilespmem:s9+$0xD30] =	vst v4;
	v4 =	vld [tilespmem:s9+$0x8D70];
	v0 =	vadd.f32 v7, v0  }
0x61a: {  	[tilespmem:s9+$0xD40] =	vst v1;
	v1 =	vld [tilespmem:s9+$0xD70]  }
0x61b: {  	[tilespmem:s9+$0xD50] =	vst v0;
	v0 =	vadd.f32 v6, v5;
	v5 =	vld [tilespmem:s9+$0x1100]  }
0x61c: {  	v6 =	vld [tilespmem:s9+$0x9100]  }
0x61d: {  	v7 =	vld [tilespmem:s9+$0x9140];
	v2 =	vadd.f32 v3, v2  }
0x61e: {  	[tilespmem:s9+$0xD60] =	vst v0;
	v0 =	vld [tilespmem:s9+$0x1110]  }
0x61f: {  	v3 =	vld [tilespmem:s9+$0x9110];
	v1 =	vadd.f32 v4, v1;
	[tilespmem:s7+$0x100] =	vst v2;
	s7 =	sor.u32 $0x1C10, s18  }
0x620: {  	v2 =	vld [tilespmem:s7+$0x100]  }
0x621: {  	[tilespmem:s9+$0xD70] =	vst v1;
	v1 =	vadd.f32 v6, v5;
	v5 =	vld [tilespmem:s7+$0x8100]  }
0x622: {  	v4 =	vld [tilespmem:s9+$0x1120]  }
0x623: {  	v6 =	vld [tilespmem:s9+$0x9120]  }
0x624: {  	[tilespmem:s9+$0x1100] =	vst v1;
	v0 =	vadd.f32 v3, v0;
	v1 =	vld [tilespmem:s9+$0x1130]  }
0x625: {  	v3 =	vld [tilespmem:s9+$0x9130]  }
0x626: {  	[tilespmem:s9+$0x1110] =	vst v0;
	v0 =	vld [tilespmem:s9+$0x1140];
	v2 =	vadd.f32 v5, v2  }
0x627: {  	v5 =	vld [tilespmem:s9+$0x1150]  }
0x628: {  	v4 =	vadd.f32 v6, v4;
	v6 =	vld [tilespmem:s9+$0x9150];
	[tilespmem:s7+$0x100] =	vst v2;
	s7 =	sor.u32 $0x1C20, s18  }
0x629: {  	v2 =	vld [tilespmem:s7+$0x100]  }
0x62a: {  	v1 =	vadd.f32 v3, v1;
	v3 =	vld [tilespmem:s7+$0x8100]  }
0x62b: {  	[tilespmem:s9+$0x1120] =	vst v4;
	v4 =	vld [tilespmem:s9+$0x9160];
	v0 =	vadd.f32 v7, v0  }
0x62c: {  	[tilespmem:s9+$0x1130] =	vst v1;
	v1 =	vld [tilespmem:s9+$0x1160]  }
0x62d: {  	[tilespmem:s9+$0x1140] =	vst v0;
	v0 =	vadd.f32 v6, v5;
	v5 =	vld [tilespmem:s9+$0x1170]  }
0x62e: {  	v6 =	vld [tilespmem:s9+$0x9170]  }
0x62f: {  	[tilespmem:s9+$0x1150] =	vst v0;
	v0 =	vld [tilespmem:s9+$0x1500];
	v2 =	vadd.f32 v3, v2  }
0x630: {  	v3 =	vld [tilespmem:s9+$0x9500]  }
0x631: {  	v1 =	vadd.f32 v4, v1;
	v4 =	vld [tilespmem:s9+$0x1510];
	[tilespmem:s7+$0x100] =	vst v2;
	s7 =	sor.u32 $0x1C30, s18  }
0x632: {  	v2 =	vld [tilespmem:s7+$0x100]  }
0x633: {  	[tilespmem:s9+$0x1160] =	vst v1;
	v1 =	vadd.f32 v6, v5;
	v5 =	vld [tilespmem:s7+$0x8100]  }
0x634: {  	v6 =	vld [tilespmem:s9+$0x9510]  }
0x635: {  	v7 =	vld [tilespmem:s9+$0x9530]  }
0x636: {  	[tilespmem:s9+$0x1170] =	vst v1;
	v0 =	vadd.f32 v3, v0;
	v1 =	vld [tilespmem:s9+$0x1520]  }
0x637: {  	v3 =	vld [tilespmem:s9+$0x9520]  }
0x638: {  	[tilespmem:s9+$0x1500] =	vst v0;
	v0 =	vld [tilespmem:s9+$0x1530];
	v2 =	vadd.f32 v5, v2  }
0x639: {  	v4 =	vadd.f32 v6, v4;
	v5 =	vld [tilespmem:s9+$0x1540]  }
0x63a: {  	v6 =	vld [tilespmem:s9+$0x9540];
	[tilespmem:s7+$0x100] =	vst v2  }
0x63b: {  	s7 =	sor.u32 $0x1C40, s18;
	[tilespmem:s9+$0x1510] =	vst v4;
	v4 =	vld [tilespmem:s9+$0x9550]  }
0x63c: {  	v1 =	vadd.f32 v3, v1;
	v2 =	vld [tilespmem:s7+$0x100]  }
0x63d: {  	v3 =	vld [tilespmem:s7+$0x8100];
	v0 =	vadd.f32 v7, v0  }
0x63e: {  	[tilespmem:s9+$0x1520] =	vst v1;
	v1 =	vld [tilespmem:s9+$0x1550]  }
0x63f: {  	[tilespmem:s9+$0x1530] =	vst v0;
	v0 =	vadd.f32 v6, v5;
	v5 =	vld [tilespmem:s9+$0x1560]  }
0x640: {  	v6 =	vld [tilespmem:s9+$0x9560]  }
0x641: {  	[tilespmem:s9+$0x1540] =	vst v0;
	v0 =	vld [tilespmem:s9+$0x1570]  }
0x642: {  	v2 =	vadd.f32 v3, v2;
	v3 =	vld [tilespmem:s9+$0x9570]  }
0x643: {  	s3 =	smov.u32 s21;
	s21 =	sor.u32 $0x1800, s29;
	v1 =	vadd.f32 v4, v1  }
0x644: {  	v4 =	vld [tilespmem:s21+$0x100];
	[tilespmem:s7+$0x100] =	vst v2;
	s7 =	sor.u32 $0x1C50, s18  }
0x645: {  	v2 =	vld [tilespmem:s7+$0x100];
	[tilespmem:s9+$0x1550] =	vst v1;
	v1 =	vadd.f32 v6, v5  }
0x646: {  	v5 =	vld [tilespmem:s7+$0x8100]  }
0x647: {  	v6 =	vld [tilespmem:s26+$0x100];
	[tilespmem:s9+$0x1560] =	vst v1;
	v0 =	vadd.f32 v3, v0  }
0x648: {  	[dreg:$0x8] =	wrdreg s6;
	v1 =	vld [tilespmem:s26+$0x8100]  }
0x649: {  	s6 =	smov.u32 s17;
	s17 =	rddreg [dreg:$0x5];
	v3 =	vld [tilespmem:s23+$0x100];
	[tilespmem:s9+$0x1570] =	vst v0  }
0x64a: {  	s19 =	smov.u32 s30;
	[dreg:$0x9] =	wrdreg s6;
	v0 =	vld [tilespmem:s23+$0x8100]  }
0x64b: {  	[dreg:$0x5] =	wrdreg s19;
	v7 =	vld [tilespmem:s21+$0x8100];
	v2 =	vadd.f32 v5, v2  }
0x64c: {  	s6 =	smov.u32 s10;
	[dreg:$0xc] =	wrdreg s13;
	v5 =	vld [tilespmem:s15+$0x100]  }
0x64d: {  	[dreg:$0xd] =	wrdreg s6;
	s10 =	sor.u32 $0x1850, s29;
	[tilespmem:s7+$0x100] =	vst v2;
	s7 =	sor.u32 $0x1C60, s18;
	v2 =	vld [tilespmem:s15+$0x8100];
	v1 =	vadd.f32 v1, v6  }
0x64e: {  	s5 =	smov.u32 s11;
	s11 =	sor.u32 $0x1860, s29;
	[dreg:$0x13] =	wrdreg s10;
	v6 =	vld [tilespmem:s7+$0x100]  }
0x64f: {  	[dreg:$0x10] =	wrdreg s11;
	v8 =	vld [tilespmem:s7+$0x8100];
	[tilespmem:s26+$0x100] =	vst v1;
	v0 =	vadd.f32 v0, v3  }
0x650: {  	s10 =	sor.u32 $0x1C50, s29;
	[dreg:$0xb] =	wrdreg s3;
	v1 =	vadd.f32 v7, v4;
	v3 =	vld [tilespmem:s25+$0x100]  }
0x651: {  	[dreg:$0x11] =	wrdreg s10;
	s16 =	smov.u32 s17;
	s17 =	sor.u32 $0x1C10, s29;
	v4 =	vld [tilespmem:s25+$0x8100];
	[tilespmem:s23+$0x100] =	vst v0  }
0x652: {  	s13 =	sor.u32 $0x1810, s29;
	[dreg:$0x12] =	wrdreg s17;
	s17 =	sor.u32 $0x1C20, s29;
	[tilespmem:s21+$0x100] =	vst v1  }
0x653: {  	[dreg:$0xf] =	wrdreg s17;
	v1 =	vadd.f32 v2, v5;
	v2 =	vld [tilespmem:s13+$0x100]  }
0x654: {  	s9 =	rddreg [dreg:$0x4];
	v5 =	vld [tilespmem:s13+$0x8100]  }
0x655: {  	s6 =	sor.u32 $0x1C00, s29;
	v6 =	vadd.f32 v8, v6;
	v0 =	vld [tilespmem:s22+$0x100];
	[tilespmem:s15+$0x100] =	vst v1;
	s15 =	smov.u32 s9;
	s9 =	rddreg [dreg:$0x6]  }
0x656: {  	s23 =	smov.u32 s14;
	s14 =	smov.u32 s6;
	s6 =	smov.u32 s9;
	v1 =	vld [tilespmem:s22+$0x8100]  }
0x657: {  	s19 =	sor.u32 $0x1840, s29;
	[tilespmem:s7+$0x100] =	vst v6;
	v3 =	vadd.f32 v4, v3;
	v4 =	vld [tilespmem:s2+$0x100];
	[dreg:$0x4] =	wrdreg s6;
	s6 =	sor.u32 $0x1C70, s18  }
0x658: {  	s26 =	smov.u32 s19;
	s19 =	rddreg [dreg:$0xc];
	v6 =	vld [tilespmem:s6+$0x100]  }
0x659: {  	s17 =	sor.u32 $0x1C40, s29;
	s21 =	rddreg [dreg:$0xd];
	v7 =	vld [tilespmem:s6+$0x8100];
	[tilespmem:s25+$0x100] =	vst v3;
	v2 =	vadd.f32 v5, v2  }
0x65a: {  	s9 =	smov.u32 s17;
	s17 =	rddreg [dreg:$0xa];
	v3 =	vld [tilespmem:s24+$0x100]  }
0x65b: {  	[dreg:$0x6] =	wrdreg s9;
	v5 =	vld [tilespmem:s24+$0x8100];
	v0 =	vadd.f32 v1, v0;
	[tilespmem:s13+$0x100] =	vst v2  }
0x65c: {  	s1 =	sor.u32 $0x1820, s29;
	s18 =	rddreg [dreg:$0xb];
	v1 =	vld [tilespmem:s2+$0x8100]  }
0x65d: {  	s9 =	rddreg [dreg:$0x13];
	v2 =	vld [tilespmem:s1+$0x100];
	[tilespmem:s22+$0x100] =	vst v0  }
0x65e: {  	s25 =	smov.u32 s9;
	s9 =	rddreg [dreg:$0x7];
	v0 =	vld [tilespmem:s1+$0x8100]  }
0x65f: {  	s22 =	smov.u32 s9;
	s9 =	rddreg [dreg:$0x12]  }
0x660: {  	s7 =	smov.u32 s9;
	v8 =	vld [tilespmem:s20+$0x100];
	v3 =	vadd.f32 v5, v3;
	s9 =	rddreg [dreg:$0x3]  }
0x661: {  	v6 =	vadd.f32 v7, v6;
	v5 =	vld [tilespmem:s20+$0x8100];
	[dreg:$0x7] =	wrdreg s7  }
0x662: {  	s12 =	sadd.s32 $0x2, s12;
	s7 =	rddreg [dreg:$0x10];
	v1 =	vadd.f32 v1, v4;
	v4 =	vld [tilespmem:s28+$0x100];
	[tilespmem:s24+$0x100] =	vst v3  }
0x663: {  	s4 =	sadd.s32 $0x100, s4;
	p0 =	slt.u32 s12, $0x1E;
	[tilespmem:s6+$0x100] =	vst v6;
	s6 =	rddreg [dreg:$0x8];
	v10 =	vld [tilespmem:s28+$0x8100];
	v0 =	vadd.f32 v0, v2  }
0x664: {  	s8 =	sadd.s32 $0x800, s8;
	s24 =	smov.u32 s7;
	s7 =	rddreg [dreg:$0xe];
	v6 =	vld [tilespmem:s5+$0x100];
	[tilespmem:s2+$0x100] =	vst v1  }
.Ltmp0:
0x665: {  	s2 =	smov.u32 s9;
	s9 =	smov.u32 s6;
	v7 =	vld [tilespmem:s5+$0x8100];
	[tilespmem:s1+$0x100] =	vst v0;
	(pc) =	sbr.rel @p0 .LBB2_3-.Ltmp0, $4  }
0x666: {  	s30 =	sor.u32 $0x1C30, s29;
	s3 =	sor.u32 $0x1830, s29;
	[dreg:$0x3] =	wrdreg s9;
	v0 =	vadd.f32 v5, v8;
	v3 =	vld [tilespmem:s0+$0x100]  }
0x667: {  	s11 =	sor.u32 $0x1870, s29;
	s10 =	sor.u32 $0x1C60, s29;
	s9 =	rddreg [dreg:$0x11];
	v8 =	vld [tilespmem:s3+$0x100]  }
0x668: {  	s29 =	sor.u32 $0x1C70, s29;
	s6 =	smov.u32 s9;
	s9 =	rddreg [dreg:$0xf];
	v9 =	vld [tilespmem:s3+$0x8100];
	[tilespmem:s20+$0x100] =	vst v0  }
0x669: {  	s13 =	rddreg [dreg:$0x9];
	v4 =	vadd.f32 v10, v4;
	s20 =	smov.u32 s7;
	s7 =	smov.u32 s9;
	v5 =	vld [tilespmem:s16+$0x100]  }
0x66a: {  	_ =	sdelay $0x2  }
0x66b: {  	v0 =	vadd.f32 v9, v8;
	_ =	sdelay $0x1  }
0x66c: {  	[tilespmem:s3+$0x100] =	vst v0  }
0x66d: {  	v0 =	vld [tilespmem:s26+$0x100]  }
0x66e: {  	v1 =	vld [tilespmem:s26+$0x8100];
	_ =	sdelay $0x4  }
0x66f: {  	v0 =	vadd.f32 v1, v0;
	_ =	sdelay $0x1  }
0x670: {  	[tilespmem:s26+$0x100] =	vst v0  }
0x671: {  	v0 =	vld [tilespmem:s25+$0x100]  }
0x672: {  	v58 =	vld [tilespmem:s25+$0x8100];
	_ =	sdelay $0x4  }
0x673: {  	v0 =	vadd.f32 v58, v0;
	_ =	sdelay $0x1  }
0x674: {  	[tilespmem:s25+$0x100] =	vst v0  }
0x675: {  	v0 =	vld [tilespmem:s24+$0x100]  }
0x676: {  	v59 =	vld [tilespmem:s24+$0x8100];
	_ =	sdelay $0x4  }
0x677: {  	v0 =	vadd.f32 v59, v0;
	_ =	sdelay $0x1  }
0x678: {  	[tilespmem:s24+$0x100] =	vst v0  }
0x679: {  	v0 =	vld [tilespmem:s11+$0x100]  }
0x67a: {  	v60 =	vld [tilespmem:s11+$0x8100]  }
0x67b: {  	v2 =	vadd.f32 v7, v6;
	_ =	sdelay $0x1  }
0x67c: {  	[tilespmem:s5+$0x100] =	vst v2  }
0x67d: {  	v61 =	vld [tilespmem:s23+$0x100]  }
0x67e: {  	v62 =	vld [tilespmem:s23+$0x8100];
	v0 =	vadd.f32 v60, v0;
	_ =	sdelay $0x1  }
0x67f: {  	[tilespmem:s11+$0x100] =	vst v0  }
0x680: {  	v63 =	vld [tilespmem:s14+$0x100]  }
0x681: {  	v9 =	vld [tilespmem:s14+$0x8100]  }
0x682: {  	v0 =	vadd.f32 v62, v61;
	_ =	sdelay $0x1  }
0x683: {  	[tilespmem:s23+$0x100] =	vst v0  }
0x684: {  	v11 =	vld [tilespmem:s22+$0x100]  }
0x685: {  	v12 =	vld [tilespmem:s22+$0x8100];
	v10 =	vadd.f32 v9, v63;
	_ =	sdelay $0x1  }
0x686: {  	[tilespmem:s14+$0x100] =	vst v10  }
0x687: {  	s14 =	rddreg [dreg:$0x7]  }
0x688: {  	v13 =	vld [tilespmem:s14+$0x100]  }
0x689: {  	v0 =	vadd.f32 v12, v11;
	v14 =	vld [tilespmem:s14+$0x8100];
	_ =	sdelay $0x1  }
0x68a: {  	[tilespmem:s22+$0x100] =	vst v0  }
0x68b: {  	v16 =	vld [tilespmem:s20+$0x100]  }
0x68c: {  	v17 =	vld [tilespmem:s20+$0x8100]  }
0x68d: {  	v15 =	vadd.f32 v14, v13;
	_ =	sdelay $0x1  }
0x68e: {  	[tilespmem:s14+$0x100] =	vst v15  }
0x68f: {  	v18 =	vld [tilespmem:s7+$0x100]  }
0x690: {  	v0 =	vadd.f32 v17, v16;
	v19 =	vld [tilespmem:s7+$0x8100];
	_ =	sdelay $0x1  }
0x691: {  	[tilespmem:s20+$0x100] =	vst v0  }
0x692: {  	v20 =	vld [tilespmem:s16+$0x8100];
	s1 =	rddreg [dreg:$0x5]  }
0x693: {  	v22 =	vld [tilespmem:s1+$0x100]  }
0x694: {  	v23 =	vld [tilespmem:s1+$0x8100];
	v21 =	vadd.f32 v19, v18;
	_ =	sdelay $0x1  }
0x695: {  	[tilespmem:s7+$0x100] =	vst v21  }
0x696: {  	v24 =	vld [tilespmem:s30+$0x100]  }
0x697: {  	v0 =	vadd.f32 v20, v5;
	v25 =	vld [tilespmem:s30+$0x8100]  }
0x698: {  	v26 =	vadd.f32 v23, v22  }
0x699: {  	[tilespmem:s16+$0x100] =	vst v0  }
0x69a: {  	v27 =	vld [tilespmem:s15+$0x100];
	[tilespmem:s1+$0x100] =	vst v26  }
0x69b: {  	v28 =	vld [tilespmem:s15+$0x8100];
	s1 =	rddreg [dreg:$0x4]  }
0x69c: {  	v30 =	vld [tilespmem:s1+$0x100];
	v29 =	vadd.f32 v25, v24  }
0x69d: {  	v31 =	vld [tilespmem:s1+$0x8100]  }
0x69e: {  	[tilespmem:s30+$0x100] =	vst v29  }
0x69f: {  	s3 =	rddreg [dreg:$0x6]  }
0x6a0: {  	v32 =	vld [tilespmem:s3+$0x100]  }
0x6a1: {  	v0 =	vadd.f32 v28, v27;
	v33 =	vld [tilespmem:s3+$0x8100]  }
0x6a2: {  	v34 =	vadd.f32 v31, v30  }
0x6a3: {  	[tilespmem:s15+$0x100] =	vst v0  }
0x6a4: {  	v35 =	vld [tilespmem:s2+$0x100];
	[tilespmem:s1+$0x100] =	vst v34  }
0x6a5: {  	v36 =	vld [tilespmem:s2+$0x8100];
	s1 =	rddreg [dreg:$0x3]  }
0x6a6: {  	v38 =	vld [tilespmem:s1+$0x100];
	v37 =	vadd.f32 v33, v32  }
0x6a7: {  	v39 =	vld [tilespmem:s1+$0x8100]  }
0x6a8: {  	[tilespmem:s3+$0x100] =	vst v37  }
0x6a9: {  	v40 =	vld [tilespmem:s6+$0x100]  }
0x6aa: {  	v0 =	vadd.f32 v36, v35;
	v41 =	vld [tilespmem:s6+$0x8100];
	_ =	sdelay $0x1  }
0x6ab: {  	v42 =	vld [tilespmem:s0+$0x8100];
	[tilespmem:s2+$0x100] =	vst v0;
	v43 =	vadd.f32 v39, v38  }
0x6ac: {  	v44 =	vld [tilespmem:s18+$0x100]  }
0x6ad: {  	v45 =	vld [tilespmem:s18+$0x8100];
	[tilespmem:s1+$0x100] =	vst v43  }
0x6ae: {  	v47 =	vld [tilespmem:s21+$0x100];
	v46 =	vadd.f32 v41, v40  }
0x6af: {  	v48 =	vld [tilespmem:s21+$0x8100]  }
0x6b0: {  	v0 =	vadd.f32 v42, v3;
	[tilespmem:s6+$0x100] =	vst v46  }
0x6b1: {  	v49 =	vld [tilespmem:s10+$0x100]  }
0x6b2: {  	[tilespmem:s0+$0x100] =	vst v0;
	v51 =	vadd.f32 v45, v44;
	v50 =	vld [tilespmem:s10+$0x8100]  }
0x6b3: {  	v52 =	vld [tilespmem:s13+$0x100]  }
0x6b4: {  	v53 =	vld [tilespmem:s13+$0x8100];
	[tilespmem:s18+$0x100] =	vst v51;
	v54 =	vadd.f32 v48, v47  }
0x6b5: {  	v55 =	vld [tilespmem:s17+$0x100]  }
0x6b6: {  	v56 =	vld [tilespmem:s17+$0x8100];
	[tilespmem:s21+$0x100] =	vst v54  }
0x6b7: {  	v57 =	vld [tilespmem:s19+$0x100];
	v3 =	vadd.f32 v50, v49  }
0x6b8: {  	v58 =	vld [tilespmem:s19+$0x8100]  }
0x6b9: {  	[tilespmem:s10+$0x100] =	vst v3  }
0x6ba: {  	v59 =	vld [tilespmem:s29+$0x100]  }
0x6bb: {  	v0 =	vadd.f32 v53, v52;
	v60 =	vld [tilespmem:s29+$0x8100]  }
0x6bc: {  	[tilespmem:s28+$0x100] =	vst v4;
	v61 =	vadd.f32 v56, v55  }
0x6bd: {  	[tilespmem:s13+$0x100] =	vst v0;
	v62 =	vadd.f32 v58, v57  }
0x6be: {  	[tilespmem:s17+$0x100] =	vst v61  }
0x6bf: {  	[tilespmem:s19+$0x100] =	vst v62  }
0x6c0: {  	s31 =	simm.s32 $0x0;
	s0 =	rddreg [dreg:$0x1d];
	v63 =	vadd.f32 v60, v59  }
0x6c1: {  	s4 =	simm.s32 $0x100;
	s30 =	rddreg [dreg:$0x1];
	s0 =	sshll.u32 s0, $0x7  }
.Ltmp1:
0x6c2: {  	s3 =	simm.s32 $0x3;
	s0 =	sadd.s32 s30, s0;
	[tilespmem:s29+$0x100] =	vst v63;
	(pc) =	sbr.rel @p1 .LBB2_2-.Ltmp1, $4  }
0x6c3: {  	[hbm4b:s0+s31] =	stream.linear.scatter [tilespmem:s4], [sflag:$0x3], $0x8000, $0x38;
	[tilespmem:$0x10100] =	vst v63  }
0x6c4: {  	_ =	swait.ge [sflag:s3], $0x8000  }
0x6c5: {  	[sflag:s3] =	ssyncset.done $0x0  }
0x6c6: {  	p0 =	por $0x0, $0x0;
	s0 =	simm.s32 $0x20;
	[sflag:s3] =	ssyncadd.s32 $0xFFFF8000  }
0x6c7: {  	s1 =	rddreg [dreg:$0x1c]  }
0x6c8: {  	s0 =	rddreg [dreg:$0x1b];
	s1 =	sadd.s32 $0x1, s1  }
0x6c9: {  	p0 =	sne.s32 s1, s0  }
.Ltmp2:
0x6ca: {  	_ = 	snop;
	(pc) =	sbr.rel @p0 .LBB2_1-.Ltmp2, $1  }
0x6cb: {  	_ =	sdelay $0x3  }
0x6cc: {  	_ =	sfence.sel $0x180000  }
0x6cd: {  	[bflag:$0x0] =	sbarrier.arrive $0xFFFF  }
0x6ce: {  	_ =	strace $0x9000004A  }
0x6cf: {  	s0 =	stileid.u32;
	[bflag:$0x2] =	sbarrier.arrive $0xFFFF  }
0x6d0: {  	p0 =	sne.s32 s0, $0x0;
	s0 =	rddreg [dreg:$0x2]  }
0x6d1: {  	s0 =	sadd.s32 @!p0 $0x100000, s0  }
0x6d2: {  	[sflag:s0] =	ssyncadd.tile.s32 @!p0 $0x1;
	_ =	shalt  }
.Lfunc_end2:
_tile_overlayer_lowered:
.L_overlay_start_2:
0x6d3: {  	(tag) =	ssettag $0x2  }
0x6d4: {  	s0 =	rddreg [dreg:$0x0];
	s2 =	stileid.u32  }
0x6d5: {  	s1 =	rddreg [dreg:$0x1];
	p0 =	sne.s32 s2, $0x0  }
0x6d6: {  	s3 =	rddreg [dreg:$0x2];
	[bflag:$0x3] =	sbarrier.arrive $0xFFFF;
	s2 =	simm.s32 @!p0 $0x1C03  }
0x6d7: {  	[timem:s3], [sflag:s2] =	dma.local @!p0 [hbm:s0], s1  }
0x6d8: {  	s0 =	simm.s32 @!p0 $0x3  }
0x6d9: {  	_ =	swait.ge @!p0 [sflag:s0], s1  }
0x6da: {  	s1 =	ssub.s32 @!p0 $0x0, s1;
	[sflag:s0] =	ssyncset.done @!p0 $0x0  }
0x6db: {  	[sflag:s0] =	ssyncadd.s32 @!p0 s1  }
0x6dc: {  	[bflag:$0x3] =	sbarrier.arrive $0xFFFF  }
0x6dd: {  	_ =	shalt  }

</sc_bundles>
